<compile_context>
chip_gen: v7x
topology: tpu7x:2x2x1
jax: 0.10.2.dev20260603
libtpu: 0.0.44.dev20260713+nightly
codegen_flags: <defaults>
</compile_context>

<pallas_src>
import functools

import jax
import jax.numpy as jnp
from jax import lax
from jax.experimental import pallas as pl
from jax.experimental.pallas import tpu as pltpu
from jax.experimental.pallas import tpu_sc as plsc

N = 10000
D = 256
E = 160000
NP = 10112
EP = 163840
NBLK = 80
BLK = 128
RPT = NP // 16
RB = 400
GRID_R = N // RB

_mesh = plsc.VectorSubcoreMesh(core_axis_name="c", subcore_axis_name="s")



def _deg_body(dst4, ones_hbm, zeros_hbm, out, acc, didx, ones_v, sem):
    c = lax.axis_index("c")
    s = lax.axis_index("s")
    pltpu.sync_copy(zeros_hbm.at[pl.ds(s * RPT, RPT)], acc.at[pl.ds(s * RPT, RPT)])
    pltpu.sync_copy(dst4.at[s], didx)
    pltpu.sync_copy(ones_hbm, ones_v)
    plsc.subcore_barrier()

    def step(j, carry):
        jj = c * (NBLK // 2) + j
        pltpu.sync_copy(ones_v, acc.at[didx.at[jj]], add=True)
        return carry

    lax.fori_loop(0, NBLK // 2, step, 0)
    plsc.subcore_barrier()
    pltpu.sync_copy(acc.at[pl.ds(s * RPT, RPT)], out.at[c, pl.ds(s * RPT, RPT)])


_deg_kernel = functools.partial(
    pl.kernel,
    out_type=jax.ShapeDtypeStruct((2, NP, 128), jnp.float32),
    mesh=_mesh,
    scratch_types=[
        pltpu.VMEM_SHARED((NP, 128), jnp.float32),
        pltpu.VMEM((NBLK, BLK), jnp.int32),
        pltpu.VMEM((BLK, 128), jnp.float32),
        pltpu.SemaphoreType.DMA,
    ],
)(_deg_body)


WIN = 8
NW = NBLK // WIN


def _agg_body(g_hbm, src4, dst4, zeros, out, acc, sidxb, didxb, rows,
              semg, semi):
    c = lax.axis_index("c")
    s = lax.axis_index("s")

    def sidx_src(w):
        return src4.at[c, s, pl.ds(pl.multiple_of(w * WIN, WIN), WIN)]

    def didx_src(w):
        return dst4.at[s, pl.ds(pl.multiple_of(w * WIN, WIN), WIN)]

    def g_desc(islot, row, rslot):
        return pltpu.make_async_copy(
            g_hbm.at[sidxb.at[islot, row]], rows.at[rslot], semg)

    pltpu.sync_copy(sidx_src(0), sidxb.at[0])
    pltpu.sync_copy(didx_src(0), didxb.at[0])
    g_desc(0, 0, 0).start()
    pltpu.sync_copy(zeros.at[pl.ds(s * RPT, RPT)], acc.at[pl.ds(s * RPT, RPT)])
    plsc.subcore_barrier()

    def outer(w, carry):
        islot = lax.rem(w, 2)
        nslot = lax.rem(w + 1, 2)

        @pl.when(w + 1 < NW)
        def _():
            pltpu.make_async_copy(sidx_src(w + 1), sidxb.at[nslot], semi).start()
            pltpu.make_async_copy(didx_src(w + 1), didxb.at[nslot], semi).start()

        for jw in range(WIN):
            rslot = jw % 2
            nrslot = (jw + 1) % 2
            if jw + 1 < WIN:
                g_desc(islot, jw + 1, nrslot).start()
            else:
                @pl.when(w + 1 < NW)
                def _():
                    pltpu.make_async_copy(
                        sidx_src(w + 1), sidxb.at[nslot], semi).wait()
                    pltpu.make_async_copy(
                        didx_src(w + 1), didxb.at[nslot], semi).wait()
                    g_desc(nslot, 0, nrslot).start()
            g_desc(islot, jw, rslot).wait()
            pltpu.sync_copy(rows.at[rslot], acc.at[didxb.at[islot, jw]],
                            add=True)
        return carry

    lax.fori_loop(0, NW, outer, 0)
    plsc.subcore_barrier()
    pltpu.sync_copy(acc.at[pl.ds(s * RPT, RPT)], out.at[c, pl.ds(s * RPT, RPT)])


_agg_kernel = functools.partial(
    pl.kernel,
    out_type=jax.ShapeDtypeStruct((2, NP, 128), jnp.float32),
    mesh=_mesh,
    scratch_types=[
        pltpu.VMEM_SHARED((NP, 128), jnp.float32),
        pltpu.VMEM((2, WIN, BLK), jnp.int32),
        pltpu.VMEM((2, WIN, BLK), jnp.int32),
        pltpu.VMEM((2, BLK, 128), jnp.float32),
        pltpu.SemaphoreType.DMA,
        pltpu.SemaphoreType.DMA,
    ],
)(_agg_body)



def _layer0_body(x_ref, w_ref, cnt_ref, g_ref, dis_ref):
    dis = lax.rsqrt(1.0 + cnt_ref[0, :, 0] + cnt_ref[1, :, 0])[:, None]
    dis_ref[...] = dis
    g_ref[0] = jnp.dot(x_ref[...], w_ref[...],
                       preferred_element_type=jnp.float32) * dis


def _tc_layer0(x, W, cnt):
    return pl.pallas_call(
        _layer0_body,
        grid=(GRID_R, 2),
        in_specs=[
            pl.BlockSpec((RB, D), lambda i, c: (i, 0)),
            pl.BlockSpec((D, 128), lambda i, c: (0, c)),
            pl.BlockSpec((2, RB, 128), lambda i, c: (0, i, 0)),
        ],
        out_specs=[
            pl.BlockSpec((1, RB, 128), lambda i, c: (c, i, 0)),
            pl.BlockSpec((RB, 1), lambda i, c: (i, 0)),
        ],
        out_shape=[
            jax.ShapeDtypeStruct((2, N, 128), jnp.float32),
            jax.ShapeDtypeStruct((N, 1), jnp.float32),
        ],
    )(x, W, cnt)


def _h_from_parts(s_ref, g_ref, dis_ref, b_ref):
    pre = jnp.concatenate(
        [s_ref[0] + g_ref[0], s_ref[1] + g_ref[1]], axis=-1)
    return jax.nn.relu(dis_ref[...] * pre + b_ref[...])


def _layer_body(s_ref, g_ref, dis_ref, b_ref, w_ref, g_out):
    h = _h_from_parts(s_ref, g_ref, dis_ref, b_ref)
    g_out[0] = jnp.dot(h, w_ref[...],
                       preferred_element_type=jnp.float32) * dis_ref[...]


def _layer_body_smu(s_ref, g_ref, dis_ref, b_ref, w_ref, g_out, h_out):
    h = _h_from_parts(s_ref, g_ref, dis_ref, b_ref)
    h_out[...] = h
    g_out[0] = jnp.dot(h, w_ref[...],
                       preferred_element_type=jnp.float32) * dis_ref[...]


def _tc_layer(s, g, dis, b2d, W, want_h):
    in_specs = [
        pl.BlockSpec((2, RB, 128), lambda i, c: (0, i, 0)),
        pl.BlockSpec((2, RB, 128), lambda i, c: (0, i, 0)),
        pl.BlockSpec((RB, 1), lambda i, c: (i, 0)),
        pl.BlockSpec((1, D), lambda i, c: (0, 0)),
        pl.BlockSpec((D, 128), lambda i, c: (0, c)),
    ]
    g_spec = pl.BlockSpec((1, RB, 128), lambda i, c: (c, i, 0))
    g_shape = jax.ShapeDtypeStruct((2, N, 128), jnp.float32)
    if want_h:
        return pl.pallas_call(
            _layer_body_smu,
            grid=(GRID_R, 2),
            in_specs=in_specs,
            out_specs=[g_spec, pl.BlockSpec((RB, D), lambda i, c: (i, 0))],
            out_shape=[g_shape, jax.ShapeDtypeStruct((N, D), jnp.float32)],
        )(s, g, dis, b2d, W)
    return pl.pallas_call(
        _layer_body,
        grid=(GRID_R, 2),
        in_specs=in_specs,
        out_specs=g_spec,
        out_shape=g_shape,
    )(s, g, dis, b2d, W)


def _ln(v, lw, lb):
    mu = jnp.mean(v, axis=-1, keepdims=True)
    var = jnp.mean((v - mu) ** 2, axis=-1, keepdims=True)
    return (v - mu) / jnp.sqrt(var + 1e-6) * lw + lb


def _final_body(smu0_ref, s_ref, g_ref, dis_ref, b_ref, lw_ref, lb_ref, o_ref):
    h3 = _h_from_parts(s_ref, g_ref, dis_ref, b_ref)
    lw = lw_ref[...]
    lb = lb_ref[...]
    o_ref[0] = _ln(smu0_ref[...], lw, lb)
    o_ref[1] = _ln(h3, lw, lb)


def _tc_final(smu0, s, g, dis, b2d, lw2d, lb2d):
    return pl.pallas_call(
        _final_body,
        grid=(GRID_R,),
        in_specs=[
            pl.BlockSpec((RB, D), lambda i: (i, 0)),
            pl.BlockSpec((2, RB, 128), lambda i: (0, i, 0)),
            pl.BlockSpec((2, RB, 128), lambda i: (0, i, 0)),
            pl.BlockSpec((RB, 1), lambda i: (i, 0)),
            pl.BlockSpec((1, D), lambda i: (0, 0)),
            pl.BlockSpec((1, D), lambda i: (0, 0)),
            pl.BlockSpec((1, D), lambda i: (0, 0)),
        ],
        out_specs=pl.BlockSpec((2, RB, D), lambda i: (0, i, 0)),
        out_shape=jax.ShapeDtypeStruct((2, N, D), jnp.float32),
    )(smu0, s, g, dis, b2d, lw2d, lb2d)



def kernel(x, edge, batch, W0, b0, W1, b1, W2, b2, W3, b3, ln_w, ln_b):
    src = edge[0]
    dst = edge[1]
    pad = EP - E
    srcp = jnp.concatenate([src, jnp.zeros((pad,), jnp.int32)])
    dstp = jnp.concatenate([dst, jnp.full((pad,), N, jnp.int32)])
    src3 = srcp.reshape(16, NBLK, BLK)
    src4 = jnp.stack([src3, src3 + N], axis=0)
    dst4 = dstp.reshape(16, NBLK, BLK)

    zeros = jnp.zeros((NP, 128), jnp.float32)
    ones128 = jnp.ones((BLK, 128), jnp.float32)

    cnt = _deg_kernel(dst4, ones128, zeros)
    g, dis = _tc_layer0(x, W0, cnt)

    s = _agg_kernel(g.reshape(2 * N, 128), src4, dst4, zeros)
    g = _tc_layer(s, g, dis, b0.reshape(1, D), W1, False)

    s = _agg_kernel(g.reshape(2 * N, 128), src4, dst4, zeros)
    g, smu0 = _tc_layer(s, g, dis, b1.reshape(1, D), W2, True)

    s = _agg_kernel(g.reshape(2 * N, 128), src4, dst4, zeros)
    g = _tc_layer(s, g, dis, b2.reshape(1, D), W3, False)

    s = _agg_kernel(g.reshape(2 * N, 128), src4, dst4, zeros)
    out = _tc_final(smu0, s, g, dis, b3.reshape(1, D),
                    ln_w.reshape(1, D), ln_b.reshape(1, D))

    batchs = jnp.ones((2, N), jnp.float32) * batch.astype(jnp.float32)
    return (out, batchs)

# --- scband reference (transcript-rebuilt; emitter-appended) ---
"""Pipeline reference for scband-multi-gcnlayers-83245056131320 (READ-ONLY COPY).

The authoritative reference and input builder live on the scoring server;
editing this copy changes nothing except your own understanding.
"""

import jax, jax.numpy as jnp
import numpy as np

N = 10000
E = 160000
D = 256
SZ_C = 2
SZ_L = 2
N_GRAPHS = 64


def gcn_conv(x, src, dst, W, b):
    n = x.shape[0]
    h = x @ W
    sl = jnp.arange(n, dtype=src.dtype)
    s = jnp.concatenate([src, sl])
    d = jnp.concatenate([dst, sl])
    deg = jnp.zeros((n,), x.dtype).at[d].add(1.0)
    dis = jnp.where(deg > 0.0, 1.0 / jnp.sqrt(deg), 0.0)
    norm = dis[s] * dis[d]
    msg = h[s] * norm[:, None]
    out = jnp.zeros_like(h).at[d].add(msg)
    return out + b


def layer_norm(x, w, b, eps=1e-6):
    mu = jnp.mean(x, axis=-1, keepdims=True)
    var = jnp.mean((x - mu) ** 2, axis=-1, keepdims=True)
    return (x - mu) / jnp.sqrt(var + eps) * w + b


def setup_inputs(seed: int = 0) -> dict:
    key = jax.random.key(seed)
    ks = jax.random.split(key, 12)
    x = jax.random.normal(ks[0], (N, D), dtype=jnp.float32)
    edge = jax.random.randint(ks[1], (2, E), 0, N, dtype=jnp.int32)
    batch = jnp.sort(jax.random.randint(ks[2], (N,), 0, N_GRAPHS, dtype=jnp.int32))
    scale = 1.0 / np.sqrt(D)
    inp = {"x": x, "edge": edge, "batch": batch}
    for i in range(SZ_C * SZ_L):
        inp[f"W{i}"] = jax.random.normal(ks[3 + i], (D, D), dtype=jnp.float32) * scale
        inp[f"b{i}"] = jnp.zeros((D,), dtype=jnp.float32)
    inp["ln_w"] = jnp.ones((D,), dtype=jnp.float32)
    inp["ln_b"] = jnp.zeros((D,), dtype=jnp.float32)
    return inp


def reference(x, edge, batch, W0, b0, W1, b1, W2, b2, W3, b3, ln_w, ln_b):
    src = edge[0]
    dst = edge[1]
    Ws = [(W0, b0), (W1, b1), (W2, b2), (W3, b3)]
    h = x
    smu_list = []
    idx = 0
    for c in range(SZ_C):
        for l in range(SZ_L):
            W, b = Ws[idx]
            idx += 1
            h = gcn_conv(h, src, dst, W, b)
            # dropout with rate 0.0 (eval) -> identity
            h = jax.nn.relu(h)
        smu_list.append(h)
    smu = jnp.stack(smu_list, axis=0)
    out = layer_norm(smu, ln_w, ln_b)
    batchs = jnp.ones((SZ_C, batch.shape[0]), dtype=jnp.float32) * batch.astype(jnp.float32)
    return (out, batchs)

if __name__ == "__main__":
    import jax
    _d = setup_inputs()
    print(jax.jit(kernel)(*tuple(_d.values())))

</pallas_src>

<mosaic_0001>
#map = affine_map<(d0, d1) -> (0, 0)>
#map1 = affine_map<(d0, d1) -> (0, 0, 0, 0)>
#map2 = affine_map<(d0, d1) -> (0, 0, 0)>
module attributes {stable_mosaic.version = 14 : i64} {
  func.func @_agg_body(%arg0: i32, %arg1: i32, %arg2: memref<20000x128xf32, #tpu.memory_space<hbm>>, %arg3: memref<2x16x80x128xi32, #tpu.memory_space<hbm>>, %arg4: memref<16x80x128xi32, #tpu.memory_space<hbm>>, %arg5: memref<10112x128xf32, #tpu.memory_space<hbm>>, %arg6: memref<2x10112x128xf32, #tpu.memory_space<hbm>>, %arg7: memref<10112x128xf32, #tpu.memory_space<vmem_shared>>, %arg8: memref<2x8x128xi32, #tpu.memory_space<vmem>>, %arg9: memref<2x8x128xi32, #tpu.memory_space<vmem>>, %arg10: memref<2x128x128xf32, #tpu.memory_space<vmem>>, %arg11: memref<!tpu.dma_semaphore, #tpu.memory_space<semaphore_mem>>, %arg12: memref<!tpu.dma_semaphore, #tpu.memory_space<semaphore_mem>>) attributes {dimension_semantics = [#tpu.dimension_semantics<core_parallel>, #tpu.dimension_semantics<subcore_parallel>], iteration_bounds = array<i64: 2, 16>, scalar_prefetch = 0 : i64, scratch_operands = 6 : i64, tpu.core_type = #tpu.core_type<sc_vector_subcore>, window_params = [{transform_indices = #map}, {transform_indices = #map1}, {transform_indices = #map2}, {transform_indices = #map}, {transform_indices = #map2}]} {
    %multiple_of3A = arith.constant 0 : i32
    %multiple_of3A_0 = tpu.assume_multiple %multiple_of3A, 8 : i32
    %run_scoped3A = arith.constant 0 : i32
    "tpu.region"() ({
      %run_scoped3A_29 = tpu.sem_alloc : memref<!tpu.dma_semaphore, #tpu.memory_space<semaphore_mem>>
      %dma_start3A_30 = arith.constant 0 : i32
      %dma_start3A_31 = arith.constant 0 : i32
      %dma_start3A_32 = tpu.memref_slice %arg8[%run_scoped3A, %dma_start3A_30, %dma_start3A_31] : memref<2x8x128xi32, #tpu.memory_space<vmem>> -> memref<1x8x128xi32, #tpu.memory_space<vmem>>
      %dma_start3A_33 = tpu.memref_squeeze %dma_start3A_32 : memref<1x8x128xi32, #tpu.memory_space<vmem>> -> memref<8x128xi32, #tpu.memory_space<vmem>>
      %dma_start3A_34 = arith.constant 0 : i32
      %dma_start3A_35 = tpu.memref_slice %arg3[%arg0, %arg1, %multiple_of3A_0, %dma_start3A_34] : memref<2x16x80x128xi32, #tpu.memory_space<hbm>> -> memref<1x1x8x128xi32, #tpu.memory_space<hbm>>
      %dma_start3A_36 = tpu.memref_squeeze %dma_start3A_35 : memref<1x1x8x128xi32, #tpu.memory_space<hbm>> -> memref<8x128xi32, #tpu.memory_space<hbm>>
      %dma_start3A_37 = arith.constant 0 : i32
      %dma_start3A_38 = arith.constant 0 : i32
      %dma_start3A_39 = tpu.memref_slice %arg8[%run_scoped3A, %dma_start3A_37, %dma_start3A_38] : memref<2x8x128xi32, #tpu.memory_space<vmem>> -> memref<1x8x128xi32, #tpu.memory_space<vmem>>
      %dma_start3A_40 = tpu.memref_squeeze %dma_start3A_39 : memref<1x8x128xi32, #tpu.memory_space<vmem>> -> memref<8x128xi32, #tpu.memory_space<vmem>>
      %dma_start3A_41 = arith.constant 0 : i32
      %dma_start3A_42 = tpu.memref_slice %arg3[%arg0, %arg1, %multiple_of3A_0, %dma_start3A_41] : memref<2x16x80x128xi32, #tpu.memory_space<hbm>> -> memref<1x1x8x128xi32, #tpu.memory_space<hbm>>
      %dma_start3A_43 = tpu.memref_squeeze %dma_start3A_42 : memref<1x1x8x128xi32, #tpu.memory_space<hbm>> -> memref<8x128xi32, #tpu.memory_space<hbm>>
      tpu.enqueue_dma source(%dma_start3A_43 : memref<8x128xi32, #tpu.memory_space<hbm>>) target(%dma_start3A_40 : memref<8x128xi32, #tpu.memory_space<vmem>>) target_semaphore(%run_scoped3A_29 : memref<!tpu.dma_semaphore, #tpu.memory_space<semaphore_mem>>)
      %dma_wait3A = arith.constant 0 : i32
      %dma_wait3A_44 = arith.constant 0 : i32
      %dma_wait3A_45 = tpu.memref_slice %arg8[%run_scoped3A, %dma_wait3A, %dma_wait3A_44] : memref<2x8x128xi32, #tpu.memory_space<vmem>> -> memref<1x8x128xi32, #tpu.memory_space<vmem>>
      %dma_wait3A_46 = tpu.memref_squeeze %dma_wait3A_45 : memref<1x8x128xi32, #tpu.memory_space<vmem>> -> memref<8x128xi32, #tpu.memory_space<vmem>>
      %dma_wait3A_47 = arith.constant 0 : i32
      %dma_wait3A_48 = tpu.memref_slice %arg3[%arg0, %arg1, %multiple_of3A_0, %dma_wait3A_47] : memref<2x16x80x128xi32, #tpu.memory_space<hbm>> -> memref<1x1x8x128xi32, #tpu.memory_space<hbm>>
      %dma_wait3A_49 = tpu.memref_squeeze %dma_wait3A_48 : memref<1x1x8x128xi32, #tpu.memory_space<hbm>> -> memref<8x128xi32, #tpu.memory_space<hbm>>
      %dma_wait3A_50 = arith.constant 0 : i32
      %dma_wait3A_51 = arith.constant 0 : i32
      %dma_wait3A_52 = tpu.memref_slice %arg8[%run_scoped3A, %dma_wait3A_50, %dma_wait3A_51] : memref<2x8x128xi32, #tpu.memory_space<vmem>> -> memref<1x8x128xi32, #tpu.memory_space<vmem>>
      %dma_wait3A_53 = tpu.memref_squeeze %dma_wait3A_52 : memref<1x8x128xi32, #tpu.memory_space<vmem>> -> memref<8x128xi32, #tpu.memory_space<vmem>>
      %dma_wait3A_54 = arith.constant 0 : i32
      %dma_wait3A_55 = tpu.memref_slice %arg3[%arg0, %arg1, %multiple_of3A_0, %dma_wait3A_54] : memref<2x16x80x128xi32, #tpu.memory_space<hbm>> -> memref<1x1x8x128xi32, #tpu.memory_space<hbm>>
      %dma_wait3A_56 = tpu.memref_squeeze %dma_wait3A_55 : memref<1x1x8x128xi32, #tpu.memory_space<hbm>> -> memref<8x128xi32, #tpu.memory_space<hbm>>
      tpu.wait_dma2 semaphore(%run_scoped3A_29 : memref<!tpu.dma_semaphore, #tpu.memory_space<semaphore_mem>>) src(%dma_wait3A_56 : memref<8x128xi32, #tpu.memory_space<hbm>>) dst(%dma_wait3A_53 : memref<8x128xi32, #tpu.memory_space<vmem>>)
      tpu.yield
    }) : () -> ()
    %multiple_of3A_1 = arith.constant 0 : i32
    %multiple_of3A_2 = tpu.assume_multiple %multiple_of3A_1, 8 : i32
    %run_scoped3A_3 = arith.constant 0 : i32
    "tpu.region"() ({
      %run_scoped3A_29 = tpu.sem_alloc : memref<!tpu.dma_semaphore, #tpu.memory_space<semaphore_mem>>
      %dma_start3A_30 = arith.constant 0 : i32
      %dma_start3A_31 = arith.constant 0 : i32
      %dma_start3A_32 = tpu.memref_slice %arg9[%run_scoped3A_3, %dma_start3A_30, %dma_start3A_31] : memref<2x8x128xi32, #tpu.memory_space<vmem>> -> memref<1x8x128xi32, #tpu.memory_space<vmem>>
      %dma_start3A_33 = tpu.memref_squeeze %dma_start3A_32 : memref<1x8x128xi32, #tpu.memory_space<vmem>> -> memref<8x128xi32, #tpu.memory_space<vmem>>
      %dma_start3A_34 = arith.constant 0 : i32
      %dma_start3A_35 = tpu.memref_slice %arg4[%arg1, %multiple_of3A_2, %dma_start3A_34] : memref<16x80x128xi32, #tpu.memory_space<hbm>> -> memref<1x8x128xi32, #tpu.memory_space<hbm>>
      %dma_start3A_36 = tpu.memref_squeeze %dma_start3A_35 : memref<1x8x128xi32, #tpu.memory_space<hbm>> -> memref<8x128xi32, #tpu.memory_space<hbm>>
      %dma_start3A_37 = arith.constant 0 : i32
      %dma_start3A_38 = arith.constant 0 : i32
      %dma_start3A_39 = tpu.memref_slice %arg9[%run_scoped3A_3, %dma_start3A_37, %dma_start3A_38] : memref<2x8x128xi32, #tpu.memory_space<vmem>> -> memref<1x8x128xi32, #tpu.memory_space<vmem>>
      %dma_start3A_40 = tpu.memref_squeeze %dma_start3A_39 : memref<1x8x128xi32, #tpu.memory_space<vmem>> -> memref<8x128xi32, #tpu.memory_space<vmem>>
      %dma_start3A_41 = arith.constant 0 : i32
      %dma_start3A_42 = tpu.memref_slice %arg4[%arg1, %multiple_of3A_2, %dma_start3A_41] : memref<16x80x128xi32, #tpu.memory_space<hbm>> -> memref<1x8x128xi32, #tpu.memory_space<hbm>>
      %dma_start3A_43 = tpu.memref_squeeze %dma_start3A_42 : memref<1x8x128xi32, #tpu.memory_space<hbm>> -> memref<8x128xi32, #tpu.memory_space<hbm>>
      tpu.enqueue_dma source(%dma_start3A_43 : memref<8x128xi32, #tpu.memory_space<hbm>>) target(%dma_start3A_40 : memref<8x128xi32, #tpu.memory_space<vmem>>) target_semaphore(%run_scoped3A_29 : memref<!tpu.dma_semaphore, #tpu.memory_space<semaphore_mem>>)
      %dma_wait3A = arith.constant 0 : i32
      %dma_wait3A_44 = arith.constant 0 : i32
      %dma_wait3A_45 = tpu.memref_slice %arg9[%run_scoped3A_3, %dma_wait3A, %dma_wait3A_44] : memref<2x8x128xi32, #tpu.memory_space<vmem>> -> memref<1x8x128xi32, #tpu.memory_space<vmem>>
      %dma_wait3A_46 = tpu.memref_squeeze %dma_wait3A_45 : memref<1x8x128xi32, #tpu.memory_space<vmem>> -> memref<8x128xi32, #tpu.memory_space<vmem>>
      %dma_wait3A_47 = arith.constant 0 : i32
      %dma_wait3A_48 = tpu.memref_slice %arg4[%arg1, %multiple_of3A_2, %dma_wait3A_47] : memref<16x80x128xi32, #tpu.memory_space<hbm>> -> memref<1x8x128xi32, #tpu.memory_space<hbm>>
      %dma_wait3A_49 = tpu.memref_squeeze %dma_wait3A_48 : memref<1x8x128xi32, #tpu.memory_space<hbm>> -> memref<8x128xi32, #tpu.memory_space<hbm>>
      %dma_wait3A_50 = arith.constant 0 : i32
      %dma_wait3A_51 = arith.constant 0 : i32
      %dma_wait3A_52 = tpu.memref_slice %arg9[%run_scoped3A_3, %dma_wait3A_50, %dma_wait3A_51] : memref<2x8x128xi32, #tpu.memory_space<vmem>> -> memref<1x8x128xi32, #tpu.memory_space<vmem>>
      %dma_wait3A_53 = tpu.memref_squeeze %dma_wait3A_52 : memref<1x8x128xi32, #tpu.memory_space<vmem>> -> memref<8x128xi32, #tpu.memory_space<vmem>>
      %dma_wait3A_54 = arith.constant 0 : i32
      %dma_wait3A_55 = tpu.memref_slice %arg4[%arg1, %multiple_of3A_2, %dma_wait3A_54] : memref<16x80x128xi32, #tpu.memory_space<hbm>> -> memref<1x8x128xi32, #tpu.memory_space<hbm>>
      %dma_wait3A_56 = tpu.memref_squeeze %dma_wait3A_55 : memref<1x8x128xi32, #tpu.memory_space<hbm>> -> memref<8x128xi32, #tpu.memory_space<hbm>>
      tpu.wait_dma2 semaphore(%run_scoped3A_29 : memref<!tpu.dma_semaphore, #tpu.memory_space<semaphore_mem>>) src(%dma_wait3A_56 : memref<8x128xi32, #tpu.memory_space<hbm>>) dst(%dma_wait3A_53 : memref<8x128xi32, #tpu.memory_space<vmem>>)
      tpu.yield
    }) : () -> ()
    %dma_start3A = arith.constant 0 : i32
    %dma_start3A_4 = arith.constant 0 : i32
    %dma_start3A_5 = arith.constant 0 : i32
    %dma_start3A_6 = arith.constant 0 : i32
    %dma_start3A_7 = arith.constant 0 : i32
    %dma_start3A_8 = tpu.memref_slice %arg10[%dma_start3A_5, %dma_start3A_6, %dma_start3A_7] : memref<2x128x128xf32, #tpu.memory_space<vmem>> -> memref<1x128x128xf32, #tpu.memory_space<vmem>>
    %dma_start3A_9 = tpu.memref_squeeze %dma_start3A_8 : memref<1x128x128xf32, #tpu.memory_space<vmem>> -> memref<128x128xf32, #tpu.memory_space<vmem>>
    %dma_start3A_10 = arith.constant 0 : i32
    %dma_start3A_11 = tpu.memref_slice %arg8[%dma_start3A, %dma_start3A_4, %dma_start3A_10] : memref<2x8x128xi32, #tpu.memory_space<vmem>> -> memref<1x1x128xi32, #tpu.memory_space<vmem>>
    %dma_start3A_12 = tpu.memref_squeeze %dma_start3A_11 : memref<1x1x128xi32, #tpu.memory_space<vmem>> -> memref<128xi32, #tpu.memory_space<vmem>>
    %dma_start3A_13 = arith.constant 0 : i32
    %dma_start3A_14 = arith.constant 0 : i32
    %dma_start3A_15 = tpu.memref_slice %arg2[%dma_start3A_13, %dma_start3A_14] : memref<20000x128xf32, #tpu.memory_space<hbm>> -> memref<20000x128xf32, #tpu.memory_space<hbm>>
    tpu.enqueue_indirect_dma source(%dma_start3A_15 : memref<20000x128xf32, #tpu.memory_space<hbm>>) target(%dma_start3A_9 : memref<128x128xf32, #tpu.memory_space<vmem>>) offsets(%dma_start3A_12 : memref<128xi32, #tpu.memory_space<vmem>>) semaphore(%arg11 : memref<!tpu.dma_semaphore, #tpu.memory_space<semaphore_mem>>)
    %mul3A = arith.constant 632 : i32
    %mul3A_16 = arith.muli %arg1, %mul3A : i32
    %mul3A_17 = arith.constant 632 : i32
    %mul3A_18 = arith.muli %arg1, %mul3A_17 : i32
    "tpu.region"() ({
      %run_scoped3A_29 = tpu.sem_alloc : memref<!tpu.dma_semaphore, #tpu.memory_space<semaphore_mem>>
      %dma_start3A_30 = arith.constant 0 : i32
      %dma_start3A_31 = tpu.memref_slice %arg7[%mul3A_18, %dma_start3A_30] : memref<10112x128xf32, #tpu.memory_space<vmem_shared>> -> memref<632x128xf32, #tpu.memory_space<vmem_shared>>
      %dma_start3A_32 = arith.constant 0 : i32
      %dma_start3A_33 = tpu.memref_slice %arg5[%mul3A_16, %dma_start3A_32] : memref<10112x128xf32, #tpu.memory_space<hbm>> -> memref<632x128xf32, #tpu.memory_space<hbm>>
      tpu.enqueue_dma source(%dma_start3A_33 : memref<632x128xf32, #tpu.memory_space<hbm>>) target(%dma_start3A_31 : memref<632x128xf32, #tpu.memory_space<vmem_shared>>) target_semaphore(%run_scoped3A_29 : memref<!tpu.dma_semaphore, #tpu.memory_space<semaphore_mem>>)
      %dma_wait3A = arith.constant 0 : i32
      %dma_wait3A_34 = tpu.memref_slice %arg7[%mul3A_18, %dma_wait3A] : memref<10112x128xf32, #tpu.memory_space<vmem_shared>> -> memref<632x128xf32, #tpu.memory_space<vmem_shared>>
      %dma_wait3A_35 = arith.constant 0 : i32
      %dma_wait3A_36 = tpu.memref_slice %arg5[%mul3A_16, %dma_wait3A_35] : memref<10112x128xf32, #tpu.memory_space<hbm>> -> memref<632x128xf32, #tpu.memory_space<hbm>>
      tpu.wait_dma2 semaphore(%run_scoped3A_29 : memref<!tpu.dma_semaphore, #tpu.memory_space<semaphore_mem>>) src(%dma_wait3A_36 : memref<632x128xf32, #tpu.memory_space<hbm>>) dst(%dma_wait3A_34 : memref<632x128xf32, #tpu.memory_space<vmem_shared>>)
      tpu.yield
    }) : () -> ()
    %barrier3A = arith.constant 0 : index
    tpu.barrier barrier_id(%barrier3A)
    %scan3A = arith.constant 0 : i32
    %scan3A_19 = arith.constant 0 : i32
    %scan3A_20 = arith.constant 10 : i32
    %scan3A_21 = arith.addi %scan3A_19, %scan3A_20 : i32
    %scan3A_22 = arith.constant 1 : i32
    scf.for %scan3A_29 = %scan3A_19 to %scan3A_21 step %scan3A_22  : i32 {
      %rem3A = arith.constant 2 : i32
      %rem3A_30 = arith.remsi %scan3A_29, %rem3A : i32
      %add3A = arith.constant 1 : i32
      %add3A_31 = arith.addi %scan3A_29, %add3A : i32
      %rem3A_32 = arith.constant 2 : i32
      %rem3A_33 = arith.remsi %add3A_31, %rem3A_32 : i32
      %add3A_34 = arith.constant 1 : i32
      %add3A_35 = arith.addi %scan3A_29, %add3A_34 : i32
      %lt3A = arith.constant 10 : i32
      %lt3A_36 = arith.cmpi slt, %add3A_35, %lt3A : i32
      %convert_element_type3A = arith.extui %lt3A_36 : i1 to i32
      %cond3A = arith.constant 0 : i32
      %cond3A_37 = arith.cmpi ne, %convert_element_type3A, %cond3A : i32
      scf.if %cond3A_37 {
        %add3A_240 = arith.constant 1 : i32
        %add3A_241 = arith.addi %scan3A_29, %add3A_240 : i32
        %mul3A_242 = arith.constant 8 : i32
        %mul3A_243 = arith.muli %add3A_241, %mul3A_242 : i32
        %multiple_of3A_244 = tpu.assume_multiple %mul3A_243, 8 : i32
        %dma_start3A_245 = arith.constant 0 : i32
        %dma_start3A_246 = arith.constant 0 : i32
        %dma_start3A_247 = tpu.memref_slice %arg8[%rem3A_33, %dma_start3A_245, %dma_start3A_246] : memref<2x8x128xi32, #tpu.memory_space<vmem>> -> memref<1x8x128xi32, #tpu.memory_space<vmem>>
        %dma_start3A_248 = tpu.memref_squeeze %dma_start3A_247 : memref<1x8x128xi32, #tpu.memory_space<vmem>> -> memref<8x128xi32, #tpu.memory_space<vmem>>
        %dma_start3A_249 = arith.constant 0 : i32
        %dma_start3A_250 = tpu.memref_slice %arg3[%arg0, %arg1, %multiple_of3A_244, %dma_start3A_249] : memref<2x16x80x128xi32, #tpu.memory_space<hbm>> -> memref<1x1x8x128xi32, #tpu.memory_space<hbm>>
        %dma_start3A_251 = tpu.memref_squeeze %dma_start3A_250 : memref<1x1x8x128xi32, #tpu.memory_space<hbm>> -> memref<8x128xi32, #tpu.memory_space<hbm>>
        %dma_start3A_252 = arith.constant 0 : i32
        %dma_start3A_253 = arith.constant 0 : i32
        %dma_start3A_254 = tpu.memref_slice %arg8[%rem3A_33, %dma_start3A_252, %dma_start3A_253] : memref<2x8x128xi32, #tpu.memory_space<vmem>> -> memref<1x8x128xi32, #tpu.memory_space<vmem>>
        %dma_start3A_255 = tpu.memref_squeeze %dma_start3A_254 : memref<1x8x128xi32, #tpu.memory_space<vmem>> -> memref<8x128xi32, #tpu.memory_space<vmem>>
        %dma_start3A_256 = arith.constant 0 : i32
        %dma_start3A_257 = tpu.memref_slice %arg3[%arg0, %arg1, %multiple_of3A_244, %dma_start3A_256] : memref<2x16x80x128xi32, #tpu.memory_space<hbm>> -> memref<1x1x8x128xi32, #tpu.memory_space<hbm>>
        %dma_start3A_258 = tpu.memref_squeeze %dma_start3A_257 : memref<1x1x8x128xi32, #tpu.memory_space<hbm>> -> memref<8x128xi32, #tpu.memory_space<hbm>>
        tpu.enqueue_dma source(%dma_start3A_258 : memref<8x128xi32, #tpu.memory_space<hbm>>) target(%dma_start3A_255 : memref<8x128xi32, #tpu.memory_space<vmem>>) target_semaphore(%arg12 : memref<!tpu.dma_semaphore, #tpu.memory_space<semaphore_mem>>)
        %add3A_259 = arith.constant 1 : i32
        %add3A_260 = arith.addi %scan3A_29, %add3A_259 : i32
        %mul3A_261 = arith.constant 8 : i32
        %mul3A_262 = arith.muli %add3A_260, %mul3A_261 : i32
        %multiple_of3A_263 = tpu.assume_multiple %mul3A_262, 8 : i32
        %dma_start3A_264 = arith.constant 0 : i32
        %dma_start3A_265 = arith.constant 0 : i32
        %dma_start3A_266 = tpu.memref_slice %arg9[%rem3A_33, %dma_start3A_264, %dma_start3A_265] : memref<2x8x128xi32, #tpu.memory_space<vmem>> -> memref<1x8x128xi32, #tpu.memory_space<vmem>>
        %dma_start3A_267 = tpu.memref_squeeze %dma_start3A_266 : memref<1x8x128xi32, #tpu.memory_space<vmem>> -> memref<8x128xi32, #tpu.memory_space<vmem>>
        %dma_start3A_268 = arith.constant 0 : i32
        %dma_start3A_269 = tpu.memref_slice %arg4[%arg1, %multiple_of3A_263, %dma_start3A_268] : memref<16x80x128xi32, #tpu.memory_space<hbm>> -> memref<1x8x128xi32, #tpu.memory_space<hbm>>
        %dma_start3A_270 = tpu.memref_squeeze %dma_start3A_269 : memref<1x8x128xi32, #tpu.memory_space<hbm>> -> memref<8x128xi32, #tpu.memory_space<hbm>>
        %dma_start3A_271 = arith.constant 0 : i32
        %dma_start3A_272 = arith.constant 0 : i32
        %dma_start3A_273 = tpu.memref_slice %arg9[%rem3A_33, %dma_start3A_271, %dma_start3A_272] : memref<2x8x128xi32, #tpu.memory_space<vmem>> -> memref<1x8x128xi32, #tpu.memory_space<vmem>>
        %dma_start3A_274 = tpu.memref_squeeze %dma_start3A_273 : memref<1x8x128xi32, #tpu.memory_space<vmem>> -> memref<8x128xi32, #tpu.memory_space<vmem>>
        %dma_start3A_275 = arith.constant 0 : i32
        %dma_start3A_276 = tpu.memref_slice %arg4[%arg1, %multiple_of3A_263, %dma_start3A_275] : memref<16x80x128xi32, #tpu.memory_space<hbm>> -> memref<1x8x128xi32, #tpu.memory_space<hbm>>
        %dma_start3A_277 = tpu.memref_squeeze %dma_start3A_276 : memref<1x8x128xi32, #tpu.memory_space<hbm>> -> memref<8x128xi32, #tpu.memory_space<hbm>>
        tpu.enqueue_dma source(%dma_start3A_277 : memref<8x128xi32, #tpu.memory_space<hbm>>) target(%dma_start3A_274 : memref<8x128xi32, #tpu.memory_space<vmem>>) target_semaphore(%arg12 : memref<!tpu.dma_semaphore, #tpu.memory_space<semaphore_mem>>)
      } else {
      }
      %dma_start3A_38 = arith.constant 1 : i32
      %dma_start3A_39 = arith.constant 1 : i32
      %dma_start3A_40 = arith.constant 0 : i32
      %dma_start3A_41 = arith.constant 0 : i32
      %dma_start3A_42 = tpu.memref_slice %arg10[%dma_start3A_39, %dma_start3A_40, %dma_start3A_41] : memref<2x128x128xf32, #tpu.memory_space<vmem>> -> memref<1x128x128xf32, #tpu.memory_space<vmem>>
      %dma_start3A_43 = tpu.memref_squeeze %dma_start3A_42 : memref<1x128x128xf32, #tpu.memory_space<vmem>> -> memref<128x128xf32, #tpu.memory_space<vmem>>
      %dma_start3A_44 = arith.constant 0 : i32
      %dma_start3A_45 = tpu.memref_slice %arg8[%rem3A_30, %dma_start3A_38, %dma_start3A_44] : memref<2x8x128xi32, #tpu.memory_space<vmem>> -> memref<1x1x128xi32, #tpu.memory_space<vmem>>
      %dma_start3A_46 = tpu.memref_squeeze %dma_start3A_45 : memref<1x1x128xi32, #tpu.memory_space<vmem>> -> memref<128xi32, #tpu.memory_space<vmem>>
      %dma_start3A_47 = arith.constant 0 : i32
      %dma_start3A_48 = arith.constant 0 : i32
      %dma_start3A_49 = tpu.memref_slice %arg2[%dma_start3A_47, %dma_start3A_48] : memref<20000x128xf32, #tpu.memory_space<hbm>> -> memref<20000x128xf32, #tpu.memory_space<hbm>>
      tpu.enqueue_indirect_dma source(%dma_start3A_49 : memref<20000x128xf32, #tpu.memory_space<hbm>>) target(%dma_start3A_43 : memref<128x128xf32, #tpu.memory_space<vmem>>) offsets(%dma_start3A_46 : memref<128xi32, #tpu.memory_space<vmem>>) semaphore(%arg11 : memref<!tpu.dma_semaphore, #tpu.memory_space<semaphore_mem>>)
      %dma_wait3A = arith.constant 0 : i32
      %dma_wait3A_50 = arith.constant 0 : i32
      %dma_wait3A_51 = arith.constant 0 : i32
      %dma_wait3A_52 = arith.constant 0 : i32
      %dma_wait3A_53 = tpu.memref_slice %arg10[%dma_wait3A_50, %dma_wait3A_51, %dma_wait3A_52] : memref<2x128x128xf32, #tpu.memory_space<vmem>> -> memref<1x128x128xf32, #tpu.memory_space<vmem>>
      %dma_wait3A_54 = tpu.memref_squeeze %dma_wait3A_53 : memref<1x128x128xf32, #tpu.memory_space<vmem>> -> memref<128x128xf32, #tpu.memory_space<vmem>>
      %dma_wait3A_55 = arith.constant 0 : i32
      %dma_wait3A_56 = tpu.memref_slice %arg8[%rem3A_30, %dma_wait3A, %dma_wait3A_55] : memref<2x8x128xi32, #tpu.memory_space<vmem>> -> memref<1x1x128xi32, #tpu.memory_space<vmem>>
      %dma_wait3A_57 = tpu.memref_squeeze %dma_wait3A_56 : memref<1x1x128xi32, #tpu.memory_space<vmem>> -> memref<128xi32, #tpu.memory_space<vmem>>
      %dma_wait3A_58 = arith.constant 0 : i32
      %dma_wait3A_59 = arith.constant 0 : i32
      %dma_wait3A_60 = tpu.memref_slice %arg2[%dma_wait3A_58, %dma_wait3A_59] : memref<20000x128xf32, #tpu.memory_space<hbm>> -> memref<20000x128xf32, #tpu.memory_space<hbm>>
      tpu.wait_indirect_dma semaphore(%arg11 : memref<!tpu.dma_semaphore, #tpu.memory_space<semaphore_mem>>) src(%dma_wait3A_60 : memref<20000x128xf32, #tpu.memory_space<hbm>>) dst(%dma_wait3A_54 : memref<128x128xf32, #tpu.memory_space<vmem>>)
      %run_scoped3A_61 = arith.constant 0 : i32
      %run_scoped3A_62 = arith.constant 0 : i32
      "tpu.region"() ({
        %run_scoped3A_240 = tpu.sem_alloc : memref<!tpu.dma_semaphore, #tpu.memory_space<semaphore_mem>>
        %dma_start3A_241 = arith.constant 0 : i32
        %dma_start3A_242 = arith.constant 0 : i32
        %dma_start3A_243 = tpu.memref_slice %arg10[%run_scoped3A_61, %dma_start3A_241, %dma_start3A_242] : memref<2x128x128xf32, #tpu.memory_space<vmem>> -> memref<1x128x128xf32, #tpu.memory_space<vmem>>
        %dma_start3A_244 = tpu.memref_squeeze %dma_start3A_243 : memref<1x128x128xf32, #tpu.memory_space<vmem>> -> memref<128x128xf32, #tpu.memory_space<vmem>>
        %dma_start3A_245 = arith.constant 0 : i32
        %dma_start3A_246 = tpu.memref_slice %arg9[%rem3A_30, %run_scoped3A_62, %dma_start3A_245] : memref<2x8x128xi32, #tpu.memory_space<vmem>> -> memref<1x1x128xi32, #tpu.memory_space<vmem>>
        %dma_start3A_247 = tpu.memref_squeeze %dma_start3A_246 : memref<1x1x128xi32, #tpu.memory_space<vmem>> -> memref<128xi32, #tpu.memory_space<vmem>>
        %dma_start3A_248 = arith.constant 0 : i32
        %dma_start3A_249 = arith.constant 0 : i32
        %dma_start3A_250 = tpu.memref_slice %arg7[%dma_start3A_248, %dma_start3A_249] : memref<10112x128xf32, #tpu.memory_space<vmem_shared>> -> memref<10112x128xf32, #tpu.memory_space<vmem_shared>>
        tpu.enqueue_indirect_dma source(%dma_start3A_244 : memref<128x128xf32, #tpu.memory_space<vmem>>) target(%dma_start3A_250 : memref<10112x128xf32, #tpu.memory_space<vmem_shared>>) offsets(%dma_start3A_247 : memref<128xi32, #tpu.memory_space<vmem>>) semaphore(%run_scoped3A_240 : memref<!tpu.dma_semaphore, #tpu.memory_space<semaphore_mem>>) {add = true}
        %dma_wait3A_251 = arith.constant 0 : i32
        %dma_wait3A_252 = arith.constant 0 : i32
        %dma_wait3A_253 = tpu.memref_slice %arg10[%run_scoped3A_61, %dma_wait3A_251, %dma_wait3A_252] : memref<2x128x128xf32, #tpu.memory_space<vmem>> -> memref<1x128x128xf32, #tpu.memory_space<vmem>>
        %dma_wait3A_254 = tpu.memref_squeeze %dma_wait3A_253 : memref<1x128x128xf32, #tpu.memory_space<vmem>> -> memref<128x128xf32, #tpu.memory_space<vmem>>
        %dma_wait3A_255 = arith.constant 0 : i32
        %dma_wait3A_256 = tpu.memref_slice %arg9[%rem3A_30, %run_scoped3A_62, %dma_wait3A_255] : memref<2x8x128xi32, #tpu.memory_space<vmem>> -> memref<1x1x128xi32, #tpu.memory_space<vmem>>
        %dma_wait3A_257 = tpu.memref_squeeze %dma_wait3A_256 : memref<1x1x128xi32, #tpu.memory_space<vmem>> -> memref<128xi32, #tpu.memory_space<vmem>>
        %dma_wait3A_258 = arith.constant 0 : i32
        %dma_wait3A_259 = arith.constant 0 : i32
        %dma_wait3A_260 = tpu.memref_slice %arg7[%dma_wait3A_258, %dma_wait3A_259] : memref<10112x128xf32, #tpu.memory_space<vmem_shared>> -> memref<10112x128xf32, #tpu.memory_space<vmem_shared>>
        tpu.wait_indirect_dma semaphore(%run_scoped3A_240 : memref<!tpu.dma_semaphore, #tpu.memory_space<semaphore_mem>>) src(%dma_wait3A_254 : memref<128x128xf32, #tpu.memory_space<vmem>>) dst(%dma_wait3A_260 : memref<10112x128xf32, #tpu.memory_space<vmem_shared>>)
        tpu.yield
      }) : () -> ()
      %dma_start3A_63 = arith.constant 2 : i32
      %dma_start3A_64 = arith.constant 0 : i32
      %dma_start3A_65 = arith.constant 0 : i32
      %dma_start3A_66 = arith.constant 0 : i32
      %dma_start3A_67 = tpu.memref_slice %arg10[%dma_start3A_64, %dma_start3A_65, %dma_start3A_66] : memref<2x128x128xf32, #tpu.memory_space<vmem>> -> memref<1x128x128xf32, #tpu.memory_space<vmem>>
      %dma_start3A_68 = tpu.memref_squeeze %dma_start3A_67 : memref<1x128x128xf32, #tpu.memory_space<vmem>> -> memref<128x128xf32, #tpu.memory_space<vmem>>
      %dma_start3A_69 = arith.constant 0 : i32
      %dma_start3A_70 = tpu.memref_slice %arg8[%rem3A_30, %dma_start3A_63, %dma_start3A_69] : memref<2x8x128xi32, #tpu.memory_space<vmem>> -> memref<1x1x128xi32, #tpu.memory_space<vmem>>
      %dma_start3A_71 = tpu.memref_squeeze %dma_start3A_70 : memref<1x1x128xi32, #tpu.memory_space<vmem>> -> memref<128xi32, #tpu.memory_space<vmem>>
      %dma_start3A_72 = arith.constant 0 : i32
      %dma_start3A_73 = arith.constant 0 : i32
      %dma_start3A_74 = tpu.memref_slice %arg2[%dma_start3A_72, %dma_start3A_73] : memref<20000x128xf32, #tpu.memory_space<hbm>> -> memref<20000x128xf32, #tpu.memory_space<hbm>>
      tpu.enqueue_indirect_dma source(%dma_start3A_74 : memref<20000x128xf32, #tpu.memory_space<hbm>>) target(%dma_start3A_68 : memref<128x128xf32, #tpu.memory_space<vmem>>) offsets(%dma_start3A_71 : memref<128xi32, #tpu.memory_space<vmem>>) semaphore(%arg11 : memref<!tpu.dma_semaphore, #tpu.memory_space<semaphore_mem>>)
      %dma_wait3A_75 = arith.constant 1 : i32
      %dma_wait3A_76 = arith.constant 1 : i32
      %dma_wait3A_77 = arith.constant 0 : i32
      %dma_wait3A_78 = arith.constant 0 : i32
      %dma_wait3A_79 = tpu.memref_slice %arg10[%dma_wait3A_76, %dma_wait3A_77, %dma_wait3A_78] : memref<2x128x128xf32, #tpu.memory_space<vmem>> -> memref<1x128x128xf32, #tpu.memory_space<vmem>>
      %dma_wait3A_80 = tpu.memref_squeeze %dma_wait3A_79 : memref<1x128x128xf32, #tpu.memory_space<vmem>> -> memref<128x128xf32, #tpu.memory_space<vmem>>
      %dma_wait3A_81 = arith.constant 0 : i32
      %dma_wait3A_82 = tpu.memref_slice %arg8[%rem3A_30, %dma_wait3A_75, %dma_wait3A_81] : memref<2x8x128xi32, #tpu.memory_space<vmem>> -> memref<1x1x128xi32, #tpu.memory_space<vmem>>
      %dma_wait3A_83 = tpu.memref_squeeze %dma_wait3A_82 : memref<1x1x128xi32, #tpu.memory_space<vmem>> -> memref<128xi32, #tpu.memory_space<vmem>>
      %dma_wait3A_84 = arith.constant 0 : i32
      %dma_wait3A_85 = arith.constant 0 : i32
      %dma_wait3A_86 = tpu.memref_slice %arg2[%dma_wait3A_84, %dma_wait3A_85] : memref<20000x128xf32, #tpu.memory_space<hbm>> -> memref<20000x128xf32, #tpu.memory_space<hbm>>
      tpu.wait_indirect_dma semaphore(%arg11 : memref<!tpu.dma_semaphore, #tpu.memory_space<semaphore_mem>>) src(%dma_wait3A_86 : memref<20000x128xf32, #tpu.memory_space<hbm>>) dst(%dma_wait3A_80 : memref<128x128xf32, #tpu.memory_space<vmem>>)
      %run_scoped3A_87 = arith.constant 1 : i32
      %run_scoped3A_88 = arith.constant 1 : i32
      "tpu.region"() ({
        %run_scoped3A_240 = tpu.sem_alloc : memref<!tpu.dma_semaphore, #tpu.memory_space<semaphore_mem>>
        %dma_start3A_241 = arith.constant 0 : i32
        %dma_start3A_242 = arith.constant 0 : i32
        %dma_start3A_243 = tpu.memref_slice %arg10[%run_scoped3A_87, %dma_start3A_241, %dma_start3A_242] : memref<2x128x128xf32, #tpu.memory_space<vmem>> -> memref<1x128x128xf32, #tpu.memory_space<vmem>>
        %dma_start3A_244 = tpu.memref_squeeze %dma_start3A_243 : memref<1x128x128xf32, #tpu.memory_space<vmem>> -> memref<128x128xf32, #tpu.memory_space<vmem>>
        %dma_start3A_245 = arith.constant 0 : i32
        %dma_start3A_246 = tpu.memref_slice %arg9[%rem3A_30, %run_scoped3A_88, %dma_start3A_245] : memref<2x8x128xi32, #tpu.memory_space<vmem>> -> memref<1x1x128xi32, #tpu.memory_space<vmem>>
        %dma_start3A_247 = tpu.memref_squeeze %dma_start3A_246 : memref<1x1x128xi32, #tpu.memory_space<vmem>> -> memref<128xi32, #tpu.memory_space<vmem>>
        %dma_start3A_248 = arith.constant 0 : i32
        %dma_start3A_249 = arith.constant 0 : i32
        %dma_start3A_250 = tpu.memref_slice %arg7[%dma_start3A_248, %dma_start3A_249] : memref<10112x128xf32, #tpu.memory_space<vmem_shared>> -> memref<10112x128xf32, #tpu.memory_space<vmem_shared>>
        tpu.enqueue_indirect_dma source(%dma_start3A_244 : memref<128x128xf32, #tpu.memory_space<vmem>>) target(%dma_start3A_250 : memref<10112x128xf32, #tpu.memory_space<vmem_shared>>) offsets(%dma_start3A_247 : memref<128xi32, #tpu.memory_space<vmem>>) semaphore(%run_scoped3A_240 : memref<!tpu.dma_semaphore, #tpu.memory_space<semaphore_mem>>) {add = true}
        %dma_wait3A_251 = arith.constant 0 : i32
        %dma_wait3A_252 = arith.constant 0 : i32
        %dma_wait3A_253 = tpu.memref_slice %arg10[%run_scoped3A_87, %dma_wait3A_251, %dma_wait3A_252] : memref<2x128x128xf32, #tpu.memory_space<vmem>> -> memref<1x128x128xf32, #tpu.memory_space<vmem>>
        %dma_wait3A_254 = tpu.memref_squeeze %dma_wait3A_253 : memref<1x128x128xf32, #tpu.memory_space<vmem>> -> memref<128x128xf32, #tpu.memory_space<vmem>>
        %dma_wait3A_255 = arith.constant 0 : i32
        %dma_wait3A_256 = tpu.memref_slice %arg9[%rem3A_30, %run_scoped3A_88, %dma_wait3A_255] : memref<2x8x128xi32, #tpu.memory_space<vmem>> -> memref<1x1x128xi32, #tpu.memory_space<vmem>>
        %dma_wait3A_257 = tpu.memref_squeeze %dma_wait3A_256 : memref<1x1x128xi32, #tpu.memory_space<vmem>> -> memref<128xi32, #tpu.memory_space<vmem>>
        %dma_wait3A_258 = arith.constant 0 : i32
        %dma_wait3A_259 = arith.constant 0 : i32
        %dma_wait3A_260 = tpu.memref_slice %arg7[%dma_wait3A_258, %dma_wait3A_259] : memref<10112x128xf32, #tpu.memory_space<vmem_shared>> -> memref<10112x128xf32, #tpu.memory_space<vmem_shared>>
        tpu.wait_indirect_dma semaphore(%run_scoped3A_240 : memref<!tpu.dma_semaphore, #tpu.memory_space<semaphore_mem>>) src(%dma_wait3A_254 : memref<128x128xf32, #tpu.memory_space<vmem>>) dst(%dma_wait3A_260 : memref<10112x128xf32, #tpu.memory_space<vmem_shared>>)
        tpu.yield
      }) : () -> ()
      %dma_start3A_89 = arith.constant 3 : i32
      %dma_start3A_90 = arith.constant 1 : i32
      %dma_start3A_91 = arith.constant 0 : i32
      %dma_start3A_92 = arith.constant 0 : i32
      %dma_start3A_93 = tpu.memref_slice %arg10[%dma_start3A_90, %dma_start3A_91, %dma_start3A_92] : memref<2x128x128xf32, #tpu.memory_space<vmem>> -> memref<1x128x128xf32, #tpu.memory_space<vmem>>
      %dma_start3A_94 = tpu.memref_squeeze %dma_start3A_93 : memref<1x128x128xf32, #tpu.memory_space<vmem>> -> memref<128x128xf32, #tpu.memory_space<vmem>>
      %dma_start3A_95 = arith.constant 0 : i32
      %dma_start3A_96 = tpu.memref_slice %arg8[%rem3A_30, %dma_start3A_89, %dma_start3A_95] : memref<2x8x128xi32, #tpu.memory_space<vmem>> -> memref<1x1x128xi32, #tpu.memory_space<vmem>>
      %dma_start3A_97 = tpu.memref_squeeze %dma_start3A_96 : memref<1x1x128xi32, #tpu.memory_space<vmem>> -> memref<128xi32, #tpu.memory_space<vmem>>
      %dma_start3A_98 = arith.constant 0 : i32
      %dma_start3A_99 = arith.constant 0 : i32
      %dma_start3A_100 = tpu.memref_slice %arg2[%dma_start3A_98, %dma_start3A_99] : memref<20000x128xf32, #tpu.memory_space<hbm>> -> memref<20000x128xf32, #tpu.memory_space<hbm>>
      tpu.enqueue_indirect_dma source(%dma_start3A_100 : memref<20000x128xf32, #tpu.memory_space<hbm>>) target(%dma_start3A_94 : memref<128x128xf32, #tpu.memory_space<vmem>>) offsets(%dma_start3A_97 : memref<128xi32, #tpu.memory_space<vmem>>) semaphore(%arg11 : memref<!tpu.dma_semaphore, #tpu.memory_space<semaphore_mem>>)
      %dma_wait3A_101 = arith.constant 2 : i32
      %dma_wait3A_102 = arith.constant 0 : i32
      %dma_wait3A_103 = arith.constant 0 : i32
      %dma_wait3A_104 = arith.constant 0 : i32
      %dma_wait3A_105 = tpu.memref_slice %arg10[%dma_wait3A_102, %dma_wait3A_103, %dma_wait3A_104] : memref<2x128x128xf32, #tpu.memory_space<vmem>> -> memref<1x128x128xf32, #tpu.memory_space<vmem>>
      %dma_wait3A_106 = tpu.memref_squeeze %dma_wait3A_105 : memref<1x128x128xf32, #tpu.memory_space<vmem>> -> memref<128x128xf32, #tpu.memory_space<vmem>>
      %dma_wait3A_107 = arith.constant 0 : i32
      %dma_wait3A_108 = tpu.memref_slice %arg8[%rem3A_30, %dma_wait3A_101, %dma_wait3A_107] : memref<2x8x128xi32, #tpu.memory_space<vmem>> -> memref<1x1x128xi32, #tpu.memory_space<vmem>>
      %dma_wait3A_109 = tpu.memref_squeeze %dma_wait3A_108 : memref<1x1x128xi32, #tpu.memory_space<vmem>> -> memref<128xi32, #tpu.memory_space<vmem>>
      %dma_wait3A_110 = arith.constant 0 : i32
      %dma_wait3A_111 = arith.constant 0 : i32
      %dma_wait3A_112 = tpu.memref_slice %arg2[%dma_wait3A_110, %dma_wait3A_111] : memref<20000x128xf32, #tpu.memory_space<hbm>> -> memref<20000x128xf32, #tpu.memory_space<hbm>>
      tpu.wait_indirect_dma semaphore(%arg11 : memref<!tpu.dma_semaphore, #tpu.memory_space<semaphore_mem>>) src(%dma_wait3A_112 : memref<20000x128xf32, #tpu.memory_space<hbm>>) dst(%dma_wait3A_106 : memref<128x128xf32, #tpu.memory_space<vmem>>)
      %run_scoped3A_113 = arith.constant 0 : i32
      %run_scoped3A_114 = arith.constant 2 : i32
      "tpu.region"() ({
        %run_scoped3A_240 = tpu.sem_alloc : memref<!tpu.dma_semaphore, #tpu.memory_space<semaphore_mem>>
        %dma_start3A_241 = arith.constant 0 : i32
        %dma_start3A_242 = arith.constant 0 : i32
        %dma_start3A_243 = tpu.memref_slice %arg10[%run_scoped3A_113, %dma_start3A_241, %dma_start3A_242] : memref<2x128x128xf32, #tpu.memory_space<vmem>> -> memref<1x128x128xf32, #tpu.memory_space<vmem>>
        %dma_start3A_244 = tpu.memref_squeeze %dma_start3A_243 : memref<1x128x128xf32, #tpu.memory_space<vmem>> -> memref<128x128xf32, #tpu.memory_space<vmem>>
        %dma_start3A_245 = arith.constant 0 : i32
        %dma_start3A_246 = tpu.memref_slice %arg9[%rem3A_30, %run_scoped3A_114, %dma_start3A_245] : memref<2x8x128xi32, #tpu.memory_space<vmem>> -> memref<1x1x128xi32, #tpu.memory_space<vmem>>
        %dma_start3A_247 = tpu.memref_squeeze %dma_start3A_246 : memref<1x1x128xi32, #tpu.memory_space<vmem>> -> memref<128xi32, #tpu.memory_space<vmem>>
        %dma_start3A_248 = arith.constant 0 : i32
        %dma_start3A_249 = arith.constant 0 : i32
        %dma_start3A_250 = tpu.memref_slice %arg7[%dma_start3A_248, %dma_start3A_249] : memref<10112x128xf32, #tpu.memory_space<vmem_shared>> -> memref<10112x128xf32, #tpu.memory_space<vmem_shared>>
        tpu.enqueue_indirect_dma source(%dma_start3A_244 : memref<128x128xf32, #tpu.memory_space<vmem>>) target(%dma_start3A_250 : memref<10112x128xf32, #tpu.memory_space<vmem_shared>>) offsets(%dma_start3A_247 : memref<128xi32, #tpu.memory_space<vmem>>) semaphore(%run_scoped3A_240 : memref<!tpu.dma_semaphore, #tpu.memory_space<semaphore_mem>>) {add = true}
        %dma_wait3A_251 = arith.constant 0 : i32
        %dma_wait3A_252 = arith.constant 0 : i32
        %dma_wait3A_253 = tpu.memref_slice %arg10[%run_scoped3A_113, %dma_wait3A_251, %dma_wait3A_252] : memref<2x128x128xf32, #tpu.memory_space<vmem>> -> memref<1x128x128xf32, #tpu.memory_space<vmem>>
        %dma_wait3A_254 = tpu.memref_squeeze %dma_wait3A_253 : memref<1x128x128xf32, #tpu.memory_space<vmem>> -> memref<128x128xf32, #tpu.memory_space<vmem>>
        %dma_wait3A_255 = arith.constant 0 : i32
        %dma_wait3A_256 = tpu.memref_slice %arg9[%rem3A_30, %run_scoped3A_114, %dma_wait3A_255] : memref<2x8x128xi32, #tpu.memory_space<vmem>> -> memref<1x1x128xi32, #tpu.memory_space<vmem>>
        %dma_wait3A_257 = tpu.memref_squeeze %dma_wait3A_256 : memref<1x1x128xi32, #tpu.memory_space<vmem>> -> memref<128xi32, #tpu.memory_space<vmem>>
        %dma_wait3A_258 = arith.constant 0 : i32
        %dma_wait3A_259 = arith.constant 0 : i32
        %dma_wait3A_260 = tpu.memref_slice %arg7[%dma_wait3A_258, %dma_wait3A_259] : memref<10112x128xf32, #tpu.memory_space<vmem_shared>> -> memref<10112x128xf32, #tpu.memory_space<vmem_shared>>
        tpu.wait_indirect_dma semaphore(%run_scoped3A_240 : memref<!tpu.dma_semaphore, #tpu.memory_space<semaphore_mem>>) src(%dma_wait3A_254 : memref<128x128xf32, #tpu.memory_space<vmem>>) dst(%dma_wait3A_260 : memref<10112x128xf32, #tpu.memory_space<vmem_shared>>)
        tpu.yield
      }) : () -> ()
      %dma_start3A_115 = arith.constant 4 : i32
      %dma_start3A_116 = arith.constant 0 : i32
      %dma_start3A_117 = arith.constant 0 : i32
      %dma_start3A_118 = arith.constant 0 : i32
      %dma_start3A_119 = tpu.memref_slice %arg10[%dma_start3A_116, %dma_start3A_117, %dma_start3A_118] : memref<2x128x128xf32, #tpu.memory_space<vmem>> -> memref<1x128x128xf32, #tpu.memory_space<vmem>>
      %dma_start3A_120 = tpu.memref_squeeze %dma_start3A_119 : memref<1x128x128xf32, #tpu.memory_space<vmem>> -> memref<128x128xf32, #tpu.memory_space<vmem>>
      %dma_start3A_121 = arith.constant 0 : i32
      %dma_start3A_122 = tpu.memref_slice %arg8[%rem3A_30, %dma_start3A_115, %dma_start3A_121] : memref<2x8x128xi32, #tpu.memory_space<vmem>> -> memref<1x1x128xi32, #tpu.memory_space<vmem>>
      %dma_start3A_123 = tpu.memref_squeeze %dma_start3A_122 : memref<1x1x128xi32, #tpu.memory_space<vmem>> -> memref<128xi32, #tpu.memory_space<vmem>>
      %dma_start3A_124 = arith.constant 0 : i32
      %dma_start3A_125 = arith.constant 0 : i32
      %dma_start3A_126 = tpu.memref_slice %arg2[%dma_start3A_124, %dma_start3A_125] : memref<20000x128xf32, #tpu.memory_space<hbm>> -> memref<20000x128xf32, #tpu.memory_space<hbm>>
      tpu.enqueue_indirect_dma source(%dma_start3A_126 : memref<20000x128xf32, #tpu.memory_space<hbm>>) target(%dma_start3A_120 : memref<128x128xf32, #tpu.memory_space<vmem>>) offsets(%dma_start3A_123 : memref<128xi32, #tpu.memory_space<vmem>>) semaphore(%arg11 : memref<!tpu.dma_semaphore, #tpu.memory_space<semaphore_mem>>)
      %dma_wait3A_127 = arith.constant 3 : i32
      %dma_wait3A_128 = arith.constant 1 : i32
      %dma_wait3A_129 = arith.constant 0 : i32
      %dma_wait3A_130 = arith.constant 0 : i32
      %dma_wait3A_131 = tpu.memref_slice %arg10[%dma_wait3A_128, %dma_wait3A_129, %dma_wait3A_130] : memref<2x128x128xf32, #tpu.memory_space<vmem>> -> memref<1x128x128xf32, #tpu.memory_space<vmem>>
      %dma_wait3A_132 = tpu.memref_squeeze %dma_wait3A_131 : memref<1x128x128xf32, #tpu.memory_space<vmem>> -> memref<128x128xf32, #tpu.memory_space<vmem>>
      %dma_wait3A_133 = arith.constant 0 : i32
      %dma_wait3A_134 = tpu.memref_slice %arg8[%rem3A_30, %dma_wait3A_127, %dma_wait3A_133] : memref<2x8x128xi32, #tpu.memory_space<vmem>> -> memref<1x1x128xi32, #tpu.memory_space<vmem>>
      %dma_wait3A_135 = tpu.memref_squeeze %dma_wait3A_134 : memref<1x1x128xi32, #tpu.memory_space<vmem>> -> memref<128xi32, #tpu.memory_space<vmem>>
      %dma_wait3A_136 = arith.constant 0 : i32
      %dma_wait3A_137 = arith.constant 0 : i32
      %dma_wait3A_138 = tpu.memref_slice %arg2[%dma_wait3A_136, %dma_wait3A_137] : memref<20000x128xf32, #tpu.memory_space<hbm>> -> memref<20000x128xf32, #tpu.memory_space<hbm>>
      tpu.wait_indirect_dma semaphore(%arg11 : memref<!tpu.dma_semaphore, #tpu.memory_space<semaphore_mem>>) src(%dma_wait3A_138 : memref<20000x128xf32, #tpu.memory_space<hbm>>) dst(%dma_wait3A_132 : memref<128x128xf32, #tpu.memory_space<vmem>>)
      %run_scoped3A_139 = arith.constant 1 : i32
      %run_scoped3A_140 = arith.constant 3 : i32
      "tpu.region"() ({
        %run_scoped3A_240 = tpu.sem_alloc : memref<!tpu.dma_semaphore, #tpu.memory_space<semaphore_mem>>
        %dma_start3A_241 = arith.constant 0 : i32
        %dma_start3A_242 = arith.constant 0 : i32
        %dma_start3A_243 = tpu.memref_slice %arg10[%run_scoped3A_139, %dma_start3A_241, %dma_start3A_242] : memref<2x128x128xf32, #tpu.memory_space<vmem>> -> memref<1x128x128xf32, #tpu.memory_space<vmem>>
        %dma_start3A_244 = tpu.memref_squeeze %dma_start3A_243 : memref<1x128x128xf32, #tpu.memory_space<vmem>> -> memref<128x128xf32, #tpu.memory_space<vmem>>
        %dma_start3A_245 = arith.constant 0 : i32
        %dma_start3A_246 = tpu.memref_slice %arg9[%rem3A_30, %run_scoped3A_140, %dma_start3A_245] : memref<2x8x128xi32, #tpu.memory_space<vmem>> -> memref<1x1x128xi32, #tpu.memory_space<vmem>>
        %dma_start3A_247 = tpu.memref_squeeze %dma_start3A_246 : memref<1x1x128xi32, #tpu.memory_space<vmem>> -> memref<128xi32, #tpu.memory_space<vmem>>
        %dma_start3A_248 = arith.constant 0 : i32
        %dma_start3A_249 = arith.constant 0 : i32
        %dma_start3A_250 = tpu.memref_slice %arg7[%dma_start3A_248, %dma_start3A_249] : memref<10112x128xf32, #tpu.memory_space<vmem_shared>> -> memref<10112x128xf32, #tpu.memory_space<vmem_shared>>
        tpu.enqueue_indirect_dma source(%dma_start3A_244 : memref<128x128xf32, #tpu.memory_space<vmem>>) target(%dma_start3A_250 : memref<10112x128xf32, #tpu.memory_space<vmem_shared>>) offsets(%dma_start3A_247 : memref<128xi32, #tpu.memory_space<vmem>>) semaphore(%run_scoped3A_240 : memref<!tpu.dma_semaphore, #tpu.memory_space<semaphore_mem>>) {add = true}
        %dma_wait3A_251 = arith.constant 0 : i32
        %dma_wait3A_252 = arith.constant 0 : i32
        %dma_wait3A_253 = tpu.memref_slice %arg10[%run_scoped3A_139, %dma_wait3A_251, %dma_wait3A_252] : memref<2x128x128xf32, #tpu.memory_space<vmem>> -> memref<1x128x128xf32, #tpu.memory_space<vmem>>
        %dma_wait3A_254 = tpu.memref_squeeze %dma_wait3A_253 : memref<1x128x128xf32, #tpu.memory_space<vmem>> -> memref<128x128xf32, #tpu.memory_space<vmem>>
        %dma_wait3A_255 = arith.constant 0 : i32
        %dma_wait3A_256 = tpu.memref_slice %arg9[%rem3A_30, %run_scoped3A_140, %dma_wait3A_255] : memref<2x8x128xi32, #tpu.memory_space<vmem>> -> memref<1x1x128xi32, #tpu.memory_space<vmem>>
        %dma_wait3A_257 = tpu.memref_squeeze %dma_wait3A_256 : memref<1x1x128xi32, #tpu.memory_space<vmem>> -> memref<128xi32, #tpu.memory_space<vmem>>
        %dma_wait3A_258 = arith.constant 0 : i32
        %dma_wait3A_259 = arith.constant 0 : i32
        %dma_wait3A_260 = tpu.memref_slice %arg7[%dma_wait3A_258, %dma_wait3A_259] : memref<10112x128xf32, #tpu.memory_space<vmem_shared>> -> memref<10112x128xf32, #tpu.memory_space<vmem_shared>>
        tpu.wait_indirect_dma semaphore(%run_scoped3A_240 : memref<!tpu.dma_semaphore, #tpu.memory_space<semaphore_mem>>) src(%dma_wait3A_254 : memref<128x128xf32, #tpu.memory_space<vmem>>) dst(%dma_wait3A_260 : memref<10112x128xf32, #tpu.memory_space<vmem_shared>>)
        tpu.yield
      }) : () -> ()
      %dma_start3A_141 = arith.constant 5 : i32
      %dma_start3A_142 = arith.constant 1 : i32
      %dma_start3A_143 = arith.constant 0 : i32
      %dma_start3A_144 = arith.constant 0 : i32
      %dma_start3A_145 = tpu.memref_slice %arg10[%dma_start3A_142, %dma_start3A_143, %dma_start3A_144] : memref<2x128x128xf32, #tpu.memory_space<vmem>> -> memref<1x128x128xf32, #tpu.memory_space<vmem>>
      %dma_start3A_146 = tpu.memref_squeeze %dma_start3A_145 : memref<1x128x128xf32, #tpu.memory_space<vmem>> -> memref<128x128xf32, #tpu.memory_space<vmem>>
      %dma_start3A_147 = arith.constant 0 : i32
      %dma_start3A_148 = tpu.memref_slice %arg8[%rem3A_30, %dma_start3A_141, %dma_start3A_147] : memref<2x8x128xi32, #tpu.memory_space<vmem>> -> memref<1x1x128xi32, #tpu.memory_space<vmem>>
      %dma_start3A_149 = tpu.memref_squeeze %dma_start3A_148 : memref<1x1x128xi32, #tpu.memory_space<vmem>> -> memref<128xi32, #tpu.memory_space<vmem>>
      %dma_start3A_150 = arith.constant 0 : i32
      %dma_start3A_151 = arith.constant 0 : i32
      %dma_start3A_152 = tpu.memref_slice %arg2[%dma_start3A_150, %dma_start3A_151] : memref<20000x128xf32, #tpu.memory_space<hbm>> -> memref<20000x128xf32, #tpu.memory_space<hbm>>
      tpu.enqueue_indirect_dma source(%dma_start3A_152 : memref<20000x128xf32, #tpu.memory_space<hbm>>) target(%dma_start3A_146 : memref<128x128xf32, #tpu.memory_space<vmem>>) offsets(%dma_start3A_149 : memref<128xi32, #tpu.memory_space<vmem>>) semaphore(%arg11 : memref<!tpu.dma_semaphore, #tpu.memory_space<semaphore_mem>>)
      %dma_wait3A_153 = arith.constant 4 : i32
      %dma_wait3A_154 = arith.constant 0 : i32
      %dma_wait3A_155 = arith.constant 0 : i32
      %dma_wait3A_156 = arith.constant 0 : i32
      %dma_wait3A_157 = tpu.memref_slice %arg10[%dma_wait3A_154, %dma_wait3A_155, %dma_wait3A_156] : memref<2x128x128xf32, #tpu.memory_space<vmem>> -> memref<1x128x128xf32, #tpu.memory_space<vmem>>
      %dma_wait3A_158 = tpu.memref_squeeze %dma_wait3A_157 : memref<1x128x128xf32, #tpu.memory_space<vmem>> -> memref<128x128xf32, #tpu.memory_space<vmem>>
      %dma_wait3A_159 = arith.constant 0 : i32
      %dma_wait3A_160 = tpu.memref_slice %arg8[%rem3A_30, %dma_wait3A_153, %dma_wait3A_159] : memref<2x8x128xi32, #tpu.memory_space<vmem>> -> memref<1x1x128xi32, #tpu.memory_space<vmem>>
      %dma_wait3A_161 = tpu.memref_squeeze %dma_wait3A_160 : memref<1x1x128xi32, #tpu.memory_space<vmem>> -> memref<128xi32, #tpu.memory_space<vmem>>
      %dma_wait3A_162 = arith.constant 0 : i32
      %dma_wait3A_163 = arith.constant 0 : i32
      %dma_wait3A_164 = tpu.memref_slice %arg2[%dma_wait3A_162, %dma_wait3A_163] : memref<20000x128xf32, #tpu.memory_space<hbm>> -> memref<20000x128xf32, #tpu.memory_space<hbm>>
      tpu.wait_indirect_dma semaphore(%arg11 : memref<!tpu.dma_semaphore, #tpu.memory_space<semaphore_mem>>) src(%dma_wait3A_164 : memref<20000x128xf32, #tpu.memory_space<hbm>>) dst(%dma_wait3A_158 : memref<128x128xf32, #tpu.memory_space<vmem>>)
      %run_scoped3A_165 = arith.constant 0 : i32
      %run_scoped3A_166 = arith.constant 4 : i32
      "tpu.region"() ({
        %run_scoped3A_240 = tpu.sem_alloc : memref<!tpu.dma_semaphore, #tpu.memory_space<semaphore_mem>>
        %dma_start3A_241 = arith.constant 0 : i32
        %dma_start3A_242 = arith.constant 0 : i32
        %dma_start3A_243 = tpu.memref_slice %arg10[%run_scoped3A_165, %dma_start3A_241, %dma_start3A_242] : memref<2x128x128xf32, #tpu.memory_space<vmem>> -> memref<1x128x128xf32, #tpu.memory_space<vmem>>
        %dma_start3A_244 = tpu.memref_squeeze %dma_start3A_243 : memref<1x128x128xf32, #tpu.memory_space<vmem>> -> memref<128x128xf32, #tpu.memory_space<vmem>>
        %dma_start3A_245 = arith.constant 0 : i32
        %dma_start3A_246 = tpu.memref_slice %arg9[%rem3A_30, %run_scoped3A_166, %dma_start3A_245] : memref<2x8x128xi32, #tpu.memory_space<vmem>> -> memref<1x1x128xi32, #tpu.memory_space<vmem>>
        %dma_start3A_247 = tpu.memref_squeeze %dma_start3A_246 : memref<1x1x128xi32, #tpu.memory_space<vmem>> -> memref<128xi32, #tpu.memory_space<vmem>>
        %dma_start3A_248 = arith.constant 0 : i32
        %dma_start3A_249 = arith.constant 0 : i32
        %dma_start3A_250 = tpu.memref_slice %arg7[%dma_start3A_248, %dma_start3A_249] : memref<10112x128xf32, #tpu.memory_space<vmem_shared>> -> memref<10112x128xf32, #tpu.memory_space<vmem_shared>>
        tpu.enqueue_indirect_dma source(%dma_start3A_244 : memref<128x128xf32, #tpu.memory_space<vmem>>) target(%dma_start3A_250 : memref<10112x128xf32, #tpu.memory_space<vmem_shared>>) offsets(%dma_start3A_247 : memref<128xi32, #tpu.memory_space<vmem>>) semaphore(%run_scoped3A_240 : memref<!tpu.dma_semaphore, #tpu.memory_space<semaphore_mem>>) {add = true}
        %dma_wait3A_251 = arith.constant 0 : i32
        %dma_wait3A_252 = arith.constant 0 : i32
        %dma_wait3A_253 = tpu.memref_slice %arg10[%run_scoped3A_165, %dma_wait3A_251, %dma_wait3A_252] : memref<2x128x128xf32, #tpu.memory_space<vmem>> -> memref<1x128x128xf32, #tpu.memory_space<vmem>>
        %dma_wait3A_254 = tpu.memref_squeeze %dma_wait3A_253 : memref<1x128x128xf32, #tpu.memory_space<vmem>> -> memref<128x128xf32, #tpu.memory_space<vmem>>
        %dma_wait3A_255 = arith.constant 0 : i32
        %dma_wait3A_256 = tpu.memref_slice %arg9[%rem3A_30, %run_scoped3A_166, %dma_wait3A_255] : memref<2x8x128xi32, #tpu.memory_space<vmem>> -> memref<1x1x128xi32, #tpu.memory_space<vmem>>
        %dma_wait3A_257 = tpu.memref_squeeze %dma_wait3A_256 : memref<1x1x128xi32, #tpu.memory_space<vmem>> -> memref<128xi32, #tpu.memory_space<vmem>>
        %dma_wait3A_258 = arith.constant 0 : i32
        %dma_wait3A_259 = arith.constant 0 : i32
        %dma_wait3A_260 = tpu.memref_slice %arg7[%dma_wait3A_258, %dma_wait3A_259] : memref<10112x128xf32, #tpu.memory_space<vmem_shared>> -> memref<10112x128xf32, #tpu.memory_space<vmem_shared>>
        tpu.wait_indirect_dma semaphore(%run_scoped3A_240 : memref<!tpu.dma_semaphore, #tpu.memory_space<semaphore_mem>>) src(%dma_wait3A_254 : memref<128x128xf32, #tpu.memory_space<vmem>>) dst(%dma_wait3A_260 : memref<10112x128xf32, #tpu.memory_space<vmem_shared>>)
        tpu.yield
      }) : () -> ()
      %dma_start3A_167 = arith.constant 6 : i32
      %dma_start3A_168 = arith.constant 0 : i32
      %dma_start3A_169 = arith.constant 0 : i32
      %dma_start3A_170 = arith.constant 0 : i32
      %dma_start3A_171 = tpu.memref_slice %arg10[%dma_start3A_168, %dma_start3A_169, %dma_start3A_170] : memref<2x128x128xf32, #tpu.memory_space<vmem>> -> memref<1x128x128xf32, #tpu.memory_space<vmem>>
      %dma_start3A_172 = tpu.memref_squeeze %dma_start3A_171 : memref<1x128x128xf32, #tpu.memory_space<vmem>> -> memref<128x128xf32, #tpu.memory_space<vmem>>
      %dma_start3A_173 = arith.constant 0 : i32
      %dma_start3A_174 = tpu.memref_slice %arg8[%rem3A_30, %dma_start3A_167, %dma_start3A_173] : memref<2x8x128xi32, #tpu.memory_space<vmem>> -> memref<1x1x128xi32, #tpu.memory_space<vmem>>
      %dma_start3A_175 = tpu.memref_squeeze %dma_start3A_174 : memref<1x1x128xi32, #tpu.memory_space<vmem>> -> memref<128xi32, #tpu.memory_space<vmem>>
      %dma_start3A_176 = arith.constant 0 : i32
      %dma_start3A_177 = arith.constant 0 : i32
      %dma_start3A_178 = tpu.memref_slice %arg2[%dma_start3A_176, %dma_start3A_177] : memref<20000x128xf32, #tpu.memory_space<hbm>> -> memref<20000x128xf32, #tpu.memory_space<hbm>>
      tpu.enqueue_indirect_dma source(%dma_start3A_178 : memref<20000x128xf32, #tpu.memory_space<hbm>>) target(%dma_start3A_172 : memref<128x128xf32, #tpu.memory_space<vmem>>) offsets(%dma_start3A_175 : memref<128xi32, #tpu.memory_space<vmem>>) semaphore(%arg11 : memref<!tpu.dma_semaphore, #tpu.memory_space<semaphore_mem>>)
      %dma_wait3A_179 = arith.constant 5 : i32
      %dma_wait3A_180 = arith.constant 1 : i32
      %dma_wait3A_181 = arith.constant 0 : i32
      %dma_wait3A_182 = arith.constant 0 : i32
      %dma_wait3A_183 = tpu.memref_slice %arg10[%dma_wait3A_180, %dma_wait3A_181, %dma_wait3A_182] : memref<2x128x128xf32, #tpu.memory_space<vmem>> -> memref<1x128x128xf32, #tpu.memory_space<vmem>>
      %dma_wait3A_184 = tpu.memref_squeeze %dma_wait3A_183 : memref<1x128x128xf32, #tpu.memory_space<vmem>> -> memref<128x128xf32, #tpu.memory_space<vmem>>
      %dma_wait3A_185 = arith.constant 0 : i32
      %dma_wait3A_186 = tpu.memref_slice %arg8[%rem3A_30, %dma_wait3A_179, %dma_wait3A_185] : memref<2x8x128xi32, #tpu.memory_space<vmem>> -> memref<1x1x128xi32, #tpu.memory_space<vmem>>
      %dma_wait3A_187 = tpu.memref_squeeze %dma_wait3A_186 : memref<1x1x128xi32, #tpu.memory_space<vmem>> -> memref<128xi32, #tpu.memory_space<vmem>>
      %dma_wait3A_188 = arith.constant 0 : i32
      %dma_wait3A_189 = arith.constant 0 : i32
      %dma_wait3A_190 = tpu.memref_slice %arg2[%dma_wait3A_188, %dma_wait3A_189] : memref<20000x128xf32, #tpu.memory_space<hbm>> -> memref<20000x128xf32, #tpu.memory_space<hbm>>
      tpu.wait_indirect_dma semaphore(%arg11 : memref<!tpu.dma_semaphore, #tpu.memory_space<semaphore_mem>>) src(%dma_wait3A_190 : memref<20000x128xf32, #tpu.memory_space<hbm>>) dst(%dma_wait3A_184 : memref<128x128xf32, #tpu.memory_space<vmem>>)
      %run_scoped3A_191 = arith.constant 1 : i32
      %run_scoped3A_192 = arith.constant 5 : i32
      "tpu.region"() ({
        %run_scoped3A_240 = tpu.sem_alloc : memref<!tpu.dma_semaphore, #tpu.memory_space<semaphore_mem>>
        %dma_start3A_241 = arith.constant 0 : i32
        %dma_start3A_242 = arith.constant 0 : i32
        %dma_start3A_243 = tpu.memref_slice %arg10[%run_scoped3A_191, %dma_start3A_241, %dma_start3A_242] : memref<2x128x128xf32, #tpu.memory_space<vmem>> -> memref<1x128x128xf32, #tpu.memory_space<vmem>>
        %dma_start3A_244 = tpu.memref_squeeze %dma_start3A_243 : memref<1x128x128xf32, #tpu.memory_space<vmem>> -> memref<128x128xf32, #tpu.memory_space<vmem>>
        %dma_start3A_245 = arith.constant 0 : i32
        %dma_start3A_246 = tpu.memref_slice %arg9[%rem3A_30, %run_scoped3A_192, %dma_start3A_245] : memref<2x8x128xi32, #tpu.memory_space<vmem>> -> memref<1x1x128xi32, #tpu.memory_space<vmem>>
        %dma_start3A_247 = tpu.memref_squeeze %dma_start3A_246 : memref<1x1x128xi32, #tpu.memory_space<vmem>> -> memref<128xi32, #tpu.memory_space<vmem>>
        %dma_start3A_248 = arith.constant 0 : i32
        %dma_start3A_249 = arith.constant 0 : i32
        %dma_start3A_250 = tpu.memref_slice %arg7[%dma_start3A_248, %dma_start3A_249] : memref<10112x128xf32, #tpu.memory_space<vmem_shared>> -> memref<10112x128xf32, #tpu.memory_space<vmem_shared>>
        tpu.enqueue_indirect_dma source(%dma_start3A_244 : memref<128x128xf32, #tpu.memory_space<vmem>>) target(%dma_start3A_250 : memref<10112x128xf32, #tpu.memory_space<vmem_shared>>) offsets(%dma_start3A_247 : memref<128xi32, #tpu.memory_space<vmem>>) semaphore(%run_scoped3A_240 : memref<!tpu.dma_semaphore, #tpu.memory_space<semaphore_mem>>) {add = true}
        %dma_wait3A_251 = arith.constant 0 : i32
        %dma_wait3A_252 = arith.constant 0 : i32
        %dma_wait3A_253 = tpu.memref_slice %arg10[%run_scoped3A_191, %dma_wait3A_251, %dma_wait3A_252] : memref<2x128x128xf32, #tpu.memory_space<vmem>> -> memref<1x128x128xf32, #tpu.memory_space<vmem>>
        %dma_wait3A_254 = tpu.memref_squeeze %dma_wait3A_253 : memref<1x128x128xf32, #tpu.memory_space<vmem>> -> memref<128x128xf32, #tpu.memory_space<vmem>>
        %dma_wait3A_255 = arith.constant 0 : i32
        %dma_wait3A_256 = tpu.memref_slice %arg9[%rem3A_30, %run_scoped3A_192, %dma_wait3A_255] : memref<2x8x128xi32, #tpu.memory_space<vmem>> -> memref<1x1x128xi32, #tpu.memory_space<vmem>>
        %dma_wait3A_257 = tpu.memref_squeeze %dma_wait3A_256 : memref<1x1x128xi32, #tpu.memory_space<vmem>> -> memref<128xi32, #tpu.memory_space<vmem>>
        %dma_wait3A_258 = arith.constant 0 : i32
        %dma_wait3A_259 = arith.constant 0 : i32
        %dma_wait3A_260 = tpu.memref_slice %arg7[%dma_wait3A_258, %dma_wait3A_259] : memref<10112x128xf32, #tpu.memory_space<vmem_shared>> -> memref<10112x128xf32, #tpu.memory_space<vmem_shared>>
        tpu.wait_indirect_dma semaphore(%run_scoped3A_240 : memref<!tpu.dma_semaphore, #tpu.memory_space<semaphore_mem>>) src(%dma_wait3A_254 : memref<128x128xf32, #tpu.memory_space<vmem>>) dst(%dma_wait3A_260 : memref<10112x128xf32, #tpu.memory_space<vmem_shared>>)
        tpu.yield
      }) : () -> ()
      %dma_start3A_193 = arith.constant 7 : i32
      %dma_start3A_194 = arith.constant 1 : i32
      %dma_start3A_195 = arith.constant 0 : i32
      %dma_start3A_196 = arith.constant 0 : i32
      %dma_start3A_197 = tpu.memref_slice %arg10[%dma_start3A_194, %dma_start3A_195, %dma_start3A_196] : memref<2x128x128xf32, #tpu.memory_space<vmem>> -> memref<1x128x128xf32, #tpu.memory_space<vmem>>
      %dma_start3A_198 = tpu.memref_squeeze %dma_start3A_197 : memref<1x128x128xf32, #tpu.memory_space<vmem>> -> memref<128x128xf32, #tpu.memory_space<vmem>>
      %dma_start3A_199 = arith.constant 0 : i32
      %dma_start3A_200 = tpu.memref_slice %arg8[%rem3A_30, %dma_start3A_193, %dma_start3A_199] : memref<2x8x128xi32, #tpu.memory_space<vmem>> -> memref<1x1x128xi32, #tpu.memory_space<vmem>>
      %dma_start3A_201 = tpu.memref_squeeze %dma_start3A_200 : memref<1x1x128xi32, #tpu.memory_space<vmem>> -> memref<128xi32, #tpu.memory_space<vmem>>
      %dma_start3A_202 = arith.constant 0 : i32
      %dma_start3A_203 = arith.constant 0 : i32
      %dma_start3A_204 = tpu.memref_slice %arg2[%dma_start3A_202, %dma_start3A_203] : memref<20000x128xf32, #tpu.memory_space<hbm>> -> memref<20000x128xf32, #tpu.memory_space<hbm>>
      tpu.enqueue_indirect_dma source(%dma_start3A_204 : memref<20000x128xf32, #tpu.memory_space<hbm>>) target(%dma_start3A_198 : memref<128x128xf32, #tpu.memory_space<vmem>>) offsets(%dma_start3A_201 : memref<128xi32, #tpu.memory_space<vmem>>) semaphore(%arg11 : memref<!tpu.dma_semaphore, #tpu.memory_space<semaphore_mem>>)
      %dma_wait3A_205 = arith.constant 6 : i32
      %dma_wait3A_206 = arith.constant 0 : i32
      %dma_wait3A_207 = arith.constant 0 : i32
      %dma_wait3A_208 = arith.constant 0 : i32
      %dma_wait3A_209 = tpu.memref_slice %arg10[%dma_wait3A_206, %dma_wait3A_207, %dma_wait3A_208] : memref<2x128x128xf32, #tpu.memory_space<vmem>> -> memref<1x128x128xf32, #tpu.memory_space<vmem>>
      %dma_wait3A_210 = tpu.memref_squeeze %dma_wait3A_209 : memref<1x128x128xf32, #tpu.memory_space<vmem>> -> memref<128x128xf32, #tpu.memory_space<vmem>>
      %dma_wait3A_211 = arith.constant 0 : i32
      %dma_wait3A_212 = tpu.memref_slice %arg8[%rem3A_30, %dma_wait3A_205, %dma_wait3A_211] : memref<2x8x128xi32, #tpu.memory_space<vmem>> -> memref<1x1x128xi32, #tpu.memory_space<vmem>>
      %dma_wait3A_213 = tpu.memref_squeeze %dma_wait3A_212 : memref<1x1x128xi32, #tpu.memory_space<vmem>> -> memref<128xi32, #tpu.memory_space<vmem>>
      %dma_wait3A_214 = arith.constant 0 : i32
      %dma_wait3A_215 = arith.constant 0 : i32
      %dma_wait3A_216 = tpu.memref_slice %arg2[%dma_wait3A_214, %dma_wait3A_215] : memref<20000x128xf32, #tpu.memory_space<hbm>> -> memref<20000x128xf32, #tpu.memory_space<hbm>>
      tpu.wait_indirect_dma semaphore(%arg11 : memref<!tpu.dma_semaphore, #tpu.memory_space<semaphore_mem>>) src(%dma_wait3A_216 : memref<20000x128xf32, #tpu.memory_space<hbm>>) dst(%dma_wait3A_210 : memref<128x128xf32, #tpu.memory_space<vmem>>)
      %run_scoped3A_217 = arith.constant 0 : i32
      %run_scoped3A_218 = arith.constant 6 : i32
      "tpu.region"() ({
        %run_scoped3A_240 = tpu.sem_alloc : memref<!tpu.dma_semaphore, #tpu.memory_space<semaphore_mem>>
        %dma_start3A_241 = arith.constant 0 : i32
        %dma_start3A_242 = arith.constant 0 : i32
        %dma_start3A_243 = tpu.memref_slice %arg10[%run_scoped3A_217, %dma_start3A_241, %dma_start3A_242] : memref<2x128x128xf32, #tpu.memory_space<vmem>> -> memref<1x128x128xf32, #tpu.memory_space<vmem>>
        %dma_start3A_244 = tpu.memref_squeeze %dma_start3A_243 : memref<1x128x128xf32, #tpu.memory_space<vmem>> -> memref<128x128xf32, #tpu.memory_space<vmem>>
        %dma_start3A_245 = arith.constant 0 : i32
        %dma_start3A_246 = tpu.memref_slice %arg9[%rem3A_30, %run_scoped3A_218, %dma_start3A_245] : memref<2x8x128xi32, #tpu.memory_space<vmem>> -> memref<1x1x128xi32, #tpu.memory_space<vmem>>
        %dma_start3A_247 = tpu.memref_squeeze %dma_start3A_246 : memref<1x1x128xi32, #tpu.memory_space<vmem>> -> memref<128xi32, #tpu.memory_space<vmem>>
        %dma_start3A_248 = arith.constant 0 : i32
        %dma_start3A_249 = arith.constant 0 : i32
        %dma_start3A_250 = tpu.memref_slice %arg7[%dma_start3A_248, %dma_start3A_249] : memref<10112x128xf32, #tpu.memory_space<vmem_shared>> -> memref<10112x128xf32, #tpu.memory_space<vmem_shared>>
        tpu.enqueue_indirect_dma source(%dma_start3A_244 : memref<128x128xf32, #tpu.memory_space<vmem>>) target(%dma_start3A_250 : memref<10112x128xf32, #tpu.memory_space<vmem_shared>>) offsets(%dma_start3A_247 : memref<128xi32, #tpu.memory_space<vmem>>) semaphore(%run_scoped3A_240 : memref<!tpu.dma_semaphore, #tpu.memory_space<semaphore_mem>>) {add = true}
        %dma_wait3A_251 = arith.constant 0 : i32
        %dma_wait3A_252 = arith.constant 0 : i32
        %dma_wait3A_253 = tpu.memref_slice %arg10[%run_scoped3A_217, %dma_wait3A_251, %dma_wait3A_252] : memref<2x128x128xf32, #tpu.memory_space<vmem>> -> memref<1x128x128xf32, #tpu.memory_space<vmem>>
        %dma_wait3A_254 = tpu.memref_squeeze %dma_wait3A_253 : memref<1x128x128xf32, #tpu.memory_space<vmem>> -> memref<128x128xf32, #tpu.memory_space<vmem>>
        %dma_wait3A_255 = arith.constant 0 : i32
        %dma_wait3A_256 = tpu.memref_slice %arg9[%rem3A_30, %run_scoped3A_218, %dma_wait3A_255] : memref<2x8x128xi32, #tpu.memory_space<vmem>> -> memref<1x1x128xi32, #tpu.memory_space<vmem>>
        %dma_wait3A_257 = tpu.memref_squeeze %dma_wait3A_256 : memref<1x1x128xi32, #tpu.memory_space<vmem>> -> memref<128xi32, #tpu.memory_space<vmem>>
        %dma_wait3A_258 = arith.constant 0 : i32
        %dma_wait3A_259 = arith.constant 0 : i32
        %dma_wait3A_260 = tpu.memref_slice %arg7[%dma_wait3A_258, %dma_wait3A_259] : memref<10112x128xf32, #tpu.memory_space<vmem_shared>> -> memref<10112x128xf32, #tpu.memory_space<vmem_shared>>
        tpu.wait_indirect_dma semaphore(%run_scoped3A_240 : memref<!tpu.dma_semaphore, #tpu.memory_space<semaphore_mem>>) src(%dma_wait3A_254 : memref<128x128xf32, #tpu.memory_space<vmem>>) dst(%dma_wait3A_260 : memref<10112x128xf32, #tpu.memory_space<vmem_shared>>)
        tpu.yield
      }) : () -> ()
      %add3A_219 = arith.constant 1 : i32
      %add3A_220 = arith.addi %scan3A_29, %add3A_219 : i32
      %lt3A_221 = arith.constant 10 : i32
      %lt3A_222 = arith.cmpi slt, %add3A_220, %lt3A_221 : i32
      %convert_element_type3A_223 = arith.extui %lt3A_222 : i1 to i32
      %cond3A_224 = arith.constant 0 : i32
      %cond3A_225 = arith.cmpi ne, %convert_element_type3A_223, %cond3A_224 : i32
      scf.if %cond3A_225 {
        %add3A_240 = arith.constant 1 : i32
        %add3A_241 = arith.addi %scan3A_29, %add3A_240 : i32
        %mul3A_242 = arith.constant 8 : i32
        %mul3A_243 = arith.muli %add3A_241, %mul3A_242 : i32
        %multiple_of3A_244 = tpu.assume_multiple %mul3A_243, 8 : i32
        %dma_wait3A_245 = arith.constant 0 : i32
        %dma_wait3A_246 = arith.constant 0 : i32
        %dma_wait3A_247 = tpu.memref_slice %arg8[%rem3A_33, %dma_wait3A_245, %dma_wait3A_246] : memref<2x8x128xi32, #tpu.memory_space<vmem>> -> memref<1x8x128xi32, #tpu.memory_space<vmem>>
        %dma_wait3A_248 = tpu.memref_squeeze %dma_wait3A_247 : memref<1x8x128xi32, #tpu.memory_space<vmem>> -> memref<8x128xi32, #tpu.memory_space<vmem>>
        %dma_wait3A_249 = arith.constant 0 : i32
        %dma_wait3A_250 = tpu.memref_slice %arg3[%arg0, %arg1, %multiple_of3A_244, %dma_wait3A_249] : memref<2x16x80x128xi32, #tpu.memory_space<hbm>> -> memref<1x1x8x128xi32, #tpu.memory_space<hbm>>
        %dma_wait3A_251 = tpu.memref_squeeze %dma_wait3A_250 : memref<1x1x8x128xi32, #tpu.memory_space<hbm>> -> memref<8x128xi32, #tpu.memory_space<hbm>>
        %dma_wait3A_252 = arith.constant 0 : i32
        %dma_wait3A_253 = arith.constant 0 : i32
        %dma_wait3A_254 = tpu.memref_slice %arg8[%rem3A_33, %dma_wait3A_252, %dma_wait3A_253] : memref<2x8x128xi32, #tpu.memory_space<vmem>> -> memref<1x8x128xi32, #tpu.memory_space<vmem>>
        %dma_wait3A_255 = tpu.memref_squeeze %dma_wait3A_254 : memref<1x8x128xi32, #tpu.memory_space<vmem>> -> memref<8x128xi32, #tpu.memory_space<vmem>>
        %dma_wait3A_256 = arith.constant 0 : i32
        %dma_wait3A_257 = tpu.memref_slice %arg3[%arg0, %arg1, %multiple_of3A_244, %dma_wait3A_256] : memref<2x16x80x128xi32, #tpu.memory_space<hbm>> -> memref<1x1x8x128xi32, #tpu.memory_space<hbm>>
        %dma_wait3A_258 = tpu.memref_squeeze %dma_wait3A_257 : memref<1x1x8x128xi32, #tpu.memory_space<hbm>> -> memref<8x128xi32, #tpu.memory_space<hbm>>
        tpu.wait_dma2 semaphore(%arg12 : memref<!tpu.dma_semaphore, #tpu.memory_space<semaphore_mem>>) src(%dma_wait3A_258 : memref<8x128xi32, #tpu.memory_space<hbm>>) dst(%dma_wait3A_255 : memref<8x128xi32, #tpu.memory_space<vmem>>)
        %add3A_259 = arith.constant 1 : i32
        %add3A_260 = arith.addi %scan3A_29, %add3A_259 : i32
        %mul3A_261 = arith.constant 8 : i32
        %mul3A_262 = arith.muli %add3A_260, %mul3A_261 : i32
        %multiple_of3A_263 = tpu.assume_multiple %mul3A_262, 8 : i32
        %dma_wait3A_264 = arith.constant 0 : i32
        %dma_wait3A_265 = arith.constant 0 : i32
        %dma_wait3A_266 = tpu.memref_slice %arg9[%rem3A_33, %dma_wait3A_264, %dma_wait3A_265] : memref<2x8x128xi32, #tpu.memory_space<vmem>> -> memref<1x8x128xi32, #tpu.memory_space<vmem>>
        %dma_wait3A_267 = tpu.memref_squeeze %dma_wait3A_266 : memref<1x8x128xi32, #tpu.memory_space<vmem>> -> memref<8x128xi32, #tpu.memory_space<vmem>>
        %dma_wait3A_268 = arith.constant 0 : i32
        %dma_wait3A_269 = tpu.memref_slice %arg4[%arg1, %multiple_of3A_263, %dma_wait3A_268] : memref<16x80x128xi32, #tpu.memory_space<hbm>> -> memref<1x8x128xi32, #tpu.memory_space<hbm>>
        %dma_wait3A_270 = tpu.memref_squeeze %dma_wait3A_269 : memref<1x8x128xi32, #tpu.memory_space<hbm>> -> memref<8x128xi32, #tpu.memory_space<hbm>>
        %dma_wait3A_271 = arith.constant 0 : i32
        %dma_wait3A_272 = arith.constant 0 : i32
        %dma_wait3A_273 = tpu.memref_slice %arg9[%rem3A_33, %dma_wait3A_271, %dma_wait3A_272] : memref<2x8x128xi32, #tpu.memory_space<vmem>> -> memref<1x8x128xi32, #tpu.memory_space<vmem>>
        %dma_wait3A_274 = tpu.memref_squeeze %dma_wait3A_273 : memref<1x8x128xi32, #tpu.memory_space<vmem>> -> memref<8x128xi32, #tpu.memory_space<vmem>>
        %dma_wait3A_275 = arith.constant 0 : i32
        %dma_wait3A_276 = tpu.memref_slice %arg4[%arg1, %multiple_of3A_263, %dma_wait3A_275] : memref<16x80x128xi32, #tpu.memory_space<hbm>> -> memref<1x8x128xi32, #tpu.memory_space<hbm>>
        %dma_wait3A_277 = tpu.memref_squeeze %dma_wait3A_276 : memref<1x8x128xi32, #tpu.memory_space<hbm>> -> memref<8x128xi32, #tpu.memory_space<hbm>>
        tpu.wait_dma2 semaphore(%arg12 : memref<!tpu.dma_semaphore, #tpu.memory_space<semaphore_mem>>) src(%dma_wait3A_277 : memref<8x128xi32, #tpu.memory_space<hbm>>) dst(%dma_wait3A_274 : memref<8x128xi32, #tpu.memory_space<vmem>>)
        %dma_start3A_278 = arith.constant 0 : i32
        %dma_start3A_279 = arith.constant 0 : i32
        %dma_start3A_280 = arith.constant 0 : i32
        %dma_start3A_281 = arith.constant 0 : i32
        %dma_start3A_282 = tpu.memref_slice %arg10[%dma_start3A_279, %dma_start3A_280, %dma_start3A_281] : memref<2x128x128xf32, #tpu.memory_space<vmem>> -> memref<1x128x128xf32, #tpu.memory_space<vmem>>
        %dma_start3A_283 = tpu.memref_squeeze %dma_start3A_282 : memref<1x128x128xf32, #tpu.memory_space<vmem>> -> memref<128x128xf32, #tpu.memory_space<vmem>>
        %dma_start3A_284 = arith.constant 0 : i32
        %dma_start3A_285 = tpu.memref_slice %arg8[%rem3A_33, %dma_start3A_278, %dma_start3A_284] : memref<2x8x128xi32, #tpu.memory_space<vmem>> -> memref<1x1x128xi32, #tpu.memory_space<vmem>>
        %dma_start3A_286 = tpu.memref_squeeze %dma_start3A_285 : memref<1x1x128xi32, #tpu.memory_space<vmem>> -> memref<128xi32, #tpu.memory_space<vmem>>
        %dma_start3A_287 = arith.constant 0 : i32
        %dma_start3A_288 = arith.constant 0 : i32
        %dma_start3A_289 = tpu.memref_slice %arg2[%dma_start3A_287, %dma_start3A_288] : memref<20000x128xf32, #tpu.memory_space<hbm>> -> memref<20000x128xf32, #tpu.memory_space<hbm>>
        tpu.enqueue_indirect_dma source(%dma_start3A_289 : memref<20000x128xf32, #tpu.memory_space<hbm>>) target(%dma_start3A_283 : memref<128x128xf32, #tpu.memory_space<vmem>>) offsets(%dma_start3A_286 : memref<128xi32, #tpu.memory_space<vmem>>) semaphore(%arg11 : memref<!tpu.dma_semaphore, #tpu.memory_space<semaphore_mem>>)
      } else {
      }
      %dma_wait3A_226 = arith.constant 7 : i32
      %dma_wait3A_227 = arith.constant 1 : i32
      %dma_wait3A_228 = arith.constant 0 : i32
      %dma_wait3A_229 = arith.constant 0 : i32
      %dma_wait3A_230 = tpu.memref_slice %arg10[%dma_wait3A_227, %dma_wait3A_228, %dma_wait3A_229] : memref<2x128x128xf32, #tpu.memory_space<vmem>> -> memref<1x128x128xf32, #tpu.memory_space<vmem>>
      %dma_wait3A_231 = tpu.memref_squeeze %dma_wait3A_230 : memref<1x128x128xf32, #tpu.memory_space<vmem>> -> memref<128x128xf32, #tpu.memory_space<vmem>>
      %dma_wait3A_232 = arith.constant 0 : i32
      %dma_wait3A_233 = tpu.memref_slice %arg8[%rem3A_30, %dma_wait3A_226, %dma_wait3A_232] : memref<2x8x128xi32, #tpu.memory_space<vmem>> -> memref<1x1x128xi32, #tpu.memory_space<vmem>>
      %dma_wait3A_234 = tpu.memref_squeeze %dma_wait3A_233 : memref<1x1x128xi32, #tpu.memory_space<vmem>> -> memref<128xi32, #tpu.memory_space<vmem>>
      %dma_wait3A_235 = arith.constant 0 : i32
      %dma_wait3A_236 = arith.constant 0 : i32
      %dma_wait3A_237 = tpu.memref_slice %arg2[%dma_wait3A_235, %dma_wait3A_236] : memref<20000x128xf32, #tpu.memory_space<hbm>> -> memref<20000x128xf32, #tpu.memory_space<hbm>>
      tpu.wait_indirect_dma semaphore(%arg11 : memref<!tpu.dma_semaphore, #tpu.memory_space<semaphore_mem>>) src(%dma_wait3A_237 : memref<20000x128xf32, #tpu.memory_space<hbm>>) dst(%dma_wait3A_231 : memref<128x128xf32, #tpu.memory_space<vmem>>)
      %run_scoped3A_238 = arith.constant 1 : i32
      %run_scoped3A_239 = arith.constant 7 : i32
      "tpu.region"() ({
        %run_scoped3A_240 = tpu.sem_alloc : memref<!tpu.dma_semaphore, #tpu.memory_space<semaphore_mem>>
        %dma_start3A_241 = arith.constant 0 : i32
        %dma_start3A_242 = arith.constant 0 : i32
        %dma_start3A_243 = tpu.memref_slice %arg10[%run_scoped3A_238, %dma_start3A_241, %dma_start3A_242] : memref<2x128x128xf32, #tpu.memory_space<vmem>> -> memref<1x128x128xf32, #tpu.memory_space<vmem>>
        %dma_start3A_244 = tpu.memref_squeeze %dma_start3A_243 : memref<1x128x128xf32, #tpu.memory_space<vmem>> -> memref<128x128xf32, #tpu.memory_space<vmem>>
        %dma_start3A_245 = arith.constant 0 : i32
        %dma_start3A_246 = tpu.memref_slice %arg9[%rem3A_30, %run_scoped3A_239, %dma_start3A_245] : memref<2x8x128xi32, #tpu.memory_space<vmem>> -> memref<1x1x128xi32, #tpu.memory_space<vmem>>
        %dma_start3A_247 = tpu.memref_squeeze %dma_start3A_246 : memref<1x1x128xi32, #tpu.memory_space<vmem>> -> memref<128xi32, #tpu.memory_space<vmem>>
        %dma_start3A_248 = arith.constant 0 : i32
        %dma_start3A_249 = arith.constant 0 : i32
        %dma_start3A_250 = tpu.memref_slice %arg7[%dma_start3A_248, %dma_start3A_249] : memref<10112x128xf32, #tpu.memory_space<vmem_shared>> -> memref<10112x128xf32, #tpu.memory_space<vmem_shared>>
        tpu.enqueue_indirect_dma source(%dma_start3A_244 : memref<128x128xf32, #tpu.memory_space<vmem>>) target(%dma_start3A_250 : memref<10112x128xf32, #tpu.memory_space<vmem_shared>>) offsets(%dma_start3A_247 : memref<128xi32, #tpu.memory_space<vmem>>) semaphore(%run_scoped3A_240 : memref<!tpu.dma_semaphore, #tpu.memory_space<semaphore_mem>>) {add = true}
        %dma_wait3A_251 = arith.constant 0 : i32
        %dma_wait3A_252 = arith.constant 0 : i32
        %dma_wait3A_253 = tpu.memref_slice %arg10[%run_scoped3A_238, %dma_wait3A_251, %dma_wait3A_252] : memref<2x128x128xf32, #tpu.memory_space<vmem>> -> memref<1x128x128xf32, #tpu.memory_space<vmem>>
        %dma_wait3A_254 = tpu.memref_squeeze %dma_wait3A_253 : memref<1x128x128xf32, #tpu.memory_space<vmem>> -> memref<128x128xf32, #tpu.memory_space<vmem>>
        %dma_wait3A_255 = arith.constant 0 : i32
        %dma_wait3A_256 = tpu.memref_slice %arg9[%rem3A_30, %run_scoped3A_239, %dma_wait3A_255] : memref<2x8x128xi32, #tpu.memory_space<vmem>> -> memref<1x1x128xi32, #tpu.memory_space<vmem>>
        %dma_wait3A_257 = tpu.memref_squeeze %dma_wait3A_256 : memref<1x1x128xi32, #tpu.memory_space<vmem>> -> memref<128xi32, #tpu.memory_space<vmem>>
        %dma_wait3A_258 = arith.constant 0 : i32
        %dma_wait3A_259 = arith.constant 0 : i32
        %dma_wait3A_260 = tpu.memref_slice %arg7[%dma_wait3A_258, %dma_wait3A_259] : memref<10112x128xf32, #tpu.memory_space<vmem_shared>> -> memref<10112x128xf32, #tpu.memory_space<vmem_shared>>
        tpu.wait_indirect_dma semaphore(%run_scoped3A_240 : memref<!tpu.dma_semaphore, #tpu.memory_space<semaphore_mem>>) src(%dma_wait3A_254 : memref<128x128xf32, #tpu.memory_space<vmem>>) dst(%dma_wait3A_260 : memref<10112x128xf32, #tpu.memory_space<vmem_shared>>)
        tpu.yield
      }) : () -> ()
    }
    %scan3A_23 = arith.constant 10 : i32
    %barrier3A_24 = arith.constant 0 : index
    tpu.barrier barrier_id(%barrier3A_24)
    %mul3A_25 = arith.constant 632 : i32
    %mul3A_26 = arith.muli %arg1, %mul3A_25 : i32
    %mul3A_27 = arith.constant 632 : i32
    %mul3A_28 = arith.muli %arg1, %mul3A_27 : i32
    "tpu.region"() ({
      %run_scoped3A_29 = tpu.sem_alloc : memref<!tpu.dma_semaphore, #tpu.memory_space<semaphore_mem>>
      %dma_start3A_30 = arith.constant 0 : i32
      %dma_start3A_31 = tpu.memref_slice %arg6[%arg0, %mul3A_28, %dma_start3A_30] : memref<2x10112x128xf32, #tpu.memory_space<hbm>> -> memref<1x632x128xf32, #tpu.memory_space<hbm>>
      %dma_start3A_32 = tpu.memref_squeeze %dma_start3A_31 : memref<1x632x128xf32, #tpu.memory_space<hbm>> -> memref<632x128xf32, #tpu.memory_space<hbm>>
      %dma_start3A_33 = arith.constant 0 : i32
      %dma_start3A_34 = tpu.memref_slice %arg7[%mul3A_26, %dma_start3A_33] : memref<10112x128xf32, #tpu.memory_space<vmem_shared>> -> memref<632x128xf32, #tpu.memory_space<vmem_shared>>
      tpu.enqueue_dma source(%dma_start3A_34 : memref<632x128xf32, #tpu.memory_space<vmem_shared>>) target(%dma_start3A_32 : memref<632x128xf32, #tpu.memory_space<hbm>>) target_semaphore(%run_scoped3A_29 : memref<!tpu.dma_semaphore, #tpu.memory_space<semaphore_mem>>)
      %dma_wait3A = arith.constant 0 : i32
      %dma_wait3A_35 = tpu.memref_slice %arg6[%arg0, %mul3A_28, %dma_wait3A] : memref<2x10112x128xf32, #tpu.memory_space<hbm>> -> memref<1x632x128xf32, #tpu.memory_space<hbm>>
      %dma_wait3A_36 = tpu.memref_squeeze %dma_wait3A_35 : memref<1x632x128xf32, #tpu.memory_space<hbm>> -> memref<632x128xf32, #tpu.memory_space<hbm>>
      %dma_wait3A_37 = arith.constant 0 : i32
      %dma_wait3A_38 = tpu.memref_slice %arg7[%mul3A_26, %dma_wait3A_37] : memref<10112x128xf32, #tpu.memory_space<vmem_shared>> -> memref<632x128xf32, #tpu.memory_space<vmem_shared>>
      tpu.wait_dma2 semaphore(%run_scoped3A_29 : memref<!tpu.dma_semaphore, #tpu.memory_space<semaphore_mem>>) src(%dma_wait3A_38 : memref<632x128xf32, #tpu.memory_space<vmem_shared>>) dst(%dma_wait3A_36 : memref<632x128xf32, #tpu.memory_space<hbm>>)
      tpu.yield
    }) : () -> ()
    return
  }
}

#map = affine_map<(d0, d1) -> (0, 0)>
#map1 = affine_map<(d0, d1) -> (0, 0, 0, 0)>
#map2 = affine_map<(d0, d1) -> (0, 0, 0)>
module attributes {stable_mosaic.version = 14 : i64} {
  func.func @_agg_body(%arg0: i32, %arg1: i32, %arg2: memref<20000x128xf32, #tpu.memory_space<hbm>>, %arg3: memref<2x16x80x128xi32, #tpu.memory_space<hbm>>, %arg4: memref<16x80x128xi32, #tpu.memory_space<hbm>>, %arg5: memref<10112x128xf32, #tpu.memory_space<hbm>>, %arg6: memref<2x10112x128xf32, #tpu.memory_space<hbm>>, %arg7: memref<10112x128xf32, #tpu.memory_space<vmem_shared>>, %arg8: memref<2x8x128xi32, #tpu.memory_space<vmem>>, %arg9: memref<2x8x128xi32, #tpu.memory_space<vmem>>, %arg10: memref<2x128x128xf32, #tpu.memory_space<vmem>>, %arg11: memref<!tpu.dma_semaphore, #tpu.memory_space<semaphore_mem>>, %arg12: memref<!tpu.dma_semaphore, #tpu.memory_space<semaphore_mem>>) attributes {dimension_semantics = [#tpu.dimension_semantics<core_parallel>, #tpu.dimension_semantics<subcore_parallel>], iteration_bounds = array<i64: 2, 16>, scalar_prefetch = 0 : i64, scratch_operands = 6 : i64, tpu.core_type = #tpu.core_type<sc_vector_subcore>, window_params = [{transform_indices = #map}, {transform_indices = #map1}, {transform_indices = #map2}, {transform_indices = #map}, {transform_indices = #map2}]} {
    %multiple_of3A = arith.constant 0 : i32
    %multiple_of3A_0 = tpu.assume_multiple %multiple_of3A, 8 : i32
    %run_scoped3A = arith.constant 0 : i32
    "tpu.region"() ({
      %run_scoped3A_29 = tpu.sem_alloc : memref<!tpu.dma_semaphore, #tpu.memory_space<semaphore_mem>>
      %dma_start3A_30 = arith.constant 0 : i32
      %dma_start3A_31 = arith.constant 0 : i32
      %dma_start3A_32 = tpu.memref_slice %arg8[%run_scoped3A, %dma_start3A_30, %dma_start3A_31] : memref<2x8x128xi32, #tpu.memory_space<vmem>> -> memref<1x8x128xi32, #tpu.memory_space<vmem>>
      %dma_start3A_33 = tpu.memref_squeeze %dma_start3A_32 : memref<1x8x128xi32, #tpu.memory_space<vmem>> -> memref<8x128xi32, #tpu.memory_space<vmem>>
      %dma_start3A_34 = arith.constant 0 : i32
      %dma_start3A_35 = tpu.memref_slice %arg3[%arg0, %arg1, %multiple_of3A_0, %dma_start3A_34] : memref<2x16x80x128xi32, #tpu.memory_space<hbm>> -> memref<1x1x8x128xi32, #tpu.memory_space<hbm>>
      %dma_start3A_36 = tpu.memref_squeeze %dma_start3A_35 : memref<1x1x8x128xi32, #tpu.memory_space<hbm>> -> memref<8x128xi32, #tpu.memory_space<hbm>>
      %dma_start3A_37 = arith.constant 0 : i32
      %dma_start3A_38 = arith.constant 0 : i32
      %dma_start3A_39 = tpu.memref_slice %arg8[%run_scoped3A, %dma_start3A_37, %dma_start3A_38] : memref<2x8x128xi32, #tpu.memory_space<vmem>> -> memref<1x8x128xi32, #tpu.memory_space<vmem>>
      %dma_start3A_40 = tpu.memref_squeeze %dma_start3A_39 : memref<1x8x128xi32, #tpu.memory_space<vmem>> -> memref<8x128xi32, #tpu.memory_space<vmem>>
      %dma_start3A_41 = arith.constant 0 : i32
      %dma_start3A_42 = tpu.memref_slice %arg3[%arg0, %arg1, %multiple_of3A_0, %dma_start3A_41] : memref<2x16x80x128xi32, #tpu.memory_space<hbm>> -> memref<1x1x8x128xi32, #tpu.memory_space<hbm>>
      %dma_start3A_43 = tpu.memref_squeeze %dma_start3A_42 : memref<1x1x8x128xi32, #tpu.memory_space<hbm>> -> memref<8x128xi32, #tpu.memory_space<hbm>>
      tpu.enqueue_dma source(%dma_start3A_43 : memref<8x128xi32, #tpu.memory_space<hbm>>) target(%dma_start3A_40 : memref<8x128xi32, #tpu.memory_space<vmem>>) target_semaphore(%run_scoped3A_29 : memref<!tpu.dma_semaphore, #tpu.memory_space<semaphore_mem>>)
      %dma_wait3A = arith.constant 0 : i32
      %dma_wait3A_44 = arith.constant 0 : i32
      %dma_wait3A_45 = tpu.memref_slice %arg8[%run_scoped3A, %dma_wait3A, %dma_wait3A_44] : memref<2x8x128xi32, #tpu.memory_space<vmem>> -> memref<1x8x128xi32, #tpu.memory_space<vmem>>
      %dma_wait3A_46 = tpu.memref_squeeze %dma_wait3A_45 : memref<1x8x128xi32, #tpu.memory_space<vmem>> -> memref<8x128xi32, #tpu.memory_space<vmem>>
      %dma_wait3A_47 = arith.constant 0 : i32
      %dma_wait3A_48 = tpu.memref_slice %arg3[%arg0, %arg1, %multiple_of3A_0, %dma_wait3A_47] : memref<2x16x80x128xi32, #tpu.memory_space<hbm>> -> memref<1x1x8x128xi32, #tpu.memory_space<hbm>>
      %dma_wait3A_49 = tpu.memref_squeeze %dma_wait3A_48 : memref<1x1x8x128xi32, #tpu.memory_space<hbm>> -> memref<8x128xi32, #tpu.memory_space<hbm>>
      %dma_wait3A_50 = arith.constant 0 : i32
      %dma_wait3A_51 = arith.constant 0 : i32
      %dma_wait3A_52 = tpu.memref_slice %arg8[%run_scoped3A, %dma_wait3A_50, %dma_wait3A_51] : memref<2x8x128xi32, #tpu.memory_space<vmem>> -> memref<1x8x128xi32, #tpu.memory_space<vmem>>
      %dma_wait3A_53 = tpu.memref_squeeze %dma_wait3A_52 : memref<1x8x128xi32, #tpu.memory_space<vmem>> -> memref<8x128xi32, #tpu.memory_space<vmem>>
      %dma_wait3A_54 = arith.constant 0 : i32
      %dma_wait3A_55 = tpu.memref_slice %arg3[%arg0, %arg1, %multiple_of3A_0, %dma_wait3A_54] : memref<2x16x80x128xi32, #tpu.memory_space<hbm>> -> memref<1x1x8x128xi32, #tpu.memory_space<hbm>>
      %dma_wait3A_56 = tpu.memref_squeeze %dma_wait3A_55 : memref<1x1x8x128xi32, #tpu.memory_space<hbm>> -> memref<8x128xi32, #tpu.memory_space<hbm>>
      tpu.wait_dma2 semaphore(%run_scoped3A_29 : memref<!tpu.dma_semaphore, #tpu.memory_space<semaphore_mem>>) src(%dma_wait3A_56 : memref<8x128xi32, #tpu.memory_space<hbm>>) dst(%dma_wait3A_53 : memref<8x128xi32, #tpu.memory_space<vmem>>)
      tpu.yield
    }) : () -> ()
    %multiple_of3A_1 = arith.constant 0 : i32
    %multiple_of3A_2 = tpu.assume_multiple %multiple_of3A_1, 8 : i32
    %run_scoped3A_3 = arith.constant 0 : i32
    "tpu.region"() ({
      %run_scoped3A_29 = tpu.sem_alloc : memref<!tpu.dma_semaphore, #tpu.memory_space<semaphore_mem>>
      %dma_start3A_30 = arith.constant 0 : i32
      %dma_start3A_31 = arith.constant 0 : i32
      %dma_start3A_32 = tpu.memref_slice %arg9[%run_scoped3A_3, %dma_start3A_30, %dma_start3A_31] : memref<2x8x128xi32, #tpu.memory_space<vmem>> -> memref<1x8x128xi32, #tpu.memory_space<vmem>>
      %dma_start3A_33 = tpu.memref_squeeze %dma_start3A_32 : memref<1x8x128xi32, #tpu.memory_space<vmem>> -> memref<8x128xi32, #tpu.memory_space<vmem>>
      %dma_start3A_34 = arith.constant 0 : i32
      %dma_start3A_35 = tpu.memref_slice %arg4[%arg1, %multiple_of3A_2, %dma_start3A_34] : memref<16x80x128xi32, #tpu.memory_space<hbm>> -> memref<1x8x128xi32, #tpu.memory_space<hbm>>
      %dma_start3A_36 = tpu.memref_squeeze %dma_start3A_35 : memref<1x8x128xi32, #tpu.memory_space<hbm>> -> memref<8x128xi32, #tpu.memory_space<hbm>>
      %dma_start3A_37 = arith.constant 0 : i32
      %dma_start3A_38 = arith.constant 0 : i32
      %dma_start3A_39 = tpu.memref_slice %arg9[%run_scoped3A_3, %dma_start3A_37, %dma_start3A_38] : memref<2x8x128xi32, #tpu.memory_space<vmem>> -> memref<1x8x128xi32, #tpu.memory_space<vmem>>
      %dma_start3A_40 = tpu.memref_squeeze %dma_start3A_39 : memref<1x8x128xi32, #tpu.memory_space<vmem>> -> memref<8x128xi32, #tpu.memory_space<vmem>>
      %dma_start3A_41 = arith.constant 0 : i32
      %dma_start3A_42 = tpu.memref_slice %arg4[%arg1, %multiple_of3A_2, %dma_start3A_41] : memref<16x80x128xi32, #tpu.memory_space<hbm>> -> memref<1x8x128xi32, #tpu.memory_space<hbm>>
      %dma_start3A_43 = tpu.memref_squeeze %dma_start3A_42 : memref<1x8x128xi32, #tpu.memory_space<hbm>> -> memref<8x128xi32, #tpu.memory_space<hbm>>
      tpu.enqueue_dma source(%dma_start3A_43 : memref<8x128xi32, #tpu.memory_space<hbm>>) target(%dma_start3A_40 : memref<8x128xi32, #tpu.memory_space<vmem>>) target_semaphore(%run_scoped3A_29 : memref<!tpu.dma_semaphore, #tpu.memory_space<semaphore_mem>>)
      %dma_wait3A = arith.constant 0 : i32
      %dma_wait3A_44 = arith.constant 0 : i32
      %dma_wait3A_45 = tpu.memref_slice %arg9[%run_scoped3A_3, %dma_wait3A, %dma_wait3A_44] : memref<2x8x128xi32, #tpu.memory_space<vmem>> -> memref<1x8x128xi32, #tpu.memory_space<vmem>>
      %dma_wait3A_46 = tpu.memref_squeeze %dma_wait3A_45 : memref<1x8x128xi32, #tpu.memory_space<vmem>> -> memref<8x128xi32, #tpu.memory_space<vmem>>
      %dma_wait3A_47 = arith.constant 0 : i32
      %dma_wait3A_48 = tpu.memref_slice %arg4[%arg1, %multiple_of3A_2, %dma_wait3A_47] : memref<16x80x128xi32, #tpu.memory_space<hbm>> -> memref<1x8x128xi32, #tpu.memory_space<hbm>>
      %dma_wait3A_49 = tpu.memref_squeeze %dma_wait3A_48 : memref<1x8x128xi32, #tpu.memory_space<hbm>> -> memref<8x128xi32, #tpu.memory_space<hbm>>
      %dma_wait3A_50 = arith.constant 0 : i32
      %dma_wait3A_51 = arith.constant 0 : i32
      %dma_wait3A_52 = tpu.memref_slice %arg9[%run_scoped3A_3, %dma_wait3A_50, %dma_wait3A_51] : memref<2x8x128xi32, #tpu.memory_space<vmem>> -> memref<1x8x128xi32, #tpu.memory_space<vmem>>
      %dma_wait3A_53 = tpu.memref_squeeze %dma_wait3A_52 : memref<1x8x128xi32, #tpu.memory_space<vmem>> -> memref<8x128xi32, #tpu.memory_space<vmem>>
      %dma_wait3A_54 = arith.constant 0 : i32
      %dma_wait3A_55 = tpu.memref_slice %arg4[%arg1, %multiple_of3A_2, %dma_wait3A_54] : memref<16x80x128xi32, #tpu.memory_space<hbm>> -> memref<1x8x128xi32, #tpu.memory_space<hbm>>
      %dma_wait3A_56 = tpu.memref_squeeze %dma_wait3A_55 : memref<1x8x128xi32, #tpu.memory_space<hbm>> -> memref<8x128xi32, #tpu.memory_space<hbm>>
      tpu.wait_dma2 semaphore(%run_scoped3A_29 : memref<!tpu.dma_semaphore, #tpu.memory_space<semaphore_mem>>) src(%dma_wait3A_56 : memref<8x128xi32, #tpu.memory_space<hbm>>) dst(%dma_wait3A_53 : memref<8x128xi32, #tpu.memory_space<vmem>>)
      tpu.yield
    }) : () -> ()
    %dma_start3A = arith.constant 0 : i32
    %dma_start3A_4 = arith.constant 0 : i32
    %dma_start3A_5 = arith.constant 0 : i32
    %dma_start3A_6 = arith.constant 0 : i32
    %dma_start3A_7 = arith.constant 0 : i32
    %dma_start3A_8 = tpu.memref_slice %arg10[%dma_start3A_5, %dma_start3A_6, %dma_start3A_7] : memref<2x128x128xf32, #tpu.memory_space<vmem>> -> memref<1x128x128xf32, #tpu.memory_space<vmem>>
    %dma_start3A_9 = tpu.memref_squeeze %dma_start3A_8 : memref<1x128x128xf32, #tpu.memory_space<vmem>> -> memref<128x128xf32, #tpu.memory_space<vmem>>
    %dma_start3A_10 = arith.constant 0 : i32
    %dma_start3A_11 = tpu.memref_slice %arg8[%dma_start3A, %dma_start3A_4, %dma_start3A_10] : memref<2x8x128xi32, #tpu.memory_space<vmem>> -> memref<1x1x128xi32, #tpu.memory_space<vmem>>
    %dma_start3A_12 = tpu.memref_squeeze %dma_start3A_11 : memref<1x1x128xi32, #tpu.memory_space<vmem>> -> memref<128xi32, #tpu.memory_space<vmem>>
    %dma_start3A_13 = arith.constant 0 : i32
    %dma_start3A_14 = arith.constant 0 : i32
    %dma_start3A_15 = tpu.memref_slice %arg2[%dma_start3A_13, %dma_start3A_14] : memref<20000x128xf32, #tpu.memory_space<hbm>> -> memref<20000x128xf32, #tpu.memory_space<hbm>>
    tpu.enqueue_indirect_dma source(%dma_start3A_15 : memref<20000x128xf32, #tpu.memory_space<hbm>>) target(%dma_start3A_9 : memref<128x128xf32, #tpu.memory_space<vmem>>) offsets(%dma_start3A_12 : memref<128xi32, #tpu.memory_space<vmem>>) semaphore(%arg11 : memref<!tpu.dma_semaphore, #tpu.memory_space<semaphore_mem>>)
    %mul3A = arith.constant 632 : i32
    %mul3A_16 = arith.muli %arg1, %mul3A : i32
    %mul3A_17 = arith.constant 632 : i32
    %mul3A_18 = arith.muli %arg1, %mul3A_17 : i32
    "tpu.region"() ({
      %run_scoped3A_29 = tpu.sem_alloc : memref<!tpu.dma_semaphore, #tpu.memory_space<semaphore_mem>>
      %dma_start3A_30 = arith.constant 0 : i32
      %dma_start3A_31 = tpu.memref_slice %arg7[%mul3A_18, %dma_start3A_30] : memref<10112x128xf32, #tpu.memory_space<vmem_shared>> -> memref<632x128xf32, #tpu.memory_space<vmem_shared>>
      %dma_start3A_32 = arith.constant 0 : i32
      %dma_start3A_33 = tpu.memref_slice %arg5[%mul3A_16, %dma_start3A_32] : memref<10112x128xf32, #tpu.memory_space<hbm>> -> memref<632x128xf32, #tpu.memory_space<hbm>>
      tpu.enqueue_dma source(%dma_start3A_33 : memref<632x128xf32, #tpu.memory_space<hbm>>) target(%dma_start3A_31 : memref<632x128xf32, #tpu.memory_space<vmem_shared>>) target_semaphore(%run_scoped3A_29 : memref<!tpu.dma_semaphore, #tpu.memory_space<semaphore_mem>>)
      %dma_wait3A = arith.constant 0 : i32
      %dma_wait3A_34 = tpu.memref_slice %arg7[%mul3A_18, %dma_wait3A] : memref<10112x128xf32, #tpu.memory_space<vmem_shared>> -> memref<632x128xf32, #tpu.memory_space<vmem_shared>>
      %dma_wait3A_35 = arith.constant 0 : i32
      %dma_wait3A_36 = tpu.memref_slice %arg5[%mul3A_16, %dma_wait3A_35] : memref<10112x128xf32, #tpu.memory_space<hbm>> -> memref<632x128xf32, #tpu.memory_space<hbm>>
      tpu.wait_dma2 semaphore(%run_scoped3A_29 : memref<!tpu.dma_semaphore, #tpu.memory_space<semaphore_mem>>) src(%dma_wait3A_36 : memref<632x128xf32, #tpu.memory_space<hbm>>) dst(%dma_wait3A_34 : memref<632x128xf32, #tpu.memory_space<vmem_shared>>)
      tpu.yield
    }) : () -> ()
    %barrier3A = arith.constant 0 : index
    tpu.barrier barrier_id(%barrier3A)
    %scan3A = arith.constant 0 : i32
    %scan3A_19 = arith.constant 0 : i32
    %scan3A_20 = arith.constant 10 : i32
    %scan3A_21 = arith.addi %scan3A_19, %scan3A_20 : i32
    %scan3A_22 = arith.constant 1 : i32
    scf.for %scan3A_29 = %scan3A_19 to %scan3A_21 step %scan3A_22  : i32 {
      %rem3A = arith.constant 2 : i32
      %rem3A_30 = arith.remsi %scan3A_29, %rem3A : i32
      %add3A = arith.constant 1 : i32
      %add3A_31 = arith.addi %scan3A_29, %add3A : i32
      %rem3A_32 = arith.constant 2 : i32
      %rem3A_33 = arith.remsi %add3A_31, %rem3A_32 : i32
      %add3A_34 = arith.constant 1 : i32
      %add3A_35 = arith.addi %scan3A_29, %add3A_34 : i32
      %lt3A = arith.constant 10 : i32
      %lt3A_36 = arith.cmpi slt, %add3A_35, %lt3A : i32
      %convert_element_type3A = arith.extui %lt3A_36 : i1 to i32
      %cond3A = arith.constant 0 : i32
      %cond3A_37 = arith.cmpi ne, %convert_element_type3A, %cond3A : i32
      scf.if %cond3A_37 {
        %add3A_240 = arith.constant 1 : i32
        %add3A_241 = arith.addi %scan3A_29, %add3A_240 : i32
        %mul3A_242 = arith.constant 8 : i32
        %mul3A_243 = arith.muli %add3A_241, %mul3A_242 : i32
        %multiple_of3A_244 = tpu.assume_multiple %mul3A_243, 8 : i32
        %dma_start3A_245 = arith.constant 0 : i32
        %dma_start3A_246 = arith.constant 0 : i32
        %dma_start3A_247 = tpu.memref_slice %arg8[%rem3A_33, %dma_start3A_245, %dma_start3A_246] : memref<2x8x128xi32, #tpu.memory_space<vmem>> -> memref<1x8x128xi32, #tpu.memory_space<vmem>>
        %dma_start3A_248 = tpu.memref_squeeze %dma_start3A_247 : memref<1x8x128xi32, #tpu.memory_space<vmem>> -> memref<8x128xi32, #tpu.memory_space<vmem>>
        %dma_start3A_249 = arith.constant 0 : i32
        %dma_start3A_250 = tpu.memref_slice %arg3[%arg0, %arg1, %multiple_of3A_244, %dma_start3A_249] : memref<2x16x80x128xi32, #tpu.memory_space<hbm>> -> memref<1x1x8x128xi32, #tpu.memory_space<hbm>>
        %dma_start3A_251 = tpu.memref_squeeze %dma_start3A_250 : memref<1x1x8x128xi32, #tpu.memory_space<hbm>> -> memref<8x128xi32, #tpu.memory_space<hbm>>
        %dma_start3A_252 = arith.constant 0 : i32
        %dma_start3A_253 = arith.constant 0 : i32
        %dma_start3A_254 = tpu.memref_slice %arg8[%rem3A_33, %dma_start3A_252, %dma_start3A_253] : memref<2x8x128xi32, #tpu.memory_space<vmem>> -> memref<1x8x128xi32, #tpu.memory_space<vmem>>
        %dma_start3A_255 = tpu.memref_squeeze %dma_start3A_254 : memref<1x8x128xi32, #tpu.memory_space<vmem>> -> memref<8x128xi32, #tpu.memory_space<vmem>>
        %dma_start3A_256 = arith.constant 0 : i32
        %dma_start3A_257 = tpu.memref_slice %arg3[%arg0, %arg1, %multiple_of3A_244, %dma_start3A_256] : memref<2x16x80x128xi32, #tpu.memory_space<hbm>> -> memref<1x1x8x128xi32, #tpu.memory_space<hbm>>
        %dma_start3A_258 = tpu.memref_squeeze %dma_start3A_257 : memref<1x1x8x128xi32, #tpu.memory_space<hbm>> -> memref<8x128xi32, #tpu.memory_space<hbm>>
        tpu.enqueue_dma source(%dma_start3A_258 : memref<8x128xi32, #tpu.memory_space<hbm>>) target(%dma_start3A_255 : memref<8x128xi32, #tpu.memory_space<vmem>>) target_semaphore(%arg12 : memref<!tpu.dma_semaphore, #tpu.memory_space<semaphore_mem>>)
        %add3A_259 = arith.constant 1 : i32
        %add3A_260 = arith.addi %scan3A_29, %add3A_259 : i32
        %mul3A_261 = arith.constant 8 : i32
        %mul3A_262 = arith.muli %add3A_260, %mul3A_261 : i32
        %multiple_of3A_263 = tpu.assume_multiple %mul3A_262, 8 : i32
        %dma_start3A_264 = arith.constant 0 : i32
        %dma_start3A_265 = arith.constant 0 : i32
        %dma_start3A_266 = tpu.memref_slice %arg9[%rem3A_33, %dma_start3A_264, %dma_start3A_265] : memref<2x8x128xi32, #tpu.memory_space<vmem>> -> memref<1x8x128xi32, #tpu.memory_space<vmem>>
        %dma_start3A_267 = tpu.memref_squeeze %dma_start3A_266 : memref<1x8x128xi32, #tpu.memory_space<vmem>> -> memref<8x128xi32, #tpu.memory_space<vmem>>
        %dma_start3A_268 = arith.constant 0 : i32
        %dma_start3A_269 = tpu.memref_slice %arg4[%arg1, %multiple_of3A_263, %dma_start3A_268] : memref<16x80x128xi32, #tpu.memory_space<hbm>> -> memref<1x8x128xi32, #tpu.memory_space<hbm>>
        %dma_start3A_270 = tpu.memref_squeeze %dma_start3A_269 : memref<1x8x128xi32, #tpu.memory_space<hbm>> -> memref<8x128xi32, #tpu.memory_space<hbm>>
        %dma_start3A_271 = arith.constant 0 : i32
        %dma_start3A_272 = arith.constant 0 : i32
        %dma_start3A_273 = tpu.memref_slice %arg9[%rem3A_33, %dma_start3A_271, %dma_start3A_272] : memref<2x8x128xi32, #tpu.memory_space<vmem>> -> memref<1x8x128xi32, #tpu.memory_space<vmem>>
        %dma_start3A_274 = tpu.memref_squeeze %dma_start3A_273 : memref<1x8x128xi32, #tpu.memory_space<vmem>> -> memref<8x128xi32, #tpu.memory_space<vmem>>
        %dma_start3A_275 = arith.constant 0 : i32
        %dma_start3A_276 = tpu.memref_slice %arg4[%arg1, %multiple_of3A_263, %dma_start3A_275] : memref<16x80x128xi32, #tpu.memory_space<hbm>> -> memref<1x8x128xi32, #tpu.memory_space<hbm>>
        %dma_start3A_277 = tpu.memref_squeeze %dma_start3A_276 : memref<1x8x128xi32, #tpu.memory_space<hbm>> -> memref<8x128xi32, #tpu.memory_space<hbm>>
        tpu.enqueue_dma source(%dma_start3A_277 : memref<8x128xi32, #tpu.memory_space<hbm>>) target(%dma_start3A_274 : memref<8x128xi32, #tpu.memory_space<vmem>>) target_semaphore(%arg12 : memref<!tpu.dma_semaphore, #tpu.memory_space<semaphore_mem>>)
      } else {
      }
      %dma_start3A_38 = arith.constant 1 : i32
      %dma_start3A_39 = arith.constant 1 : i32
      %dma_start3A_40 = arith.constant 0 : i32
      %dma_start3A_41 = arith.constant 0 : i32
      %dma_start3A_42 = tpu.memref_slice %arg10[%dma_start3A_39, %dma_start3A_40, %dma_start3A_41] : memref<2x128x128xf32, #tpu.memory_space<vmem>> -> memref<1x128x128xf32, #tpu.memory_space<vmem>>
      %dma_start3A_43 = tpu.memref_squeeze %dma_start3A_42 : memref<1x128x128xf32, #tpu.memory_space<vmem>> -> memref<128x128xf32, #tpu.memory_space<vmem>>
      %dma_start3A_44 = arith.constant 0 : i32
      %dma_start3A_45 = tpu.memref_slice %arg8[%rem3A_30, %dma_start3A_38, %dma_start3A_44] : memref<2x8x128xi32, #tpu.memory_space<vmem>> -> memref<1x1x128xi32, #tpu.memory_space<vmem>>
      %dma_start3A_46 = tpu.memref_squeeze %dma_start3A_45 : memref<1x1x128xi32, #tpu.memory_space<vmem>> -> memref<128xi32, #tpu.memory_space<vmem>>
      %dma_start3A_47 = arith.constant 0 : i32
      %dma_start3A_48 = arith.constant 0 : i32
      %dma_start3A_49 = tpu.memref_slice %arg2[%dma_start3A_47, %dma_start3A_48] : memref<20000x128xf32, #tpu.memory_space<hbm>> -> memref<20000x128xf32, #tpu.memory_space<hbm>>
      tpu.enqueue_indirect_dma source(%dma_start3A_49 : memref<20000x128xf32, #tpu.memory_space<hbm>>) target(%dma_start3A_43 : memref<128x128xf32, #tpu.memory_space<vmem>>) offsets(%dma_start3A_46 : memref<128xi32, #tpu.memory_space<vmem>>) semaphore(%arg11 : memref<!tpu.dma_semaphore, #tpu.memory_space<semaphore_mem>>)
      %dma_wait3A = arith.constant 0 : i32
      %dma_wait3A_50 = arith.constant 0 : i32
      %dma_wait3A_51 = arith.constant 0 : i32
      %dma_wait3A_52 = arith.constant 0 : i32
      %dma_wait3A_53 = tpu.memref_slice %arg10[%dma_wait3A_50, %dma_wait3A_51, %dma_wait3A_52] : memref<2x128x128xf32, #tpu.memory_space<vmem>> -> memref<1x128x128xf32, #tpu.memory_space<vmem>>
      %dma_wait3A_54 = tpu.memref_squeeze %dma_wait3A_53 : memref<1x128x128xf32, #tpu.memory_space<vmem>> -> memref<128x128xf32, #tpu.memory_space<vmem>>
      %dma_wait3A_55 = arith.constant 0 : i32
      %dma_wait3A_56 = tpu.memref_slice %arg8[%rem3A_30, %dma_wait3A, %dma_wait3A_55] : memref<2x8x128xi32, #tpu.memory_space<vmem>> -> memref<1x1x128xi32, #tpu.memory_space<vmem>>
      %dma_wait3A_57 = tpu.memref_squeeze %dma_wait3A_56 : memref<1x1x128xi32, #tpu.memory_space<vmem>> -> memref<128xi32, #tpu.memory_space<vmem>>
      %dma_wait3A_58 = arith.constant 0 : i32
      %dma_wait3A_59 = arith.constant 0 : i32
      %dma_wait3A_60 = tpu.memref_slice %arg2[%dma_wait3A_58, %dma_wait3A_59] : memref<20000x128xf32, #tpu.memory_space<hbm>> -> memref<20000x128xf32, #tpu.memory_space<hbm>>
      tpu.wait_indirect_dma semaphore(%arg11 : memref<!tpu.dma_semaphore, #tpu.memory_space<semaphore_mem>>) src(%dma_wait3A_60 : memref<20000x128xf32, #tpu.memory_space<hbm>>) dst(%dma_wait3A_54 : memref<128x128xf32, #tpu.memory_space<vmem>>)
      %run_scoped3A_61 = arith.constant 0 : i32
      %run_scoped3A_62 = arith.constant 0 : i32
      "tpu.region"() ({
        %run_scoped3A_240 = tpu.sem_alloc : memref<!tpu.dma_semaphore, #tpu.memory_space<semaphore_mem>>
        %dma_start3A_241 = arith.constant 0 : i32
        %dma_start3A_242 = arith.constant 0 : i32
        %dma_start3A_243 = tpu.memref_slice %arg10[%run_scoped3A_61, %dma_start3A_241, %dma_start3A_242] : memref<2x128x128xf32, #tpu.memory_space<vmem>> -> memref<1x128x128xf32, #tpu.memory_space<vmem>>
        %dma_start3A_244 = tpu.memref_squeeze %dma_start3A_243 : memref<1x128x128xf32, #tpu.memory_space<vmem>> -> memref<128x128xf32, #tpu.memory_space<vmem>>
        %dma_start3A_245 = arith.constant 0 : i32
        %dma_start3A_246 = tpu.memref_slice %arg9[%rem3A_30, %run_scoped3A_62, %dma_start3A_245] : memref<2x8x128xi32, #tpu.memory_space<vmem>> -> memref<1x1x128xi32, #tpu.memory_space<vmem>>
        %dma_start3A_247 = tpu.memref_squeeze %dma_start3A_246 : memref<1x1x128xi32, #tpu.memory_space<vmem>> -> memref<128xi32, #tpu.memory_space<vmem>>
        %dma_start3A_248 = arith.constant 0 : i32
        %dma_start3A_249 = arith.constant 0 : i32
        %dma_start3A_250 = tpu.memref_slice %arg7[%dma_start3A_248, %dma_start3A_249] : memref<10112x128xf32, #tpu.memory_space<vmem_shared>> -> memref<10112x128xf32, #tpu.memory_space<vmem_shared>>
        tpu.enqueue_indirect_dma source(%dma_start3A_244 : memref<128x128xf32, #tpu.memory_space<vmem>>) target(%dma_start3A_250 : memref<10112x128xf32, #tpu.memory_space<vmem_shared>>) offsets(%dma_start3A_247 : memref<128xi32, #tpu.memory_space<vmem>>) semaphore(%run_scoped3A_240 : memref<!tpu.dma_semaphore, #tpu.memory_space<semaphore_mem>>) {add = true}
        %dma_wait3A_251 = arith.constant 0 : i32
        %dma_wait3A_252 = arith.constant 0 : i32
        %dma_wait3A_253 = tpu.memref_slice %arg10[%run_scoped3A_61, %dma_wait3A_251, %dma_wait3A_252] : memref<2x128x128xf32, #tpu.memory_space<vmem>> -> memref<1x128x128xf32, #tpu.memory_space<vmem>>
        %dma_wait3A_254 = tpu.memref_squeeze %dma_wait3A_253 : memref<1x128x128xf32, #tpu.memory_space<vmem>> -> memref<128x128xf32, #tpu.memory_space<vmem>>
        %dma_wait3A_255 = arith.constant 0 : i32
        %dma_wait3A_256 = tpu.memref_slice %arg9[%rem3A_30, %run_scoped3A_62, %dma_wait3A_255] : memref<2x8x128xi32, #tpu.memory_space<vmem>> -> memref<1x1x128xi32, #tpu.memory_space<vmem>>
        %dma_wait3A_257 = tpu.memref_squeeze %dma_wait3A_256 : memref<1x1x128xi32, #tpu.memory_space<vmem>> -> memref<128xi32, #tpu.memory_space<vmem>>
        %dma_wait3A_258 = arith.constant 0 : i32
        %dma_wait3A_259 = arith.constant 0 : i32
        %dma_wait3A_260 = tpu.memref_slice %arg7[%dma_wait3A_258, %dma_wait3A_259] : memref<10112x128xf32, #tpu.memory_space<vmem_shared>> -> memref<10112x128xf32, #tpu.memory_space<vmem_shared>>
        tpu.wait_indirect_dma semaphore(%run_scoped3A_240 : memref<!tpu.dma_semaphore, #tpu.memory_space<semaphore_mem>>) src(%dma_wait3A_254 : memref<128x128xf32, #tpu.memory_space<vmem>>) dst(%dma_wait3A_260 : memref<10112x128xf32, #tpu.memory_space<vmem_shared>>)
        tpu.yield
      }) : () -> ()
      %dma_start3A_63 = arith.constant 2 : i32
      %dma_start3A_64 = arith.constant 0 : i32
      %dma_start3A_65 = arith.constant 0 : i32
      %dma_start3A_66 = arith.constant 0 : i32
      %dma_start3A_67 = tpu.memref_slice %arg10[%dma_start3A_64, %dma_start3A_65, %dma_start3A_66] : memref<2x128x128xf32, #tpu.memory_space<vmem>> -> memref<1x128x128xf32, #tpu.memory_space<vmem>>
      %dma_start3A_68 = tpu.memref_squeeze %dma_start3A_67 : memref<1x128x128xf32, #tpu.memory_space<vmem>> -> memref<128x128xf32, #tpu.memory_space<vmem>>
      %dma_start3A_69 = arith.constant 0 : i32
      %dma_start3A_70 = tpu.memref_slice %arg8[%rem3A_30, %dma_start3A_63, %dma_start3A_69] : memref<2x8x128xi32, #tpu.memory_space<vmem>> -> memref<1x1x128xi32, #tpu.memory_space<vmem>>
      %dma_start3A_71 = tpu.memref_squeeze %dma_start3A_70 : memref<1x1x128xi32, #tpu.memory_space<vmem>> -> memref<128xi32, #tpu.memory_space<vmem>>
      %dma_start3A_72 = arith.constant 0 : i32
      %dma_start3A_73 = arith.constant 0 : i32
      %dma_start3A_74 = tpu.memref_slice %arg2[%dma_start3A_72, %dma_start3A_73] : memref<20000x128xf32, #tpu.memory_space<hbm>> -> memref<20000x128xf32, #tpu.memory_space<hbm>>
      tpu.enqueue_indirect_dma source(%dma_start3A_74 : memref<20000x128xf32, #tpu.memory_space<hbm>>) target(%dma_start3A_68 : memref<128x128xf32, #tpu.memory_space<vmem>>) offsets(%dma_start3A_71 : memref<128xi32, #tpu.memory_space<vmem>>) semaphore(%arg11 : memref<!tpu.dma_semaphore, #tpu.memory_space<semaphore_mem>>)
      %dma_wait3A_75 = arith.constant 1 : i32
      %dma_wait3A_76 = arith.constant 1 : i32
      %dma_wait3A_77 = arith.constant 0 : i32
      %dma_wait3A_78 = arith.constant 0 : i32
      %dma_wait3A_79 = tpu.memref_slice %arg10[%dma_wait3A_76, %dma_wait3A_77, %dma_wait3A_78] : memref<2x128x128xf32, #tpu.memory_space<vmem>> -> memref<1x128x128xf32, #tpu.memory_space<vmem>>
      %dma_wait3A_80 = tpu.memref_squeeze %dma_wait3A_79 : memref<1x128x128xf32, #tpu.memory_space<vmem>> -> memref<128x128xf32, #tpu.memory_space<vmem>>
      %dma_wait3A_81 = arith.constant 0 : i32
      %dma_wait3A_82 = tpu.memref_slice %arg8[%rem3A_30, %dma_wait3A_75, %dma_wait3A_81] : memref<2x8x128xi32, #tpu.memory_space<vmem>> -> memref<1x1x128xi32, #tpu.memory_space<vmem>>
      %dma_wait3A_83 = tpu.memref_squeeze %dma_wait3A_82 : memref<1x1x128xi32, #tpu.memory_space<vmem>> -> memref<128xi32, #tpu.memory_space<vmem>>
      %dma_wait3A_84 = arith.constant 0 : i32
      %dma_wait3A_85 = arith.constant 0 : i32
      %dma_wait3A_86 = tpu.memref_slice %arg2[%dma_wait3A_84, %dma_wait3A_85] : memref<20000x128xf32, #tpu.memory_space<hbm>> -> memref<20000x128xf32, #tpu.memory_space<hbm>>
      tpu.wait_indirect_dma semaphore(%arg11 : memref<!tpu.dma_semaphore, #tpu.memory_space<semaphore_mem>>) src(%dma_wait3A_86 : memref<20000x128xf32, #tpu.memory_space<hbm>>) dst(%dma_wait3A_80 : memref<128x128xf32, #tpu.memory_space<vmem>>)
      %run_scoped3A_87 = arith.constant 1 : i32
      %run_scoped3A_88 = arith.constant 1 : i32
      "tpu.region"() ({
        %run_scoped3A_240 = tpu.sem_alloc : memref<!tpu.dma_semaphore, #tpu.memory_space<semaphore_mem>>
        %dma_start3A_241 = arith.constant 0 : i32
        %dma_start3A_242 = arith.constant 0 : i32
        %dma_start3A_243 = tpu.memref_slice %arg10[%run_scoped3A_87, %dma_start3A_241, %dma_start3A_242] : memref<2x128x128xf32, #tpu.memory_space<vmem>> -> memref<1x128x128xf32, #tpu.memory_space<vmem>>
        %dma_start3A_244 = tpu.memref_squeeze %dma_start3A_243 : memref<1x128x128xf32, #tpu.memory_space<vmem>> -> memref<128x128xf32, #tpu.memory_space<vmem>>
        %dma_start3A_245 = arith.constant 0 : i32
        %dma_start3A_246 = tpu.memref_slice %arg9[%rem3A_30, %run_scoped3A_88, %dma_start3A_245] : memref<2x8x128xi32, #tpu.memory_space<vmem>> -> memref<1x1x128xi32, #tpu.memory_space<vmem>>
        %dma_start3A_247 = tpu.memref_squeeze %dma_start3A_246 : memref<1x1x128xi32, #tpu.memory_space<vmem>> -> memref<128xi32, #tpu.memory_space<vmem>>
        %dma_start3A_248 = arith.constant 0 : i32
        %dma_start3A_249 = arith.constant 0 : i32
        %dma_start3A_250 = tpu.memref_slice %arg7[%dma_start3A_248, %dma_start3A_249] : memref<10112x128xf32, #tpu.memory_space<vmem_shared>> -> memref<10112x128xf32, #tpu.memory_space<vmem_shared>>
        tpu.enqueue_indirect_dma source(%dma_start3A_244 : memref<128x128xf32, #tpu.memory_space<vmem>>) target(%dma_start3A_250 : memref<10112x128xf32, #tpu.memory_space<vmem_shared>>) offsets(%dma_start3A_247 : memref<128xi32, #tpu.memory_space<vmem>>) semaphore(%run_scoped3A_240 : memref<!tpu.dma_semaphore, #tpu.memory_space<semaphore_mem>>) {add = true}
        %dma_wait3A_251 = arith.constant 0 : i32
        %dma_wait3A_252 = arith.constant 0 : i32
        %dma_wait3A_253 = tpu.memref_slice %arg10[%run_scoped3A_87, %dma_wait3A_251, %dma_wait3A_252] : memref<2x128x128xf32, #tpu.memory_space<vmem>> -> memref<1x128x128xf32, #tpu.memory_space<vmem>>
        %dma_wait3A_254 = tpu.memref_squeeze %dma_wait3A_253 : memref<1x128x128xf32, #tpu.memory_space<vmem>> -> memref<128x128xf32, #tpu.memory_space<vmem>>
        %dma_wait3A_255 = arith.constant 0 : i32
        %dma_wait3A_256 = tpu.memref_slice %arg9[%rem3A_30, %run_scoped3A_88, %dma_wait3A_255] : memref<2x8x128xi32, #tpu.memory_space<vmem>> -> memref<1x1x128xi32, #tpu.memory_space<vmem>>
        %dma_wait3A_257 = tpu.memref_squeeze %dma_wait3A_256 : memref<1x1x128xi32, #tpu.memory_space<vmem>> -> memref<128xi32, #tpu.memory_space<vmem>>
        %dma_wait3A_258 = arith.constant 0 : i32
        %dma_wait3A_259 = arith.constant 0 : i32
        %dma_wait3A_260 = tpu.memref_slice %arg7[%dma_wait3A_258, %dma_wait3A_259] : memref<10112x128xf32, #tpu.memory_space<vmem_shared>> -> memref<10112x128xf32, #tpu.memory_space<vmem_shared>>
        tpu.wait_indirect_dma semaphore(%run_scoped3A_240 : memref<!tpu.dma_semaphore, #tpu.memory_space<semaphore_mem>>) src(%dma_wait3A_254 : memref<128x128xf32, #tpu.memory_space<vmem>>) dst(%dma_wait3A_260 : memref<10112x128xf32, #tpu.memory_space<vmem_shared>>)
        tpu.yield
      }) : () -> ()
      %dma_start3A_89 = arith.constant 3 : i32
      %dma_start3A_90 = arith.constant 1 : i32
      %dma_start3A_91 = arith.constant 0 : i32
      %dma_start3A_92 = arith.constant 0 : i32
      %dma_start3A_93 = tpu.memref_slice %arg10[%dma_start3A_90, %dma_start3A_91, %dma_start3A_92] : memref<2x128x128xf32, #tpu.memory_space<vmem>> -> memref<1x128x128xf32, #tpu.memory_space<vmem>>
      %dma_start3A_94 = tpu.memref_squeeze %dma_start3A_93 : memref<1x128x128xf32, #tpu.memory_space<vmem>> -> memref<128x128xf32, #tpu.memory_space<vmem>>
      %dma_start3A_95 = arith.constant 0 : i32
      %dma_start3A_96 = tpu.memref_slice %arg8[%rem3A_30, %dma_start3A_89, %dma_start3A_95] : memref<2x8x128xi32, #tpu.memory_space<vmem>> -> memref<1x1x128xi32, #tpu.memory_space<vmem>>
      %dma_start3A_97 = tpu.memref_squeeze %dma_start3A_96 : memref<1x1x128xi32, #tpu.memory_space<vmem>> -> memref<128xi32, #tpu.memory_space<vmem>>
      %dma_start3A_98 = arith.constant 0 : i32
      %dma_start3A_99 = arith.constant 0 : i32
      %dma_start3A_100 = tpu.memref_slice %arg2[%dma_start3A_98, %dma_start3A_99] : memref<20000x128xf32, #tpu.memory_space<hbm>> -> memref<20000x128xf32, #tpu.memory_space<hbm>>
      tpu.enqueue_indirect_dma source(%dma_start3A_100 : memref<20000x128xf32, #tpu.memory_space<hbm>>) target(%dma_start3A_94 : memref<128x128xf32, #tpu.memory_space<vmem>>) offsets(%dma_start3A_97 : memref<128xi32, #tpu.memory_space<vmem>>) semaphore(%arg11 : memref<!tpu.dma_semaphore, #tpu.memory_space<semaphore_mem>>)
      %dma_wait3A_101 = arith.constant 2 : i32
      %dma_wait3A_102 = arith.constant 0 : i32
      %dma_wait3A_103 = arith.constant 0 : i32
      %dma_wait3A_104 = arith.constant 0 : i32
      %dma_wait3A_105 = tpu.memref_slice %arg10[%dma_wait3A_102, %dma_wait3A_103, %dma_wait3A_104] : memref<2x128x128xf32, #tpu.memory_space<vmem>> -> memref<1x128x128xf32, #tpu.memory_space<vmem>>
      %dma_wait3A_106 = tpu.memref_squeeze %dma_wait3A_105 : memref<1x128x128xf32, #tpu.memory_space<vmem>> -> memref<128x128xf32, #tpu.memory_space<vmem>>
      %dma_wait3A_107 = arith.constant 0 : i32
      %dma_wait3A_108 = tpu.memref_slice %arg8[%rem3A_30, %dma_wait3A_101, %dma_wait3A_107] : memref<2x8x128xi32, #tpu.memory_space<vmem>> -> memref<1x1x128xi32, #tpu.memory_space<vmem>>
      %dma_wait3A_109 = tpu.memref_squeeze %dma_wait3A_108 : memref<1x1x128xi32, #tpu.memory_space<vmem>> -> memref<128xi32, #tpu.memory_space<vmem>>
      %dma_wait3A_110 = arith.constant 0 : i32
      %dma_wait3A_111 = arith.constant 0 : i32
      %dma_wait3A_112 = tpu.memref_slice %arg2[%dma_wait3A_110, %dma_wait3A_111] : memref<20000x128xf32, #tpu.memory_space<hbm>> -> memref<20000x128xf32, #tpu.memory_space<hbm>>
      tpu.wait_indirect_dma semaphore(%arg11 : memref<!tpu.dma_semaphore, #tpu.memory_space<semaphore_mem>>) src(%dma_wait3A_112 : memref<20000x128xf32, #tpu.memory_space<hbm>>) dst(%dma_wait3A_106 : memref<128x128xf32, #tpu.memory_space<vmem>>)
      %run_scoped3A_113 = arith.constant 0 : i32
      %run_scoped3A_114 = arith.constant 2 : i32
      "tpu.region"() ({
        %run_scoped3A_240 = tpu.sem_alloc : memref<!tpu.dma_semaphore, #tpu.memory_space<semaphore_mem>>
        %dma_start3A_241 = arith.constant 0 : i32
        %dma_start3A_242 = arith.constant 0 : i32
        %dma_start3A_243 = tpu.memref_slice %arg10[%run_scoped3A_113, %dma_start3A_241, %dma_start3A_242] : memref<2x128x128xf32, #tpu.memory_space<vmem>> -> memref<1x128x128xf32, #tpu.memory_space<vmem>>
        %dma_start3A_244 = tpu.memref_squeeze %dma_start3A_243 : memref<1x128x128xf32, #tpu.memory_space<vmem>> -> memref<128x128xf32, #tpu.memory_space<vmem>>
        %dma_start3A_245 = arith.constant 0 : i32
        %dma_start3A_246 = tpu.memref_slice %arg9[%rem3A_30, %run_scoped3A_114, %dma_start3A_245] : memref<2x8x128xi32, #tpu.memory_space<vmem>> -> memref<1x1x128xi32, #tpu.memory_space<vmem>>
        %dma_start3A_247 = tpu.memref_squeeze %dma_start3A_246 : memref<1x1x128xi32, #tpu.memory_space<vmem>> -> memref<128xi32, #tpu.memory_space<vmem>>
        %dma_start3A_248 = arith.constant 0 : i32
        %dma_start3A_249 = arith.constant 0 : i32
        %dma_start3A_250 = tpu.memref_slice %arg7[%dma_start3A_248, %dma_start3A_249] : memref<10112x128xf32, #tpu.memory_space<vmem_shared>> -> memref<10112x128xf32, #tpu.memory_space<vmem_shared>>
        tpu.enqueue_indirect_dma source(%dma_start3A_244 : memref<128x128xf32, #tpu.memory_space<vmem>>) target(%dma_start3A_250 : memref<10112x128xf32, #tpu.memory_space<vmem_shared>>) offsets(%dma_start3A_247 : memref<128xi32, #tpu.memory_space<vmem>>) semaphore(%run_scoped3A_240 : memref<!tpu.dma_semaphore, #tpu.memory_space<semaphore_mem>>) {add = true}
        %dma_wait3A_251 = arith.constant 0 : i32
        %dma_wait3A_252 = arith.constant 0 : i32
        %dma_wait3A_253 = tpu.memref_slice %arg10[%run_scoped3A_113, %dma_wait3A_251, %dma_wait3A_252] : memref<2x128x128xf32, #tpu.memory_space<vmem>> -> memref<1x128x128xf32, #tpu.memory_space<vmem>>
        %dma_wait3A_254 = tpu.memref_squeeze %dma_wait3A_253 : memref<1x128x128xf32, #tpu.memory_space<vmem>> -> memref<128x128xf32, #tpu.memory_space<vmem>>
        %dma_wait3A_255 = arith.constant 0 : i32
        %dma_wait3A_256 = tpu.memref_slice %arg9[%rem3A_30, %run_scoped3A_114, %dma_wait3A_255] : memref<2x8x128xi32, #tpu.memory_space<vmem>> -> memref<1x1x128xi32, #tpu.memory_space<vmem>>
        %dma_wait3A_257 = tpu.memref_squeeze %dma_wait3A_256 : memref<1x1x128xi32, #tpu.memory_space<vmem>> -> memref<128xi32, #tpu.memory_space<vmem>>
        %dma_wait3A_258 = arith.constant 0 : i32
        %dma_wait3A_259 = arith.constant 0 : i32
        %dma_wait3A_260 = tpu.memref_slice %arg7[%dma_wait3A_258, %dma_wait3A_259] : memref<10112x128xf32, #tpu.memory_space<vmem_shared>> -> memref<10112x128xf32, #tpu.memory_space<vmem_shared>>
        tpu.wait_indirect_dma semaphore(%run_scoped3A_240 : memref<!tpu.dma_semaphore, #tpu.memory_space<semaphore_mem>>) src(%dma_wait3A_254 : memref<128x128xf32, #tpu.memory_space<vmem>>) dst(%dma_wait3A_260 : memref<10112x128xf32, #tpu.memory_space<vmem_shared>>)
        tpu.yield
      }) : () -> ()
      %dma_start3A_115 = arith.constant 4 : i32
      %dma_start3A_116 = arith.constant 0 : i32
      %dma_start3A_117 = arith.constant 0 : i32
      %dma_start3A_118 = arith.constant 0 : i32
      %dma_start3A_119 = tpu.memref_slice %arg10[%dma_start3A_116, %dma_start3A_117, %dma_start3A_118] : memref<2x128x128xf32, #tpu.memory_space<vmem>> -> memref<1x128x128xf32, #tpu.memory_space<vmem>>
      %dma_start3A_120 = tpu.memref_squeeze %dma_start3A_119 : memref<1x128x128xf32, #tpu.memory_space<vmem>> -> memref<128x128xf32, #tpu.memory_space<vmem>>
      %dma_start3A_121 = arith.constant 0 : i32
      %dma_start3A_122 = tpu.memref_slice %arg8[%rem3A_30, %dma_start3A_115, %dma_start3A_121] : memref<2x8x128xi32, #tpu.memory_space<vmem>> -> memref<1x1x128xi32, #tpu.memory_space<vmem>>
      %dma_start3A_123 = tpu.memref_squeeze %dma_start3A_122 : memref<1x1x128xi32, #tpu.memory_space<vmem>> -> memref<128xi32, #tpu.memory_space<vmem>>
      %dma_start3A_124 = arith.constant 0 : i32
      %dma_start3A_125 = arith.constant 0 : i32
      %dma_start3A_126 = tpu.memref_slice %arg2[%dma_start3A_124, %dma_start3A_125] : memref<20000x128xf32, #tpu.memory_space<hbm>> -> memref<20000x128xf32, #tpu.memory_space<hbm>>
      tpu.enqueue_indirect_dma source(%dma_start3A_126 : memref<20000x128xf32, #tpu.memory_space<hbm>>) target(%dma_start3A_120 : memref<128x128xf32, #tpu.memory_space<vmem>>) offsets(%dma_start3A_123 : memref<128xi32, #tpu.memory_space<vmem>>) semaphore(%arg11 : memref<!tpu.dma_semaphore, #tpu.memory_space<semaphore_mem>>)
      %dma_wait3A_127 = arith.constant 3 : i32
      %dma_wait3A_128 = arith.constant 1 : i32
      %dma_wait3A_129 = arith.constant 0 : i32
      %dma_wait3A_130 = arith.constant 0 : i32
      %dma_wait3A_131 = tpu.memref_slice %arg10[%dma_wait3A_128, %dma_wait3A_129, %dma_wait3A_130] : memref<2x128x128xf32, #tpu.memory_space<vmem>> -> memref<1x128x128xf32, #tpu.memory_space<vmem>>
      %dma_wait3A_132 = tpu.memref_squeeze %dma_wait3A_131 : memref<1x128x128xf32, #tpu.memory_space<vmem>> -> memref<128x128xf32, #tpu.memory_space<vmem>>
      %dma_wait3A_133 = arith.constant 0 : i32
      %dma_wait3A_134 = tpu.memref_slice %arg8[%rem3A_30, %dma_wait3A_127, %dma_wait3A_133] : memref<2x8x128xi32, #tpu.memory_space<vmem>> -> memref<1x1x128xi32, #tpu.memory_space<vmem>>
      %dma_wait3A_135 = tpu.memref_squeeze %dma_wait3A_134 : memref<1x1x128xi32, #tpu.memory_space<vmem>> -> memref<128xi32, #tpu.memory_space<vmem>>
      %dma_wait3A_136 = arith.constant 0 : i32
      %dma_wait3A_137 = arith.constant 0 : i32
      %dma_wait3A_138 = tpu.memref_slice %arg2[%dma_wait3A_136, %dma_wait3A_137] : memref<20000x128xf32, #tpu.memory_space<hbm>> -> memref<20000x128xf32, #tpu.memory_space<hbm>>
      tpu.wait_indirect_dma semaphore(%arg11 : memref<!tpu.dma_semaphore, #tpu.memory_space<semaphore_mem>>) src(%dma_wait3A_138 : memref<20000x128xf32, #tpu.memory_space<hbm>>) dst(%dma_wait3A_132 : memref<128x128xf32, #tpu.memory_space<vmem>>)
      %run_scoped3A_139 = arith.constant 1 : i32
      %run_scoped3A_140 = arith.constant 3 : i32
      "tpu.region"() ({
        %run_scoped3A_240 = tpu.sem_alloc : memref<!tpu.dma_semaphore, #tpu.memory_space<semaphore_mem>>
        %dma_start3A_241 = arith.constant 0 : i32
        %dma_start3A_242 = arith.constant 0 : i32
        %dma_start3A_243 = tpu.memref_slice %arg10[%run_scoped3A_139, %dma_start3A_241, %dma_start3A_242] : memref<2x128x128xf32, #tpu.memory_space<vmem>> -> memref<1x128x128xf32, #tpu.memory_space<vmem>>
        %dma_start3A_244 = tpu.memref_squeeze %dma_start3A_243 : memref<1x128x128xf32, #tpu.memory_space<vmem>> -> memref<128x128xf32, #tpu.memory_space<vmem>>
        %dma_start3A_245 = arith.constant 0 : i32
        %dma_start3A_246 = tpu.memref_slice %arg9[%rem3A_30, %run_scoped3A_140, %dma_start3A_245] : memref<2x8x128xi32, #tpu.memory_space<vmem>> -> memref<1x1x128xi32, #tpu.memory_space<vmem>>
        %dma_start3A_247 = tpu.memref_squeeze %dma_start3A_246 : memref<1x1x128xi32, #tpu.memory_space<vmem>> -> memref<128xi32, #tpu.memory_space<vmem>>
        %dma_start3A_248 = arith.constant 0 : i32
        %dma_start3A_249 = arith.constant 0 : i32
        %dma_start3A_250 = tpu.memref_slice %arg7[%dma_start3A_248, %dma_start3A_249] : memref<10112x128xf32, #tpu.memory_space<vmem_shared>> -> memref<10112x128xf32, #tpu.memory_space<vmem_shared>>
        tpu.enqueue_indirect_dma source(%dma_start3A_244 : memref<128x128xf32, #tpu.memory_space<vmem>>) target(%dma_start3A_250 : memref<10112x128xf32, #tpu.memory_space<vmem_shared>>) offsets(%dma_start3A_247 : memref<128xi32, #tpu.memory_space<vmem>>) semaphore(%run_scoped3A_240 : memref<!tpu.dma_semaphore, #tpu.memory_space<semaphore_mem>>) {add = true}
        %dma_wait3A_251 = arith.constant 0 : i32
        %dma_wait3A_252 = arith.constant 0 : i32
        %dma_wait3A_253 = tpu.memref_slice %arg10[%run_scoped3A_139, %dma_wait3A_251, %dma_wait3A_252] : memref<2x128x128xf32, #tpu.memory_space<vmem>> -> memref<1x128x128xf32, #tpu.memory_space<vmem>>
        %dma_wait3A_254 = tpu.memref_squeeze %dma_wait3A_253 : memref<1x128x128xf32, #tpu.memory_space<vmem>> -> memref<128x128xf32, #tpu.memory_space<vmem>>
        %dma_wait3A_255 = arith.constant 0 : i32
        %dma_wait3A_256 = tpu.memref_slice %arg9[%rem3A_30, %run_scoped3A_140, %dma_wait3A_255] : memref<2x8x128xi32, #tpu.memory_space<vmem>> -> memref<1x1x128xi32, #tpu.memory_space<vmem>>
        %dma_wait3A_257 = tpu.memref_squeeze %dma_wait3A_256 : memref<1x1x128xi32, #tpu.memory_space<vmem>> -> memref<128xi32, #tpu.memory_space<vmem>>
        %dma_wait3A_258 = arith.constant 0 : i32
        %dma_wait3A_259 = arith.constant 0 : i32
        %dma_wait3A_260 = tpu.memref_slice %arg7[%dma_wait3A_258, %dma_wait3A_259] : memref<10112x128xf32, #tpu.memory_space<vmem_shared>> -> memref<10112x128xf32, #tpu.memory_space<vmem_shared>>
        tpu.wait_indirect_dma semaphore(%run_scoped3A_240 : memref<!tpu.dma_semaphore, #tpu.memory_space<semaphore_mem>>) src(%dma_wait3A_254 : memref<128x128xf32, #tpu.memory_space<vmem>>) dst(%dma_wait3A_260 : memref<10112x128xf32, #tpu.memory_space<vmem_shared>>)
        tpu.yield
      }) : () -> ()
      %dma_start3A_141 = arith.constant 5 : i32
      %dma_start3A_142 = arith.constant 1 : i32
      %dma_start3A_143 = arith.constant 0 : i32
      %dma_start3A_144 = arith.constant 0 : i32
      %dma_start3A_145 = tpu.memref_slice %arg10[%dma_start3A_142, %dma_start3A_143, %dma_start3A_144] : memref<2x128x128xf32, #tpu.memory_space<vmem>> -> memref<1x128x128xf32, #tpu.memory_space<vmem>>
      %dma_start3A_146 = tpu.memref_squeeze %dma_start3A_145 : memref<1x128x128xf32, #tpu.memory_space<vmem>> -> memref<128x128xf32, #tpu.memory_space<vmem>>
      %dma_start3A_147 = arith.constant 0 : i32
      %dma_start3A_148 = tpu.memref_slice %arg8[%rem3A_30, %dma_start3A_141, %dma_start3A_147] : memref<2x8x128xi32, #tpu.memory_space<vmem>> -> memref<1x1x128xi32, #tpu.memory_space<vmem>>
      %dma_start3A_149 = tpu.memref_squeeze %dma_start3A_148 : memref<1x1x128xi32, #tpu.memory_space<vmem>> -> memref<128xi32, #tpu.memory_space<vmem>>
      %dma_start3A_150 = arith.constant 0 : i32
      %dma_start3A_151 = arith.constant 0 : i32
      %dma_start3A_152 = tpu.memref_slice %arg2[%dma_start3A_150, %dma_start3A_151] : memref<20000x128xf32, #tpu.memory_space<hbm>> -> memref<20000x128xf32, #tpu.memory_space<hbm>>
      tpu.enqueue_indirect_dma source(%dma_start3A_152 : memref<20000x128xf32, #tpu.memory_space<hbm>>) target(%dma_start3A_146 : memref<128x128xf32, #tpu.memory_space<vmem>>) offsets(%dma_start3A_149 : memref<128xi32, #tpu.memory_space<vmem>>) semaphore(%arg11 : memref<!tpu.dma_semaphore, #tpu.memory_space<semaphore_mem>>)
      %dma_wait3A_153 = arith.constant 4 : i32
      %dma_wait3A_154 = arith.constant 0 : i32
      %dma_wait3A_155 = arith.constant 0 : i32
      %dma_wait3A_156 = arith.constant 0 : i32
      %dma_wait3A_157 = tpu.memref_slice %arg10[%dma_wait3A_154, %dma_wait3A_155, %dma_wait3A_156] : memref<2x128x128xf32, #tpu.memory_space<vmem>> -> memref<1x128x128xf32, #tpu.memory_space<vmem>>
      %dma_wait3A_158 = tpu.memref_squeeze %dma_wait3A_157 : memref<1x128x128xf32, #tpu.memory_space<vmem>> -> memref<128x128xf32, #tpu.memory_space<vmem>>
      %dma_wait3A_159 = arith.constant 0 : i32
      %dma_wait3A_160 = tpu.memref_slice %arg8[%rem3A_30, %dma_wait3A_153, %dma_wait3A_159] : memref<2x8x128xi32, #tpu.memory_space<vmem>> -> memref<1x1x128xi32, #tpu.memory_space<vmem>>
      %dma_wait3A_161 = tpu.memref_squeeze %dma_wait3A_160 : memref<1x1x128xi32, #tpu.memory_space<vmem>> -> memref<128xi32, #tpu.memory_space<vmem>>
      %dma_wait3A_162 = arith.constant 0 : i32
      %dma_wait3A_163 = arith.constant 0 : i32
      %dma_wait3A_164 = tpu.memref_slice %arg2[%dma_wait3A_162, %dma_wait3A_163] : memref<20000x128xf32, #tpu.memory_space<hbm>> -> memref<20000x128xf32, #tpu.memory_space<hbm>>
      tpu.wait_indirect_dma semaphore(%arg11 : memref<!tpu.dma_semaphore, #tpu.memory_space<semaphore_mem>>) src(%dma_wait3A_164 : memref<20000x128xf32, #tpu.memory_space<hbm>>) dst(%dma_wait3A_158 : memref<128x128xf32, #tpu.memory_space<vmem>>)
      %run_scoped3A_165 = arith.constant 0 : i32
      %run_scoped3A_166 = arith.constant 4 : i32
      "tpu.region"() ({
        %run_scoped3A_240 = tpu.sem_alloc : memref<!tpu.dma_semaphore, #tpu.memory_space<semaphore_mem>>
        %dma_start3A_241 = arith.constant 0 : i32
        %dma_start3A_242 = arith.constant 0 : i32
        %dma_start3A_243 = tpu.memref_slice %arg10[%run_scoped3A_165, %dma_start3A_241, %dma_start3A_242] : memref<2x128x128xf32, #tpu.memory_space<vmem>> -> memref<1x128x128xf32, #tpu.memory_space<vmem>>
        %dma_start3A_244 = tpu.memref_squeeze %dma_start3A_243 : memref<1x128x128xf32, #tpu.memory_space<vmem>> -> memref<128x128xf32, #tpu.memory_space<vmem>>
        %dma_start3A_245 = arith.constant 0 : i32
        %dma_start3A_246 = tpu.memref_slice %arg9[%rem3A_30, %run_scoped3A_166, %dma_start3A_245] : memref<2x8x128xi32, #tpu.memory_space<vmem>> -> memref<1x1x128xi32, #tpu.memory_space<vmem>>
        %dma_start3A_247 = tpu.memref_squeeze %dma_start3A_246 : memref<1x1x128xi32, #tpu.memory_space<vmem>> -> memref<128xi32, #tpu.memory_space<vmem>>
        %dma_start3A_248 = arith.constant 0 : i32
        %dma_start3A_249 = arith.constant 0 : i32
        %dma_start3A_250 = tpu.memref_slice %arg7[%dma_start3A_248, %dma_start3A_249] : memref<10112x128xf32, #tpu.memory_space<vmem_shared>> -> memref<10112x128xf32, #tpu.memory_space<vmem_shared>>
        tpu.enqueue_indirect_dma source(%dma_start3A_244 : memref<128x128xf32, #tpu.memory_space<vmem>>) target(%dma_start3A_250 : memref<10112x128xf32, #tpu.memory_space<vmem_shared>>) offsets(%dma_start3A_247 : memref<128xi32, #tpu.memory_space<vmem>>) semaphore(%run_scoped3A_240 : memref<!tpu.dma_semaphore, #tpu.memory_space<semaphore_mem>>) {add = true}
        %dma_wait3A_251 = arith.constant 0 : i32
        %dma_wait3A_252 = arith.constant 0 : i32
        %dma_wait3A_253 = tpu.memref_slice %arg10[%run_scoped3A_165, %dma_wait3A_251, %dma_wait3A_252] : memref<2x128x128xf32, #tpu.memory_space<vmem>> -> memref<1x128x128xf32, #tpu.memory_space<vmem>>
        %dma_wait3A_254 = tpu.memref_squeeze %dma_wait3A_253 : memref<1x128x128xf32, #tpu.memory_space<vmem>> -> memref<128x128xf32, #tpu.memory_space<vmem>>
        %dma_wait3A_255 = arith.constant 0 : i32
        %dma_wait3A_256 = tpu.memref_slice %arg9[%rem3A_30, %run_scoped3A_166, %dma_wait3A_255] : memref<2x8x128xi32, #tpu.memory_space<vmem>> -> memref<1x1x128xi32, #tpu.memory_space<vmem>>
        %dma_wait3A_257 = tpu.memref_squeeze %dma_wait3A_256 : memref<1x1x128xi32, #tpu.memory_space<vmem>> -> memref<128xi32, #tpu.memory_space<vmem>>
        %dma_wait3A_258 = arith.constant 0 : i32
        %dma_wait3A_259 = arith.constant 0 : i32
        %dma_wait3A_260 = tpu.memref_slice %arg7[%dma_wait3A_258, %dma_wait3A_259] : memref<10112x128xf32, #tpu.memory_space<vmem_shared>> -> memref<10112x128xf32, #tpu.memory_space<vmem_shared>>
        tpu.wait_indirect_dma semaphore(%run_scoped3A_240 : memref<!tpu.dma_semaphore, #tpu.memory_space<semaphore_mem>>) src(%dma_wait3A_254 : memref<128x128xf32, #tpu.memory_space<vmem>>) dst(%dma_wait3A_260 : memref<10112x128xf32, #tpu.memory_space<vmem_shared>>)
        tpu.yield
      }) : () -> ()
      %dma_start3A_167 = arith.constant 6 : i32
      %dma_start3A_168 = arith.constant 0 : i32
      %dma_start3A_169 = arith.constant 0 : i32
      %dma_start3A_170 = arith.constant 0 : i32
      %dma_start3A_171 = tpu.memref_slice %arg10[%dma_start3A_168, %dma_start3A_169, %dma_start3A_170] : memref<2x128x128xf32, #tpu.memory_space<vmem>> -> memref<1x128x128xf32, #tpu.memory_space<vmem>>
      %dma_start3A_172 = tpu.memref_squeeze %dma_start3A_171 : memref<1x128x128xf32, #tpu.memory_space<vmem>> -> memref<128x128xf32, #tpu.memory_space<vmem>>
      %dma_start3A_173 = arith.constant 0 : i32
      %dma_start3A_174 = tpu.memref_slice %arg8[%rem3A_30, %dma_start3A_167, %dma_start3A_173] : memref<2x8x128xi32, #tpu.memory_space<vmem>> -> memref<1x1x128xi32, #tpu.memory_space<vmem>>
      %dma_start3A_175 = tpu.memref_squeeze %dma_start3A_174 : memref<1x1x128xi32, #tpu.memory_space<vmem>> -> memref<128xi32, #tpu.memory_space<vmem>>
      %dma_start3A_176 = arith.constant 0 : i32
      %dma_start3A_177 = arith.constant 0 : i32
      %dma_start3A_178 = tpu.memref_slice %arg2[%dma_start3A_176, %dma_start3A_177] : memref<20000x128xf32, #tpu.memory_space<hbm>> -> memref<20000x128xf32, #tpu.memory_space<hbm>>
      tpu.enqueue_indirect_dma source(%dma_start3A_178 : memref<20000x128xf32, #tpu.memory_space<hbm>>) target(%dma_start3A_172 : memref<128x128xf32, #tpu.memory_space<vmem>>) offsets(%dma_start3A_175 : memref<128xi32, #tpu.memory_space<vmem>>) semaphore(%arg11 : memref<!tpu.dma_semaphore, #tpu.memory_space<semaphore_mem>>)
      %dma_wait3A_179 = arith.constant 5 : i32
      %dma_wait3A_180 = arith.constant 1 : i32
      %dma_wait3A_181 = arith.constant 0 : i32
      %dma_wait3A_182 = arith.constant 0 : i32
      %dma_wait3A_183 = tpu.memref_slice %arg10[%dma_wait3A_180, %dma_wait3A_181, %dma_wait3A_182] : memref<2x128x128xf32, #tpu.memory_space<vmem>> -> memref<1x128x128xf32, #tpu.memory_space<vmem>>
      %dma_wait3A_184 = tpu.memref_squeeze %dma_wait3A_183 : memref<1x128x128xf32, #tpu.memory_space<vmem>> -> memref<128x128xf32, #tpu.memory_space<vmem>>
      %dma_wait3A_185 = arith.constant 0 : i32
      %dma_wait3A_186 = tpu.memref_slice %arg8[%rem3A_30, %dma_wait3A_179, %dma_wait3A_185] : memref<2x8x128xi32, #tpu.memory_space<vmem>> -> memref<1x1x128xi32, #tpu.memory_space<vmem>>
      %dma_wait3A_187 = tpu.memref_squeeze %dma_wait3A_186 : memref<1x1x128xi32, #tpu.memory_space<vmem>> -> memref<128xi32, #tpu.memory_space<vmem>>
      %dma_wait3A_188 = arith.constant 0 : i32
      %dma_wait3A_189 = arith.constant 0 : i32
      %dma_wait3A_190 = tpu.memref_slice %arg2[%dma_wait3A_188, %dma_wait3A_189] : memref<20000x128xf32, #tpu.memory_space<hbm>> -> memref<20000x128xf32, #tpu.memory_space<hbm>>
      tpu.wait_indirect_dma semaphore(%arg11 : memref<!tpu.dma_semaphore, #tpu.memory_space<semaphore_mem>>) src(%dma_wait3A_190 : memref<20000x128xf32, #tpu.memory_space<hbm>>) dst(%dma_wait3A_184 : memref<128x128xf32, #tpu.memory_space<vmem>>)
      %run_scoped3A_191 = arith.constant 1 : i32
      %run_scoped3A_192 = arith.constant 5 : i32
      "tpu.region"() ({
        %run_scoped3A_240 = tpu.sem_alloc : memref<!tpu.dma_semaphore, #tpu.memory_space<semaphore_mem>>
        %dma_start3A_241 = arith.constant 0 : i32
        %dma_start3A_242 = arith.constant 0 : i32
        %dma_start3A_243 = tpu.memref_slice %arg10[%run_scoped3A_191, %dma_start3A_241, %dma_start3A_242] : memref<2x128x128xf32, #tpu.memory_space<vmem>> -> memref<1x128x128xf32, #tpu.memory_space<vmem>>
        %dma_start3A_244 = tpu.memref_squeeze %dma_start3A_243 : memref<1x128x128xf32, #tpu.memory_space<vmem>> -> memref<128x128xf32, #tpu.memory_space<vmem>>
        %dma_start3A_245 = arith.constant 0 : i32
        %dma_start3A_246 = tpu.memref_slice %arg9[%rem3A_30, %run_scoped3A_192, %dma_start3A_245] : memref<2x8x128xi32, #tpu.memory_space<vmem>> -> memref<1x1x128xi32, #tpu.memory_space<vmem>>
        %dma_start3A_247 = tpu.memref_squeeze %dma_start3A_246 : memref<1x1x128xi32, #tpu.memory_space<vmem>> -> memref<128xi32, #tpu.memory_space<vmem>>
        %dma_start3A_248 = arith.constant 0 : i32
        %dma_start3A_249 = arith.constant 0 : i32
        %dma_start3A_250 = tpu.memref_slice %arg7[%dma_start3A_248, %dma_start3A_249] : memref<10112x128xf32, #tpu.memory_space<vmem_shared>> -> memref<10112x128xf32, #tpu.memory_space<vmem_shared>>
        tpu.enqueue_indirect_dma source(%dma_start3A_244 : memref<128x128xf32, #tpu.memory_space<vmem>>) target(%dma_start3A_250 : memref<10112x128xf32, #tpu.memory_space<vmem_shared>>) offsets(%dma_start3A_247 : memref<128xi32, #tpu.memory_space<vmem>>) semaphore(%run_scoped3A_240 : memref<!tpu.dma_semaphore, #tpu.memory_space<semaphore_mem>>) {add = true}
        %dma_wait3A_251 = arith.constant 0 : i32
        %dma_wait3A_252 = arith.constant 0 : i32
        %dma_wait3A_253 = tpu.memref_slice %arg10[%run_scoped3A_191, %dma_wait3A_251, %dma_wait3A_252] : memref<2x128x128xf32, #tpu.memory_space<vmem>> -> memref<1x128x128xf32, #tpu.memory_space<vmem>>
        %dma_wait3A_254 = tpu.memref_squeeze %dma_wait3A_253 : memref<1x128x128xf32, #tpu.memory_space<vmem>> -> memref<128x128xf32, #tpu.memory_space<vmem>>
        %dma_wait3A_255 = arith.constant 0 : i32
        %dma_wait3A_256 = tpu.memref_slice %arg9[%rem3A_30, %run_scoped3A_192, %dma_wait3A_255] : memref<2x8x128xi32, #tpu.memory_space<vmem>> -> memref<1x1x128xi32, #tpu.memory_space<vmem>>
        %dma_wait3A_257 = tpu.memref_squeeze %dma_wait3A_256 : memref<1x1x128xi32, #tpu.memory_space<vmem>> -> memref<128xi32, #tpu.memory_space<vmem>>
        %dma_wait3A_258 = arith.constant 0 : i32
        %dma_wait3A_259 = arith.constant 0 : i32
        %dma_wait3A_260 = tpu.memref_slice %arg7[%dma_wait3A_258, %dma_wait3A_259] : memref<10112x128xf32, #tpu.memory_space<vmem_shared>> -> memref<10112x128xf32, #tpu.memory_space<vmem_shared>>
        tpu.wait_indirect_dma semaphore(%run_scoped3A_240 : memref<!tpu.dma_semaphore, #tpu.memory_space<semaphore_mem>>) src(%dma_wait3A_254 : memref<128x128xf32, #tpu.memory_space<vmem>>) dst(%dma_wait3A_260 : memref<10112x128xf32, #tpu.memory_space<vmem_shared>>)
        tpu.yield
      }) : () -> ()
      %dma_start3A_193 = arith.constant 7 : i32
      %dma_start3A_194 = arith.constant 1 : i32
      %dma_start3A_195 = arith.constant 0 : i32
      %dma_start3A_196 = arith.constant 0 : i32
      %dma_start3A_197 = tpu.memref_slice %arg10[%dma_start3A_194, %dma_start3A_195, %dma_start3A_196] : memref<2x128x128xf32, #tpu.memory_space<vmem>> -> memref<1x128x128xf32, #tpu.memory_space<vmem>>
      %dma_start3A_198 = tpu.memref_squeeze %dma_start3A_197 : memref<1x128x128xf32, #tpu.memory_space<vmem>> -> memref<128x128xf32, #tpu.memory_space<vmem>>
      %dma_start3A_199 = arith.constant 0 : i32
      %dma_start3A_200 = tpu.memref_slice %arg8[%rem3A_30, %dma_start3A_193, %dma_start3A_199] : memref<2x8x128xi32, #tpu.memory_space<vmem>> -> memref<1x1x128xi32, #tpu.memory_space<vmem>>
      %dma_start3A_201 = tpu.memref_squeeze %dma_start3A_200 : memref<1x1x128xi32, #tpu.memory_space<vmem>> -> memref<128xi32, #tpu.memory_space<vmem>>
      %dma_start3A_202 = arith.constant 0 : i32
      %dma_start3A_203 = arith.constant 0 : i32
      %dma_start3A_204 = tpu.memref_slice %arg2[%dma_start3A_202, %dma_start3A_203] : memref<20000x128xf32, #tpu.memory_space<hbm>> -> memref<20000x128xf32, #tpu.memory_space<hbm>>
      tpu.enqueue_indirect_dma source(%dma_start3A_204 : memref<20000x128xf32, #tpu.memory_space<hbm>>) target(%dma_start3A_198 : memref<128x128xf32, #tpu.memory_space<vmem>>) offsets(%dma_start3A_201 : memref<128xi32, #tpu.memory_space<vmem>>) semaphore(%arg11 : memref<!tpu.dma_semaphore, #tpu.memory_space<semaphore_mem>>)
      %dma_wait3A_205 = arith.constant 6 : i32
      %dma_wait3A_206 = arith.constant 0 : i32
      %dma_wait3A_207 = arith.constant 0 : i32
      %dma_wait3A_208 = arith.constant 0 : i32
      %dma_wait3A_209 = tpu.memref_slice %arg10[%dma_wait3A_206, %dma_wait3A_207, %dma_wait3A_208] : memref<2x128x128xf32, #tpu.memory_space<vmem>> -> memref<1x128x128xf32, #tpu.memory_space<vmem>>
      %dma_wait3A_210 = tpu.memref_squeeze %dma_wait3A_209 : memref<1x128x128xf32, #tpu.memory_space<vmem>> -> memref<128x128xf32, #tpu.memory_space<vmem>>
      %dma_wait3A_211 = arith.constant 0 : i32
      %dma_wait3A_212 = tpu.memref_slice %arg8[%rem3A_30, %dma_wait3A_205, %dma_wait3A_211] : memref<2x8x128xi32, #tpu.memory_space<vmem>> -> memref<1x1x128xi32, #tpu.memory_space<vmem>>
      %dma_wait3A_213 = tpu.memref_squeeze %dma_wait3A_212 : memref<1x1x128xi32, #tpu.memory_space<vmem>> -> memref<128xi32, #tpu.memory_space<vmem>>
      %dma_wait3A_214 = arith.constant 0 : i32
      %dma_wait3A_215 = arith.constant 0 : i32
      %dma_wait3A_216 = tpu.memref_slice %arg2[%dma_wait3A_214, %dma_wait3A_215] : memref<20000x128xf32, #tpu.memory_space<hbm>> -> memref<20000x128xf32, #tpu.memory_space<hbm>>
      tpu.wait_indirect_dma semaphore(%arg11 : memref<!tpu.dma_semaphore, #tpu.memory_space<semaphore_mem>>) src(%dma_wait3A_216 : memref<20000x128xf32, #tpu.memory_space<hbm>>) dst(%dma_wait3A_210 : memref<128x128xf32, #tpu.memory_space<vmem>>)
      %run_scoped3A_217 = arith.constant 0 : i32
      %run_scoped3A_218 = arith.constant 6 : i32
      "tpu.region"() ({
        %run_scoped3A_240 = tpu.sem_alloc : memref<!tpu.dma_semaphore, #tpu.memory_space<semaphore_mem>>
        %dma_start3A_241 = arith.constant 0 : i32
        %dma_start3A_242 = arith.constant 0 : i32
        %dma_start3A_243 = tpu.memref_slice %arg10[%run_scoped3A_217, %dma_start3A_241, %dma_start3A_242] : memref<2x128x128xf32, #tpu.memory_space<vmem>> -> memref<1x128x128xf32, #tpu.memory_space<vmem>>
        %dma_start3A_244 = tpu.memref_squeeze %dma_start3A_243 : memref<1x128x128xf32, #tpu.memory_space<vmem>> -> memref<128x128xf32, #tpu.memory_space<vmem>>
        %dma_start3A_245 = arith.constant 0 : i32
        %dma_start3A_246 = tpu.memref_slice %arg9[%rem3A_30, %run_scoped3A_218, %dma_start3A_245] : memref<2x8x128xi32, #tpu.memory_space<vmem>> -> memref<1x1x128xi32, #tpu.memory_space<vmem>>
        %dma_start3A_247 = tpu.memref_squeeze %dma_start3A_246 : memref<1x1x128xi32, #tpu.memory_space<vmem>> -> memref<128xi32, #tpu.memory_space<vmem>>
        %dma_start3A_248 = arith.constant 0 : i32
        %dma_start3A_249 = arith.constant 0 : i32
        %dma_start3A_250 = tpu.memref_slice %arg7[%dma_start3A_248, %dma_start3A_249] : memref<10112x128xf32, #tpu.memory_space<vmem_shared>> -> memref<10112x128xf32, #tpu.memory_space<vmem_shared>>
        tpu.enqueue_indirect_dma source(%dma_start3A_244 : memref<128x128xf32, #tpu.memory_space<vmem>>) target(%dma_start3A_250 : memref<10112x128xf32, #tpu.memory_space<vmem_shared>>) offsets(%dma_start3A_247 : memref<128xi32, #tpu.memory_space<vmem>>) semaphore(%run_scoped3A_240 : memref<!tpu.dma_semaphore, #tpu.memory_space<semaphore_mem>>) {add = true}
        %dma_wait3A_251 = arith.constant 0 : i32
        %dma_wait3A_252 = arith.constant 0 : i32
        %dma_wait3A_253 = tpu.memref_slice %arg10[%run_scoped3A_217, %dma_wait3A_251, %dma_wait3A_252] : memref<2x128x128xf32, #tpu.memory_space<vmem>> -> memref<1x128x128xf32, #tpu.memory_space<vmem>>
        %dma_wait3A_254 = tpu.memref_squeeze %dma_wait3A_253 : memref<1x128x128xf32, #tpu.memory_space<vmem>> -> memref<128x128xf32, #tpu.memory_space<vmem>>
        %dma_wait3A_255 = arith.constant 0 : i32
        %dma_wait3A_256 = tpu.memref_slice %arg9[%rem3A_30, %run_scoped3A_218, %dma_wait3A_255] : memref<2x8x128xi32, #tpu.memory_space<vmem>> -> memref<1x1x128xi32, #tpu.memory_space<vmem>>
        %dma_wait3A_257 = tpu.memref_squeeze %dma_wait3A_256 : memref<1x1x128xi32, #tpu.memory_space<vmem>> -> memref<128xi32, #tpu.memory_space<vmem>>
        %dma_wait3A_258 = arith.constant 0 : i32
        %dma_wait3A_259 = arith.constant 0 : i32
        %dma_wait3A_260 = tpu.memref_slice %arg7[%dma_wait3A_258, %dma_wait3A_259] : memref<10112x128xf32, #tpu.memory_space<vmem_shared>> -> memref<10112x128xf32, #tpu.memory_space<vmem_shared>>
        tpu.wait_indirect_dma semaphore(%run_scoped3A_240 : memref<!tpu.dma_semaphore, #tpu.memory_space<semaphore_mem>>) src(%dma_wait3A_254 : memref<128x128xf32, #tpu.memory_space<vmem>>) dst(%dma_wait3A_260 : memref<10112x128xf32, #tpu.memory_space<vmem_shared>>)
        tpu.yield
      }) : () -> ()
      %add3A_219 = arith.constant 1 : i32
      %add3A_220 = arith.addi %scan3A_29, %add3A_219 : i32
      %lt3A_221 = arith.constant 10 : i32
      %lt3A_222 = arith.cmpi slt, %add3A_220, %lt3A_221 : i32
      %convert_element_type3A_223 = arith.extui %lt3A_222 : i1 to i32
      %cond3A_224 = arith.constant 0 : i32
      %cond3A_225 = arith.cmpi ne, %convert_element_type3A_223, %cond3A_224 : i32
      scf.if %cond3A_225 {
        %add3A_240 = arith.constant 1 : i32
        %add3A_241 = arith.addi %scan3A_29, %add3A_240 : i32
        %mul3A_242 = arith.constant 8 : i32
        %mul3A_243 = arith.muli %add3A_241, %mul3A_242 : i32
        %multiple_of3A_244 = tpu.assume_multiple %mul3A_243, 8 : i32
        %dma_wait3A_245 = arith.constant 0 : i32
        %dma_wait3A_246 = arith.constant 0 : i32
        %dma_wait3A_247 = tpu.memref_slice %arg8[%rem3A_33, %dma_wait3A_245, %dma_wait3A_246] : memref<2x8x128xi32, #tpu.memory_space<vmem>> -> memref<1x8x128xi32, #tpu.memory_space<vmem>>
        %dma_wait3A_248 = tpu.memref_squeeze %dma_wait3A_247 : memref<1x8x128xi32, #tpu.memory_space<vmem>> -> memref<8x128xi32, #tpu.memory_space<vmem>>
        %dma_wait3A_249 = arith.constant 0 : i32
        %dma_wait3A_250 = tpu.memref_slice %arg3[%arg0, %arg1, %multiple_of3A_244, %dma_wait3A_249] : memref<2x16x80x128xi32, #tpu.memory_space<hbm>> -> memref<1x1x8x128xi32, #tpu.memory_space<hbm>>
        %dma_wait3A_251 = tpu.memref_squeeze %dma_wait3A_250 : memref<1x1x8x128xi32, #tpu.memory_space<hbm>> -> memref<8x128xi32, #tpu.memory_space<hbm>>
        %dma_wait3A_252 = arith.constant 0 : i32
        %dma_wait3A_253 = arith.constant 0 : i32
        %dma_wait3A_254 = tpu.memref_slice %arg8[%rem3A_33, %dma_wait3A_252, %dma_wait3A_253] : memref<2x8x128xi32, #tpu.memory_space<vmem>> -> memref<1x8x128xi32, #tpu.memory_space<vmem>>
        %dma_wait3A_255 = tpu.memref_squeeze %dma_wait3A_254 : memref<1x8x128xi32, #tpu.memory_space<vmem>> -> memref<8x128xi32, #tpu.memory_space<vmem>>
        %dma_wait3A_256 = arith.constant 0 : i32
        %dma_wait3A_257 = tpu.memref_slice %arg3[%arg0, %arg1, %multiple_of3A_244, %dma_wait3A_256] : memref<2x16x80x128xi32, #tpu.memory_space<hbm>> -> memref<1x1x8x128xi32, #tpu.memory_space<hbm>>
        %dma_wait3A_258 = tpu.memref_squeeze %dma_wait3A_257 : memref<1x1x8x128xi32, #tpu.memory_space<hbm>> -> memref<8x128xi32, #tpu.memory_space<hbm>>
        tpu.wait_dma2 semaphore(%arg12 : memref<!tpu.dma_semaphore, #tpu.memory_space<semaphore_mem>>) src(%dma_wait3A_258 : memref<8x128xi32, #tpu.memory_space<hbm>>) dst(%dma_wait3A_255 : memref<8x128xi32, #tpu.memory_space<vmem>>)
        %add3A_259 = arith.constant 1 : i32
        %add3A_260 = arith.addi %scan3A_29, %add3A_259 : i32
        %mul3A_261 = arith.constant 8 : i32
        %mul3A_262 = arith.muli %add3A_260, %mul3A_261 : i32
        %multiple_of3A_263 = tpu.assume_multiple %mul3A_262, 8 : i32
        %dma_wait3A_264 = arith.constant 0 : i32
        %dma_wait3A_265 = arith.constant 0 : i32
        %dma_wait3A_266 = tpu.memref_slice %arg9[%rem3A_33, %dma_wait3A_264, %dma_wait3A_265] : memref<2x8x128xi32, #tpu.memory_space<vmem>> -> memref<1x8x128xi32, #tpu.memory_space<vmem>>
        %dma_wait3A_267 = tpu.memref_squeeze %dma_wait3A_266 : memref<1x8x128xi32, #tpu.memory_space<vmem>> -> memref<8x128xi32, #tpu.memory_space<vmem>>
        %dma_wait3A_268 = arith.constant 0 : i32
        %dma_wait3A_269 = tpu.memref_slice %arg4[%arg1, %multiple_of3A_263, %dma_wait3A_268] : memref<16x80x128xi32, #tpu.memory_space<hbm>> -> memref<1x8x128xi32, #tpu.memory_space<hbm>>
        %dma_wait3A_270 = tpu.memref_squeeze %dma_wait3A_269 : memref<1x8x128xi32, #tpu.memory_space<hbm>> -> memref<8x128xi32, #tpu.memory_space<hbm>>
        %dma_wait3A_271 = arith.constant 0 : i32
        %dma_wait3A_272 = arith.constant 0 : i32
        %dma_wait3A_273 = tpu.memref_slice %arg9[%rem3A_33, %dma_wait3A_271, %dma_wait3A_272] : memref<2x8x128xi32, #tpu.memory_space<vmem>> -> memref<1x8x128xi32, #tpu.memory_space<vmem>>
        %dma_wait3A_274 = tpu.memref_squeeze %dma_wait3A_273 : memref<1x8x128xi32, #tpu.memory_space<vmem>> -> memref<8x128xi32, #tpu.memory_space<vmem>>
        %dma_wait3A_275 = arith.constant 0 : i32
        %dma_wait3A_276 = tpu.memref_slice %arg4[%arg1, %multiple_of3A_263, %dma_wait3A_275] : memref<16x80x128xi32, #tpu.memory_space<hbm>> -> memref<1x8x128xi32, #tpu.memory_space<hbm>>
        %dma_wait3A_277 = tpu.memref_squeeze %dma_wait3A_276 : memref<1x8x128xi32, #tpu.memory_space<hbm>> -> memref<8x128xi32, #tpu.memory_space<hbm>>
        tpu.wait_dma2 semaphore(%arg12 : memref<!tpu.dma_semaphore, #tpu.memory_space<semaphore_mem>>) src(%dma_wait3A_277 : memref<8x128xi32, #tpu.memory_space<hbm>>) dst(%dma_wait3A_274 : memref<8x128xi32, #tpu.memory_space<vmem>>)
        %dma_start3A_278 = arith.constant 0 : i32
        %dma_start3A_279 = arith.constant 0 : i32
        %dma_start3A_280 = arith.constant 0 : i32
        %dma_start3A_281 = arith.constant 0 : i32
        %dma_start3A_282 = tpu.memref_slice %arg10[%dma_start3A_279, %dma_start3A_280, %dma_start3A_281] : memref<2x128x128xf32, #tpu.memory_space<vmem>> -> memref<1x128x128xf32, #tpu.memory_space<vmem>>
        %dma_start3A_283 = tpu.memref_squeeze %dma_start3A_282 : memref<1x128x128xf32, #tpu.memory_space<vmem>> -> memref<128x128xf32, #tpu.memory_space<vmem>>
        %dma_start3A_284 = arith.constant 0 : i32
        %dma_start3A_285 = tpu.memref_slice %arg8[%rem3A_33, %dma_start3A_278, %dma_start3A_284] : memref<2x8x128xi32, #tpu.memory_space<vmem>> -> memref<1x1x128xi32, #tpu.memory_space<vmem>>
        %dma_start3A_286 = tpu.memref_squeeze %dma_start3A_285 : memref<1x1x128xi32, #tpu.memory_space<vmem>> -> memref<128xi32, #tpu.memory_space<vmem>>
        %dma_start3A_287 = arith.constant 0 : i32
        %dma_start3A_288 = arith.constant 0 : i32
        %dma_start3A_289 = tpu.memref_slice %arg2[%dma_start3A_287, %dma_start3A_288] : memref<20000x128xf32, #tpu.memory_space<hbm>> -> memref<20000x128xf32, #tpu.memory_space<hbm>>
        tpu.enqueue_indirect_dma source(%dma_start3A_289 : memref<20000x128xf32, #tpu.memory_space<hbm>>) target(%dma_start3A_283 : memref<128x128xf32, #tpu.memory_space<vmem>>) offsets(%dma_start3A_286 : memref<128xi32, #tpu.memory_space<vmem>>) semaphore(%arg11 : memref<!tpu.dma_semaphore, #tpu.memory_space<semaphore_mem>>)
      } else {
      }
      %dma_wait3A_226 = arith.constant 7 : i32
      %dma_wait3A_227 = arith.constant 1 : i32
      %dma_wait3A_228 = arith.constant 0 : i32
      %dma_wait3A_229 = arith.constant 0 : i32
      %dma_wait3A_230 = tpu.memref_slice %arg10[%dma_wait3A_227, %dma_wait3A_228, %dma_wait3A_229] : memref<2x128x128xf32, #tpu.memory_space<vmem>> -> memref<1x128x128xf32, #tpu.memory_space<vmem>>
      %dma_wait3A_231 = tpu.memref_squeeze %dma_wait3A_230 : memref<1x128x128xf32, #tpu.memory_space<vmem>> -> memref<128x128xf32, #tpu.memory_space<vmem>>
      %dma_wait3A_232 = arith.constant 0 : i32
      %dma_wait3A_233 = tpu.memref_slice %arg8[%rem3A_30, %dma_wait3A_226, %dma_wait3A_232] : memref<2x8x128xi32, #tpu.memory_space<vmem>> -> memref<1x1x128xi32, #tpu.memory_space<vmem>>
      %dma_wait3A_234 = tpu.memref_squeeze %dma_wait3A_233 : memref<1x1x128xi32, #tpu.memory_space<vmem>> -> memref<128xi32, #tpu.memory_space<vmem>>
      %dma_wait3A_235 = arith.constant 0 : i32
      %dma_wait3A_236 = arith.constant 0 : i32
      %dma_wait3A_237 = tpu.memref_slice %arg2[%dma_wait3A_235, %dma_wait3A_236] : memref<20000x128xf32, #tpu.memory_space<hbm>> -> memref<20000x128xf32, #tpu.memory_space<hbm>>
      tpu.wait_indirect_dma semaphore(%arg11 : memref<!tpu.dma_semaphore, #tpu.memory_space<semaphore_mem>>) src(%dma_wait3A_237 : memref<20000x128xf32, #tpu.memory_space<hbm>>) dst(%dma_wait3A_231 : memref<128x128xf32, #tpu.memory_space<vmem>>)
      %run_scoped3A_238 = arith.constant 1 : i32
      %run_scoped3A_239 = arith.constant 7 : i32
      "tpu.region"() ({
        %run_scoped3A_240 = tpu.sem_alloc : memref<!tpu.dma_semaphore, #tpu.memory_space<semaphore_mem>>
        %dma_start3A_241 = arith.constant 0 : i32
        %dma_start3A_242 = arith.constant 0 : i32
        %dma_start3A_243 = tpu.memref_slice %arg10[%run_scoped3A_238, %dma_start3A_241, %dma_start3A_242] : memref<2x128x128xf32, #tpu.memory_space<vmem>> -> memref<1x128x128xf32, #tpu.memory_space<vmem>>
        %dma_start3A_244 = tpu.memref_squeeze %dma_start3A_243 : memref<1x128x128xf32, #tpu.memory_space<vmem>> -> memref<128x128xf32, #tpu.memory_space<vmem>>
        %dma_start3A_245 = arith.constant 0 : i32
        %dma_start3A_246 = tpu.memref_slice %arg9[%rem3A_30, %run_scoped3A_239, %dma_start3A_245] : memref<2x8x128xi32, #tpu.memory_space<vmem>> -> memref<1x1x128xi32, #tpu.memory_space<vmem>>
        %dma_start3A_247 = tpu.memref_squeeze %dma_start3A_246 : memref<1x1x128xi32, #tpu.memory_space<vmem>> -> memref<128xi32, #tpu.memory_space<vmem>>
        %dma_start3A_248 = arith.constant 0 : i32
        %dma_start3A_249 = arith.constant 0 : i32
        %dma_start3A_250 = tpu.memref_slice %arg7[%dma_start3A_248, %dma_start3A_249] : memref<10112x128xf32, #tpu.memory_space<vmem_shared>> -> memref<10112x128xf32, #tpu.memory_space<vmem_shared>>
        tpu.enqueue_indirect_dma source(%dma_start3A_244 : memref<128x128xf32, #tpu.memory_space<vmem>>) target(%dma_start3A_250 : memref<10112x128xf32, #tpu.memory_space<vmem_shared>>) offsets(%dma_start3A_247 : memref<128xi32, #tpu.memory_space<vmem>>) semaphore(%run_scoped3A_240 : memref<!tpu.dma_semaphore, #tpu.memory_space<semaphore_mem>>) {add = true}
        %dma_wait3A_251 = arith.constant 0 : i32
        %dma_wait3A_252 = arith.constant 0 : i32
        %dma_wait3A_253 = tpu.memref_slice %arg10[%run_scoped3A_238, %dma_wait3A_251, %dma_wait3A_252] : memref<2x128x128xf32, #tpu.memory_space<vmem>> -> memref<1x128x128xf32, #tpu.memory_space<vmem>>
        %dma_wait3A_254 = tpu.memref_squeeze %dma_wait3A_253 : memref<1x128x128xf32, #tpu.memory_space<vmem>> -> memref<128x128xf32, #tpu.memory_space<vmem>>
        %dma_wait3A_255 = arith.constant 0 : i32
        %dma_wait3A_256 = tpu.memref_slice %arg9[%rem3A_30, %run_scoped3A_239, %dma_wait3A_255] : memref<2x8x128xi32, #tpu.memory_space<vmem>> -> memref<1x1x128xi32, #tpu.memory_space<vmem>>
        %dma_wait3A_257 = tpu.memref_squeeze %dma_wait3A_256 : memref<1x1x128xi32, #tpu.memory_space<vmem>> -> memref<128xi32, #tpu.memory_space<vmem>>
        %dma_wait3A_258 = arith.constant 0 : i32
        %dma_wait3A_259 = arith.constant 0 : i32
        %dma_wait3A_260 = tpu.memref_slice %arg7[%dma_wait3A_258, %dma_wait3A_259] : memref<10112x128xf32, #tpu.memory_space<vmem_shared>> -> memref<10112x128xf32, #tpu.memory_space<vmem_shared>>
        tpu.wait_indirect_dma semaphore(%run_scoped3A_240 : memref<!tpu.dma_semaphore, #tpu.memory_space<semaphore_mem>>) src(%dma_wait3A_254 : memref<128x128xf32, #tpu.memory_space<vmem>>) dst(%dma_wait3A_260 : memref<10112x128xf32, #tpu.memory_space<vmem_shared>>)
        tpu.yield
      }) : () -> ()
    }
    %scan3A_23 = arith.constant 10 : i32
    %barrier3A_24 = arith.constant 0 : index
    tpu.barrier barrier_id(%barrier3A_24)
    %mul3A_25 = arith.constant 632 : i32
    %mul3A_26 = arith.muli %arg1, %mul3A_25 : i32
    %mul3A_27 = arith.constant 632 : i32
    %mul3A_28 = arith.muli %arg1, %mul3A_27 : i32
    "tpu.region"() ({
      %run_scoped3A_29 = tpu.sem_alloc : memref<!tpu.dma_semaphore, #tpu.memory_space<semaphore_mem>>
      %dma_start3A_30 = arith.constant 0 : i32
      %dma_start3A_31 = tpu.memref_slice %arg6[%arg0, %mul3A_28, %dma_start3A_30] : memref<2x10112x128xf32, #tpu.memory_space<hbm>> -> memref<1x632x128xf32, #tpu.memory_space<hbm>>
      %dma_start3A_32 = tpu.memref_squeeze %dma_start3A_31 : memref<1x632x128xf32, #tpu.memory_space<hbm>> -> memref<632x128xf32, #tpu.memory_space<hbm>>
      %dma_start3A_33 = arith.constant 0 : i32
      %dma_start3A_34 = tpu.memref_slice %arg7[%mul3A_26, %dma_start3A_33] : memref<10112x128xf32, #tpu.memory_space<vmem_shared>> -> memref<632x128xf32, #tpu.memory_space<vmem_shared>>
      tpu.enqueue_dma source(%dma_start3A_34 : memref<632x128xf32, #tpu.memory_space<vmem_shared>>) target(%dma_start3A_32 : memref<632x128xf32, #tpu.memory_space<hbm>>) target_semaphore(%run_scoped3A_29 : memref<!tpu.dma_semaphore, #tpu.memory_space<semaphore_mem>>)
      %dma_wait3A = arith.constant 0 : i32
      %dma_wait3A_35 = tpu.memref_slice %arg6[%arg0, %mul3A_28, %dma_wait3A] : memref<2x10112x128xf32, #tpu.memory_space<hbm>> -> memref<1x632x128xf32, #tpu.memory_space<hbm>>
      %dma_wait3A_36 = tpu.memref_squeeze %dma_wait3A_35 : memref<1x632x128xf32, #tpu.memory_space<hbm>> -> memref<632x128xf32, #tpu.memory_space<hbm>>
      %dma_wait3A_37 = arith.constant 0 : i32
      %dma_wait3A_38 = tpu.memref_slice %arg7[%mul3A_26, %dma_wait3A_37] : memref<10112x128xf32, #tpu.memory_space<vmem_shared>> -> memref<632x128xf32, #tpu.memory_space<vmem_shared>>
      tpu.wait_dma2 semaphore(%run_scoped3A_29 : memref<!tpu.dma_semaphore, #tpu.memory_space<semaphore_mem>>) src(%dma_wait3A_38 : memref<632x128xf32, #tpu.memory_space<vmem_shared>>) dst(%dma_wait3A_36 : memref<632x128xf32, #tpu.memory_space<hbm>>)
      tpu.yield
    }) : () -> ()
    return
  }
}

#map = affine_map<(d0, d1) -> (0, 0, 0)>
#map1 = affine_map<(d0, d1) -> (0, 0)>
module attributes {stable_mosaic.version = 14 : i64} {
  func.func @_deg_body(%arg0: i32, %arg1: i32, %arg2: memref<16x80x128xi32, #tpu.memory_space<hbm>>, %arg3: memref<128x128xf32, #tpu.memory_space<hbm>>, %arg4: memref<10112x128xf32, #tpu.memory_space<hbm>>, %arg5: memref<2x10112x128xf32, #tpu.memory_space<hbm>>, %arg6: memref<10112x128xf32, #tpu.memory_space<vmem_shared>>, %arg7: memref<80x128xi32, #tpu.memory_space<vmem>>, %arg8: memref<128x128xf32, #tpu.memory_space<vmem>>, %arg9: memref<!tpu.dma_semaphore, #tpu.memory_space<semaphore_mem>>) attributes {dimension_semantics = [#tpu.dimension_semantics<core_parallel>, #tpu.dimension_semantics<subcore_parallel>], iteration_bounds = array<i64: 2, 16>, scalar_prefetch = 0 : i64, scratch_operands = 4 : i64, tpu.core_type = #tpu.core_type<sc_vector_subcore>, window_params = [{transform_indices = #map}, {transform_indices = #map1}, {transform_indices = #map1}, {transform_indices = #map}]} {
    %mul3A = arith.constant 632 : i32
    %mul3A_0 = arith.muli %arg1, %mul3A : i32
    %mul3A_1 = arith.constant 632 : i32
    %mul3A_2 = arith.muli %arg1, %mul3A_1 : i32
    "tpu.region"() ({
      %run_scoped3A = tpu.sem_alloc : memref<!tpu.dma_semaphore, #tpu.memory_space<semaphore_mem>>
      %dma_start3A = arith.constant 0 : i32
      %dma_start3A_13 = tpu.memref_slice %arg6[%mul3A_2, %dma_start3A] : memref<10112x128xf32, #tpu.memory_space<vmem_shared>> -> memref<632x128xf32, #tpu.memory_space<vmem_shared>>
      %dma_start3A_14 = arith.constant 0 : i32
      %dma_start3A_15 = tpu.memref_slice %arg4[%mul3A_0, %dma_start3A_14] : memref<10112x128xf32, #tpu.memory_space<hbm>> -> memref<632x128xf32, #tpu.memory_space<hbm>>
      tpu.enqueue_dma source(%dma_start3A_15 : memref<632x128xf32, #tpu.memory_space<hbm>>) target(%dma_start3A_13 : memref<632x128xf32, #tpu.memory_space<vmem_shared>>) target_semaphore(%run_scoped3A : memref<!tpu.dma_semaphore, #tpu.memory_space<semaphore_mem>>)
      %dma_wait3A = arith.constant 0 : i32
      %dma_wait3A_16 = tpu.memref_slice %arg6[%mul3A_2, %dma_wait3A] : memref<10112x128xf32, #tpu.memory_space<vmem_shared>> -> memref<632x128xf32, #tpu.memory_space<vmem_shared>>
      %dma_wait3A_17 = arith.constant 0 : i32
      %dma_wait3A_18 = tpu.memref_slice %arg4[%mul3A_0, %dma_wait3A_17] : memref<10112x128xf32, #tpu.memory_space<hbm>> -> memref<632x128xf32, #tpu.memory_space<hbm>>
      tpu.wait_dma2 semaphore(%run_scoped3A : memref<!tpu.dma_semaphore, #tpu.memory_space<semaphore_mem>>) src(%dma_wait3A_18 : memref<632x128xf32, #tpu.memory_space<hbm>>) dst(%dma_wait3A_16 : memref<632x128xf32, #tpu.memory_space<vmem_shared>>)
      tpu.yield
    }) : () -> ()
    "tpu.region"() ({
      %run_scoped3A = tpu.sem_alloc : memref<!tpu.dma_semaphore, #tpu.memory_space<semaphore_mem>>
      %dma_start3A = arith.constant 0 : i32
      %dma_start3A_13 = arith.constant 0 : i32
      %dma_start3A_14 = tpu.memref_slice %arg2[%arg1, %dma_start3A, %dma_start3A_13] : memref<16x80x128xi32, #tpu.memory_space<hbm>> -> memref<1x80x128xi32, #tpu.memory_space<hbm>>
      %dma_start3A_15 = tpu.memref_squeeze %dma_start3A_14 : memref<1x80x128xi32, #tpu.memory_space<hbm>> -> memref<80x128xi32, #tpu.memory_space<hbm>>
      %dma_start3A_16 = arith.constant 0 : i32
      %dma_start3A_17 = arith.constant 0 : i32
      %dma_start3A_18 = tpu.memref_slice %arg2[%arg1, %dma_start3A_16, %dma_start3A_17] : memref<16x80x128xi32, #tpu.memory_space<hbm>> -> memref<1x80x128xi32, #tpu.memory_space<hbm>>
      %dma_start3A_19 = tpu.memref_squeeze %dma_start3A_18 : memref<1x80x128xi32, #tpu.memory_space<hbm>> -> memref<80x128xi32, #tpu.memory_space<hbm>>
      tpu.enqueue_dma source(%dma_start3A_19 : memref<80x128xi32, #tpu.memory_space<hbm>>) target(%arg7 : memref<80x128xi32, #tpu.memory_space<vmem>>) target_semaphore(%run_scoped3A : memref<!tpu.dma_semaphore, #tpu.memory_space<semaphore_mem>>)
      %dma_wait3A = arith.constant 0 : i32
      %dma_wait3A_20 = arith.constant 0 : i32
      %dma_wait3A_21 = tpu.memref_slice %arg2[%arg1, %dma_wait3A, %dma_wait3A_20] : memref<16x80x128xi32, #tpu.memory_space<hbm>> -> memref<1x80x128xi32, #tpu.memory_space<hbm>>
      %dma_wait3A_22 = tpu.memref_squeeze %dma_wait3A_21 : memref<1x80x128xi32, #tpu.memory_space<hbm>> -> memref<80x128xi32, #tpu.memory_space<hbm>>
      %dma_wait3A_23 = arith.constant 0 : i32
      %dma_wait3A_24 = arith.constant 0 : i32
      %dma_wait3A_25 = tpu.memref_slice %arg2[%arg1, %dma_wait3A_23, %dma_wait3A_24] : memref<16x80x128xi32, #tpu.memory_space<hbm>> -> memref<1x80x128xi32, #tpu.memory_space<hbm>>
      %dma_wait3A_26 = tpu.memref_squeeze %dma_wait3A_25 : memref<1x80x128xi32, #tpu.memory_space<hbm>> -> memref<80x128xi32, #tpu.memory_space<hbm>>
      tpu.wait_dma2 semaphore(%run_scoped3A : memref<!tpu.dma_semaphore, #tpu.memory_space<semaphore_mem>>) src(%dma_wait3A_26 : memref<80x128xi32, #tpu.memory_space<hbm>>) dst(%arg7 : memref<80x128xi32, #tpu.memory_space<vmem>>)
      tpu.yield
    }) : () -> ()
    "tpu.region"() ({
      %run_scoped3A = tpu.sem_alloc : memref<!tpu.dma_semaphore, #tpu.memory_space<semaphore_mem>>
      tpu.enqueue_dma source(%arg3 : memref<128x128xf32, #tpu.memory_space<hbm>>) target(%arg8 : memref<128x128xf32, #tpu.memory_space<vmem>>) target_semaphore(%run_scoped3A : memref<!tpu.dma_semaphore, #tpu.memory_space<semaphore_mem>>)
      tpu.wait_dma2 semaphore(%run_scoped3A : memref<!tpu.dma_semaphore, #tpu.memory_space<semaphore_mem>>) src(%arg3 : memref<128x128xf32, #tpu.memory_space<hbm>>) dst(%arg8 : memref<128x128xf32, #tpu.memory_space<vmem>>)
      tpu.yield
    }) : () -> ()
    %barrier3A = arith.constant 0 : index
    tpu.barrier barrier_id(%barrier3A)
    %scan3A = arith.constant 0 : i32
    %scan3A_3 = arith.constant 0 : i32
    %scan3A_4 = arith.constant 40 : i32
    %scan3A_5 = arith.addi %scan3A_3, %scan3A_4 : i32
    %scan3A_6 = arith.constant 1 : i32
    scf.for %scan3A_13 = %scan3A_3 to %scan3A_5 step %scan3A_6  : i32 {
      %mul3A_14 = arith.constant 40 : i32
      %mul3A_15 = arith.muli %arg0, %mul3A_14 : i32
      %add3A = arith.addi %mul3A_15, %scan3A_13 : i32
      "tpu.region"() ({
        %run_scoped3A = tpu.sem_alloc : memref<!tpu.dma_semaphore, #tpu.memory_space<semaphore_mem>>
        %dma_start3A = arith.constant 0 : i32
        %dma_start3A_16 = tpu.memref_slice %arg7[%add3A, %dma_start3A] : memref<80x128xi32, #tpu.memory_space<vmem>> -> memref<1x128xi32, #tpu.memory_space<vmem>>
        %dma_start3A_17 = tpu.memref_squeeze %dma_start3A_16 : memref<1x128xi32, #tpu.memory_space<vmem>> -> memref<128xi32, #tpu.memory_space<vmem>>
        %dma_start3A_18 = arith.constant 0 : i32
        %dma_start3A_19 = arith.constant 0 : i32
        %dma_start3A_20 = tpu.memref_slice %arg6[%dma_start3A_18, %dma_start3A_19] : memref<10112x128xf32, #tpu.memory_space<vmem_shared>> -> memref<10112x128xf32, #tpu.memory_space<vmem_shared>>
        tpu.enqueue_indirect_dma source(%arg8 : memref<128x128xf32, #tpu.memory_space<vmem>>) target(%dma_start3A_20 : memref<10112x128xf32, #tpu.memory_space<vmem_shared>>) offsets(%dma_start3A_17 : memref<128xi32, #tpu.memory_space<vmem>>) semaphore(%run_scoped3A : memref<!tpu.dma_semaphore, #tpu.memory_space<semaphore_mem>>) {add = true}
        %dma_wait3A = arith.constant 0 : i32
        %dma_wait3A_21 = tpu.memref_slice %arg7[%add3A, %dma_wait3A] : memref<80x128xi32, #tpu.memory_space<vmem>> -> memref<1x128xi32, #tpu.memory_space<vmem>>
        %dma_wait3A_22 = tpu.memref_squeeze %dma_wait3A_21 : memref<1x128xi32, #tpu.memory_space<vmem>> -> memref<128xi32, #tpu.memory_space<vmem>>
        %dma_wait3A_23 = arith.constant 0 : i32
        %dma_wait3A_24 = arith.constant 0 : i32
        %dma_wait3A_25 = tpu.memref_slice %arg6[%dma_wait3A_23, %dma_wait3A_24] : memref<10112x128xf32, #tpu.memory_space<vmem_shared>> -> memref<10112x128xf32, #tpu.memory_space<vmem_shared>>
        tpu.wait_indirect_dma semaphore(%run_scoped3A : memref<!tpu.dma_semaphore, #tpu.memory_space<semaphore_mem>>) src(%arg8 : memref<128x128xf32, #tpu.memory_space<vmem>>) dst(%dma_wait3A_25 : memref<10112x128xf32, #tpu.memory_space<vmem_shared>>)
        tpu.yield
      }) : () -> ()
    }
    %scan3A_7 = arith.constant 40 : i32
    %barrier3A_8 = arith.constant 0 : index
    tpu.barrier barrier_id(%barrier3A_8)
    %mul3A_9 = arith.constant 632 : i32
    %mul3A_10 = arith.muli %arg1, %mul3A_9 : i32
    %mul3A_11 = arith.constant 632 : i32
    %mul3A_12 = arith.muli %arg1, %mul3A_11 : i32
    "tpu.region"() ({
      %run_scoped3A = tpu.sem_alloc : memref<!tpu.dma_semaphore, #tpu.memory_space<semaphore_mem>>
      %dma_start3A = arith.constant 0 : i32
      %dma_start3A_13 = tpu.memref_slice %arg5[%arg0, %mul3A_12, %dma_start3A] : memref<2x10112x128xf32, #tpu.memory_space<hbm>> -> memref<1x632x128xf32, #tpu.memory_space<hbm>>
      %dma_start3A_14 = tpu.memref_squeeze %dma_start3A_13 : memref<1x632x128xf32, #tpu.memory_space<hbm>> -> memref<632x128xf32, #tpu.memory_space<hbm>>
      %dma_start3A_15 = arith.constant 0 : i32
      %dma_start3A_16 = tpu.memref_slice %arg6[%mul3A_10, %dma_start3A_15] : memref<10112x128xf32, #tpu.memory_space<vmem_shared>> -> memref<632x128xf32, #tpu.memory_space<vmem_shared>>
      tpu.enqueue_dma source(%dma_start3A_16 : memref<632x128xf32, #tpu.memory_space<vmem_shared>>) target(%dma_start3A_14 : memref<632x128xf32, #tpu.memory_space<hbm>>) target_semaphore(%run_scoped3A : memref<!tpu.dma_semaphore, #tpu.memory_space<semaphore_mem>>)
      %dma_wait3A = arith.constant 0 : i32
      %dma_wait3A_17 = tpu.memref_slice %arg5[%arg0, %mul3A_12, %dma_wait3A] : memref<2x10112x128xf32, #tpu.memory_space<hbm>> -> memref<1x632x128xf32, #tpu.memory_space<hbm>>
      %dma_wait3A_18 = tpu.memref_squeeze %dma_wait3A_17 : memref<1x632x128xf32, #tpu.memory_space<hbm>> -> memref<632x128xf32, #tpu.memory_space<hbm>>
      %dma_wait3A_19 = arith.constant 0 : i32
      %dma_wait3A_20 = tpu.memref_slice %arg6[%mul3A_10, %dma_wait3A_19] : memref<10112x128xf32, #tpu.memory_space<vmem_shared>> -> memref<632x128xf32, #tpu.memory_space<vmem_shared>>
      tpu.wait_dma2 semaphore(%run_scoped3A : memref<!tpu.dma_semaphore, #tpu.memory_space<semaphore_mem>>) src(%dma_wait3A_20 : memref<632x128xf32, #tpu.memory_space<vmem_shared>>) dst(%dma_wait3A_18 : memref<632x128xf32, #tpu.memory_space<hbm>>)
      tpu.yield
    }) : () -> ()
    return
  }
}

#map = affine_map<(d0, d1) -> (0, 0)>
#map1 = affine_map<(d0, d1) -> (0, 0, 0, 0)>
#map2 = affine_map<(d0, d1) -> (0, 0, 0)>
module attributes {stable_mosaic.version = 14 : i64} {
  func.func @_agg_body(%arg0: i32, %arg1: i32, %arg2: memref<20000x128xf32, #tpu.memory_space<hbm>>, %arg3: memref<2x16x80x128xi32, #tpu.memory_space<hbm>>, %arg4: memref<16x80x128xi32, #tpu.memory_space<hbm>>, %arg5: memref<10112x128xf32, #tpu.memory_space<hbm>>, %arg6: memref<2x10112x128xf32, #tpu.memory_space<hbm>>, %arg7: memref<10112x128xf32, #tpu.memory_space<vmem_shared>>, %arg8: memref<2x8x128xi32, #tpu.memory_space<vmem>>, %arg9: memref<2x8x128xi32, #tpu.memory_space<vmem>>, %arg10: memref<2x128x128xf32, #tpu.memory_space<vmem>>, %arg11: memref<!tpu.dma_semaphore, #tpu.memory_space<semaphore_mem>>, %arg12: memref<!tpu.dma_semaphore, #tpu.memory_space<semaphore_mem>>) attributes {dimension_semantics = [#tpu.dimension_semantics<core_parallel>, #tpu.dimension_semantics<subcore_parallel>], iteration_bounds = array<i64: 2, 16>, scalar_prefetch = 0 : i64, scratch_operands = 6 : i64, tpu.core_type = #tpu.core_type<sc_vector_subcore>, window_params = [{transform_indices = #map}, {transform_indices = #map1}, {transform_indices = #map2}, {transform_indices = #map}, {transform_indices = #map2}]} {
    %multiple_of3A = arith.constant 0 : i32
    %multiple_of3A_0 = tpu.assume_multiple %multiple_of3A, 8 : i32
    %run_scoped3A = arith.constant 0 : i32
    "tpu.region"() ({
      %run_scoped3A_29 = tpu.sem_alloc : memref<!tpu.dma_semaphore, #tpu.memory_space<semaphore_mem>>
      %dma_start3A_30 = arith.constant 0 : i32
      %dma_start3A_31 = arith.constant 0 : i32
      %dma_start3A_32 = tpu.memref_slice %arg8[%run_scoped3A, %dma_start3A_30, %dma_start3A_31] : memref<2x8x128xi32, #tpu.memory_space<vmem>> -> memref<1x8x128xi32, #tpu.memory_space<vmem>>
      %dma_start3A_33 = tpu.memref_squeeze %dma_start3A_32 : memref<1x8x128xi32, #tpu.memory_space<vmem>> -> memref<8x128xi32, #tpu.memory_space<vmem>>
      %dma_start3A_34 = arith.constant 0 : i32
      %dma_start3A_35 = tpu.memref_slice %arg3[%arg0, %arg1, %multiple_of3A_0, %dma_start3A_34] : memref<2x16x80x128xi32, #tpu.memory_space<hbm>> -> memref<1x1x8x128xi32, #tpu.memory_space<hbm>>
      %dma_start3A_36 = tpu.memref_squeeze %dma_start3A_35 : memref<1x1x8x128xi32, #tpu.memory_space<hbm>> -> memref<8x128xi32, #tpu.memory_space<hbm>>
      %dma_start3A_37 = arith.constant 0 : i32
      %dma_start3A_38 = arith.constant 0 : i32
      %dma_start3A_39 = tpu.memref_slice %arg8[%run_scoped3A, %dma_start3A_37, %dma_start3A_38] : memref<2x8x128xi32, #tpu.memory_space<vmem>> -> memref<1x8x128xi32, #tpu.memory_space<vmem>>
      %dma_start3A_40 = tpu.memref_squeeze %dma_start3A_39 : memref<1x8x128xi32, #tpu.memory_space<vmem>> -> memref<8x128xi32, #tpu.memory_space<vmem>>
      %dma_start3A_41 = arith.constant 0 : i32
      %dma_start3A_42 = tpu.memref_slice %arg3[%arg0, %arg1, %multiple_of3A_0, %dma_start3A_41] : memref<2x16x80x128xi32, #tpu.memory_space<hbm>> -> memref<1x1x8x128xi32, #tpu.memory_space<hbm>>
      %dma_start3A_43 = tpu.memref_squeeze %dma_start3A_42 : memref<1x1x8x128xi32, #tpu.memory_space<hbm>> -> memref<8x128xi32, #tpu.memory_space<hbm>>
      tpu.enqueue_dma source(%dma_start3A_43 : memref<8x128xi32, #tpu.memory_space<hbm>>) target(%dma_start3A_40 : memref<8x128xi32, #tpu.memory_space<vmem>>) target_semaphore(%run_scoped3A_29 : memref<!tpu.dma_semaphore, #tpu.memory_space<semaphore_mem>>)
      %dma_wait3A = arith.constant 0 : i32
      %dma_wait3A_44 = arith.constant 0 : i32
      %dma_wait3A_45 = tpu.memref_slice %arg8[%run_scoped3A, %dma_wait3A, %dma_wait3A_44] : memref<2x8x128xi32, #tpu.memory_space<vmem>> -> memref<1x8x128xi32, #tpu.memory_space<vmem>>
      %dma_wait3A_46 = tpu.memref_squeeze %dma_wait3A_45 : memref<1x8x128xi32, #tpu.memory_space<vmem>> -> memref<8x128xi32, #tpu.memory_space<vmem>>
      %dma_wait3A_47 = arith.constant 0 : i32
      %dma_wait3A_48 = tpu.memref_slice %arg3[%arg0, %arg1, %multiple_of3A_0, %dma_wait3A_47] : memref<2x16x80x128xi32, #tpu.memory_space<hbm>> -> memref<1x1x8x128xi32, #tpu.memory_space<hbm>>
      %dma_wait3A_49 = tpu.memref_squeeze %dma_wait3A_48 : memref<1x1x8x128xi32, #tpu.memory_space<hbm>> -> memref<8x128xi32, #tpu.memory_space<hbm>>
      %dma_wait3A_50 = arith.constant 0 : i32
      %dma_wait3A_51 = arith.constant 0 : i32
      %dma_wait3A_52 = tpu.memref_slice %arg8[%run_scoped3A, %dma_wait3A_50, %dma_wait3A_51] : memref<2x8x128xi32, #tpu.memory_space<vmem>> -> memref<1x8x128xi32, #tpu.memory_space<vmem>>
      %dma_wait3A_53 = tpu.memref_squeeze %dma_wait3A_52 : memref<1x8x128xi32, #tpu.memory_space<vmem>> -> memref<8x128xi32, #tpu.memory_space<vmem>>
      %dma_wait3A_54 = arith.constant 0 : i32
      %dma_wait3A_55 = tpu.memref_slice %arg3[%arg0, %arg1, %multiple_of3A_0, %dma_wait3A_54] : memref<2x16x80x128xi32, #tpu.memory_space<hbm>> -> memref<1x1x8x128xi32, #tpu.memory_space<hbm>>
      %dma_wait3A_56 = tpu.memref_squeeze %dma_wait3A_55 : memref<1x1x8x128xi32, #tpu.memory_space<hbm>> -> memref<8x128xi32, #tpu.memory_space<hbm>>
      tpu.wait_dma2 semaphore(%run_scoped3A_29 : memref<!tpu.dma_semaphore, #tpu.memory_space<semaphore_mem>>) src(%dma_wait3A_56 : memref<8x128xi32, #tpu.memory_space<hbm>>) dst(%dma_wait3A_53 : memref<8x128xi32, #tpu.memory_space<vmem>>)
      tpu.yield
    }) : () -> ()
    %multiple_of3A_1 = arith.constant 0 : i32
    %multiple_of3A_2 = tpu.assume_multiple %multiple_of3A_1, 8 : i32
    %run_scoped3A_3 = arith.constant 0 : i32
    "tpu.region"() ({
      %run_scoped3A_29 = tpu.sem_alloc : memref<!tpu.dma_semaphore, #tpu.memory_space<semaphore_mem>>
      %dma_start3A_30 = arith.constant 0 : i32
      %dma_start3A_31 = arith.constant 0 : i32
      %dma_start3A_32 = tpu.memref_slice %arg9[%run_scoped3A_3, %dma_start3A_30, %dma_start3A_31] : memref<2x8x128xi32, #tpu.memory_space<vmem>> -> memref<1x8x128xi32, #tpu.memory_space<vmem>>
      %dma_start3A_33 = tpu.memref_squeeze %dma_start3A_32 : memref<1x8x128xi32, #tpu.memory_space<vmem>> -> memref<8x128xi32, #tpu.memory_space<vmem>>
      %dma_start3A_34 = arith.constant 0 : i32
      %dma_start3A_35 = tpu.memref_slice %arg4[%arg1, %multiple_of3A_2, %dma_start3A_34] : memref<16x80x128xi32, #tpu.memory_space<hbm>> -> memref<1x8x128xi32, #tpu.memory_space<hbm>>
      %dma_start3A_36 = tpu.memref_squeeze %dma_start3A_35 : memref<1x8x128xi32, #tpu.memory_space<hbm>> -> memref<8x128xi32, #tpu.memory_space<hbm>>
      %dma_start3A_37 = arith.constant 0 : i32
      %dma_start3A_38 = arith.constant 0 : i32
      %dma_start3A_39 = tpu.memref_slice %arg9[%run_scoped3A_3, %dma_start3A_37, %dma_start3A_38] : memref<2x8x128xi32, #tpu.memory_space<vmem>> -> memref<1x8x128xi32, #tpu.memory_space<vmem>>
      %dma_start3A_40 = tpu.memref_squeeze %dma_start3A_39 : memref<1x8x128xi32, #tpu.memory_space<vmem>> -> memref<8x128xi32, #tpu.memory_space<vmem>>
      %dma_start3A_41 = arith.constant 0 : i32
      %dma_start3A_42 = tpu.memref_slice %arg4[%arg1, %multiple_of3A_2, %dma_start3A_41] : memref<16x80x128xi32, #tpu.memory_space<hbm>> -> memref<1x8x128xi32, #tpu.memory_space<hbm>>
      %dma_start3A_43 = tpu.memref_squeeze %dma_start3A_42 : memref<1x8x128xi32, #tpu.memory_space<hbm>> -> memref<8x128xi32, #tpu.memory_space<hbm>>
      tpu.enqueue_dma source(%dma_start3A_43 : memref<8x128xi32, #tpu.memory_space<hbm>>) target(%dma_start3A_40 : memref<8x128xi32, #tpu.memory_space<vmem>>) target_semaphore(%run_scoped3A_29 : memref<!tpu.dma_semaphore, #tpu.memory_space<semaphore_mem>>)
      %dma_wait3A = arith.constant 0 : i32
      %dma_wait3A_44 = arith.constant 0 : i32
      %dma_wait3A_45 = tpu.memref_slice %arg9[%run_scoped3A_3, %dma_wait3A, %dma_wait3A_44] : memref<2x8x128xi32, #tpu.memory_space<vmem>> -> memref<1x8x128xi32, #tpu.memory_space<vmem>>
      %dma_wait3A_46 = tpu.memref_squeeze %dma_wait3A_45 : memref<1x8x128xi32, #tpu.memory_space<vmem>> -> memref<8x128xi32, #tpu.memory_space<vmem>>
      %dma_wait3A_47 = arith.constant 0 : i32
      %dma_wait3A_48 = tpu.memref_slice %arg4[%arg1, %multiple_of3A_2, %dma_wait3A_47] : memref<16x80x128xi32, #tpu.memory_space<hbm>> -> memref<1x8x128xi32, #tpu.memory_space<hbm>>
      %dma_wait3A_49 = tpu.memref_squeeze %dma_wait3A_48 : memref<1x8x128xi32, #tpu.memory_space<hbm>> -> memref<8x128xi32, #tpu.memory_space<hbm>>
      %dma_wait3A_50 = arith.constant 0 : i32
      %dma_wait3A_51 = arith.constant 0 : i32
      %dma_wait3A_52 = tpu.memref_slice %arg9[%run_scoped3A_3, %dma_wait3A_50, %dma_wait3A_51] : memref<2x8x128xi32, #tpu.memory_space<vmem>> -> memref<1x8x128xi32, #tpu.memory_space<vmem>>
      %dma_wait3A_53 = tpu.memref_squeeze %dma_wait3A_52 : memref<1x8x128xi32, #tpu.memory_space<vmem>> -> memref<8x128xi32, #tpu.memory_space<vmem>>
      %dma_wait3A_54 = arith.constant 0 : i32
      %dma_wait3A_55 = tpu.memref_slice %arg4[%arg1, %multiple_of3A_2, %dma_wait3A_54] : memref<16x80x128xi32, #tpu.memory_space<hbm>> -> memref<1x8x128xi32, #tpu.memory_space<hbm>>
      %dma_wait3A_56 = tpu.memref_squeeze %dma_wait3A_55 : memref<1x8x128xi32, #tpu.memory_space<hbm>> -> memref<8x128xi32, #tpu.memory_space<hbm>>
      tpu.wait_dma2 semaphore(%run_scoped3A_29 : memref<!tpu.dma_semaphore, #tpu.memory_space<semaphore_mem>>) src(%dma_wait3A_56 : memref<8x128xi32, #tpu.memory_space<hbm>>) dst(%dma_wait3A_53 : memref<8x128xi32, #tpu.memory_space<vmem>>)
      tpu.yield
    }) : () -> ()
    %dma_start3A = arith.constant 0 : i32
    %dma_start3A_4 = arith.constant 0 : i32
    %dma_start3A_5 = arith.constant 0 : i32
    %dma_start3A_6 = arith.constant 0 : i32
    %dma_start3A_7 = arith.constant 0 : i32
    %dma_start3A_8 = tpu.memref_slice %arg10[%dma_start3A_5, %dma_start3A_6, %dma_start3A_7] : memref<2x128x128xf32, #tpu.memory_space<vmem>> -> memref<1x128x128xf32, #tpu.memory_space<vmem>>
    %dma_start3A_9 = tpu.memref_squeeze %dma_start3A_8 : memref<1x128x128xf32, #tpu.memory_space<vmem>> -> memref<128x128xf32, #tpu.memory_space<vmem>>
    %dma_start3A_10 = arith.constant 0 : i32
    %dma_start3A_11 = tpu.memref_slice %arg8[%dma_start3A, %dma_start3A_4, %dma_start3A_10] : memref<2x8x128xi32, #tpu.memory_space<vmem>> -> memref<1x1x128xi32, #tpu.memory_space<vmem>>
    %dma_start3A_12 = tpu.memref_squeeze %dma_start3A_11 : memref<1x1x128xi32, #tpu.memory_space<vmem>> -> memref<128xi32, #tpu.memory_space<vmem>>
    %dma_start3A_13 = arith.constant 0 : i32
    %dma_start3A_14 = arith.constant 0 : i32
    %dma_start3A_15 = tpu.memref_slice %arg2[%dma_start3A_13, %dma_start3A_14] : memref<20000x128xf32, #tpu.memory_space<hbm>> -> memref<20000x128xf32, #tpu.memory_space<hbm>>
    tpu.enqueue_indirect_dma source(%dma_start3A_15 : memref<20000x128xf32, #tpu.memory_space<hbm>>) target(%dma_start3A_9 : memref<128x128xf32, #tpu.memory_space<vmem>>) offsets(%dma_start3A_12 : memref<128xi32, #tpu.memory_space<vmem>>) semaphore(%arg11 : memref<!tpu.dma_semaphore, #tpu.memory_space<semaphore_mem>>)
    %mul3A = arith.constant 632 : i32
    %mul3A_16 = arith.muli %arg1, %mul3A : i32
    %mul3A_17 = arith.constant 632 : i32
    %mul3A_18 = arith.muli %arg1, %mul3A_17 : i32
    "tpu.region"() ({
      %run_scoped3A_29 = tpu.sem_alloc : memref<!tpu.dma_semaphore, #tpu.memory_space<semaphore_mem>>
      %dma_start3A_30 = arith.constant 0 : i32
      %dma_start3A_31 = tpu.memref_slice %arg7[%mul3A_18, %dma_start3A_30] : memref<10112x128xf32, #tpu.memory_space<vmem_shared>> -> memref<632x128xf32, #tpu.memory_space<vmem_shared>>
      %dma_start3A_32 = arith.constant 0 : i32
      %dma_start3A_33 = tpu.memref_slice %arg5[%mul3A_16, %dma_start3A_32] : memref<10112x128xf32, #tpu.memory_space<hbm>> -> memref<632x128xf32, #tpu.memory_space<hbm>>
      tpu.enqueue_dma source(%dma_start3A_33 : memref<632x128xf32, #tpu.memory_space<hbm>>) target(%dma_start3A_31 : memref<632x128xf32, #tpu.memory_space<vmem_shared>>) target_semaphore(%run_scoped3A_29 : memref<!tpu.dma_semaphore, #tpu.memory_space<semaphore_mem>>)
      %dma_wait3A = arith.constant 0 : i32
      %dma_wait3A_34 = tpu.memref_slice %arg7[%mul3A_18, %dma_wait3A] : memref<10112x128xf32, #tpu.memory_space<vmem_shared>> -> memref<632x128xf32, #tpu.memory_space<vmem_shared>>
      %dma_wait3A_35 = arith.constant 0 : i32
      %dma_wait3A_36 = tpu.memref_slice %arg5[%mul3A_16, %dma_wait3A_35] : memref<10112x128xf32, #tpu.memory_space<hbm>> -> memref<632x128xf32, #tpu.memory_space<hbm>>
      tpu.wait_dma2 semaphore(%run_scoped3A_29 : memref<!tpu.dma_semaphore, #tpu.memory_space<semaphore_mem>>) src(%dma_wait3A_36 : memref<632x128xf32, #tpu.memory_space<hbm>>) dst(%dma_wait3A_34 : memref<632x128xf32, #tpu.memory_space<vmem_shared>>)
      tpu.yield
    }) : () -> ()
    %barrier3A = arith.constant 0 : index
    tpu.barrier barrier_id(%barrier3A)
    %scan3A = arith.constant 0 : i32
    %scan3A_19 = arith.constant 0 : i32
    %scan3A_20 = arith.constant 10 : i32
    %scan3A_21 = arith.addi %scan3A_19, %scan3A_20 : i32
    %scan3A_22 = arith.constant 1 : i32
    scf.for %scan3A_29 = %scan3A_19 to %scan3A_21 step %scan3A_22  : i32 {
      %rem3A = arith.constant 2 : i32
      %rem3A_30 = arith.remsi %scan3A_29, %rem3A : i32
      %add3A = arith.constant 1 : i32
      %add3A_31 = arith.addi %scan3A_29, %add3A : i32
      %rem3A_32 = arith.constant 2 : i32
      %rem3A_33 = arith.remsi %add3A_31, %rem3A_32 : i32
      %add3A_34 = arith.constant 1 : i32
      %add3A_35 = arith.addi %scan3A_29, %add3A_34 : i32
      %lt3A = arith.constant 10 : i32
      %lt3A_36 = arith.cmpi slt, %add3A_35, %lt3A : i32
      %convert_element_type3A = arith.extui %lt3A_36 : i1 to i32
      %cond3A = arith.constant 0 : i32
      %cond3A_37 = arith.cmpi ne, %convert_element_type3A, %cond3A : i32
      scf.if %cond3A_37 {
        %add3A_240 = arith.constant 1 : i32
        %add3A_241 = arith.addi %scan3A_29, %add3A_240 : i32
        %mul3A_242 = arith.constant 8 : i32
        %mul3A_243 = arith.muli %add3A_241, %mul3A_242 : i32
        %multiple_of3A_244 = tpu.assume_multiple %mul3A_243, 8 : i32
        %dma_start3A_245 = arith.constant 0 : i32
        %dma_start3A_246 = arith.constant 0 : i32
        %dma_start3A_247 = tpu.memref_slice %arg8[%rem3A_33, %dma_start3A_245, %dma_start3A_246] : memref<2x8x128xi32, #tpu.memory_space<vmem>> -> memref<1x8x128xi32, #tpu.memory_space<vmem>>
        %dma_start3A_248 = tpu.memref_squeeze %dma_start3A_247 : memref<1x8x128xi32, #tpu.memory_space<vmem>> -> memref<8x128xi32, #tpu.memory_space<vmem>>
        %dma_start3A_249 = arith.constant 0 : i32
        %dma_start3A_250 = tpu.memref_slice %arg3[%arg0, %arg1, %multiple_of3A_244, %dma_start3A_249] : memref<2x16x80x128xi32, #tpu.memory_space<hbm>> -> memref<1x1x8x128xi32, #tpu.memory_space<hbm>>
        %dma_start3A_251 = tpu.memref_squeeze %dma_start3A_250 : memref<1x1x8x128xi32, #tpu.memory_space<hbm>> -> memref<8x128xi32, #tpu.memory_space<hbm>>
        %dma_start3A_252 = arith.constant 0 : i32
        %dma_start3A_253 = arith.constant 0 : i32
        %dma_start3A_254 = tpu.memref_slice %arg8[%rem3A_33, %dma_start3A_252, %dma_start3A_253] : memref<2x8x128xi32, #tpu.memory_space<vmem>> -> memref<1x8x128xi32, #tpu.memory_space<vmem>>
        %dma_start3A_255 = tpu.memref_squeeze %dma_start3A_254 : memref<1x8x128xi32, #tpu.memory_space<vmem>> -> memref<8x128xi32, #tpu.memory_space<vmem>>
        %dma_start3A_256 = arith.constant 0 : i32
        %dma_start3A_257 = tpu.memref_slice %arg3[%arg0, %arg1, %multiple_of3A_244, %dma_start3A_256] : memref<2x16x80x128xi32, #tpu.memory_space<hbm>> -> memref<1x1x8x128xi32, #tpu.memory_space<hbm>>
        %dma_start3A_258 = tpu.memref_squeeze %dma_start3A_257 : memref<1x1x8x128xi32, #tpu.memory_space<hbm>> -> memref<8x128xi32, #tpu.memory_space<hbm>>
        tpu.enqueue_dma source(%dma_start3A_258 : memref<8x128xi32, #tpu.memory_space<hbm>>) target(%dma_start3A_255 : memref<8x128xi32, #tpu.memory_space<vmem>>) target_semaphore(%arg12 : memref<!tpu.dma_semaphore, #tpu.memory_space<semaphore_mem>>)
        %add3A_259 = arith.constant 1 : i32
        %add3A_260 = arith.addi %scan3A_29, %add3A_259 : i32
        %mul3A_261 = arith.constant 8 : i32
        %mul3A_262 = arith.muli %add3A_260, %mul3A_261 : i32
        %multiple_of3A_263 = tpu.assume_multiple %mul3A_262, 8 : i32
        %dma_start3A_264 = arith.constant 0 : i32
        %dma_start3A_265 = arith.constant 0 : i32
        %dma_start3A_266 = tpu.memref_slice %arg9[%rem3A_33, %dma_start3A_264, %dma_start3A_265] : memref<2x8x128xi32, #tpu.memory_space<vmem>> -> memref<1x8x128xi32, #tpu.memory_space<vmem>>
        %dma_start3A_267 = tpu.memref_squeeze %dma_start3A_266 : memref<1x8x128xi32, #tpu.memory_space<vmem>> -> memref<8x128xi32, #tpu.memory_space<vmem>>
        %dma_start3A_268 = arith.constant 0 : i32
        %dma_start3A_269 = tpu.memref_slice %arg4[%arg1, %multiple_of3A_263, %dma_start3A_268] : memref<16x80x128xi32, #tpu.memory_space<hbm>> -> memref<1x8x128xi32, #tpu.memory_space<hbm>>
        %dma_start3A_270 = tpu.memref_squeeze %dma_start3A_269 : memref<1x8x128xi32, #tpu.memory_space<hbm>> -> memref<8x128xi32, #tpu.memory_space<hbm>>
        %dma_start3A_271 = arith.constant 0 : i32
        %dma_start3A_272 = arith.constant 0 : i32
        %dma_start3A_273 = tpu.memref_slice %arg9[%rem3A_33, %dma_start3A_271, %dma_start3A_272] : memref<2x8x128xi32, #tpu.memory_space<vmem>> -> memref<1x8x128xi32, #tpu.memory_space<vmem>>
        %dma_start3A_274 = tpu.memref_squeeze %dma_start3A_273 : memref<1x8x128xi32, #tpu.memory_space<vmem>> -> memref<8x128xi32, #tpu.memory_space<vmem>>
        %dma_start3A_275 = arith.constant 0 : i32
        %dma_start3A_276 = tpu.memref_slice %arg4[%arg1, %multiple_of3A_263, %dma_start3A_275] : memref<16x80x128xi32, #tpu.memory_space<hbm>> -> memref<1x8x128xi32, #tpu.memory_space<hbm>>
        %dma_start3A_277 = tpu.memref_squeeze %dma_start3A_276 : memref<1x8x128xi32, #tpu.memory_space<hbm>> -> memref<8x128xi32, #tpu.memory_space<hbm>>
        tpu.enqueue_dma source(%dma_start3A_277 : memref<8x128xi32, #tpu.memory_space<hbm>>) target(%dma_start3A_274 : memref<8x128xi32, #tpu.memory_space<vmem>>) target_semaphore(%arg12 : memref<!tpu.dma_semaphore, #tpu.memory_space<semaphore_mem>>)
      } else {
      }
      %dma_start3A_38 = arith.constant 1 : i32
      %dma_start3A_39 = arith.constant 1 : i32
      %dma_start3A_40 = arith.constant 0 : i32
      %dma_start3A_41 = arith.constant 0 : i32
      %dma_start3A_42 = tpu.memref_slice %arg10[%dma_start3A_39, %dma_start3A_40, %dma_start3A_41] : memref<2x128x128xf32, #tpu.memory_space<vmem>> -> memref<1x128x128xf32, #tpu.memory_space<vmem>>
      %dma_start3A_43 = tpu.memref_squeeze %dma_start3A_42 : memref<1x128x128xf32, #tpu.memory_space<vmem>> -> memref<128x128xf32, #tpu.memory_space<vmem>>
      %dma_start3A_44 = arith.constant 0 : i32
      %dma_start3A_45 = tpu.memref_slice %arg8[%rem3A_30, %dma_start3A_38, %dma_start3A_44] : memref<2x8x128xi32, #tpu.memory_space<vmem>> -> memref<1x1x128xi32, #tpu.memory_space<vmem>>
      %dma_start3A_46 = tpu.memref_squeeze %dma_start3A_45 : memref<1x1x128xi32, #tpu.memory_space<vmem>> -> memref<128xi32, #tpu.memory_space<vmem>>
      %dma_start3A_47 = arith.constant 0 : i32
      %dma_start3A_48 = arith.constant 0 : i32
      %dma_start3A_49 = tpu.memref_slice %arg2[%dma_start3A_47, %dma_start3A_48] : memref<20000x128xf32, #tpu.memory_space<hbm>> -> memref<20000x128xf32, #tpu.memory_space<hbm>>
      tpu.enqueue_indirect_dma source(%dma_start3A_49 : memref<20000x128xf32, #tpu.memory_space<hbm>>) target(%dma_start3A_43 : memref<128x128xf32, #tpu.memory_space<vmem>>) offsets(%dma_start3A_46 : memref<128xi32, #tpu.memory_space<vmem>>) semaphore(%arg11 : memref<!tpu.dma_semaphore, #tpu.memory_space<semaphore_mem>>)
      %dma_wait3A = arith.constant 0 : i32
      %dma_wait3A_50 = arith.constant 0 : i32
      %dma_wait3A_51 = arith.constant 0 : i32
      %dma_wait3A_52 = arith.constant 0 : i32
      %dma_wait3A_53 = tpu.memref_slice %arg10[%dma_wait3A_50, %dma_wait3A_51, %dma_wait3A_52] : memref<2x128x128xf32, #tpu.memory_space<vmem>> -> memref<1x128x128xf32, #tpu.memory_space<vmem>>
      %dma_wait3A_54 = tpu.memref_squeeze %dma_wait3A_53 : memref<1x128x128xf32, #tpu.memory_space<vmem>> -> memref<128x128xf32, #tpu.memory_space<vmem>>
      %dma_wait3A_55 = arith.constant 0 : i32
      %dma_wait3A_56 = tpu.memref_slice %arg8[%rem3A_30, %dma_wait3A, %dma_wait3A_55] : memref<2x8x128xi32, #tpu.memory_space<vmem>> -> memref<1x1x128xi32, #tpu.memory_space<vmem>>
      %dma_wait3A_57 = tpu.memref_squeeze %dma_wait3A_56 : memref<1x1x128xi32, #tpu.memory_space<vmem>> -> memref<128xi32, #tpu.memory_space<vmem>>
      %dma_wait3A_58 = arith.constant 0 : i32
      %dma_wait3A_59 = arith.constant 0 : i32
      %dma_wait3A_60 = tpu.memref_slice %arg2[%dma_wait3A_58, %dma_wait3A_59] : memref<20000x128xf32, #tpu.memory_space<hbm>> -> memref<20000x128xf32, #tpu.memory_space<hbm>>
      tpu.wait_indirect_dma semaphore(%arg11 : memref<!tpu.dma_semaphore, #tpu.memory_space<semaphore_mem>>) src(%dma_wait3A_60 : memref<20000x128xf32, #tpu.memory_space<hbm>>) dst(%dma_wait3A_54 : memref<128x128xf32, #tpu.memory_space<vmem>>)
      %run_scoped3A_61 = arith.constant 0 : i32
      %run_scoped3A_62 = arith.constant 0 : i32
      "tpu.region"() ({
        %run_scoped3A_240 = tpu.sem_alloc : memref<!tpu.dma_semaphore, #tpu.memory_space<semaphore_mem>>
        %dma_start3A_241 = arith.constant 0 : i32
        %dma_start3A_242 = arith.constant 0 : i32
        %dma_start3A_243 = tpu.memref_slice %arg10[%run_scoped3A_61, %dma_start3A_241, %dma_start3A_242] : memref<2x128x128xf32, #tpu.memory_space<vmem>> -> memref<1x128x128xf32, #tpu.memory_space<vmem>>
        %dma_start3A_244 = tpu.memref_squeeze %dma_start3A_243 : memref<1x128x128xf32, #tpu.memory_space<vmem>> -> memref<128x128xf32, #tpu.memory_space<vmem>>
        %dma_start3A_245 = arith.constant 0 : i32
        %dma_start3A_246 = tpu.memref_slice %arg9[%rem3A_30, %run_scoped3A_62, %dma_start3A_245] : memref<2x8x128xi32, #tpu.memory_space<vmem>> -> memref<1x1x128xi32, #tpu.memory_space<vmem>>
        %dma_start3A_247 = tpu.memref_squeeze %dma_start3A_246 : memref<1x1x128xi32, #tpu.memory_space<vmem>> -> memref<128xi32, #tpu.memory_space<vmem>>
        %dma_start3A_248 = arith.constant 0 : i32
        %dma_start3A_249 = arith.constant 0 : i32
        %dma_start3A_250 = tpu.memref_slice %arg7[%dma_start3A_248, %dma_start3A_249] : memref<10112x128xf32, #tpu.memory_space<vmem_shared>> -> memref<10112x128xf32, #tpu.memory_space<vmem_shared>>
        tpu.enqueue_indirect_dma source(%dma_start3A_244 : memref<128x128xf32, #tpu.memory_space<vmem>>) target(%dma_start3A_250 : memref<10112x128xf32, #tpu.memory_space<vmem_shared>>) offsets(%dma_start3A_247 : memref<128xi32, #tpu.memory_space<vmem>>) semaphore(%run_scoped3A_240 : memref<!tpu.dma_semaphore, #tpu.memory_space<semaphore_mem>>) {add = true}
        %dma_wait3A_251 = arith.constant 0 : i32
        %dma_wait3A_252 = arith.constant 0 : i32
        %dma_wait3A_253 = tpu.memref_slice %arg10[%run_scoped3A_61, %dma_wait3A_251, %dma_wait3A_252] : memref<2x128x128xf32, #tpu.memory_space<vmem>> -> memref<1x128x128xf32, #tpu.memory_space<vmem>>
        %dma_wait3A_254 = tpu.memref_squeeze %dma_wait3A_253 : memref<1x128x128xf32, #tpu.memory_space<vmem>> -> memref<128x128xf32, #tpu.memory_space<vmem>>
        %dma_wait3A_255 = arith.constant 0 : i32
        %dma_wait3A_256 = tpu.memref_slice %arg9[%rem3A_30, %run_scoped3A_62, %dma_wait3A_255] : memref<2x8x128xi32, #tpu.memory_space<vmem>> -> memref<1x1x128xi32, #tpu.memory_space<vmem>>
        %dma_wait3A_257 = tpu.memref_squeeze %dma_wait3A_256 : memref<1x1x128xi32, #tpu.memory_space<vmem>> -> memref<128xi32, #tpu.memory_space<vmem>>
        %dma_wait3A_258 = arith.constant 0 : i32
        %dma_wait3A_259 = arith.constant 0 : i32
        %dma_wait3A_260 = tpu.memref_slice %arg7[%dma_wait3A_258, %dma_wait3A_259] : memref<10112x128xf32, #tpu.memory_space<vmem_shared>> -> memref<10112x128xf32, #tpu.memory_space<vmem_shared>>
        tpu.wait_indirect_dma semaphore(%run_scoped3A_240 : memref<!tpu.dma_semaphore, #tpu.memory_space<semaphore_mem>>) src(%dma_wait3A_254 : memref<128x128xf32, #tpu.memory_space<vmem>>) dst(%dma_wait3A_260 : memref<10112x128xf32, #tpu.memory_space<vmem_shared>>)
        tpu.yield
      }) : () -> ()
      %dma_start3A_63 = arith.constant 2 : i32
      %dma_start3A_64 = arith.constant 0 : i32
      %dma_start3A_65 = arith.constant 0 : i32
      %dma_start3A_66 = arith.constant 0 : i32
      %dma_start3A_67 = tpu.memref_slice %arg10[%dma_start3A_64, %dma_start3A_65, %dma_start3A_66] : memref<2x128x128xf32, #tpu.memory_space<vmem>> -> memref<1x128x128xf32, #tpu.memory_space<vmem>>
      %dma_start3A_68 = tpu.memref_squeeze %dma_start3A_67 : memref<1x128x128xf32, #tpu.memory_space<vmem>> -> memref<128x128xf32, #tpu.memory_space<vmem>>
      %dma_start3A_69 = arith.constant 0 : i32
      %dma_start3A_70 = tpu.memref_slice %arg8[%rem3A_30, %dma_start3A_63, %dma_start3A_69] : memref<2x8x128xi32, #tpu.memory_space<vmem>> -> memref<1x1x128xi32, #tpu.memory_space<vmem>>
      %dma_start3A_71 = tpu.memref_squeeze %dma_start3A_70 : memref<1x1x128xi32, #tpu.memory_space<vmem>> -> memref<128xi32, #tpu.memory_space<vmem>>
      %dma_start3A_72 = arith.constant 0 : i32
      %dma_start3A_73 = arith.constant 0 : i32
      %dma_start3A_74 = tpu.memref_slice %arg2[%dma_start3A_72, %dma_start3A_73] : memref<20000x128xf32, #tpu.memory_space<hbm>> -> memref<20000x128xf32, #tpu.memory_space<hbm>>
      tpu.enqueue_indirect_dma source(%dma_start3A_74 : memref<20000x128xf32, #tpu.memory_space<hbm>>) target(%dma_start3A_68 : memref<128x128xf32, #tpu.memory_space<vmem>>) offsets(%dma_start3A_71 : memref<128xi32, #tpu.memory_space<vmem>>) semaphore(%arg11 : memref<!tpu.dma_semaphore, #tpu.memory_space<semaphore_mem>>)
      %dma_wait3A_75 = arith.constant 1 : i32
      %dma_wait3A_76 = arith.constant 1 : i32
      %dma_wait3A_77 = arith.constant 0 : i32
      %dma_wait3A_78 = arith.constant 0 : i32
      %dma_wait3A_79 = tpu.memref_slice %arg10[%dma_wait3A_76, %dma_wait3A_77, %dma_wait3A_78] : memref<2x128x128xf32, #tpu.memory_space<vmem>> -> memref<1x128x128xf32, #tpu.memory_space<vmem>>
      %dma_wait3A_80 = tpu.memref_squeeze %dma_wait3A_79 : memref<1x128x128xf32, #tpu.memory_space<vmem>> -> memref<128x128xf32, #tpu.memory_space<vmem>>
      %dma_wait3A_81 = arith.constant 0 : i32
      %dma_wait3A_82 = tpu.memref_slice %arg8[%rem3A_30, %dma_wait3A_75, %dma_wait3A_81] : memref<2x8x128xi32, #tpu.memory_space<vmem>> -> memref<1x1x128xi32, #tpu.memory_space<vmem>>
      %dma_wait3A_83 = tpu.memref_squeeze %dma_wait3A_82 : memref<1x1x128xi32, #tpu.memory_space<vmem>> -> memref<128xi32, #tpu.memory_space<vmem>>
      %dma_wait3A_84 = arith.constant 0 : i32
      %dma_wait3A_85 = arith.constant 0 : i32
      %dma_wait3A_86 = tpu.memref_slice %arg2[%dma_wait3A_84, %dma_wait3A_85] : memref<20000x128xf32, #tpu.memory_space<hbm>> -> memref<20000x128xf32, #tpu.memory_space<hbm>>
      tpu.wait_indirect_dma semaphore(%arg11 : memref<!tpu.dma_semaphore, #tpu.memory_space<semaphore_mem>>) src(%dma_wait3A_86 : memref<20000x128xf32, #tpu.memory_space<hbm>>) dst(%dma_wait3A_80 : memref<128x128xf32, #tpu.memory_space<vmem>>)
      %run_scoped3A_87 = arith.constant 1 : i32
      %run_scoped3A_88 = arith.constant 1 : i32
      "tpu.region"() ({
        %run_scoped3A_240 = tpu.sem_alloc : memref<!tpu.dma_semaphore, #tpu.memory_space<semaphore_mem>>
        %dma_start3A_241 = arith.constant 0 : i32
        %dma_start3A_242 = arith.constant 0 : i32
        %dma_start3A_243 = tpu.memref_slice %arg10[%run_scoped3A_87, %dma_start3A_241, %dma_start3A_242] : memref<2x128x128xf32, #tpu.memory_space<vmem>> -> memref<1x128x128xf32, #tpu.memory_space<vmem>>
        %dma_start3A_244 = tpu.memref_squeeze %dma_start3A_243 : memref<1x128x128xf32, #tpu.memory_space<vmem>> -> memref<128x128xf32, #tpu.memory_space<vmem>>
        %dma_start3A_245 = arith.constant 0 : i32
        %dma_start3A_246 = tpu.memref_slice %arg9[%rem3A_30, %run_scoped3A_88, %dma_start3A_245] : memref<2x8x128xi32, #tpu.memory_space<vmem>> -> memref<1x1x128xi32, #tpu.memory_space<vmem>>
        %dma_start3A_247 = tpu.memref_squeeze %dma_start3A_246 : memref<1x1x128xi32, #tpu.memory_space<vmem>> -> memref<128xi32, #tpu.memory_space<vmem>>
        %dma_start3A_248 = arith.constant 0 : i32
        %dma_start3A_249 = arith.constant 0 : i32
        %dma_start3A_250 = tpu.memref_slice %arg7[%dma_start3A_248, %dma_start3A_249] : memref<10112x128xf32, #tpu.memory_space<vmem_shared>> -> memref<10112x128xf32, #tpu.memory_space<vmem_shared>>
        tpu.enqueue_indirect_dma source(%dma_start3A_244 : memref<128x128xf32, #tpu.memory_space<vmem>>) target(%dma_start3A_250 : memref<10112x128xf32, #tpu.memory_space<vmem_shared>>) offsets(%dma_start3A_247 : memref<128xi32, #tpu.memory_space<vmem>>) semaphore(%run_scoped3A_240 : memref<!tpu.dma_semaphore, #tpu.memory_space<semaphore_mem>>) {add = true}
        %dma_wait3A_251 = arith.constant 0 : i32
        %dma_wait3A_252 = arith.constant 0 : i32
        %dma_wait3A_253 = tpu.memref_slice %arg10[%run_scoped3A_87, %dma_wait3A_251, %dma_wait3A_252] : memref<2x128x128xf32, #tpu.memory_space<vmem>> -> memref<1x128x128xf32, #tpu.memory_space<vmem>>
        %dma_wait3A_254 = tpu.memref_squeeze %dma_wait3A_253 : memref<1x128x128xf32, #tpu.memory_space<vmem>> -> memref<128x128xf32, #tpu.memory_space<vmem>>
        %dma_wait3A_255 = arith.constant 0 : i32
        %dma_wait3A_256 = tpu.memref_slice %arg9[%rem3A_30, %run_scoped3A_88, %dma_wait3A_255] : memref<2x8x128xi32, #tpu.memory_space<vmem>> -> memref<1x1x128xi32, #tpu.memory_space<vmem>>
        %dma_wait3A_257 = tpu.memref_squeeze %dma_wait3A_256 : memref<1x1x128xi32, #tpu.memory_space<vmem>> -> memref<128xi32, #tpu.memory_space<vmem>>
        %dma_wait3A_258 = arith.constant 0 : i32
        %dma_wait3A_259 = arith.constant 0 : i32
        %dma_wait3A_260 = tpu.memref_slice %arg7[%dma_wait3A_258, %dma_wait3A_259] : memref<10112x128xf32, #tpu.memory_space<vmem_shared>> -> memref<10112x128xf32, #tpu.memory_space<vmem_shared>>
        tpu.wait_indirect_dma semaphore(%run_scoped3A_240 : memref<!tpu.dma_semaphore, #tpu.memory_space<semaphore_mem>>) src(%dma_wait3A_254 : memref<128x128xf32, #tpu.memory_space<vmem>>) dst(%dma_wait3A_260 : memref<10112x128xf32, #tpu.memory_space<vmem_shared>>)
        tpu.yield
      }) : () -> ()
      %dma_start3A_89 = arith.constant 3 : i32
      %dma_start3A_90 = arith.constant 1 : i32
      %dma_start3A_91 = arith.constant 0 : i32
      %dma_start3A_92 = arith.constant 0 : i32
      %dma_start3A_93 = tpu.memref_slice %arg10[%dma_start3A_90, %dma_start3A_91, %dma_start3A_92] : memref<2x128x128xf32, #tpu.memory_space<vmem>> -> memref<1x128x128xf32, #tpu.memory_space<vmem>>
      %dma_start3A_94 = tpu.memref_squeeze %dma_start3A_93 : memref<1x128x128xf32, #tpu.memory_space<vmem>> -> memref<128x128xf32, #tpu.memory_space<vmem>>
      %dma_start3A_95 = arith.constant 0 : i32
      %dma_start3A_96 = tpu.memref_slice %arg8[%rem3A_30, %dma_start3A_89, %dma_start3A_95] : memref<2x8x128xi32, #tpu.memory_space<vmem>> -> memref<1x1x128xi32, #tpu.memory_space<vmem>>
      %dma_start3A_97 = tpu.memref_squeeze %dma_start3A_96 : memref<1x1x128xi32, #tpu.memory_space<vmem>> -> memref<128xi32, #tpu.memory_space<vmem>>
      %dma_start3A_98 = arith.constant 0 : i32
      %dma_start3A_99 = arith.constant 0 : i32
      %dma_start3A_100 = tpu.memref_slice %arg2[%dma_start3A_98, %dma_start3A_99] : memref<20000x128xf32, #tpu.memory_space<hbm>> -> memref<20000x128xf32, #tpu.memory_space<hbm>>
      tpu.enqueue_indirect_dma source(%dma_start3A_100 : memref<20000x128xf32, #tpu.memory_space<hbm>>) target(%dma_start3A_94 : memref<128x128xf32, #tpu.memory_space<vmem>>) offsets(%dma_start3A_97 : memref<128xi32, #tpu.memory_space<vmem>>) semaphore(%arg11 : memref<!tpu.dma_semaphore, #tpu.memory_space<semaphore_mem>>)
      %dma_wait3A_101 = arith.constant 2 : i32
      %dma_wait3A_102 = arith.constant 0 : i32
      %dma_wait3A_103 = arith.constant 0 : i32
      %dma_wait3A_104 = arith.constant 0 : i32
      %dma_wait3A_105 = tpu.memref_slice %arg10[%dma_wait3A_102, %dma_wait3A_103, %dma_wait3A_104] : memref<2x128x128xf32, #tpu.memory_space<vmem>> -> memref<1x128x128xf32, #tpu.memory_space<vmem>>
      %dma_wait3A_106 = tpu.memref_squeeze %dma_wait3A_105 : memref<1x128x128xf32, #tpu.memory_space<vmem>> -> memref<128x128xf32, #tpu.memory_space<vmem>>
      %dma_wait3A_107 = arith.constant 0 : i32
      %dma_wait3A_108 = tpu.memref_slice %arg8[%rem3A_30, %dma_wait3A_101, %dma_wait3A_107] : memref<2x8x128xi32, #tpu.memory_space<vmem>> -> memref<1x1x128xi32, #tpu.memory_space<vmem>>
      %dma_wait3A_109 = tpu.memref_squeeze %dma_wait3A_108 : memref<1x1x128xi32, #tpu.memory_space<vmem>> -> memref<128xi32, #tpu.memory_space<vmem>>
      %dma_wait3A_110 = arith.constant 0 : i32
      %dma_wait3A_111 = arith.constant 0 : i32
      %dma_wait3A_112 = tpu.memref_slice %arg2[%dma_wait3A_110, %dma_wait3A_111] : memref<20000x128xf32, #tpu.memory_space<hbm>> -> memref<20000x128xf32, #tpu.memory_space<hbm>>
      tpu.wait_indirect_dma semaphore(%arg11 : memref<!tpu.dma_semaphore, #tpu.memory_space<semaphore_mem>>) src(%dma_wait3A_112 : memref<20000x128xf32, #tpu.memory_space<hbm>>) dst(%dma_wait3A_106 : memref<128x128xf32, #tpu.memory_space<vmem>>)
      %run_scoped3A_113 = arith.constant 0 : i32
      %run_scoped3A_114 = arith.constant 2 : i32
      "tpu.region"() ({
        %run_scoped3A_240 = tpu.sem_alloc : memref<!tpu.dma_semaphore, #tpu.memory_space<semaphore_mem>>
        %dma_start3A_241 = arith.constant 0 : i32
        %dma_start3A_242 = arith.constant 0 : i32
        %dma_start3A_243 = tpu.memref_slice %arg10[%run_scoped3A_113, %dma_start3A_241, %dma_start3A_242] : memref<2x128x128xf32, #tpu.memory_space<vmem>> -> memref<1x128x128xf32, #tpu.memory_space<vmem>>
        %dma_start3A_244 = tpu.memref_squeeze %dma_start3A_243 : memref<1x128x128xf32, #tpu.memory_space<vmem>> -> memref<128x128xf32, #tpu.memory_space<vmem>>
        %dma_start3A_245 = arith.constant 0 : i32
        %dma_start3A_246 = tpu.memref_slice %arg9[%rem3A_30, %run_scoped3A_114, %dma_start3A_245] : memref<2x8x128xi32, #tpu.memory_space<vmem>> -> memref<1x1x128xi32, #tpu.memory_space<vmem>>
        %dma_start3A_247 = tpu.memref_squeeze %dma_start3A_246 : memref<1x1x128xi32, #tpu.memory_space<vmem>> -> memref<128xi32, #tpu.memory_space<vmem>>
        %dma_start3A_248 = arith.constant 0 : i32
        %dma_start3A_249 = arith.constant 0 : i32
        %dma_start3A_250 = tpu.memref_slice %arg7[%dma_start3A_248, %dma_start3A_249] : memref<10112x128xf32, #tpu.memory_space<vmem_shared>> -> memref<10112x128xf32, #tpu.memory_space<vmem_shared>>
        tpu.enqueue_indirect_dma source(%dma_start3A_244 : memref<128x128xf32, #tpu.memory_space<vmem>>) target(%dma_start3A_250 : memref<10112x128xf32, #tpu.memory_space<vmem_shared>>) offsets(%dma_start3A_247 : memref<128xi32, #tpu.memory_space<vmem>>) semaphore(%run_scoped3A_240 : memref<!tpu.dma_semaphore, #tpu.memory_space<semaphore_mem>>) {add = true}
        %dma_wait3A_251 = arith.constant 0 : i32
        %dma_wait3A_252 = arith.constant 0 : i32
        %dma_wait3A_253 = tpu.memref_slice %arg10[%run_scoped3A_113, %dma_wait3A_251, %dma_wait3A_252] : memref<2x128x128xf32, #tpu.memory_space<vmem>> -> memref<1x128x128xf32, #tpu.memory_space<vmem>>
        %dma_wait3A_254 = tpu.memref_squeeze %dma_wait3A_253 : memref<1x128x128xf32, #tpu.memory_space<vmem>> -> memref<128x128xf32, #tpu.memory_space<vmem>>
        %dma_wait3A_255 = arith.constant 0 : i32
        %dma_wait3A_256 = tpu.memref_slice %arg9[%rem3A_30, %run_scoped3A_114, %dma_wait3A_255] : memref<2x8x128xi32, #tpu.memory_space<vmem>> -> memref<1x1x128xi32, #tpu.memory_space<vmem>>
        %dma_wait3A_257 = tpu.memref_squeeze %dma_wait3A_256 : memref<1x1x128xi32, #tpu.memory_space<vmem>> -> memref<128xi32, #tpu.memory_space<vmem>>
        %dma_wait3A_258 = arith.constant 0 : i32
        %dma_wait3A_259 = arith.constant 0 : i32
        %dma_wait3A_260 = tpu.memref_slice %arg7[%dma_wait3A_258, %dma_wait3A_259] : memref<10112x128xf32, #tpu.memory_space<vmem_shared>> -> memref<10112x128xf32, #tpu.memory_space<vmem_shared>>
        tpu.wait_indirect_dma semaphore(%run_scoped3A_240 : memref<!tpu.dma_semaphore, #tpu.memory_space<semaphore_mem>>) src(%dma_wait3A_254 : memref<128x128xf32, #tpu.memory_space<vmem>>) dst(%dma_wait3A_260 : memref<10112x128xf32, #tpu.memory_space<vmem_shared>>)
        tpu.yield
      }) : () -> ()
      %dma_start3A_115 = arith.constant 4 : i32
      %dma_start3A_116 = arith.constant 0 : i32
      %dma_start3A_117 = arith.constant 0 : i32
      %dma_start3A_118 = arith.constant 0 : i32
      %dma_start3A_119 = tpu.memref_slice %arg10[%dma_start3A_116, %dma_start3A_117, %dma_start3A_118] : memref<2x128x128xf32, #tpu.memory_space<vmem>> -> memref<1x128x128xf32, #tpu.memory_space<vmem>>
      %dma_start3A_120 = tpu.memref_squeeze %dma_start3A_119 : memref<1x128x128xf32, #tpu.memory_space<vmem>> -> memref<128x128xf32, #tpu.memory_space<vmem>>
      %dma_start3A_121 = arith.constant 0 : i32
      %dma_start3A_122 = tpu.memref_slice %arg8[%rem3A_30, %dma_start3A_115, %dma_start3A_121] : memref<2x8x128xi32, #tpu.memory_space<vmem>> -> memref<1x1x128xi32, #tpu.memory_space<vmem>>
      %dma_start3A_123 = tpu.memref_squeeze %dma_start3A_122 : memref<1x1x128xi32, #tpu.memory_space<vmem>> -> memref<128xi32, #tpu.memory_space<vmem>>
      %dma_start3A_124 = arith.constant 0 : i32
      %dma_start3A_125 = arith.constant 0 : i32
      %dma_start3A_126 = tpu.memref_slice %arg2[%dma_start3A_124, %dma_start3A_125] : memref<20000x128xf32, #tpu.memory_space<hbm>> -> memref<20000x128xf32, #tpu.memory_space<hbm>>
      tpu.enqueue_indirect_dma source(%dma_start3A_126 : memref<20000x128xf32, #tpu.memory_space<hbm>>) target(%dma_start3A_120 : memref<128x128xf32, #tpu.memory_space<vmem>>) offsets(%dma_start3A_123 : memref<128xi32, #tpu.memory_space<vmem>>) semaphore(%arg11 : memref<!tpu.dma_semaphore, #tpu.memory_space<semaphore_mem>>)
      %dma_wait3A_127 = arith.constant 3 : i32
      %dma_wait3A_128 = arith.constant 1 : i32
      %dma_wait3A_129 = arith.constant 0 : i32
      %dma_wait3A_130 = arith.constant 0 : i32
      %dma_wait3A_131 = tpu.memref_slice %arg10[%dma_wait3A_128, %dma_wait3A_129, %dma_wait3A_130] : memref<2x128x128xf32, #tpu.memory_space<vmem>> -> memref<1x128x128xf32, #tpu.memory_space<vmem>>
      %dma_wait3A_132 = tpu.memref_squeeze %dma_wait3A_131 : memref<1x128x128xf32, #tpu.memory_space<vmem>> -> memref<128x128xf32, #tpu.memory_space<vmem>>
      %dma_wait3A_133 = arith.constant 0 : i32
      %dma_wait3A_134 = tpu.memref_slice %arg8[%rem3A_30, %dma_wait3A_127, %dma_wait3A_133] : memref<2x8x128xi32, #tpu.memory_space<vmem>> -> memref<1x1x128xi32, #tpu.memory_space<vmem>>
      %dma_wait3A_135 = tpu.memref_squeeze %dma_wait3A_134 : memref<1x1x128xi32, #tpu.memory_space<vmem>> -> memref<128xi32, #tpu.memory_space<vmem>>
      %dma_wait3A_136 = arith.constant 0 : i32
      %dma_wait3A_137 = arith.constant 0 : i32
      %dma_wait3A_138 = tpu.memref_slice %arg2[%dma_wait3A_136, %dma_wait3A_137] : memref<20000x128xf32, #tpu.memory_space<hbm>> -> memref<20000x128xf32, #tpu.memory_space<hbm>>
      tpu.wait_indirect_dma semaphore(%arg11 : memref<!tpu.dma_semaphore, #tpu.memory_space<semaphore_mem>>) src(%dma_wait3A_138 : memref<20000x128xf32, #tpu.memory_space<hbm>>) dst(%dma_wait3A_132 : memref<128x128xf32, #tpu.memory_space<vmem>>)
      %run_scoped3A_139 = arith.constant 1 : i32
      %run_scoped3A_140 = arith.constant 3 : i32
      "tpu.region"() ({
        %run_scoped3A_240 = tpu.sem_alloc : memref<!tpu.dma_semaphore, #tpu.memory_space<semaphore_mem>>
        %dma_start3A_241 = arith.constant 0 : i32
        %dma_start3A_242 = arith.constant 0 : i32
        %dma_start3A_243 = tpu.memref_slice %arg10[%run_scoped3A_139, %dma_start3A_241, %dma_start3A_242] : memref<2x128x128xf32, #tpu.memory_space<vmem>> -> memref<1x128x128xf32, #tpu.memory_space<vmem>>
        %dma_start3A_244 = tpu.memref_squeeze %dma_start3A_243 : memref<1x128x128xf32, #tpu.memory_space<vmem>> -> memref<128x128xf32, #tpu.memory_space<vmem>>
        %dma_start3A_245 = arith.constant 0 : i32
        %dma_start3A_246 = tpu.memref_slice %arg9[%rem3A_30, %run_scoped3A_140, %dma_start3A_245] : memref<2x8x128xi32, #tpu.memory_space<vmem>> -> memref<1x1x128xi32, #tpu.memory_space<vmem>>
        %dma_start3A_247 = tpu.memref_squeeze %dma_start3A_246 : memref<1x1x128xi32, #tpu.memory_space<vmem>> -> memref<128xi32, #tpu.memory_space<vmem>>
        %dma_start3A_248 = arith.constant 0 : i32
        %dma_start3A_249 = arith.constant 0 : i32
        %dma_start3A_250 = tpu.memref_slice %arg7[%dma_start3A_248, %dma_start3A_249] : memref<10112x128xf32, #tpu.memory_space<vmem_shared>> -> memref<10112x128xf32, #tpu.memory_space<vmem_shared>>
        tpu.enqueue_indirect_dma source(%dma_start3A_244 : memref<128x128xf32, #tpu.memory_space<vmem>>) target(%dma_start3A_250 : memref<10112x128xf32, #tpu.memory_space<vmem_shared>>) offsets(%dma_start3A_247 : memref<128xi32, #tpu.memory_space<vmem>>) semaphore(%run_scoped3A_240 : memref<!tpu.dma_semaphore, #tpu.memory_space<semaphore_mem>>) {add = true}
        %dma_wait3A_251 = arith.constant 0 : i32
        %dma_wait3A_252 = arith.constant 0 : i32
        %dma_wait3A_253 = tpu.memref_slice %arg10[%run_scoped3A_139, %dma_wait3A_251, %dma_wait3A_252] : memref<2x128x128xf32, #tpu.memory_space<vmem>> -> memref<1x128x128xf32, #tpu.memory_space<vmem>>
        %dma_wait3A_254 = tpu.memref_squeeze %dma_wait3A_253 : memref<1x128x128xf32, #tpu.memory_space<vmem>> -> memref<128x128xf32, #tpu.memory_space<vmem>>
        %dma_wait3A_255 = arith.constant 0 : i32
        %dma_wait3A_256 = tpu.memref_slice %arg9[%rem3A_30, %run_scoped3A_140, %dma_wait3A_255] : memref<2x8x128xi32, #tpu.memory_space<vmem>> -> memref<1x1x128xi32, #tpu.memory_space<vmem>>
        %dma_wait3A_257 = tpu.memref_squeeze %dma_wait3A_256 : memref<1x1x128xi32, #tpu.memory_space<vmem>> -> memref<128xi32, #tpu.memory_space<vmem>>
        %dma_wait3A_258 = arith.constant 0 : i32
        %dma_wait3A_259 = arith.constant 0 : i32
        %dma_wait3A_260 = tpu.memref_slice %arg7[%dma_wait3A_258, %dma_wait3A_259] : memref<10112x128xf32, #tpu.memory_space<vmem_shared>> -> memref<10112x128xf32, #tpu.memory_space<vmem_shared>>
        tpu.wait_indirect_dma semaphore(%run_scoped3A_240 : memref<!tpu.dma_semaphore, #tpu.memory_space<semaphore_mem>>) src(%dma_wait3A_254 : memref<128x128xf32, #tpu.memory_space<vmem>>) dst(%dma_wait3A_260 : memref<10112x128xf32, #tpu.memory_space<vmem_shared>>)
        tpu.yield
      }) : () -> ()
      %dma_start3A_141 = arith.constant 5 : i32
      %dma_start3A_142 = arith.constant 1 : i32
      %dma_start3A_143 = arith.constant 0 : i32
      %dma_start3A_144 = arith.constant 0 : i32
      %dma_start3A_145 = tpu.memref_slice %arg10[%dma_start3A_142, %dma_start3A_143, %dma_start3A_144] : memref<2x128x128xf32, #tpu.memory_space<vmem>> -> memref<1x128x128xf32, #tpu.memory_space<vmem>>
      %dma_start3A_146 = tpu.memref_squeeze %dma_start3A_145 : memref<1x128x128xf32, #tpu.memory_space<vmem>> -> memref<128x128xf32, #tpu.memory_space<vmem>>
      %dma_start3A_147 = arith.constant 0 : i32
      %dma_start3A_148 = tpu.memref_slice %arg8[%rem3A_30, %dma_start3A_141, %dma_start3A_147] : memref<2x8x128xi32, #tpu.memory_space<vmem>> -> memref<1x1x128xi32, #tpu.memory_space<vmem>>
      %dma_start3A_149 = tpu.memref_squeeze %dma_start3A_148 : memref<1x1x128xi32, #tpu.memory_space<vmem>> -> memref<128xi32, #tpu.memory_space<vmem>>
      %dma_start3A_150 = arith.constant 0 : i32
      %dma_start3A_151 = arith.constant 0 : i32
      %dma_start3A_152 = tpu.memref_slice %arg2[%dma_start3A_150, %dma_start3A_151] : memref<20000x128xf32, #tpu.memory_space<hbm>> -> memref<20000x128xf32, #tpu.memory_space<hbm>>
      tpu.enqueue_indirect_dma source(%dma_start3A_152 : memref<20000x128xf32, #tpu.memory_space<hbm>>) target(%dma_start3A_146 : memref<128x128xf32, #tpu.memory_space<vmem>>) offsets(%dma_start3A_149 : memref<128xi32, #tpu.memory_space<vmem>>) semaphore(%arg11 : memref<!tpu.dma_semaphore, #tpu.memory_space<semaphore_mem>>)
      %dma_wait3A_153 = arith.constant 4 : i32
      %dma_wait3A_154 = arith.constant 0 : i32
      %dma_wait3A_155 = arith.constant 0 : i32
      %dma_wait3A_156 = arith.constant 0 : i32
      %dma_wait3A_157 = tpu.memref_slice %arg10[%dma_wait3A_154, %dma_wait3A_155, %dma_wait3A_156] : memref<2x128x128xf32, #tpu.memory_space<vmem>> -> memref<1x128x128xf32, #tpu.memory_space<vmem>>
      %dma_wait3A_158 = tpu.memref_squeeze %dma_wait3A_157 : memref<1x128x128xf32, #tpu.memory_space<vmem>> -> memref<128x128xf32, #tpu.memory_space<vmem>>
      %dma_wait3A_159 = arith.constant 0 : i32
      %dma_wait3A_160 = tpu.memref_slice %arg8[%rem3A_30, %dma_wait3A_153, %dma_wait3A_159] : memref<2x8x128xi32, #tpu.memory_space<vmem>> -> memref<1x1x128xi32, #tpu.memory_space<vmem>>
      %dma_wait3A_161 = tpu.memref_squeeze %dma_wait3A_160 : memref<1x1x128xi32, #tpu.memory_space<vmem>> -> memref<128xi32, #tpu.memory_space<vmem>>
      %dma_wait3A_162 = arith.constant 0 : i32
      %dma_wait3A_163 = arith.constant 0 : i32
      %dma_wait3A_164 = tpu.memref_slice %arg2[%dma_wait3A_162, %dma_wait3A_163] : memref<20000x128xf32, #tpu.memory_space<hbm>> -> memref<20000x128xf32, #tpu.memory_space<hbm>>
      tpu.wait_indirect_dma semaphore(%arg11 : memref<!tpu.dma_semaphore, #tpu.memory_space<semaphore_mem>>) src(%dma_wait3A_164 : memref<20000x128xf32, #tpu.memory_space<hbm>>) dst(%dma_wait3A_158 : memref<128x128xf32, #tpu.memory_space<vmem>>)
      %run_scoped3A_165 = arith.constant 0 : i32
      %run_scoped3A_166 = arith.constant 4 : i32
      "tpu.region"() ({
        %run_scoped3A_240 = tpu.sem_alloc : memref<!tpu.dma_semaphore, #tpu.memory_space<semaphore_mem>>
        %dma_start3A_241 = arith.constant 0 : i32
        %dma_start3A_242 = arith.constant 0 : i32
        %dma_start3A_243 = tpu.memref_slice %arg10[%run_scoped3A_165, %dma_start3A_241, %dma_start3A_242] : memref<2x128x128xf32, #tpu.memory_space<vmem>> -> memref<1x128x128xf32, #tpu.memory_space<vmem>>
        %dma_start3A_244 = tpu.memref_squeeze %dma_start3A_243 : memref<1x128x128xf32, #tpu.memory_space<vmem>> -> memref<128x128xf32, #tpu.memory_space<vmem>>
        %dma_start3A_245 = arith.constant 0 : i32
        %dma_start3A_246 = tpu.memref_slice %arg9[%rem3A_30, %run_scoped3A_166, %dma_start3A_245] : memref<2x8x128xi32, #tpu.memory_space<vmem>> -> memref<1x1x128xi32, #tpu.memory_space<vmem>>
        %dma_start3A_247 = tpu.memref_squeeze %dma_start3A_246 : memref<1x1x128xi32, #tpu.memory_space<vmem>> -> memref<128xi32, #tpu.memory_space<vmem>>
        %dma_start3A_248 = arith.constant 0 : i32
        %dma_start3A_249 = arith.constant 0 : i32
        %dma_start3A_250 = tpu.memref_slice %arg7[%dma_start3A_248, %dma_start3A_249] : memref<10112x128xf32, #tpu.memory_space<vmem_shared>> -> memref<10112x128xf32, #tpu.memory_space<vmem_shared>>
        tpu.enqueue_indirect_dma source(%dma_start3A_244 : memref<128x128xf32, #tpu.memory_space<vmem>>) target(%dma_start3A_250 : memref<10112x128xf32, #tpu.memory_space<vmem_shared>>) offsets(%dma_start3A_247 : memref<128xi32, #tpu.memory_space<vmem>>) semaphore(%run_scoped3A_240 : memref<!tpu.dma_semaphore, #tpu.memory_space<semaphore_mem>>) {add = true}
        %dma_wait3A_251 = arith.constant 0 : i32
        %dma_wait3A_252 = arith.constant 0 : i32
        %dma_wait3A_253 = tpu.memref_slice %arg10[%run_scoped3A_165, %dma_wait3A_251, %dma_wait3A_252] : memref<2x128x128xf32, #tpu.memory_space<vmem>> -> memref<1x128x128xf32, #tpu.memory_space<vmem>>
        %dma_wait3A_254 = tpu.memref_squeeze %dma_wait3A_253 : memref<1x128x128xf32, #tpu.memory_space<vmem>> -> memref<128x128xf32, #tpu.memory_space<vmem>>
        %dma_wait3A_255 = arith.constant 0 : i32
        %dma_wait3A_256 = tpu.memref_slice %arg9[%rem3A_30, %run_scoped3A_166, %dma_wait3A_255] : memref<2x8x128xi32, #tpu.memory_space<vmem>> -> memref<1x1x128xi32, #tpu.memory_space<vmem>>
        %dma_wait3A_257 = tpu.memref_squeeze %dma_wait3A_256 : memref<1x1x128xi32, #tpu.memory_space<vmem>> -> memref<128xi32, #tpu.memory_space<vmem>>
        %dma_wait3A_258 = arith.constant 0 : i32
        %dma_wait3A_259 = arith.constant 0 : i32
        %dma_wait3A_260 = tpu.memref_slice %arg7[%dma_wait3A_258, %dma_wait3A_259] : memref<10112x128xf32, #tpu.memory_space<vmem_shared>> -> memref<10112x128xf32, #tpu.memory_space<vmem_shared>>
        tpu.wait_indirect_dma semaphore(%run_scoped3A_240 : memref<!tpu.dma_semaphore, #tpu.memory_space<semaphore_mem>>) src(%dma_wait3A_254 : memref<128x128xf32, #tpu.memory_space<vmem>>) dst(%dma_wait3A_260 : memref<10112x128xf32, #tpu.memory_space<vmem_shared>>)
        tpu.yield
      }) : () -> ()
      %dma_start3A_167 = arith.constant 6 : i32
      %dma_start3A_168 = arith.constant 0 : i32
      %dma_start3A_169 = arith.constant 0 : i32
      %dma_start3A_170 = arith.constant 0 : i32
      %dma_start3A_171 = tpu.memref_slice %arg10[%dma_start3A_168, %dma_start3A_169, %dma_start3A_170] : memref<2x128x128xf32, #tpu.memory_space<vmem>> -> memref<1x128x128xf32, #tpu.memory_space<vmem>>
      %dma_start3A_172 = tpu.memref_squeeze %dma_start3A_171 : memref<1x128x128xf32, #tpu.memory_space<vmem>> -> memref<128x128xf32, #tpu.memory_space<vmem>>
      %dma_start3A_173 = arith.constant 0 : i32
      %dma_start3A_174 = tpu.memref_slice %arg8[%rem3A_30, %dma_start3A_167, %dma_start3A_173] : memref<2x8x128xi32, #tpu.memory_space<vmem>> -> memref<1x1x128xi32, #tpu.memory_space<vmem>>
      %dma_start3A_175 = tpu.memref_squeeze %dma_start3A_174 : memref<1x1x128xi32, #tpu.memory_space<vmem>> -> memref<128xi32, #tpu.memory_space<vmem>>
      %dma_start3A_176 = arith.constant 0 : i32
      %dma_start3A_177 = arith.constant 0 : i32
      %dma_start3A_178 = tpu.memref_slice %arg2[%dma_start3A_176, %dma_start3A_177] : memref<20000x128xf32, #tpu.memory_space<hbm>> -> memref<20000x128xf32, #tpu.memory_space<hbm>>
      tpu.enqueue_indirect_dma source(%dma_start3A_178 : memref<20000x128xf32, #tpu.memory_space<hbm>>) target(%dma_start3A_172 : memref<128x128xf32, #tpu.memory_space<vmem>>) offsets(%dma_start3A_175 : memref<128xi32, #tpu.memory_space<vmem>>) semaphore(%arg11 : memref<!tpu.dma_semaphore, #tpu.memory_space<semaphore_mem>>)
      %dma_wait3A_179 = arith.constant 5 : i32
      %dma_wait3A_180 = arith.constant 1 : i32
      %dma_wait3A_181 = arith.constant 0 : i32
      %dma_wait3A_182 = arith.constant 0 : i32
      %dma_wait3A_183 = tpu.memref_slice %arg10[%dma_wait3A_180, %dma_wait3A_181, %dma_wait3A_182] : memref<2x128x128xf32, #tpu.memory_space<vmem>> -> memref<1x128x128xf32, #tpu.memory_space<vmem>>
      %dma_wait3A_184 = tpu.memref_squeeze %dma_wait3A_183 : memref<1x128x128xf32, #tpu.memory_space<vmem>> -> memref<128x128xf32, #tpu.memory_space<vmem>>
      %dma_wait3A_185 = arith.constant 0 : i32
      %dma_wait3A_186 = tpu.memref_slice %arg8[%rem3A_30, %dma_wait3A_179, %dma_wait3A_185] : memref<2x8x128xi32, #tpu.memory_space<vmem>> -> memref<1x1x128xi32, #tpu.memory_space<vmem>>
      %dma_wait3A_187 = tpu.memref_squeeze %dma_wait3A_186 : memref<1x1x128xi32, #tpu.memory_space<vmem>> -> memref<128xi32, #tpu.memory_space<vmem>>
      %dma_wait3A_188 = arith.constant 0 : i32
      %dma_wait3A_189 = arith.constant 0 : i32
      %dma_wait3A_190 = tpu.memref_slice %arg2[%dma_wait3A_188, %dma_wait3A_189] : memref<20000x128xf32, #tpu.memory_space<hbm>> -> memref<20000x128xf32, #tpu.memory_space<hbm>>
      tpu.wait_indirect_dma semaphore(%arg11 : memref<!tpu.dma_semaphore, #tpu.memory_space<semaphore_mem>>) src(%dma_wait3A_190 : memref<20000x128xf32, #tpu.memory_space<hbm>>) dst(%dma_wait3A_184 : memref<128x128xf32, #tpu.memory_space<vmem>>)
      %run_scoped3A_191 = arith.constant 1 : i32
      %run_scoped3A_192 = arith.constant 5 : i32
      "tpu.region"() ({
        %run_scoped3A_240 = tpu.sem_alloc : memref<!tpu.dma_semaphore, #tpu.memory_space<semaphore_mem>>
        %dma_start3A_241 = arith.constant 0 : i32
        %dma_start3A_242 = arith.constant 0 : i32
        %dma_start3A_243 = tpu.memref_slice %arg10[%run_scoped3A_191, %dma_start3A_241, %dma_start3A_242] : memref<2x128x128xf32, #tpu.memory_space<vmem>> -> memref<1x128x128xf32, #tpu.memory_space<vmem>>
        %dma_start3A_244 = tpu.memref_squeeze %dma_start3A_243 : memref<1x128x128xf32, #tpu.memory_space<vmem>> -> memref<128x128xf32, #tpu.memory_space<vmem>>
        %dma_start3A_245 = arith.constant 0 : i32
        %dma_start3A_246 = tpu.memref_slice %arg9[%rem3A_30, %run_scoped3A_192, %dma_start3A_245] : memref<2x8x128xi32, #tpu.memory_space<vmem>> -> memref<1x1x128xi32, #tpu.memory_space<vmem>>
        %dma_start3A_247 = tpu.memref_squeeze %dma_start3A_246 : memref<1x1x128xi32, #tpu.memory_space<vmem>> -> memref<128xi32, #tpu.memory_space<vmem>>
        %dma_start3A_248 = arith.constant 0 : i32
        %dma_start3A_249 = arith.constant 0 : i32
        %dma_start3A_250 = tpu.memref_slice %arg7[%dma_start3A_248, %dma_start3A_249] : memref<10112x128xf32, #tpu.memory_space<vmem_shared>> -> memref<10112x128xf32, #tpu.memory_space<vmem_shared>>
        tpu.enqueue_indirect_dma source(%dma_start3A_244 : memref<128x128xf32, #tpu.memory_space<vmem>>) target(%dma_start3A_250 : memref<10112x128xf32, #tpu.memory_space<vmem_shared>>) offsets(%dma_start3A_247 : memref<128xi32, #tpu.memory_space<vmem>>) semaphore(%run_scoped3A_240 : memref<!tpu.dma_semaphore, #tpu.memory_space<semaphore_mem>>) {add = true}
        %dma_wait3A_251 = arith.constant 0 : i32
        %dma_wait3A_252 = arith.constant 0 : i32
        %dma_wait3A_253 = tpu.memref_slice %arg10[%run_scoped3A_191, %dma_wait3A_251, %dma_wait3A_252] : memref<2x128x128xf32, #tpu.memory_space<vmem>> -> memref<1x128x128xf32, #tpu.memory_space<vmem>>
        %dma_wait3A_254 = tpu.memref_squeeze %dma_wait3A_253 : memref<1x128x128xf32, #tpu.memory_space<vmem>> -> memref<128x128xf32, #tpu.memory_space<vmem>>
        %dma_wait3A_255 = arith.constant 0 : i32
        %dma_wait3A_256 = tpu.memref_slice %arg9[%rem3A_30, %run_scoped3A_192, %dma_wait3A_255] : memref<2x8x128xi32, #tpu.memory_space<vmem>> -> memref<1x1x128xi32, #tpu.memory_space<vmem>>
        %dma_wait3A_257 = tpu.memref_squeeze %dma_wait3A_256 : memref<1x1x128xi32, #tpu.memory_space<vmem>> -> memref<128xi32, #tpu.memory_space<vmem>>
        %dma_wait3A_258 = arith.constant 0 : i32
        %dma_wait3A_259 = arith.constant 0 : i32
        %dma_wait3A_260 = tpu.memref_slice %arg7[%dma_wait3A_258, %dma_wait3A_259] : memref<10112x128xf32, #tpu.memory_space<vmem_shared>> -> memref<10112x128xf32, #tpu.memory_space<vmem_shared>>
        tpu.wait_indirect_dma semaphore(%run_scoped3A_240 : memref<!tpu.dma_semaphore, #tpu.memory_space<semaphore_mem>>) src(%dma_wait3A_254 : memref<128x128xf32, #tpu.memory_space<vmem>>) dst(%dma_wait3A_260 : memref<10112x128xf32, #tpu.memory_space<vmem_shared>>)
        tpu.yield
      }) : () -> ()
      %dma_start3A_193 = arith.constant 7 : i32
      %dma_start3A_194 = arith.constant 1 : i32
      %dma_start3A_195 = arith.constant 0 : i32
      %dma_start3A_196 = arith.constant 0 : i32
      %dma_start3A_197 = tpu.memref_slice %arg10[%dma_start3A_194, %dma_start3A_195, %dma_start3A_196] : memref<2x128x128xf32, #tpu.memory_space<vmem>> -> memref<1x128x128xf32, #tpu.memory_space<vmem>>
      %dma_start3A_198 = tpu.memref_squeeze %dma_start3A_197 : memref<1x128x128xf32, #tpu.memory_space<vmem>> -> memref<128x128xf32, #tpu.memory_space<vmem>>
      %dma_start3A_199 = arith.constant 0 : i32
      %dma_start3A_200 = tpu.memref_slice %arg8[%rem3A_30, %dma_start3A_193, %dma_start3A_199] : memref<2x8x128xi32, #tpu.memory_space<vmem>> -> memref<1x1x128xi32, #tpu.memory_space<vmem>>
      %dma_start3A_201 = tpu.memref_squeeze %dma_start3A_200 : memref<1x1x128xi32, #tpu.memory_space<vmem>> -> memref<128xi32, #tpu.memory_space<vmem>>
      %dma_start3A_202 = arith.constant 0 : i32
      %dma_start3A_203 = arith.constant 0 : i32
      %dma_start3A_204 = tpu.memref_slice %arg2[%dma_start3A_202, %dma_start3A_203] : memref<20000x128xf32, #tpu.memory_space<hbm>> -> memref<20000x128xf32, #tpu.memory_space<hbm>>
      tpu.enqueue_indirect_dma source(%dma_start3A_204 : memref<20000x128xf32, #tpu.memory_space<hbm>>) target(%dma_start3A_198 : memref<128x128xf32, #tpu.memory_space<vmem>>) offsets(%dma_start3A_201 : memref<128xi32, #tpu.memory_space<vmem>>) semaphore(%arg11 : memref<!tpu.dma_semaphore, #tpu.memory_space<semaphore_mem>>)
      %dma_wait3A_205 = arith.constant 6 : i32
      %dma_wait3A_206 = arith.constant 0 : i32
      %dma_wait3A_207 = arith.constant 0 : i32
      %dma_wait3A_208 = arith.constant 0 : i32
      %dma_wait3A_209 = tpu.memref_slice %arg10[%dma_wait3A_206, %dma_wait3A_207, %dma_wait3A_208] : memref<2x128x128xf32, #tpu.memory_space<vmem>> -> memref<1x128x128xf32, #tpu.memory_space<vmem>>
      %dma_wait3A_210 = tpu.memref_squeeze %dma_wait3A_209 : memref<1x128x128xf32, #tpu.memory_space<vmem>> -> memref<128x128xf32, #tpu.memory_space<vmem>>
      %dma_wait3A_211 = arith.constant 0 : i32
      %dma_wait3A_212 = tpu.memref_slice %arg8[%rem3A_30, %dma_wait3A_205, %dma_wait3A_211] : memref<2x8x128xi32, #tpu.memory_space<vmem>> -> memref<1x1x128xi32, #tpu.memory_space<vmem>>
      %dma_wait3A_213 = tpu.memref_squeeze %dma_wait3A_212 : memref<1x1x128xi32, #tpu.memory_space<vmem>> -> memref<128xi32, #tpu.memory_space<vmem>>
      %dma_wait3A_214 = arith.constant 0 : i32
      %dma_wait3A_215 = arith.constant 0 : i32
      %dma_wait3A_216 = tpu.memref_slice %arg2[%dma_wait3A_214, %dma_wait3A_215] : memref<20000x128xf32, #tpu.memory_space<hbm>> -> memref<20000x128xf32, #tpu.memory_space<hbm>>
      tpu.wait_indirect_dma semaphore(%arg11 : memref<!tpu.dma_semaphore, #tpu.memory_space<semaphore_mem>>) src(%dma_wait3A_216 : memref<20000x128xf32, #tpu.memory_space<hbm>>) dst(%dma_wait3A_210 : memref<128x128xf32, #tpu.memory_space<vmem>>)
      %run_scoped3A_217 = arith.constant 0 : i32
      %run_scoped3A_218 = arith.constant 6 : i32
      "tpu.region"() ({
        %run_scoped3A_240 = tpu.sem_alloc : memref<!tpu.dma_semaphore, #tpu.memory_space<semaphore_mem>>
        %dma_start3A_241 = arith.constant 0 : i32
        %dma_start3A_242 = arith.constant 0 : i32
        %dma_start3A_243 = tpu.memref_slice %arg10[%run_scoped3A_217, %dma_start3A_241, %dma_start3A_242] : memref<2x128x128xf32, #tpu.memory_space<vmem>> -> memref<1x128x128xf32, #tpu.memory_space<vmem>>
        %dma_start3A_244 = tpu.memref_squeeze %dma_start3A_243 : memref<1x128x128xf32, #tpu.memory_space<vmem>> -> memref<128x128xf32, #tpu.memory_space<vmem>>
        %dma_start3A_245 = arith.constant 0 : i32
        %dma_start3A_246 = tpu.memref_slice %arg9[%rem3A_30, %run_scoped3A_218, %dma_start3A_245] : memref<2x8x128xi32, #tpu.memory_space<vmem>> -> memref<1x1x128xi32, #tpu.memory_space<vmem>>
        %dma_start3A_247 = tpu.memref_squeeze %dma_start3A_246 : memref<1x1x128xi32, #tpu.memory_space<vmem>> -> memref<128xi32, #tpu.memory_space<vmem>>
        %dma_start3A_248 = arith.constant 0 : i32
        %dma_start3A_249 = arith.constant 0 : i32
        %dma_start3A_250 = tpu.memref_slice %arg7[%dma_start3A_248, %dma_start3A_249] : memref<10112x128xf32, #tpu.memory_space<vmem_shared>> -> memref<10112x128xf32, #tpu.memory_space<vmem_shared>>
        tpu.enqueue_indirect_dma source(%dma_start3A_244 : memref<128x128xf32, #tpu.memory_space<vmem>>) target(%dma_start3A_250 : memref<10112x128xf32, #tpu.memory_space<vmem_shared>>) offsets(%dma_start3A_247 : memref<128xi32, #tpu.memory_space<vmem>>) semaphore(%run_scoped3A_240 : memref<!tpu.dma_semaphore, #tpu.memory_space<semaphore_mem>>) {add = true}
        %dma_wait3A_251 = arith.constant 0 : i32
        %dma_wait3A_252 = arith.constant 0 : i32
        %dma_wait3A_253 = tpu.memref_slice %arg10[%run_scoped3A_217, %dma_wait3A_251, %dma_wait3A_252] : memref<2x128x128xf32, #tpu.memory_space<vmem>> -> memref<1x128x128xf32, #tpu.memory_space<vmem>>
        %dma_wait3A_254 = tpu.memref_squeeze %dma_wait3A_253 : memref<1x128x128xf32, #tpu.memory_space<vmem>> -> memref<128x128xf32, #tpu.memory_space<vmem>>
        %dma_wait3A_255 = arith.constant 0 : i32
        %dma_wait3A_256 = tpu.memref_slice %arg9[%rem3A_30, %run_scoped3A_218, %dma_wait3A_255] : memref<2x8x128xi32, #tpu.memory_space<vmem>> -> memref<1x1x128xi32, #tpu.memory_space<vmem>>
        %dma_wait3A_257 = tpu.memref_squeeze %dma_wait3A_256 : memref<1x1x128xi32, #tpu.memory_space<vmem>> -> memref<128xi32, #tpu.memory_space<vmem>>
        %dma_wait3A_258 = arith.constant 0 : i32
        %dma_wait3A_259 = arith.constant 0 : i32
        %dma_wait3A_260 = tpu.memref_slice %arg7[%dma_wait3A_258, %dma_wait3A_259] : memref<10112x128xf32, #tpu.memory_space<vmem_shared>> -> memref<10112x128xf32, #tpu.memory_space<vmem_shared>>
        tpu.wait_indirect_dma semaphore(%run_scoped3A_240 : memref<!tpu.dma_semaphore, #tpu.memory_space<semaphore_mem>>) src(%dma_wait3A_254 : memref<128x128xf32, #tpu.memory_space<vmem>>) dst(%dma_wait3A_260 : memref<10112x128xf32, #tpu.memory_space<vmem_shared>>)
        tpu.yield
      }) : () -> ()
      %add3A_219 = arith.constant 1 : i32
      %add3A_220 = arith.addi %scan3A_29, %add3A_219 : i32
      %lt3A_221 = arith.constant 10 : i32
      %lt3A_222 = arith.cmpi slt, %add3A_220, %lt3A_221 : i32
      %convert_element_type3A_223 = arith.extui %lt3A_222 : i1 to i32
      %cond3A_224 = arith.constant 0 : i32
      %cond3A_225 = arith.cmpi ne, %convert_element_type3A_223, %cond3A_224 : i32
      scf.if %cond3A_225 {
        %add3A_240 = arith.constant 1 : i32
        %add3A_241 = arith.addi %scan3A_29, %add3A_240 : i32
        %mul3A_242 = arith.constant 8 : i32
        %mul3A_243 = arith.muli %add3A_241, %mul3A_242 : i32
        %multiple_of3A_244 = tpu.assume_multiple %mul3A_243, 8 : i32
        %dma_wait3A_245 = arith.constant 0 : i32
        %dma_wait3A_246 = arith.constant 0 : i32
        %dma_wait3A_247 = tpu.memref_slice %arg8[%rem3A_33, %dma_wait3A_245, %dma_wait3A_246] : memref<2x8x128xi32, #tpu.memory_space<vmem>> -> memref<1x8x128xi32, #tpu.memory_space<vmem>>
        %dma_wait3A_248 = tpu.memref_squeeze %dma_wait3A_247 : memref<1x8x128xi32, #tpu.memory_space<vmem>> -> memref<8x128xi32, #tpu.memory_space<vmem>>
        %dma_wait3A_249 = arith.constant 0 : i32
        %dma_wait3A_250 = tpu.memref_slice %arg3[%arg0, %arg1, %multiple_of3A_244, %dma_wait3A_249] : memref<2x16x80x128xi32, #tpu.memory_space<hbm>> -> memref<1x1x8x128xi32, #tpu.memory_space<hbm>>
        %dma_wait3A_251 = tpu.memref_squeeze %dma_wait3A_250 : memref<1x1x8x128xi32, #tpu.memory_space<hbm>> -> memref<8x128xi32, #tpu.memory_space<hbm>>
        %dma_wait3A_252 = arith.constant 0 : i32
        %dma_wait3A_253 = arith.constant 0 : i32
        %dma_wait3A_254 = tpu.memref_slice %arg8[%rem3A_33, %dma_wait3A_252, %dma_wait3A_253] : memref<2x8x128xi32, #tpu.memory_space<vmem>> -> memref<1x8x128xi32, #tpu.memory_space<vmem>>
        %dma_wait3A_255 = tpu.memref_squeeze %dma_wait3A_254 : memref<1x8x128xi32, #tpu.memory_space<vmem>> -> memref<8x128xi32, #tpu.memory_space<vmem>>
        %dma_wait3A_256 = arith.constant 0 : i32
        %dma_wait3A_257 = tpu.memref_slice %arg3[%arg0, %arg1, %multiple_of3A_244, %dma_wait3A_256] : memref<2x16x80x128xi32, #tpu.memory_space<hbm>> -> memref<1x1x8x128xi32, #tpu.memory_space<hbm>>
        %dma_wait3A_258 = tpu.memref_squeeze %dma_wait3A_257 : memref<1x1x8x128xi32, #tpu.memory_space<hbm>> -> memref<8x128xi32, #tpu.memory_space<hbm>>
        tpu.wait_dma2 semaphore(%arg12 : memref<!tpu.dma_semaphore, #tpu.memory_space<semaphore_mem>>) src(%dma_wait3A_258 : memref<8x128xi32, #tpu.memory_space<hbm>>) dst(%dma_wait3A_255 : memref<8x128xi32, #tpu.memory_space<vmem>>)
        %add3A_259 = arith.constant 1 : i32
        %add3A_260 = arith.addi %scan3A_29, %add3A_259 : i32
        %mul3A_261 = arith.constant 8 : i32
        %mul3A_262 = arith.muli %add3A_260, %mul3A_261 : i32
        %multiple_of3A_263 = tpu.assume_multiple %mul3A_262, 8 : i32
        %dma_wait3A_264 = arith.constant 0 : i32
        %dma_wait3A_265 = arith.constant 0 : i32
        %dma_wait3A_266 = tpu.memref_slice %arg9[%rem3A_33, %dma_wait3A_264, %dma_wait3A_265] : memref<2x8x128xi32, #tpu.memory_space<vmem>> -> memref<1x8x128xi32, #tpu.memory_space<vmem>>
        %dma_wait3A_267 = tpu.memref_squeeze %dma_wait3A_266 : memref<1x8x128xi32, #tpu.memory_space<vmem>> -> memref<8x128xi32, #tpu.memory_space<vmem>>
        %dma_wait3A_268 = arith.constant 0 : i32
        %dma_wait3A_269 = tpu.memref_slice %arg4[%arg1, %multiple_of3A_263, %dma_wait3A_268] : memref<16x80x128xi32, #tpu.memory_space<hbm>> -> memref<1x8x128xi32, #tpu.memory_space<hbm>>
        %dma_wait3A_270 = tpu.memref_squeeze %dma_wait3A_269 : memref<1x8x128xi32, #tpu.memory_space<hbm>> -> memref<8x128xi32, #tpu.memory_space<hbm>>
        %dma_wait3A_271 = arith.constant 0 : i32
        %dma_wait3A_272 = arith.constant 0 : i32
        %dma_wait3A_273 = tpu.memref_slice %arg9[%rem3A_33, %dma_wait3A_271, %dma_wait3A_272] : memref<2x8x128xi32, #tpu.memory_space<vmem>> -> memref<1x8x128xi32, #tpu.memory_space<vmem>>
        %dma_wait3A_274 = tpu.memref_squeeze %dma_wait3A_273 : memref<1x8x128xi32, #tpu.memory_space<vmem>> -> memref<8x128xi32, #tpu.memory_space<vmem>>
        %dma_wait3A_275 = arith.constant 0 : i32
        %dma_wait3A_276 = tpu.memref_slice %arg4[%arg1, %multiple_of3A_263, %dma_wait3A_275] : memref<16x80x128xi32, #tpu.memory_space<hbm>> -> memref<1x8x128xi32, #tpu.memory_space<hbm>>
        %dma_wait3A_277 = tpu.memref_squeeze %dma_wait3A_276 : memref<1x8x128xi32, #tpu.memory_space<hbm>> -> memref<8x128xi32, #tpu.memory_space<hbm>>
        tpu.wait_dma2 semaphore(%arg12 : memref<!tpu.dma_semaphore, #tpu.memory_space<semaphore_mem>>) src(%dma_wait3A_277 : memref<8x128xi32, #tpu.memory_space<hbm>>) dst(%dma_wait3A_274 : memref<8x128xi32, #tpu.memory_space<vmem>>)
        %dma_start3A_278 = arith.constant 0 : i32
        %dma_start3A_279 = arith.constant 0 : i32
        %dma_start3A_280 = arith.constant 0 : i32
        %dma_start3A_281 = arith.constant 0 : i32
        %dma_start3A_282 = tpu.memref_slice %arg10[%dma_start3A_279, %dma_start3A_280, %dma_start3A_281] : memref<2x128x128xf32, #tpu.memory_space<vmem>> -> memref<1x128x128xf32, #tpu.memory_space<vmem>>
        %dma_start3A_283 = tpu.memref_squeeze %dma_start3A_282 : memref<1x128x128xf32, #tpu.memory_space<vmem>> -> memref<128x128xf32, #tpu.memory_space<vmem>>
        %dma_start3A_284 = arith.constant 0 : i32
        %dma_start3A_285 = tpu.memref_slice %arg8[%rem3A_33, %dma_start3A_278, %dma_start3A_284] : memref<2x8x128xi32, #tpu.memory_space<vmem>> -> memref<1x1x128xi32, #tpu.memory_space<vmem>>
        %dma_start3A_286 = tpu.memref_squeeze %dma_start3A_285 : memref<1x1x128xi32, #tpu.memory_space<vmem>> -> memref<128xi32, #tpu.memory_space<vmem>>
        %dma_start3A_287 = arith.constant 0 : i32
        %dma_start3A_288 = arith.constant 0 : i32
        %dma_start3A_289 = tpu.memref_slice %arg2[%dma_start3A_287, %dma_start3A_288] : memref<20000x128xf32, #tpu.memory_space<hbm>> -> memref<20000x128xf32, #tpu.memory_space<hbm>>
        tpu.enqueue_indirect_dma source(%dma_start3A_289 : memref<20000x128xf32, #tpu.memory_space<hbm>>) target(%dma_start3A_283 : memref<128x128xf32, #tpu.memory_space<vmem>>) offsets(%dma_start3A_286 : memref<128xi32, #tpu.memory_space<vmem>>) semaphore(%arg11 : memref<!tpu.dma_semaphore, #tpu.memory_space<semaphore_mem>>)
      } else {
      }
      %dma_wait3A_226 = arith.constant 7 : i32
      %dma_wait3A_227 = arith.constant 1 : i32
      %dma_wait3A_228 = arith.constant 0 : i32
      %dma_wait3A_229 = arith.constant 0 : i32
      %dma_wait3A_230 = tpu.memref_slice %arg10[%dma_wait3A_227, %dma_wait3A_228, %dma_wait3A_229] : memref<2x128x128xf32, #tpu.memory_space<vmem>> -> memref<1x128x128xf32, #tpu.memory_space<vmem>>
      %dma_wait3A_231 = tpu.memref_squeeze %dma_wait3A_230 : memref<1x128x128xf32, #tpu.memory_space<vmem>> -> memref<128x128xf32, #tpu.memory_space<vmem>>
      %dma_wait3A_232 = arith.constant 0 : i32
      %dma_wait3A_233 = tpu.memref_slice %arg8[%rem3A_30, %dma_wait3A_226, %dma_wait3A_232] : memref<2x8x128xi32, #tpu.memory_space<vmem>> -> memref<1x1x128xi32, #tpu.memory_space<vmem>>
      %dma_wait3A_234 = tpu.memref_squeeze %dma_wait3A_233 : memref<1x1x128xi32, #tpu.memory_space<vmem>> -> memref<128xi32, #tpu.memory_space<vmem>>
      %dma_wait3A_235 = arith.constant 0 : i32
      %dma_wait3A_236 = arith.constant 0 : i32
      %dma_wait3A_237 = tpu.memref_slice %arg2[%dma_wait3A_235, %dma_wait3A_236] : memref<20000x128xf32, #tpu.memory_space<hbm>> -> memref<20000x128xf32, #tpu.memory_space<hbm>>
      tpu.wait_indirect_dma semaphore(%arg11 : memref<!tpu.dma_semaphore, #tpu.memory_space<semaphore_mem>>) src(%dma_wait3A_237 : memref<20000x128xf32, #tpu.memory_space<hbm>>) dst(%dma_wait3A_231 : memref<128x128xf32, #tpu.memory_space<vmem>>)
      %run_scoped3A_238 = arith.constant 1 : i32
      %run_scoped3A_239 = arith.constant 7 : i32
      "tpu.region"() ({
        %run_scoped3A_240 = tpu.sem_alloc : memref<!tpu.dma_semaphore, #tpu.memory_space<semaphore_mem>>
        %dma_start3A_241 = arith.constant 0 : i32
        %dma_start3A_242 = arith.constant 0 : i32
        %dma_start3A_243 = tpu.memref_slice %arg10[%run_scoped3A_238, %dma_start3A_241, %dma_start3A_242] : memref<2x128x128xf32, #tpu.memory_space<vmem>> -> memref<1x128x128xf32, #tpu.memory_space<vmem>>
        %dma_start3A_244 = tpu.memref_squeeze %dma_start3A_243 : memref<1x128x128xf32, #tpu.memory_space<vmem>> -> memref<128x128xf32, #tpu.memory_space<vmem>>
        %dma_start3A_245 = arith.constant 0 : i32
        %dma_start3A_246 = tpu.memref_slice %arg9[%rem3A_30, %run_scoped3A_239, %dma_start3A_245] : memref<2x8x128xi32, #tpu.memory_space<vmem>> -> memref<1x1x128xi32, #tpu.memory_space<vmem>>
        %dma_start3A_247 = tpu.memref_squeeze %dma_start3A_246 : memref<1x1x128xi32, #tpu.memory_space<vmem>> -> memref<128xi32, #tpu.memory_space<vmem>>
        %dma_start3A_248 = arith.constant 0 : i32
        %dma_start3A_249 = arith.constant 0 : i32
        %dma_start3A_250 = tpu.memref_slice %arg7[%dma_start3A_248, %dma_start3A_249] : memref<10112x128xf32, #tpu.memory_space<vmem_shared>> -> memref<10112x128xf32, #tpu.memory_space<vmem_shared>>
        tpu.enqueue_indirect_dma source(%dma_start3A_244 : memref<128x128xf32, #tpu.memory_space<vmem>>) target(%dma_start3A_250 : memref<10112x128xf32, #tpu.memory_space<vmem_shared>>) offsets(%dma_start3A_247 : memref<128xi32, #tpu.memory_space<vmem>>) semaphore(%run_scoped3A_240 : memref<!tpu.dma_semaphore, #tpu.memory_space<semaphore_mem>>) {add = true}
        %dma_wait3A_251 = arith.constant 0 : i32
        %dma_wait3A_252 = arith.constant 0 : i32
        %dma_wait3A_253 = tpu.memref_slice %arg10[%run_scoped3A_238, %dma_wait3A_251, %dma_wait3A_252] : memref<2x128x128xf32, #tpu.memory_space<vmem>> -> memref<1x128x128xf32, #tpu.memory_space<vmem>>
        %dma_wait3A_254 = tpu.memref_squeeze %dma_wait3A_253 : memref<1x128x128xf32, #tpu.memory_space<vmem>> -> memref<128x128xf32, #tpu.memory_space<vmem>>
        %dma_wait3A_255 = arith.constant 0 : i32
        %dma_wait3A_256 = tpu.memref_slice %arg9[%rem3A_30, %run_scoped3A_239, %dma_wait3A_255] : memref<2x8x128xi32, #tpu.memory_space<vmem>> -> memref<1x1x128xi32, #tpu.memory_space<vmem>>
        %dma_wait3A_257 = tpu.memref_squeeze %dma_wait3A_256 : memref<1x1x128xi32, #tpu.memory_space<vmem>> -> memref<128xi32, #tpu.memory_space<vmem>>
        %dma_wait3A_258 = arith.constant 0 : i32
        %dma_wait3A_259 = arith.constant 0 : i32
        %dma_wait3A_260 = tpu.memref_slice %arg7[%dma_wait3A_258, %dma_wait3A_259] : memref<10112x128xf32, #tpu.memory_space<vmem_shared>> -> memref<10112x128xf32, #tpu.memory_space<vmem_shared>>
        tpu.wait_indirect_dma semaphore(%run_scoped3A_240 : memref<!tpu.dma_semaphore, #tpu.memory_space<semaphore_mem>>) src(%dma_wait3A_254 : memref<128x128xf32, #tpu.memory_space<vmem>>) dst(%dma_wait3A_260 : memref<10112x128xf32, #tpu.memory_space<vmem_shared>>)
        tpu.yield
      }) : () -> ()
    }
    %scan3A_23 = arith.constant 10 : i32
    %barrier3A_24 = arith.constant 0 : index
    tpu.barrier barrier_id(%barrier3A_24)
    %mul3A_25 = arith.constant 632 : i32
    %mul3A_26 = arith.muli %arg1, %mul3A_25 : i32
    %mul3A_27 = arith.constant 632 : i32
    %mul3A_28 = arith.muli %arg1, %mul3A_27 : i32
    "tpu.region"() ({
      %run_scoped3A_29 = tpu.sem_alloc : memref<!tpu.dma_semaphore, #tpu.memory_space<semaphore_mem>>
      %dma_start3A_30 = arith.constant 0 : i32
      %dma_start3A_31 = tpu.memref_slice %arg6[%arg0, %mul3A_28, %dma_start3A_30] : memref<2x10112x128xf32, #tpu.memory_space<hbm>> -> memref<1x632x128xf32, #tpu.memory_space<hbm>>
      %dma_start3A_32 = tpu.memref_squeeze %dma_start3A_31 : memref<1x632x128xf32, #tpu.memory_space<hbm>> -> memref<632x128xf32, #tpu.memory_space<hbm>>
      %dma_start3A_33 = arith.constant 0 : i32
      %dma_start3A_34 = tpu.memref_slice %arg7[%mul3A_26, %dma_start3A_33] : memref<10112x128xf32, #tpu.memory_space<vmem_shared>> -> memref<632x128xf32, #tpu.memory_space<vmem_shared>>
      tpu.enqueue_dma source(%dma_start3A_34 : memref<632x128xf32, #tpu.memory_space<vmem_shared>>) target(%dma_start3A_32 : memref<632x128xf32, #tpu.memory_space<hbm>>) target_semaphore(%run_scoped3A_29 : memref<!tpu.dma_semaphore, #tpu.memory_space<semaphore_mem>>)
      %dma_wait3A = arith.constant 0 : i32
      %dma_wait3A_35 = tpu.memref_slice %arg6[%arg0, %mul3A_28, %dma_wait3A] : memref<2x10112x128xf32, #tpu.memory_space<hbm>> -> memref<1x632x128xf32, #tpu.memory_space<hbm>>
      %dma_wait3A_36 = tpu.memref_squeeze %dma_wait3A_35 : memref<1x632x128xf32, #tpu.memory_space<hbm>> -> memref<632x128xf32, #tpu.memory_space<hbm>>
      %dma_wait3A_37 = arith.constant 0 : i32
      %dma_wait3A_38 = tpu.memref_slice %arg7[%mul3A_26, %dma_wait3A_37] : memref<10112x128xf32, #tpu.memory_space<vmem_shared>> -> memref<632x128xf32, #tpu.memory_space<vmem_shared>>
      tpu.wait_dma2 semaphore(%run_scoped3A_29 : memref<!tpu.dma_semaphore, #tpu.memory_space<semaphore_mem>>) src(%dma_wait3A_38 : memref<632x128xf32, #tpu.memory_space<vmem_shared>>) dst(%dma_wait3A_36 : memref<632x128xf32, #tpu.memory_space<hbm>>)
      tpu.yield
    }) : () -> ()
    return
  }
}

#map = affine_map<(d0, d1) -> (0, 0)>
#map1 = affine_map<(d0, d1) -> (0, 0, 0, 0)>
#map2 = affine_map<(d0, d1) -> (0, 0, 0)>
module attributes {stable_mosaic.version = 14 : i64} {
  func.func @_agg_body(%arg0: i32, %arg1: i32, %arg2: memref<20000x128xf32, #tpu.memory_space<hbm>>, %arg3: memref<2x16x80x128xi32, #tpu.memory_space<hbm>>, %arg4: memref<16x80x128xi32, #tpu.memory_space<hbm>>, %arg5: memref<10112x128xf32, #tpu.memory_space<hbm>>, %arg6: memref<2x10112x128xf32, #tpu.memory_space<hbm>>, %arg7: memref<10112x128xf32, #tpu.memory_space<vmem_shared>>, %arg8: memref<2x8x128xi32, #tpu.memory_space<vmem>>, %arg9: memref<2x8x128xi32, #tpu.memory_space<vmem>>, %arg10: memref<2x128x128xf32, #tpu.memory_space<vmem>>, %arg11: memref<!tpu.dma_semaphore, #tpu.memory_space<semaphore_mem>>, %arg12: memref<!tpu.dma_semaphore, #tpu.memory_space<semaphore_mem>>) attributes {dimension_semantics = [#tpu.dimension_semantics<core_parallel>, #tpu.dimension_semantics<subcore_parallel>], iteration_bounds = array<i64: 2, 16>, scalar_prefetch = 0 : i64, scratch_operands = 6 : i64, tpu.core_type = #tpu.core_type<sc_vector_subcore>, window_params = [{transform_indices = #map}, {transform_indices = #map1}, {transform_indices = #map2}, {transform_indices = #map}, {transform_indices = #map2}]} {
    %multiple_of3A = arith.constant 0 : i32
    %multiple_of3A_0 = tpu.assume_multiple %multiple_of3A, 8 : i32
    %run_scoped3A = arith.constant 0 : i32
    "tpu.region"() ({
      %run_scoped3A_29 = tpu.sem_alloc : memref<!tpu.dma_semaphore, #tpu.memory_space<semaphore_mem>>
      %dma_start3A_30 = arith.constant 0 : i32
      %dma_start3A_31 = arith.constant 0 : i32
      %dma_start3A_32 = tpu.memref_slice %arg8[%run_scoped3A, %dma_start3A_30, %dma_start3A_31] : memref<2x8x128xi32, #tpu.memory_space<vmem>> -> memref<1x8x128xi32, #tpu.memory_space<vmem>>
      %dma_start3A_33 = tpu.memref_squeeze %dma_start3A_32 : memref<1x8x128xi32, #tpu.memory_space<vmem>> -> memref<8x128xi32, #tpu.memory_space<vmem>>
      %dma_start3A_34 = arith.constant 0 : i32
      %dma_start3A_35 = tpu.memref_slice %arg3[%arg0, %arg1, %multiple_of3A_0, %dma_start3A_34] : memref<2x16x80x128xi32, #tpu.memory_space<hbm>> -> memref<1x1x8x128xi32, #tpu.memory_space<hbm>>
      %dma_start3A_36 = tpu.memref_squeeze %dma_start3A_35 : memref<1x1x8x128xi32, #tpu.memory_space<hbm>> -> memref<8x128xi32, #tpu.memory_space<hbm>>
      %dma_start3A_37 = arith.constant 0 : i32
      %dma_start3A_38 = arith.constant 0 : i32
      %dma_start3A_39 = tpu.memref_slice %arg8[%run_scoped3A, %dma_start3A_37, %dma_start3A_38] : memref<2x8x128xi32, #tpu.memory_space<vmem>> -> memref<1x8x128xi32, #tpu.memory_space<vmem>>
      %dma_start3A_40 = tpu.memref_squeeze %dma_start3A_39 : memref<1x8x128xi32, #tpu.memory_space<vmem>> -> memref<8x128xi32, #tpu.memory_space<vmem>>
      %dma_start3A_41 = arith.constant 0 : i32
      %dma_start3A_42 = tpu.memref_slice %arg3[%arg0, %arg1, %multiple_of3A_0, %dma_start3A_41] : memref<2x16x80x128xi32, #tpu.memory_space<hbm>> -> memref<1x1x8x128xi32, #tpu.memory_space<hbm>>
      %dma_start3A_43 = tpu.memref_squeeze %dma_start3A_42 : memref<1x1x8x128xi32, #tpu.memory_space<hbm>> -> memref<8x128xi32, #tpu.memory_space<hbm>>
      tpu.enqueue_dma source(%dma_start3A_43 : memref<8x128xi32, #tpu.memory_space<hbm>>) target(%dma_start3A_40 : memref<8x128xi32, #tpu.memory_space<vmem>>) target_semaphore(%run_scoped3A_29 : memref<!tpu.dma_semaphore, #tpu.memory_space<semaphore_mem>>)
      %dma_wait3A = arith.constant 0 : i32
      %dma_wait3A_44 = arith.constant 0 : i32
      %dma_wait3A_45 = tpu.memref_slice %arg8[%run_scoped3A, %dma_wait3A, %dma_wait3A_44] : memref<2x8x128xi32, #tpu.memory_space<vmem>> -> memref<1x8x128xi32, #tpu.memory_space<vmem>>
      %dma_wait3A_46 = tpu.memref_squeeze %dma_wait3A_45 : memref<1x8x128xi32, #tpu.memory_space<vmem>> -> memref<8x128xi32, #tpu.memory_space<vmem>>
      %dma_wait3A_47 = arith.constant 0 : i32
      %dma_wait3A_48 = tpu.memref_slice %arg3[%arg0, %arg1, %multiple_of3A_0, %dma_wait3A_47] : memref<2x16x80x128xi32, #tpu.memory_space<hbm>> -> memref<1x1x8x128xi32, #tpu.memory_space<hbm>>
      %dma_wait3A_49 = tpu.memref_squeeze %dma_wait3A_48 : memref<1x1x8x128xi32, #tpu.memory_space<hbm>> -> memref<8x128xi32, #tpu.memory_space<hbm>>
      %dma_wait3A_50 = arith.constant 0 : i32
      %dma_wait3A_51 = arith.constant 0 : i32
      %dma_wait3A_52 = tpu.memref_slice %arg8[%run_scoped3A, %dma_wait3A_50, %dma_wait3A_51] : memref<2x8x128xi32, #tpu.memory_space<vmem>> -> memref<1x8x128xi32, #tpu.memory_space<vmem>>
      %dma_wait3A_53 = tpu.memref_squeeze %dma_wait3A_52 : memref<1x8x128xi32, #tpu.memory_space<vmem>> -> memref<8x128xi32, #tpu.memory_space<vmem>>
      %dma_wait3A_54 = arith.constant 0 : i32
      %dma_wait3A_55 = tpu.memref_slice %arg3[%arg0, %arg1, %multiple_of3A_0, %dma_wait3A_54] : memref<2x16x80x128xi32, #tpu.memory_space<hbm>> -> memref<1x1x8x128xi32, #tpu.memory_space<hbm>>
      %dma_wait3A_56 = tpu.memref_squeeze %dma_wait3A_55 : memref<1x1x8x128xi32, #tpu.memory_space<hbm>> -> memref<8x128xi32, #tpu.memory_space<hbm>>
      tpu.wait_dma2 semaphore(%run_scoped3A_29 : memref<!tpu.dma_semaphore, #tpu.memory_space<semaphore_mem>>) src(%dma_wait3A_56 : memref<8x128xi32, #tpu.memory_space<hbm>>) dst(%dma_wait3A_53 : memref<8x128xi32, #tpu.memory_space<vmem>>)
      tpu.yield
    }) : () -> ()
    %multiple_of3A_1 = arith.constant 0 : i32
    %multiple_of3A_2 = tpu.assume_multiple %multiple_of3A_1, 8 : i32
    %run_scoped3A_3 = arith.constant 0 : i32
    "tpu.region"() ({
      %run_scoped3A_29 = tpu.sem_alloc : memref<!tpu.dma_semaphore, #tpu.memory_space<semaphore_mem>>
      %dma_start3A_30 = arith.constant 0 : i32
      %dma_start3A_31 = arith.constant 0 : i32
      %dma_start3A_32 = tpu.memref_slice %arg9[%run_scoped3A_3, %dma_start3A_30, %dma_start3A_31] : memref<2x8x128xi32, #tpu.memory_space<vmem>> -> memref<1x8x128xi32, #tpu.memory_space<vmem>>
      %dma_start3A_33 = tpu.memref_squeeze %dma_start3A_32 : memref<1x8x128xi32, #tpu.memory_space<vmem>> -> memref<8x128xi32, #tpu.memory_space<vmem>>
      %dma_start3A_34 = arith.constant 0 : i32
      %dma_start3A_35 = tpu.memref_slice %arg4[%arg1, %multiple_of3A_2, %dma_start3A_34] : memref<16x80x128xi32, #tpu.memory_space<hbm>> -> memref<1x8x128xi32, #tpu.memory_space<hbm>>
      %dma_start3A_36 = tpu.memref_squeeze %dma_start3A_35 : memref<1x8x128xi32, #tpu.memory_space<hbm>> -> memref<8x128xi32, #tpu.memory_space<hbm>>
      %dma_start3A_37 = arith.constant 0 : i32
      %dma_start3A_38 = arith.constant 0 : i32
      %dma_start3A_39 = tpu.memref_slice %arg9[%run_scoped3A_3, %dma_start3A_37, %dma_start3A_38] : memref<2x8x128xi32, #tpu.memory_space<vmem>> -> memref<1x8x128xi32, #tpu.memory_space<vmem>>
      %dma_start3A_40 = tpu.memref_squeeze %dma_start3A_39 : memref<1x8x128xi32, #tpu.memory_space<vmem>> -> memref<8x128xi32, #tpu.memory_space<vmem>>
      %dma_start3A_41 = arith.constant 0 : i32
      %dma_start3A_42 = tpu.memref_slice %arg4[%arg1, %multiple_of3A_2, %dma_start3A_41] : memref<16x80x128xi32, #tpu.memory_space<hbm>> -> memref<1x8x128xi32, #tpu.memory_space<hbm>>
      %dma_start3A_43 = tpu.memref_squeeze %dma_start3A_42 : memref<1x8x128xi32, #tpu.memory_space<hbm>> -> memref<8x128xi32, #tpu.memory_space<hbm>>
      tpu.enqueue_dma source(%dma_start3A_43 : memref<8x128xi32, #tpu.memory_space<hbm>>) target(%dma_start3A_40 : memref<8x128xi32, #tpu.memory_space<vmem>>) target_semaphore(%run_scoped3A_29 : memref<!tpu.dma_semaphore, #tpu.memory_space<semaphore_mem>>)
      %dma_wait3A = arith.constant 0 : i32
      %dma_wait3A_44 = arith.constant 0 : i32
      %dma_wait3A_45 = tpu.memref_slice %arg9[%run_scoped3A_3, %dma_wait3A, %dma_wait3A_44] : memref<2x8x128xi32, #tpu.memory_space<vmem>> -> memref<1x8x128xi32, #tpu.memory_space<vmem>>
      %dma_wait3A_46 = tpu.memref_squeeze %dma_wait3A_45 : memref<1x8x128xi32, #tpu.memory_space<vmem>> -> memref<8x128xi32, #tpu.memory_space<vmem>>
      %dma_wait3A_47 = arith.constant 0 : i32
      %dma_wait3A_48 = tpu.memref_slice %arg4[%arg1, %multiple_of3A_2, %dma_wait3A_47] : memref<16x80x128xi32, #tpu.memory_space<hbm>> -> memref<1x8x128xi32, #tpu.memory_space<hbm>>
      %dma_wait3A_49 = tpu.memref_squeeze %dma_wait3A_48 : memref<1x8x128xi32, #tpu.memory_space<hbm>> -> memref<8x128xi32, #tpu.memory_space<hbm>>
      %dma_wait3A_50 = arith.constant 0 : i32
      %dma_wait3A_51 = arith.constant 0 : i32
      %dma_wait3A_52 = tpu.memref_slice %arg9[%run_scoped3A_3, %dma_wait3A_50, %dma_wait3A_51] : memref<2x8x128xi32, #tpu.memory_space<vmem>> -> memref<1x8x128xi32, #tpu.memory_space<vmem>>
      %dma_wait3A_53 = tpu.memref_squeeze %dma_wait3A_52 : memref<1x8x128xi32, #tpu.memory_space<vmem>> -> memref<8x128xi32, #tpu.memory_space<vmem>>
      %dma_wait3A_54 = arith.constant 0 : i32
      %dma_wait3A_55 = tpu.memref_slice %arg4[%arg1, %multiple_of3A_2, %dma_wait3A_54] : memref<16x80x128xi32, #tpu.memory_space<hbm>> -> memref<1x8x128xi32, #tpu.memory_space<hbm>>
      %dma_wait3A_56 = tpu.memref_squeeze %dma_wait3A_55 : memref<1x8x128xi32, #tpu.memory_space<hbm>> -> memref<8x128xi32, #tpu.memory_space<hbm>>
      tpu.wait_dma2 semaphore(%run_scoped3A_29 : memref<!tpu.dma_semaphore, #tpu.memory_space<semaphore_mem>>) src(%dma_wait3A_56 : memref<8x128xi32, #tpu.memory_space<hbm>>) dst(%dma_wait3A_53 : memref<8x128xi32, #tpu.memory_space<vmem>>)
      tpu.yield
    }) : () -> ()
    %dma_start3A = arith.constant 0 : i32
    %dma_start3A_4 = arith.constant 0 : i32
    %dma_start3A_5 = arith.constant 0 : i32
    %dma_start3A_6 = arith.constant 0 : i32
    %dma_start3A_7 = arith.constant 0 : i32
    %dma_start3A_8 = tpu.memref_slice %arg10[%dma_start3A_5, %dma_start3A_6, %dma_start3A_7] : memref<2x128x128xf32, #tpu.memory_space<vmem>> -> memref<1x128x128xf32, #tpu.memory_space<vmem>>
    %dma_start3A_9 = tpu.memref_squeeze %dma_start3A_8 : memref<1x128x128xf32, #tpu.memory_space<vmem>> -> memref<128x128xf32, #tpu.memory_space<vmem>>
    %dma_start3A_10 = arith.constant 0 : i32
    %dma_start3A_11 = tpu.memref_slice %arg8[%dma_start3A, %dma_start3A_4, %dma_start3A_10] : memref<2x8x128xi32, #tpu.memory_space<vmem>> -> memref<1x1x128xi32, #tpu.memory_space<vmem>>
    %dma_start3A_12 = tpu.memref_squeeze %dma_start3A_11 : memref<1x1x128xi32, #tpu.memory_space<vmem>> -> memref<128xi32, #tpu.memory_space<vmem>>
    %dma_start3A_13 = arith.constant 0 : i32
    %dma_start3A_14 = arith.constant 0 : i32
    %dma_start3A_15 = tpu.memref_slice %arg2[%dma_start3A_13, %dma_start3A_14] : memref<20000x128xf32, #tpu.memory_space<hbm>> -> memref<20000x128xf32, #tpu.memory_space<hbm>>
    tpu.enqueue_indirect_dma source(%dma_start3A_15 : memref<20000x128xf32, #tpu.memory_space<hbm>>) target(%dma_start3A_9 : memref<128x128xf32, #tpu.memory_space<vmem>>) offsets(%dma_start3A_12 : memref<128xi32, #tpu.memory_space<vmem>>) semaphore(%arg11 : memref<!tpu.dma_semaphore, #tpu.memory_space<semaphore_mem>>)
    %mul3A = arith.constant 632 : i32
    %mul3A_16 = arith.muli %arg1, %mul3A : i32
    %mul3A_17 = arith.constant 632 : i32
    %mul3A_18 = arith.muli %arg1, %mul3A_17 : i32
    "tpu.region"() ({
      %run_scoped3A_29 = tpu.sem_alloc : memref<!tpu.dma_semaphore, #tpu.memory_space<semaphore_mem>>
      %dma_start3A_30 = arith.constant 0 : i32
      %dma_start3A_31 = tpu.memref_slice %arg7[%mul3A_18, %dma_start3A_30] : memref<10112x128xf32, #tpu.memory_space<vmem_shared>> -> memref<632x128xf32, #tpu.memory_space<vmem_shared>>
      %dma_start3A_32 = arith.constant 0 : i32
      %dma_start3A_33 = tpu.memref_slice %arg5[%mul3A_16, %dma_start3A_32] : memref<10112x128xf32, #tpu.memory_space<hbm>> -> memref<632x128xf32, #tpu.memory_space<hbm>>
      tpu.enqueue_dma source(%dma_start3A_33 : memref<632x128xf32, #tpu.memory_space<hbm>>) target(%dma_start3A_31 : memref<632x128xf32, #tpu.memory_space<vmem_shared>>) target_semaphore(%run_scoped3A_29 : memref<!tpu.dma_semaphore, #tpu.memory_space<semaphore_mem>>)
      %dma_wait3A = arith.constant 0 : i32
      %dma_wait3A_34 = tpu.memref_slice %arg7[%mul3A_18, %dma_wait3A] : memref<10112x128xf32, #tpu.memory_space<vmem_shared>> -> memref<632x128xf32, #tpu.memory_space<vmem_shared>>
      %dma_wait3A_35 = arith.constant 0 : i32
      %dma_wait3A_36 = tpu.memref_slice %arg5[%mul3A_16, %dma_wait3A_35] : memref<10112x128xf32, #tpu.memory_space<hbm>> -> memref<632x128xf32, #tpu.memory_space<hbm>>
      tpu.wait_dma2 semaphore(%run_scoped3A_29 : memref<!tpu.dma_semaphore, #tpu.memory_space<semaphore_mem>>) src(%dma_wait3A_36 : memref<632x128xf32, #tpu.memory_space<hbm>>) dst(%dma_wait3A_34 : memref<632x128xf32, #tpu.memory_space<vmem_shared>>)
      tpu.yield
    }) : () -> ()
    %barrier3A = arith.constant 0 : index
    tpu.barrier barrier_id(%barrier3A)
    %scan3A = arith.constant 0 : i32
    %scan3A_19 = arith.constant 0 : i32
    %scan3A_20 = arith.constant 10 : i32
    %scan3A_21 = arith.addi %scan3A_19, %scan3A_20 : i32
    %scan3A_22 = arith.constant 1 : i32
    scf.for %scan3A_29 = %scan3A_19 to %scan3A_21 step %scan3A_22  : i32 {
      %rem3A = arith.constant 2 : i32
      %rem3A_30 = arith.remsi %scan3A_29, %rem3A : i32
      %add3A = arith.constant 1 : i32
      %add3A_31 = arith.addi %scan3A_29, %add3A : i32
      %rem3A_32 = arith.constant 2 : i32
      %rem3A_33 = arith.remsi %add3A_31, %rem3A_32 : i32
      %add3A_34 = arith.constant 1 : i32
      %add3A_35 = arith.addi %scan3A_29, %add3A_34 : i32
      %lt3A = arith.constant 10 : i32
      %lt3A_36 = arith.cmpi slt, %add3A_35, %lt3A : i32
      %convert_element_type3A = arith.extui %lt3A_36 : i1 to i32
      %cond3A = arith.constant 0 : i32
      %cond3A_37 = arith.cmpi ne, %convert_element_type3A, %cond3A : i32
      scf.if %cond3A_37 {
        %add3A_240 = arith.constant 1 : i32
        %add3A_241 = arith.addi %scan3A_29, %add3A_240 : i32
        %mul3A_242 = arith.constant 8 : i32
        %mul3A_243 = arith.muli %add3A_241, %mul3A_242 : i32
        %multiple_of3A_244 = tpu.assume_multiple %mul3A_243, 8 : i32
        %dma_start3A_245 = arith.constant 0 : i32
        %dma_start3A_246 = arith.constant 0 : i32
        %dma_start3A_247 = tpu.memref_slice %arg8[%rem3A_33, %dma_start3A_245, %dma_start3A_246] : memref<2x8x128xi32, #tpu.memory_space<vmem>> -> memref<1x8x128xi32, #tpu.memory_space<vmem>>
        %dma_start3A_248 = tpu.memref_squeeze %dma_start3A_247 : memref<1x8x128xi32, #tpu.memory_space<vmem>> -> memref<8x128xi32, #tpu.memory_space<vmem>>
        %dma_start3A_249 = arith.constant 0 : i32
        %dma_start3A_250 = tpu.memref_slice %arg3[%arg0, %arg1, %multiple_of3A_244, %dma_start3A_249] : memref<2x16x80x128xi32, #tpu.memory_space<hbm>> -> memref<1x1x8x128xi32, #tpu.memory_space<hbm>>
        %dma_start3A_251 = tpu.memref_squeeze %dma_start3A_250 : memref<1x1x8x128xi32, #tpu.memory_space<hbm>> -> memref<8x128xi32, #tpu.memory_space<hbm>>
        %dma_start3A_252 = arith.constant 0 : i32
        %dma_start3A_253 = arith.constant 0 : i32
        %dma_start3A_254 = tpu.memref_slice %arg8[%rem3A_33, %dma_start3A_252, %dma_start3A_253] : memref<2x8x128xi32, #tpu.memory_space<vmem>> -> memref<1x8x128xi32, #tpu.memory_space<vmem>>
        %dma_start3A_255 = tpu.memref_squeeze %dma_start3A_254 : memref<1x8x128xi32, #tpu.memory_space<vmem>> -> memref<8x128xi32, #tpu.memory_space<vmem>>
        %dma_start3A_256 = arith.constant 0 : i32
        %dma_start3A_257 = tpu.memref_slice %arg3[%arg0, %arg1, %multiple_of3A_244, %dma_start3A_256] : memref<2x16x80x128xi32, #tpu.memory_space<hbm>> -> memref<1x1x8x128xi32, #tpu.memory_space<hbm>>
        %dma_start3A_258 = tpu.memref_squeeze %dma_start3A_257 : memref<1x1x8x128xi32, #tpu.memory_space<hbm>> -> memref<8x128xi32, #tpu.memory_space<hbm>>
        tpu.enqueue_dma source(%dma_start3A_258 : memref<8x128xi32, #tpu.memory_space<hbm>>) target(%dma_start3A_255 : memref<8x128xi32, #tpu.memory_space<vmem>>) target_semaphore(%arg12 : memref<!tpu.dma_semaphore, #tpu.memory_space<semaphore_mem>>)
        %add3A_259 = arith.constant 1 : i32
        %add3A_260 = arith.addi %scan3A_29, %add3A_259 : i32
        %mul3A_261 = arith.constant 8 : i32
        %mul3A_262 = arith.muli %add3A_260, %mul3A_261 : i32
        %multiple_of3A_263 = tpu.assume_multiple %mul3A_262, 8 : i32
        %dma_start3A_264 = arith.constant 0 : i32
        %dma_start3A_265 = arith.constant 0 : i32
        %dma_start3A_266 = tpu.memref_slice %arg9[%rem3A_33, %dma_start3A_264, %dma_start3A_265] : memref<2x8x128xi32, #tpu.memory_space<vmem>> -> memref<1x8x128xi32, #tpu.memory_space<vmem>>
        %dma_start3A_267 = tpu.memref_squeeze %dma_start3A_266 : memref<1x8x128xi32, #tpu.memory_space<vmem>> -> memref<8x128xi32, #tpu.memory_space<vmem>>
        %dma_start3A_268 = arith.constant 0 : i32
        %dma_start3A_269 = tpu.memref_slice %arg4[%arg1, %multiple_of3A_263, %dma_start3A_268] : memref<16x80x128xi32, #tpu.memory_space<hbm>> -> memref<1x8x128xi32, #tpu.memory_space<hbm>>
        %dma_start3A_270 = tpu.memref_squeeze %dma_start3A_269 : memref<1x8x128xi32, #tpu.memory_space<hbm>> -> memref<8x128xi32, #tpu.memory_space<hbm>>
        %dma_start3A_271 = arith.constant 0 : i32
        %dma_start3A_272 = arith.constant 0 : i32
        %dma_start3A_273 = tpu.memref_slice %arg9[%rem3A_33, %dma_start3A_271, %dma_start3A_272] : memref<2x8x128xi32, #tpu.memory_space<vmem>> -> memref<1x8x128xi32, #tpu.memory_space<vmem>>
        %dma_start3A_274 = tpu.memref_squeeze %dma_start3A_273 : memref<1x8x128xi32, #tpu.memory_space<vmem>> -> memref<8x128xi32, #tpu.memory_space<vmem>>
        %dma_start3A_275 = arith.constant 0 : i32
        %dma_start3A_276 = tpu.memref_slice %arg4[%arg1, %multiple_of3A_263, %dma_start3A_275] : memref<16x80x128xi32, #tpu.memory_space<hbm>> -> memref<1x8x128xi32, #tpu.memory_space<hbm>>
        %dma_start3A_277 = tpu.memref_squeeze %dma_start3A_276 : memref<1x8x128xi32, #tpu.memory_space<hbm>> -> memref<8x128xi32, #tpu.memory_space<hbm>>
        tpu.enqueue_dma source(%dma_start3A_277 : memref<8x128xi32, #tpu.memory_space<hbm>>) target(%dma_start3A_274 : memref<8x128xi32, #tpu.memory_space<vmem>>) target_semaphore(%arg12 : memref<!tpu.dma_semaphore, #tpu.memory_space<semaphore_mem>>)
      } else {
      }
      %dma_start3A_38 = arith.constant 1 : i32
      %dma_start3A_39 = arith.constant 1 : i32
      %dma_start3A_40 = arith.constant 0 : i32
      %dma_start3A_41 = arith.constant 0 : i32
      %dma_start3A_42 = tpu.memref_slice %arg10[%dma_start3A_39, %dma_start3A_40, %dma_start3A_41] : memref<2x128x128xf32, #tpu.memory_space<vmem>> -> memref<1x128x128xf32, #tpu.memory_space<vmem>>
      %dma_start3A_43 = tpu.memref_squeeze %dma_start3A_42 : memref<1x128x128xf32, #tpu.memory_space<vmem>> -> memref<128x128xf32, #tpu.memory_space<vmem>>
      %dma_start3A_44 = arith.constant 0 : i32
      %dma_start3A_45 = tpu.memref_slice %arg8[%rem3A_30, %dma_start3A_38, %dma_start3A_44] : memref<2x8x128xi32, #tpu.memory_space<vmem>> -> memref<1x1x128xi32, #tpu.memory_space<vmem>>
      %dma_start3A_46 = tpu.memref_squeeze %dma_start3A_45 : memref<1x1x128xi32, #tpu.memory_space<vmem>> -> memref<128xi32, #tpu.memory_space<vmem>>
      %dma_start3A_47 = arith.constant 0 : i32
      %dma_start3A_48 = arith.constant 0 : i32
      %dma_start3A_49 = tpu.memref_slice %arg2[%dma_start3A_47, %dma_start3A_48] : memref<20000x128xf32, #tpu.memory_space<hbm>> -> memref<20000x128xf32, #tpu.memory_space<hbm>>
      tpu.enqueue_indirect_dma source(%dma_start3A_49 : memref<20000x128xf32, #tpu.memory_space<hbm>>) target(%dma_start3A_43 : memref<128x128xf32, #tpu.memory_space<vmem>>) offsets(%dma_start3A_46 : memref<128xi32, #tpu.memory_space<vmem>>) semaphore(%arg11 : memref<!tpu.dma_semaphore, #tpu.memory_space<semaphore_mem>>)
      %dma_wait3A = arith.constant 0 : i32
      %dma_wait3A_50 = arith.constant 0 : i32
      %dma_wait3A_51 = arith.constant 0 : i32
      %dma_wait3A_52 = arith.constant 0 : i32
      %dma_wait3A_53 = tpu.memref_slice %arg10[%dma_wait3A_50, %dma_wait3A_51, %dma_wait3A_52] : memref<2x128x128xf32, #tpu.memory_space<vmem>> -> memref<1x128x128xf32, #tpu.memory_space<vmem>>
      %dma_wait3A_54 = tpu.memref_squeeze %dma_wait3A_53 : memref<1x128x128xf32, #tpu.memory_space<vmem>> -> memref<128x128xf32, #tpu.memory_space<vmem>>
      %dma_wait3A_55 = arith.constant 0 : i32
      %dma_wait3A_56 = tpu.memref_slice %arg8[%rem3A_30, %dma_wait3A, %dma_wait3A_55] : memref<2x8x128xi32, #tpu.memory_space<vmem>> -> memref<1x1x128xi32, #tpu.memory_space<vmem>>
      %dma_wait3A_57 = tpu.memref_squeeze %dma_wait3A_56 : memref<1x1x128xi32, #tpu.memory_space<vmem>> -> memref<128xi32, #tpu.memory_space<vmem>>
      %dma_wait3A_58 = arith.constant 0 : i32
      %dma_wait3A_59 = arith.constant 0 : i32
      %dma_wait3A_60 = tpu.memref_slice %arg2[%dma_wait3A_58, %dma_wait3A_59] : memref<20000x128xf32, #tpu.memory_space<hbm>> -> memref<20000x128xf32, #tpu.memory_space<hbm>>
      tpu.wait_indirect_dma semaphore(%arg11 : memref<!tpu.dma_semaphore, #tpu.memory_space<semaphore_mem>>) src(%dma_wait3A_60 : memref<20000x128xf32, #tpu.memory_space<hbm>>) dst(%dma_wait3A_54 : memref<128x128xf32, #tpu.memory_space<vmem>>)
      %run_scoped3A_61 = arith.constant 0 : i32
      %run_scoped3A_62 = arith.constant 0 : i32
      "tpu.region"() ({
        %run_scoped3A_240 = tpu.sem_alloc : memref<!tpu.dma_semaphore, #tpu.memory_space<semaphore_mem>>
        %dma_start3A_241 = arith.constant 0 : i32
        %dma_start3A_242 = arith.constant 0 : i32
        %dma_start3A_243 = tpu.memref_slice %arg10[%run_scoped3A_61, %dma_start3A_241, %dma_start3A_242] : memref<2x128x128xf32, #tpu.memory_space<vmem>> -> memref<1x128x128xf32, #tpu.memory_space<vmem>>
        %dma_start3A_244 = tpu.memref_squeeze %dma_start3A_243 : memref<1x128x128xf32, #tpu.memory_space<vmem>> -> memref<128x128xf32, #tpu.memory_space<vmem>>
        %dma_start3A_245 = arith.constant 0 : i32
        %dma_start3A_246 = tpu.memref_slice %arg9[%rem3A_30, %run_scoped3A_62, %dma_start3A_245] : memref<2x8x128xi32, #tpu.memory_space<vmem>> -> memref<1x1x128xi32, #tpu.memory_space<vmem>>
        %dma_start3A_247 = tpu.memref_squeeze %dma_start3A_246 : memref<1x1x128xi32, #tpu.memory_space<vmem>> -> memref<128xi32, #tpu.memory_space<vmem>>
        %dma_start3A_248 = arith.constant 0 : i32
        %dma_start3A_249 = arith.constant 0 : i32
        %dma_start3A_250 = tpu.memref_slice %arg7[%dma_start3A_248, %dma_start3A_249] : memref<10112x128xf32, #tpu.memory_space<vmem_shared>> -> memref<10112x128xf32, #tpu.memory_space<vmem_shared>>
        tpu.enqueue_indirect_dma source(%dma_start3A_244 : memref<128x128xf32, #tpu.memory_space<vmem>>) target(%dma_start3A_250 : memref<10112x128xf32, #tpu.memory_space<vmem_shared>>) offsets(%dma_start3A_247 : memref<128xi32, #tpu.memory_space<vmem>>) semaphore(%run_scoped3A_240 : memref<!tpu.dma_semaphore, #tpu.memory_space<semaphore_mem>>) {add = true}
        %dma_wait3A_251 = arith.constant 0 : i32
        %dma_wait3A_252 = arith.constant 0 : i32
        %dma_wait3A_253 = tpu.memref_slice %arg10[%run_scoped3A_61, %dma_wait3A_251, %dma_wait3A_252] : memref<2x128x128xf32, #tpu.memory_space<vmem>> -> memref<1x128x128xf32, #tpu.memory_space<vmem>>
        %dma_wait3A_254 = tpu.memref_squeeze %dma_wait3A_253 : memref<1x128x128xf32, #tpu.memory_space<vmem>> -> memref<128x128xf32, #tpu.memory_space<vmem>>
        %dma_wait3A_255 = arith.constant 0 : i32
        %dma_wait3A_256 = tpu.memref_slice %arg9[%rem3A_30, %run_scoped3A_62, %dma_wait3A_255] : memref<2x8x128xi32, #tpu.memory_space<vmem>> -> memref<1x1x128xi32, #tpu.memory_space<vmem>>
        %dma_wait3A_257 = tpu.memref_squeeze %dma_wait3A_256 : memref<1x1x128xi32, #tpu.memory_space<vmem>> -> memref<128xi32, #tpu.memory_space<vmem>>
        %dma_wait3A_258 = arith.constant 0 : i32
        %dma_wait3A_259 = arith.constant 0 : i32
        %dma_wait3A_260 = tpu.memref_slice %arg7[%dma_wait3A_258, %dma_wait3A_259] : memref<10112x128xf32, #tpu.memory_space<vmem_shared>> -> memref<10112x128xf32, #tpu.memory_space<vmem_shared>>
        tpu.wait_indirect_dma semaphore(%run_scoped3A_240 : memref<!tpu.dma_semaphore, #tpu.memory_space<semaphore_mem>>) src(%dma_wait3A_254 : memref<128x128xf32, #tpu.memory_space<vmem>>) dst(%dma_wait3A_260 : memref<10112x128xf32, #tpu.memory_space<vmem_shared>>)
        tpu.yield
      }) : () -> ()
      %dma_start3A_63 = arith.constant 2 : i32
      %dma_start3A_64 = arith.constant 0 : i32
      %dma_start3A_65 = arith.constant 0 : i32
      %dma_start3A_66 = arith.constant 0 : i32
      %dma_start3A_67 = tpu.memref_slice %arg10[%dma_start3A_64, %dma_start3A_65, %dma_start3A_66] : memref<2x128x128xf32, #tpu.memory_space<vmem>> -> memref<1x128x128xf32, #tpu.memory_space<vmem>>
      %dma_start3A_68 = tpu.memref_squeeze %dma_start3A_67 : memref<1x128x128xf32, #tpu.memory_space<vmem>> -> memref<128x128xf32, #tpu.memory_space<vmem>>
      %dma_start3A_69 = arith.constant 0 : i32
      %dma_start3A_70 = tpu.memref_slice %arg8[%rem3A_30, %dma_start3A_63, %dma_start3A_69] : memref<2x8x128xi32, #tpu.memory_space<vmem>> -> memref<1x1x128xi32, #tpu.memory_space<vmem>>
      %dma_start3A_71 = tpu.memref_squeeze %dma_start3A_70 : memref<1x1x128xi32, #tpu.memory_space<vmem>> -> memref<128xi32, #tpu.memory_space<vmem>>
      %dma_start3A_72 = arith.constant 0 : i32
      %dma_start3A_73 = arith.constant 0 : i32
      %dma_start3A_74 = tpu.memref_slice %arg2[%dma_start3A_72, %dma_start3A_73] : memref<20000x128xf32, #tpu.memory_space<hbm>> -> memref<20000x128xf32, #tpu.memory_space<hbm>>
      tpu.enqueue_indirect_dma source(%dma_start3A_74 : memref<20000x128xf32, #tpu.memory_space<hbm>>) target(%dma_start3A_68 : memref<128x128xf32, #tpu.memory_space<vmem>>) offsets(%dma_start3A_71 : memref<128xi32, #tpu.memory_space<vmem>>) semaphore(%arg11 : memref<!tpu.dma_semaphore, #tpu.memory_space<semaphore_mem>>)
      %dma_wait3A_75 = arith.constant 1 : i32
      %dma_wait3A_76 = arith.constant 1 : i32
      %dma_wait3A_77 = arith.constant 0 : i32
      %dma_wait3A_78 = arith.constant 0 : i32
      %dma_wait3A_79 = tpu.memref_slice %arg10[%dma_wait3A_76, %dma_wait3A_77, %dma_wait3A_78] : memref<2x128x128xf32, #tpu.memory_space<vmem>> -> memref<1x128x128xf32, #tpu.memory_space<vmem>>
      %dma_wait3A_80 = tpu.memref_squeeze %dma_wait3A_79 : memref<1x128x128xf32, #tpu.memory_space<vmem>> -> memref<128x128xf32, #tpu.memory_space<vmem>>
      %dma_wait3A_81 = arith.constant 0 : i32
      %dma_wait3A_82 = tpu.memref_slice %arg8[%rem3A_30, %dma_wait3A_75, %dma_wait3A_81] : memref<2x8x128xi32, #tpu.memory_space<vmem>> -> memref<1x1x128xi32, #tpu.memory_space<vmem>>
      %dma_wait3A_83 = tpu.memref_squeeze %dma_wait3A_82 : memref<1x1x128xi32, #tpu.memory_space<vmem>> -> memref<128xi32, #tpu.memory_space<vmem>>
      %dma_wait3A_84 = arith.constant 0 : i32
      %dma_wait3A_85 = arith.constant 0 : i32
      %dma_wait3A_86 = tpu.memref_slice %arg2[%dma_wait3A_84, %dma_wait3A_85] : memref<20000x128xf32, #tpu.memory_space<hbm>> -> memref<20000x128xf32, #tpu.memory_space<hbm>>
      tpu.wait_indirect_dma semaphore(%arg11 : memref<!tpu.dma_semaphore, #tpu.memory_space<semaphore_mem>>) src(%dma_wait3A_86 : memref<20000x128xf32, #tpu.memory_space<hbm>>) dst(%dma_wait3A_80 : memref<128x128xf32, #tpu.memory_space<vmem>>)
      %run_scoped3A_87 = arith.constant 1 : i32
      %run_scoped3A_88 = arith.constant 1 : i32
      "tpu.region"() ({
        %run_scoped3A_240 = tpu.sem_alloc : memref<!tpu.dma_semaphore, #tpu.memory_space<semaphore_mem>>
        %dma_start3A_241 = arith.constant 0 : i32
        %dma_start3A_242 = arith.constant 0 : i32
        %dma_start3A_243 = tpu.memref_slice %arg10[%run_scoped3A_87, %dma_start3A_241, %dma_start3A_242] : memref<2x128x128xf32, #tpu.memory_space<vmem>> -> memref<1x128x128xf32, #tpu.memory_space<vmem>>
        %dma_start3A_244 = tpu.memref_squeeze %dma_start3A_243 : memref<1x128x128xf32, #tpu.memory_space<vmem>> -> memref<128x128xf32, #tpu.memory_space<vmem>>
        %dma_start3A_245 = arith.constant 0 : i32
        %dma_start3A_246 = tpu.memref_slice %arg9[%rem3A_30, %run_scoped3A_88, %dma_start3A_245] : memref<2x8x128xi32, #tpu.memory_space<vmem>> -> memref<1x1x128xi32, #tpu.memory_space<vmem>>
        %dma_start3A_247 = tpu.memref_squeeze %dma_start3A_246 : memref<1x1x128xi32, #tpu.memory_space<vmem>> -> memref<128xi32, #tpu.memory_space<vmem>>
        %dma_start3A_248 = arith.constant 0 : i32
        %dma_start3A_249 = arith.constant 0 : i32
        %dma_start3A_250 = tpu.memref_slice %arg7[%dma_start3A_248, %dma_start3A_249] : memref<10112x128xf32, #tpu.memory_space<vmem_shared>> -> memref<10112x128xf32, #tpu.memory_space<vmem_shared>>
        tpu.enqueue_indirect_dma source(%dma_start3A_244 : memref<128x128xf32, #tpu.memory_space<vmem>>) target(%dma_start3A_250 : memref<10112x128xf32, #tpu.memory_space<vmem_shared>>) offsets(%dma_start3A_247 : memref<128xi32, #tpu.memory_space<vmem>>) semaphore(%run_scoped3A_240 : memref<!tpu.dma_semaphore, #tpu.memory_space<semaphore_mem>>) {add = true}
        %dma_wait3A_251 = arith.constant 0 : i32
        %dma_wait3A_252 = arith.constant 0 : i32
        %dma_wait3A_253 = tpu.memref_slice %arg10[%run_scoped3A_87, %dma_wait3A_251, %dma_wait3A_252] : memref<2x128x128xf32, #tpu.memory_space<vmem>> -> memref<1x128x128xf32, #tpu.memory_space<vmem>>
        %dma_wait3A_254 = tpu.memref_squeeze %dma_wait3A_253 : memref<1x128x128xf32, #tpu.memory_space<vmem>> -> memref<128x128xf32, #tpu.memory_space<vmem>>
        %dma_wait3A_255 = arith.constant 0 : i32
        %dma_wait3A_256 = tpu.memref_slice %arg9[%rem3A_30, %run_scoped3A_88, %dma_wait3A_255] : memref<2x8x128xi32, #tpu.memory_space<vmem>> -> memref<1x1x128xi32, #tpu.memory_space<vmem>>
        %dma_wait3A_257 = tpu.memref_squeeze %dma_wait3A_256 : memref<1x1x128xi32, #tpu.memory_space<vmem>> -> memref<128xi32, #tpu.memory_space<vmem>>
        %dma_wait3A_258 = arith.constant 0 : i32
        %dma_wait3A_259 = arith.constant 0 : i32
        %dma_wait3A_260 = tpu.memref_slice %arg7[%dma_wait3A_258, %dma_wait3A_259] : memref<10112x128xf32, #tpu.memory_space<vmem_shared>> -> memref<10112x128xf32, #tpu.memory_space<vmem_shared>>
        tpu.wait_indirect_dma semaphore(%run_scoped3A_240 : memref<!tpu.dma_semaphore, #tpu.memory_space<semaphore_mem>>) src(%dma_wait3A_254 : memref<128x128xf32, #tpu.memory_space<vmem>>) dst(%dma_wait3A_260 : memref<10112x128xf32, #tpu.memory_space<vmem_shared>>)
        tpu.yield
      }) : () -> ()
      %dma_start3A_89 = arith.constant 3 : i32
      %dma_start3A_90 = arith.constant 1 : i32
      %dma_start3A_91 = arith.constant 0 : i32
      %dma_start3A_92 = arith.constant 0 : i32
      %dma_start3A_93 = tpu.memref_slice %arg10[%dma_start3A_90, %dma_start3A_91, %dma_start3A_92] : memref<2x128x128xf32, #tpu.memory_space<vmem>> -> memref<1x128x128xf32, #tpu.memory_space<vmem>>
      %dma_start3A_94 = tpu.memref_squeeze %dma_start3A_93 : memref<1x128x128xf32, #tpu.memory_space<vmem>> -> memref<128x128xf32, #tpu.memory_space<vmem>>
      %dma_start3A_95 = arith.constant 0 : i32
      %dma_start3A_96 = tpu.memref_slice %arg8[%rem3A_30, %dma_start3A_89, %dma_start3A_95] : memref<2x8x128xi32, #tpu.memory_space<vmem>> -> memref<1x1x128xi32, #tpu.memory_space<vmem>>
      %dma_start3A_97 = tpu.memref_squeeze %dma_start3A_96 : memref<1x1x128xi32, #tpu.memory_space<vmem>> -> memref<128xi32, #tpu.memory_space<vmem>>
      %dma_start3A_98 = arith.constant 0 : i32
      %dma_start3A_99 = arith.constant 0 : i32
      %dma_start3A_100 = tpu.memref_slice %arg2[%dma_start3A_98, %dma_start3A_99] : memref<20000x128xf32, #tpu.memory_space<hbm>> -> memref<20000x128xf32, #tpu.memory_space<hbm>>
      tpu.enqueue_indirect_dma source(%dma_start3A_100 : memref<20000x128xf32, #tpu.memory_space<hbm>>) target(%dma_start3A_94 : memref<128x128xf32, #tpu.memory_space<vmem>>) offsets(%dma_start3A_97 : memref<128xi32, #tpu.memory_space<vmem>>) semaphore(%arg11 : memref<!tpu.dma_semaphore, #tpu.memory_space<semaphore_mem>>)
      %dma_wait3A_101 = arith.constant 2 : i32
      %dma_wait3A_102 = arith.constant 0 : i32
      %dma_wait3A_103 = arith.constant 0 : i32
      %dma_wait3A_104 = arith.constant 0 : i32
      %dma_wait3A_105 = tpu.memref_slice %arg10[%dma_wait3A_102, %dma_wait3A_103, %dma_wait3A_104] : memref<2x128x128xf32, #tpu.memory_space<vmem>> -> memref<1x128x128xf32, #tpu.memory_space<vmem>>
      %dma_wait3A_106 = tpu.memref_squeeze %dma_wait3A_105 : memref<1x128x128xf32, #tpu.memory_space<vmem>> -> memref<128x128xf32, #tpu.memory_space<vmem>>
      %dma_wait3A_107 = arith.constant 0 : i32
      %dma_wait3A_108 = tpu.memref_slice %arg8[%rem3A_30, %dma_wait3A_101, %dma_wait3A_107] : memref<2x8x128xi32, #tpu.memory_space<vmem>> -> memref<1x1x128xi32, #tpu.memory_space<vmem>>
      %dma_wait3A_109 = tpu.memref_squeeze %dma_wait3A_108 : memref<1x1x128xi32, #tpu.memory_space<vmem>> -> memref<128xi32, #tpu.memory_space<vmem>>
      %dma_wait3A_110 = arith.constant 0 : i32
      %dma_wait3A_111 = arith.constant 0 : i32
      %dma_wait3A_112 = tpu.memref_slice %arg2[%dma_wait3A_110, %dma_wait3A_111] : memref<20000x128xf32, #tpu.memory_space<hbm>> -> memref<20000x128xf32, #tpu.memory_space<hbm>>
      tpu.wait_indirect_dma semaphore(%arg11 : memref<!tpu.dma_semaphore, #tpu.memory_space<semaphore_mem>>) src(%dma_wait3A_112 : memref<20000x128xf32, #tpu.memory_space<hbm>>) dst(%dma_wait3A_106 : memref<128x128xf32, #tpu.memory_space<vmem>>)
      %run_scoped3A_113 = arith.constant 0 : i32
      %run_scoped3A_114 = arith.constant 2 : i32
      "tpu.region"() ({
        %run_scoped3A_240 = tpu.sem_alloc : memref<!tpu.dma_semaphore, #tpu.memory_space<semaphore_mem>>
        %dma_start3A_241 = arith.constant 0 : i32
        %dma_start3A_242 = arith.constant 0 : i32
        %dma_start3A_243 = tpu.memref_slice %arg10[%run_scoped3A_113, %dma_start3A_241, %dma_start3A_242] : memref<2x128x128xf32, #tpu.memory_space<vmem>> -> memref<1x128x128xf32, #tpu.memory_space<vmem>>
        %dma_start3A_244 = tpu.memref_squeeze %dma_start3A_243 : memref<1x128x128xf32, #tpu.memory_space<vmem>> -> memref<128x128xf32, #tpu.memory_space<vmem>>
        %dma_start3A_245 = arith.constant 0 : i32
        %dma_start3A_246 = tpu.memref_slice %arg9[%rem3A_30, %run_scoped3A_114, %dma_start3A_245] : memref<2x8x128xi32, #tpu.memory_space<vmem>> -> memref<1x1x128xi32, #tpu.memory_space<vmem>>
        %dma_start3A_247 = tpu.memref_squeeze %dma_start3A_246 : memref<1x1x128xi32, #tpu.memory_space<vmem>> -> memref<128xi32, #tpu.memory_space<vmem>>
        %dma_start3A_248 = arith.constant 0 : i32
        %dma_start3A_249 = arith.constant 0 : i32
        %dma_start3A_250 = tpu.memref_slice %arg7[%dma_start3A_248, %dma_start3A_249] : memref<10112x128xf32, #tpu.memory_space<vmem_shared>> -> memref<10112x128xf32, #tpu.memory_space<vmem_shared>>
        tpu.enqueue_indirect_dma source(%dma_start3A_244 : memref<128x128xf32, #tpu.memory_space<vmem>>) target(%dma_start3A_250 : memref<10112x128xf32, #tpu.memory_space<vmem_shared>>) offsets(%dma_start3A_247 : memref<128xi32, #tpu.memory_space<vmem>>) semaphore(%run_scoped3A_240 : memref<!tpu.dma_semaphore, #tpu.memory_space<semaphore_mem>>) {add = true}
        %dma_wait3A_251 = arith.constant 0 : i32
        %dma_wait3A_252 = arith.constant 0 : i32
        %dma_wait3A_253 = tpu.memref_slice %arg10[%run_scoped3A_113, %dma_wait3A_251, %dma_wait3A_252] : memref<2x128x128xf32, #tpu.memory_space<vmem>> -> memref<1x128x128xf32, #tpu.memory_space<vmem>>
        %dma_wait3A_254 = tpu.memref_squeeze %dma_wait3A_253 : memref<1x128x128xf32, #tpu.memory_space<vmem>> -> memref<128x128xf32, #tpu.memory_space<vmem>>
        %dma_wait3A_255 = arith.constant 0 : i32
        %dma_wait3A_256 = tpu.memref_slice %arg9[%rem3A_30, %run_scoped3A_114, %dma_wait3A_255] : memref<2x8x128xi32, #tpu.memory_space<vmem>> -> memref<1x1x128xi32, #tpu.memory_space<vmem>>
        %dma_wait3A_257 = tpu.memref_squeeze %dma_wait3A_256 : memref<1x1x128xi32, #tpu.memory_space<vmem>> -> memref<128xi32, #tpu.memory_space<vmem>>
        %dma_wait3A_258 = arith.constant 0 : i32
        %dma_wait3A_259 = arith.constant 0 : i32
        %dma_wait3A_260 = tpu.memref_slice %arg7[%dma_wait3A_258, %dma_wait3A_259] : memref<10112x128xf32, #tpu.memory_space<vmem_shared>> -> memref<10112x128xf32, #tpu.memory_space<vmem_shared>>
        tpu.wait_indirect_dma semaphore(%run_scoped3A_240 : memref<!tpu.dma_semaphore, #tpu.memory_space<semaphore_mem>>) src(%dma_wait3A_254 : memref<128x128xf32, #tpu.memory_space<vmem>>) dst(%dma_wait3A_260 : memref<10112x128xf32, #tpu.memory_space<vmem_shared>>)
        tpu.yield
      }) : () -> ()
      %dma_start3A_115 = arith.constant 4 : i32
      %dma_start3A_116 = arith.constant 0 : i32
      %dma_start3A_117 = arith.constant 0 : i32
      %dma_start3A_118 = arith.constant 0 : i32
      %dma_start3A_119 = tpu.memref_slice %arg10[%dma_start3A_116, %dma_start3A_117, %dma_start3A_118] : memref<2x128x128xf32, #tpu.memory_space<vmem>> -> memref<1x128x128xf32, #tpu.memory_space<vmem>>
      %dma_start3A_120 = tpu.memref_squeeze %dma_start3A_119 : memref<1x128x128xf32, #tpu.memory_space<vmem>> -> memref<128x128xf32, #tpu.memory_space<vmem>>
      %dma_start3A_121 = arith.constant 0 : i32
      %dma_start3A_122 = tpu.memref_slice %arg8[%rem3A_30, %dma_start3A_115, %dma_start3A_121] : memref<2x8x128xi32, #tpu.memory_space<vmem>> -> memref<1x1x128xi32, #tpu.memory_space<vmem>>
      %dma_start3A_123 = tpu.memref_squeeze %dma_start3A_122 : memref<1x1x128xi32, #tpu.memory_space<vmem>> -> memref<128xi32, #tpu.memory_space<vmem>>
      %dma_start3A_124 = arith.constant 0 : i32
      %dma_start3A_125 = arith.constant 0 : i32
      %dma_start3A_126 = tpu.memref_slice %arg2[%dma_start3A_124, %dma_start3A_125] : memref<20000x128xf32, #tpu.memory_space<hbm>> -> memref<20000x128xf32, #tpu.memory_space<hbm>>
      tpu.enqueue_indirect_dma source(%dma_start3A_126 : memref<20000x128xf32, #tpu.memory_space<hbm>>) target(%dma_start3A_120 : memref<128x128xf32, #tpu.memory_space<vmem>>) offsets(%dma_start3A_123 : memref<128xi32, #tpu.memory_space<vmem>>) semaphore(%arg11 : memref<!tpu.dma_semaphore, #tpu.memory_space<semaphore_mem>>)
      %dma_wait3A_127 = arith.constant 3 : i32
      %dma_wait3A_128 = arith.constant 1 : i32
      %dma_wait3A_129 = arith.constant 0 : i32
      %dma_wait3A_130 = arith.constant 0 : i32
      %dma_wait3A_131 = tpu.memref_slice %arg10[%dma_wait3A_128, %dma_wait3A_129, %dma_wait3A_130] : memref<2x128x128xf32, #tpu.memory_space<vmem>> -> memref<1x128x128xf32, #tpu.memory_space<vmem>>
      %dma_wait3A_132 = tpu.memref_squeeze %dma_wait3A_131 : memref<1x128x128xf32, #tpu.memory_space<vmem>> -> memref<128x128xf32, #tpu.memory_space<vmem>>
      %dma_wait3A_133 = arith.constant 0 : i32
      %dma_wait3A_134 = tpu.memref_slice %arg8[%rem3A_30, %dma_wait3A_127, %dma_wait3A_133] : memref<2x8x128xi32, #tpu.memory_space<vmem>> -> memref<1x1x128xi32, #tpu.memory_space<vmem>>
      %dma_wait3A_135 = tpu.memref_squeeze %dma_wait3A_134 : memref<1x1x128xi32, #tpu.memory_space<vmem>> -> memref<128xi32, #tpu.memory_space<vmem>>
      %dma_wait3A_136 = arith.constant 0 : i32
      %dma_wait3A_137 = arith.constant 0 : i32
      %dma_wait3A_138 = tpu.memref_slice %arg2[%dma_wait3A_136, %dma_wait3A_137] : memref<20000x128xf32, #tpu.memory_space<hbm>> -> memref<20000x128xf32, #tpu.memory_space<hbm>>
      tpu.wait_indirect_dma semaphore(%arg11 : memref<!tpu.dma_semaphore, #tpu.memory_space<semaphore_mem>>) src(%dma_wait3A_138 : memref<20000x128xf32, #tpu.memory_space<hbm>>) dst(%dma_wait3A_132 : memref<128x128xf32, #tpu.memory_space<vmem>>)
      %run_scoped3A_139 = arith.constant 1 : i32
      %run_scoped3A_140 = arith.constant 3 : i32
      "tpu.region"() ({
        %run_scoped3A_240 = tpu.sem_alloc : memref<!tpu.dma_semaphore, #tpu.memory_space<semaphore_mem>>
        %dma_start3A_241 = arith.constant 0 : i32
        %dma_start3A_242 = arith.constant 0 : i32
        %dma_start3A_243 = tpu.memref_slice %arg10[%run_scoped3A_139, %dma_start3A_241, %dma_start3A_242] : memref<2x128x128xf32, #tpu.memory_space<vmem>> -> memref<1x128x128xf32, #tpu.memory_space<vmem>>
        %dma_start3A_244 = tpu.memref_squeeze %dma_start3A_243 : memref<1x128x128xf32, #tpu.memory_space<vmem>> -> memref<128x128xf32, #tpu.memory_space<vmem>>
        %dma_start3A_245 = arith.constant 0 : i32
        %dma_start3A_246 = tpu.memref_slice %arg9[%rem3A_30, %run_scoped3A_140, %dma_start3A_245] : memref<2x8x128xi32, #tpu.memory_space<vmem>> -> memref<1x1x128xi32, #tpu.memory_space<vmem>>
        %dma_start3A_247 = tpu.memref_squeeze %dma_start3A_246 : memref<1x1x128xi32, #tpu.memory_space<vmem>> -> memref<128xi32, #tpu.memory_space<vmem>>
        %dma_start3A_248 = arith.constant 0 : i32
        %dma_start3A_249 = arith.constant 0 : i32
        %dma_start3A_250 = tpu.memref_slice %arg7[%dma_start3A_248, %dma_start3A_249] : memref<10112x128xf32, #tpu.memory_space<vmem_shared>> -> memref<10112x128xf32, #tpu.memory_space<vmem_shared>>
        tpu.enqueue_indirect_dma source(%dma_start3A_244 : memref<128x128xf32, #tpu.memory_space<vmem>>) target(%dma_start3A_250 : memref<10112x128xf32, #tpu.memory_space<vmem_shared>>) offsets(%dma_start3A_247 : memref<128xi32, #tpu.memory_space<vmem>>) semaphore(%run_scoped3A_240 : memref<!tpu.dma_semaphore, #tpu.memory_space<semaphore_mem>>) {add = true}
        %dma_wait3A_251 = arith.constant 0 : i32
        %dma_wait3A_252 = arith.constant 0 : i32
        %dma_wait3A_253 = tpu.memref_slice %arg10[%run_scoped3A_139, %dma_wait3A_251, %dma_wait3A_252] : memref<2x128x128xf32, #tpu.memory_space<vmem>> -> memref<1x128x128xf32, #tpu.memory_space<vmem>>
        %dma_wait3A_254 = tpu.memref_squeeze %dma_wait3A_253 : memref<1x128x128xf32, #tpu.memory_space<vmem>> -> memref<128x128xf32, #tpu.memory_space<vmem>>
        %dma_wait3A_255 = arith.constant 0 : i32
        %dma_wait3A_256 = tpu.memref_slice %arg9[%rem3A_30, %run_scoped3A_140, %dma_wait3A_255] : memref<2x8x128xi32, #tpu.memory_space<vmem>> -> memref<1x1x128xi32, #tpu.memory_space<vmem>>
        %dma_wait3A_257 = tpu.memref_squeeze %dma_wait3A_256 : memref<1x1x128xi32, #tpu.memory_space<vmem>> -> memref<128xi32, #tpu.memory_space<vmem>>
        %dma_wait3A_258 = arith.constant 0 : i32
        %dma_wait3A_259 = arith.constant 0 : i32
        %dma_wait3A_260 = tpu.memref_slice %arg7[%dma_wait3A_258, %dma_wait3A_259] : memref<10112x128xf32, #tpu.memory_space<vmem_shared>> -> memref<10112x128xf32, #tpu.memory_space<vmem_shared>>
        tpu.wait_indirect_dma semaphore(%run_scoped3A_240 : memref<!tpu.dma_semaphore, #tpu.memory_space<semaphore_mem>>) src(%dma_wait3A_254 : memref<128x128xf32, #tpu.memory_space<vmem>>) dst(%dma_wait3A_260 : memref<10112x128xf32, #tpu.memory_space<vmem_shared>>)
        tpu.yield
      }) : () -> ()
      %dma_start3A_141 = arith.constant 5 : i32
      %dma_start3A_142 = arith.constant 1 : i32
      %dma_start3A_143 = arith.constant 0 : i32
      %dma_start3A_144 = arith.constant 0 : i32
      %dma_start3A_145 = tpu.memref_slice %arg10[%dma_start3A_142, %dma_start3A_143, %dma_start3A_144] : memref<2x128x128xf32, #tpu.memory_space<vmem>> -> memref<1x128x128xf32, #tpu.memory_space<vmem>>
      %dma_start3A_146 = tpu.memref_squeeze %dma_start3A_145 : memref<1x128x128xf32, #tpu.memory_space<vmem>> -> memref<128x128xf32, #tpu.memory_space<vmem>>
      %dma_start3A_147 = arith.constant 0 : i32
      %dma_start3A_148 = tpu.memref_slice %arg8[%rem3A_30, %dma_start3A_141, %dma_start3A_147] : memref<2x8x128xi32, #tpu.memory_space<vmem>> -> memref<1x1x128xi32, #tpu.memory_space<vmem>>
      %dma_start3A_149 = tpu.memref_squeeze %dma_start3A_148 : memref<1x1x128xi32, #tpu.memory_space<vmem>> -> memref<128xi32, #tpu.memory_space<vmem>>
      %dma_start3A_150 = arith.constant 0 : i32
      %dma_start3A_151 = arith.constant 0 : i32
      %dma_start3A_152 = tpu.memref_slice %arg2[%dma_start3A_150, %dma_start3A_151] : memref<20000x128xf32, #tpu.memory_space<hbm>> -> memref<20000x128xf32, #tpu.memory_space<hbm>>
      tpu.enqueue_indirect_dma source(%dma_start3A_152 : memref<20000x128xf32, #tpu.memory_space<hbm>>) target(%dma_start3A_146 : memref<128x128xf32, #tpu.memory_space<vmem>>) offsets(%dma_start3A_149 : memref<128xi32, #tpu.memory_space<vmem>>) semaphore(%arg11 : memref<!tpu.dma_semaphore, #tpu.memory_space<semaphore_mem>>)
      %dma_wait3A_153 = arith.constant 4 : i32
      %dma_wait3A_154 = arith.constant 0 : i32
      %dma_wait3A_155 = arith.constant 0 : i32
      %dma_wait3A_156 = arith.constant 0 : i32
      %dma_wait3A_157 = tpu.memref_slice %arg10[%dma_wait3A_154, %dma_wait3A_155, %dma_wait3A_156] : memref<2x128x128xf32, #tpu.memory_space<vmem>> -> memref<1x128x128xf32, #tpu.memory_space<vmem>>
      %dma_wait3A_158 = tpu.memref_squeeze %dma_wait3A_157 : memref<1x128x128xf32, #tpu.memory_space<vmem>> -> memref<128x128xf32, #tpu.memory_space<vmem>>
      %dma_wait3A_159 = arith.constant 0 : i32
      %dma_wait3A_160 = tpu.memref_slice %arg8[%rem3A_30, %dma_wait3A_153, %dma_wait3A_159] : memref<2x8x128xi32, #tpu.memory_space<vmem>> -> memref<1x1x128xi32, #tpu.memory_space<vmem>>
      %dma_wait3A_161 = tpu.memref_squeeze %dma_wait3A_160 : memref<1x1x128xi32, #tpu.memory_space<vmem>> -> memref<128xi32, #tpu.memory_space<vmem>>
      %dma_wait3A_162 = arith.constant 0 : i32
      %dma_wait3A_163 = arith.constant 0 : i32
      %dma_wait3A_164 = tpu.memref_slice %arg2[%dma_wait3A_162, %dma_wait3A_163] : memref<20000x128xf32, #tpu.memory_space<hbm>> -> memref<20000x128xf32, #tpu.memory_space<hbm>>
      tpu.wait_indirect_dma semaphore(%arg11 : memref<!tpu.dma_semaphore, #tpu.memory_space<semaphore_mem>>) src(%dma_wait3A_164 : memref<20000x128xf32, #tpu.memory_space<hbm>>) dst(%dma_wait3A_158 : memref<128x128xf32, #tpu.memory_space<vmem>>)
      %run_scoped3A_165 = arith.constant 0 : i32
      %run_scoped3A_166 = arith.constant 4 : i32
      "tpu.region"() ({
        %run_scoped3A_240 = tpu.sem_alloc : memref<!tpu.dma_semaphore, #tpu.memory_space<semaphore_mem>>
        %dma_start3A_241 = arith.constant 0 : i32
        %dma_start3A_242 = arith.constant 0 : i32
        %dma_start3A_243 = tpu.memref_slice %arg10[%run_scoped3A_165, %dma_start3A_241, %dma_start3A_242] : memref<2x128x128xf32, #tpu.memory_space<vmem>> -> memref<1x128x128xf32, #tpu.memory_space<vmem>>
        %dma_start3A_244 = tpu.memref_squeeze %dma_start3A_243 : memref<1x128x128xf32, #tpu.memory_space<vmem>> -> memref<128x128xf32, #tpu.memory_space<vmem>>
        %dma_start3A_245 = arith.constant 0 : i32
        %dma_start3A_246 = tpu.memref_slice %arg9[%rem3A_30, %run_scoped3A_166, %dma_start3A_245] : memref<2x8x128xi32, #tpu.memory_space<vmem>> -> memref<1x1x128xi32, #tpu.memory_space<vmem>>
        %dma_start3A_247 = tpu.memref_squeeze %dma_start3A_246 : memref<1x1x128xi32, #tpu.memory_space<vmem>> -> memref<128xi32, #tpu.memory_space<vmem>>
        %dma_start3A_248 = arith.constant 0 : i32
        %dma_start3A_249 = arith.constant 0 : i32
        %dma_start3A_250 = tpu.memref_slice %arg7[%dma_start3A_248, %dma_start3A_249] : memref<10112x128xf32, #tpu.memory_space<vmem_shared>> -> memref<10112x128xf32, #tpu.memory_space<vmem_shared>>
        tpu.enqueue_indirect_dma source(%dma_start3A_244 : memref<128x128xf32, #tpu.memory_space<vmem>>) target(%dma_start3A_250 : memref<10112x128xf32, #tpu.memory_space<vmem_shared>>) offsets(%dma_start3A_247 : memref<128xi32, #tpu.memory_space<vmem>>) semaphore(%run_scoped3A_240 : memref<!tpu.dma_semaphore, #tpu.memory_space<semaphore_mem>>) {add = true}
        %dma_wait3A_251 = arith.constant 0 : i32
        %dma_wait3A_252 = arith.constant 0 : i32
        %dma_wait3A_253 = tpu.memref_slice %arg10[%run_scoped3A_165, %dma_wait3A_251, %dma_wait3A_252] : memref<2x128x128xf32, #tpu.memory_space<vmem>> -> memref<1x128x128xf32, #tpu.memory_space<vmem>>
        %dma_wait3A_254 = tpu.memref_squeeze %dma_wait3A_253 : memref<1x128x128xf32, #tpu.memory_space<vmem>> -> memref<128x128xf32, #tpu.memory_space<vmem>>
        %dma_wait3A_255 = arith.constant 0 : i32
        %dma_wait3A_256 = tpu.memref_slice %arg9[%rem3A_30, %run_scoped3A_166, %dma_wait3A_255] : memref<2x8x128xi32, #tpu.memory_space<vmem>> -> memref<1x1x128xi32, #tpu.memory_space<vmem>>
        %dma_wait3A_257 = tpu.memref_squeeze %dma_wait3A_256 : memref<1x1x128xi32, #tpu.memory_space<vmem>> -> memref<128xi32, #tpu.memory_space<vmem>>
        %dma_wait3A_258 = arith.constant 0 : i32
        %dma_wait3A_259 = arith.constant 0 : i32
        %dma_wait3A_260 = tpu.memref_slice %arg7[%dma_wait3A_258, %dma_wait3A_259] : memref<10112x128xf32, #tpu.memory_space<vmem_shared>> -> memref<10112x128xf32, #tpu.memory_space<vmem_shared>>
        tpu.wait_indirect_dma semaphore(%run_scoped3A_240 : memref<!tpu.dma_semaphore, #tpu.memory_space<semaphore_mem>>) src(%dma_wait3A_254 : memref<128x128xf32, #tpu.memory_space<vmem>>) dst(%dma_wait3A_260 : memref<10112x128xf32, #tpu.memory_space<vmem_shared>>)
        tpu.yield
      }) : () -> ()
      %dma_start3A_167 = arith.constant 6 : i32
      %dma_start3A_168 = arith.constant 0 : i32
      %dma_start3A_169 = arith.constant 0 : i32
      %dma_start3A_170 = arith.constant 0 : i32
      %dma_start3A_171 = tpu.memref_slice %arg10[%dma_start3A_168, %dma_start3A_169, %dma_start3A_170] : memref<2x128x128xf32, #tpu.memory_space<vmem>> -> memref<1x128x128xf32, #tpu.memory_space<vmem>>
      %dma_start3A_172 = tpu.memref_squeeze %dma_start3A_171 : memref<1x128x128xf32, #tpu.memory_space<vmem>> -> memref<128x128xf32, #tpu.memory_space<vmem>>
      %dma_start3A_173 = arith.constant 0 : i32
      %dma_start3A_174 = tpu.memref_slice %arg8[%rem3A_30, %dma_start3A_167, %dma_start3A_173] : memref<2x8x128xi32, #tpu.memory_space<vmem>> -> memref<1x1x128xi32, #tpu.memory_space<vmem>>
      %dma_start3A_175 = tpu.memref_squeeze %dma_start3A_174 : memref<1x1x128xi32, #tpu.memory_space<vmem>> -> memref<128xi32, #tpu.memory_space<vmem>>
      %dma_start3A_176 = arith.constant 0 : i32
      %dma_start3A_177 = arith.constant 0 : i32
      %dma_start3A_178 = tpu.memref_slice %arg2[%dma_start3A_176, %dma_start3A_177] : memref<20000x128xf32, #tpu.memory_space<hbm>> -> memref<20000x128xf32, #tpu.memory_space<hbm>>
      tpu.enqueue_indirect_dma source(%dma_start3A_178 : memref<20000x128xf32, #tpu.memory_space<hbm>>) target(%dma_start3A_172 : memref<128x128xf32, #tpu.memory_space<vmem>>) offsets(%dma_start3A_175 : memref<128xi32, #tpu.memory_space<vmem>>) semaphore(%arg11 : memref<!tpu.dma_semaphore, #tpu.memory_space<semaphore_mem>>)
      %dma_wait3A_179 = arith.constant 5 : i32
      %dma_wait3A_180 = arith.constant 1 : i32
      %dma_wait3A_181 = arith.constant 0 : i32
      %dma_wait3A_182 = arith.constant 0 : i32
      %dma_wait3A_183 = tpu.memref_slice %arg10[%dma_wait3A_180, %dma_wait3A_181, %dma_wait3A_182] : memref<2x128x128xf32, #tpu.memory_space<vmem>> -> memref<1x128x128xf32, #tpu.memory_space<vmem>>
      %dma_wait3A_184 = tpu.memref_squeeze %dma_wait3A_183 : memref<1x128x128xf32, #tpu.memory_space<vmem>> -> memref<128x128xf32, #tpu.memory_space<vmem>>
      %dma_wait3A_185 = arith.constant 0 : i32
      %dma_wait3A_186 = tpu.memref_slice %arg8[%rem3A_30, %dma_wait3A_179, %dma_wait3A_185] : memref<2x8x128xi32, #tpu.memory_space<vmem>> -> memref<1x1x128xi32, #tpu.memory_space<vmem>>
      %dma_wait3A_187 = tpu.memref_squeeze %dma_wait3A_186 : memref<1x1x128xi32, #tpu.memory_space<vmem>> -> memref<128xi32, #tpu.memory_space<vmem>>
      %dma_wait3A_188 = arith.constant 0 : i32
      %dma_wait3A_189 = arith.constant 0 : i32
      %dma_wait3A_190 = tpu.memref_slice %arg2[%dma_wait3A_188, %dma_wait3A_189] : memref<20000x128xf32, #tpu.memory_space<hbm>> -> memref<20000x128xf32, #tpu.memory_space<hbm>>
      tpu.wait_indirect_dma semaphore(%arg11 : memref<!tpu.dma_semaphore, #tpu.memory_space<semaphore_mem>>) src(%dma_wait3A_190 : memref<20000x128xf32, #tpu.memory_space<hbm>>) dst(%dma_wait3A_184 : memref<128x128xf32, #tpu.memory_space<vmem>>)
      %run_scoped3A_191 = arith.constant 1 : i32
      %run_scoped3A_192 = arith.constant 5 : i32
      "tpu.region"() ({
        %run_scoped3A_240 = tpu.sem_alloc : memref<!tpu.dma_semaphore, #tpu.memory_space<semaphore_mem>>
        %dma_start3A_241 = arith.constant 0 : i32
        %dma_start3A_242 = arith.constant 0 : i32
        %dma_start3A_243 = tpu.memref_slice %arg10[%run_scoped3A_191, %dma_start3A_241, %dma_start3A_242] : memref<2x128x128xf32, #tpu.memory_space<vmem>> -> memref<1x128x128xf32, #tpu.memory_space<vmem>>
        %dma_start3A_244 = tpu.memref_squeeze %dma_start3A_243 : memref<1x128x128xf32, #tpu.memory_space<vmem>> -> memref<128x128xf32, #tpu.memory_space<vmem>>
        %dma_start3A_245 = arith.constant 0 : i32
        %dma_start3A_246 = tpu.memref_slice %arg9[%rem3A_30, %run_scoped3A_192, %dma_start3A_245] : memref<2x8x128xi32, #tpu.memory_space<vmem>> -> memref<1x1x128xi32, #tpu.memory_space<vmem>>
        %dma_start3A_247 = tpu.memref_squeeze %dma_start3A_246 : memref<1x1x128xi32, #tpu.memory_space<vmem>> -> memref<128xi32, #tpu.memory_space<vmem>>
        %dma_start3A_248 = arith.constant 0 : i32
        %dma_start3A_249 = arith.constant 0 : i32
        %dma_start3A_250 = tpu.memref_slice %arg7[%dma_start3A_248, %dma_start3A_249] : memref<10112x128xf32, #tpu.memory_space<vmem_shared>> -> memref<10112x128xf32, #tpu.memory_space<vmem_shared>>
        tpu.enqueue_indirect_dma source(%dma_start3A_244 : memref<128x128xf32, #tpu.memory_space<vmem>>) target(%dma_start3A_250 : memref<10112x128xf32, #tpu.memory_space<vmem_shared>>) offsets(%dma_start3A_247 : memref<128xi32, #tpu.memory_space<vmem>>) semaphore(%run_scoped3A_240 : memref<!tpu.dma_semaphore, #tpu.memory_space<semaphore_mem>>) {add = true}
        %dma_wait3A_251 = arith.constant 0 : i32
        %dma_wait3A_252 = arith.constant 0 : i32
        %dma_wait3A_253 = tpu.memref_slice %arg10[%run_scoped3A_191, %dma_wait3A_251, %dma_wait3A_252] : memref<2x128x128xf32, #tpu.memory_space<vmem>> -> memref<1x128x128xf32, #tpu.memory_space<vmem>>
        %dma_wait3A_254 = tpu.memref_squeeze %dma_wait3A_253 : memref<1x128x128xf32, #tpu.memory_space<vmem>> -> memref<128x128xf32, #tpu.memory_space<vmem>>
        %dma_wait3A_255 = arith.constant 0 : i32
        %dma_wait3A_256 = tpu.memref_slice %arg9[%rem3A_30, %run_scoped3A_192, %dma_wait3A_255] : memref<2x8x128xi32, #tpu.memory_space<vmem>> -> memref<1x1x128xi32, #tpu.memory_space<vmem>>
        %dma_wait3A_257 = tpu.memref_squeeze %dma_wait3A_256 : memref<1x1x128xi32, #tpu.memory_space<vmem>> -> memref<128xi32, #tpu.memory_space<vmem>>
        %dma_wait3A_258 = arith.constant 0 : i32
        %dma_wait3A_259 = arith.constant 0 : i32
        %dma_wait3A_260 = tpu.memref_slice %arg7[%dma_wait3A_258, %dma_wait3A_259] : memref<10112x128xf32, #tpu.memory_space<vmem_shared>> -> memref<10112x128xf32, #tpu.memory_space<vmem_shared>>
        tpu.wait_indirect_dma semaphore(%run_scoped3A_240 : memref<!tpu.dma_semaphore, #tpu.memory_space<semaphore_mem>>) src(%dma_wait3A_254 : memref<128x128xf32, #tpu.memory_space<vmem>>) dst(%dma_wait3A_260 : memref<10112x128xf32, #tpu.memory_space<vmem_shared>>)
        tpu.yield
      }) : () -> ()
      %dma_start3A_193 = arith.constant 7 : i32
      %dma_start3A_194 = arith.constant 1 : i32
      %dma_start3A_195 = arith.constant 0 : i32
      %dma_start3A_196 = arith.constant 0 : i32
      %dma_start3A_197 = tpu.memref_slice %arg10[%dma_start3A_194, %dma_start3A_195, %dma_start3A_196] : memref<2x128x128xf32, #tpu.memory_space<vmem>> -> memref<1x128x128xf32, #tpu.memory_space<vmem>>
      %dma_start3A_198 = tpu.memref_squeeze %dma_start3A_197 : memref<1x128x128xf32, #tpu.memory_space<vmem>> -> memref<128x128xf32, #tpu.memory_space<vmem>>
      %dma_start3A_199 = arith.constant 0 : i32
      %dma_start3A_200 = tpu.memref_slice %arg8[%rem3A_30, %dma_start3A_193, %dma_start3A_199] : memref<2x8x128xi32, #tpu.memory_space<vmem>> -> memref<1x1x128xi32, #tpu.memory_space<vmem>>
      %dma_start3A_201 = tpu.memref_squeeze %dma_start3A_200 : memref<1x1x128xi32, #tpu.memory_space<vmem>> -> memref<128xi32, #tpu.memory_space<vmem>>
      %dma_start3A_202 = arith.constant 0 : i32
      %dma_start3A_203 = arith.constant 0 : i32
      %dma_start3A_204 = tpu.memref_slice %arg2[%dma_start3A_202, %dma_start3A_203] : memref<20000x128xf32, #tpu.memory_space<hbm>> -> memref<20000x128xf32, #tpu.memory_space<hbm>>
      tpu.enqueue_indirect_dma source(%dma_start3A_204 : memref<20000x128xf32, #tpu.memory_space<hbm>>) target(%dma_start3A_198 : memref<128x128xf32, #tpu.memory_space<vmem>>) offsets(%dma_start3A_201 : memref<128xi32, #tpu.memory_space<vmem>>) semaphore(%arg11 : memref<!tpu.dma_semaphore, #tpu.memory_space<semaphore_mem>>)
      %dma_wait3A_205 = arith.constant 6 : i32
      %dma_wait3A_206 = arith.constant 0 : i32
      %dma_wait3A_207 = arith.constant 0 : i32
      %dma_wait3A_208 = arith.constant 0 : i32
      %dma_wait3A_209 = tpu.memref_slice %arg10[%dma_wait3A_206, %dma_wait3A_207, %dma_wait3A_208] : memref<2x128x128xf32, #tpu.memory_space<vmem>> -> memref<1x128x128xf32, #tpu.memory_space<vmem>>
      %dma_wait3A_210 = tpu.memref_squeeze %dma_wait3A_209 : memref<1x128x128xf32, #tpu.memory_space<vmem>> -> memref<128x128xf32, #tpu.memory_space<vmem>>
      %dma_wait3A_211 = arith.constant 0 : i32
      %dma_wait3A_212 = tpu.memref_slice %arg8[%rem3A_30, %dma_wait3A_205, %dma_wait3A_211] : memref<2x8x128xi32, #tpu.memory_space<vmem>> -> memref<1x1x128xi32, #tpu.memory_space<vmem>>
      %dma_wait3A_213 = tpu.memref_squeeze %dma_wait3A_212 : memref<1x1x128xi32, #tpu.memory_space<vmem>> -> memref<128xi32, #tpu.memory_space<vmem>>
      %dma_wait3A_214 = arith.constant 0 : i32
      %dma_wait3A_215 = arith.constant 0 : i32
      %dma_wait3A_216 = tpu.memref_slice %arg2[%dma_wait3A_214, %dma_wait3A_215] : memref<20000x128xf32, #tpu.memory_space<hbm>> -> memref<20000x128xf32, #tpu.memory_space<hbm>>
      tpu.wait_indirect_dma semaphore(%arg11 : memref<!tpu.dma_semaphore, #tpu.memory_space<semaphore_mem>>) src(%dma_wait3A_216 : memref<20000x128xf32, #tpu.memory_space<hbm>>) dst(%dma_wait3A_210 : memref<128x128xf32, #tpu.memory_space<vmem>>)
      %run_scoped3A_217 = arith.constant 0 : i32
      %run_scoped3A_218 = arith.constant 6 : i32
      "tpu.region"() ({
        %run_scoped3A_240 = tpu.sem_alloc : memref<!tpu.dma_semaphore, #tpu.memory_space<semaphore_mem>>
        %dma_start3A_241 = arith.constant 0 : i32
        %dma_start3A_242 = arith.constant 0 : i32
        %dma_start3A_243 = tpu.memref_slice %arg10[%run_scoped3A_217, %dma_start3A_241, %dma_start3A_242] : memref<2x128x128xf32, #tpu.memory_space<vmem>> -> memref<1x128x128xf32, #tpu.memory_space<vmem>>
        %dma_start3A_244 = tpu.memref_squeeze %dma_start3A_243 : memref<1x128x128xf32, #tpu.memory_space<vmem>> -> memref<128x128xf32, #tpu.memory_space<vmem>>
        %dma_start3A_245 = arith.constant 0 : i32
        %dma_start3A_246 = tpu.memref_slice %arg9[%rem3A_30, %run_scoped3A_218, %dma_start3A_245] : memref<2x8x128xi32, #tpu.memory_space<vmem>> -> memref<1x1x128xi32, #tpu.memory_space<vmem>>
        %dma_start3A_247 = tpu.memref_squeeze %dma_start3A_246 : memref<1x1x128xi32, #tpu.memory_space<vmem>> -> memref<128xi32, #tpu.memory_space<vmem>>
        %dma_start3A_248 = arith.constant 0 : i32
        %dma_start3A_249 = arith.constant 0 : i32
        %dma_start3A_250 = tpu.memref_slice %arg7[%dma_start3A_248, %dma_start3A_249] : memref<10112x128xf32, #tpu.memory_space<vmem_shared>> -> memref<10112x128xf32, #tpu.memory_space<vmem_shared>>
        tpu.enqueue_indirect_dma source(%dma_start3A_244 : memref<128x128xf32, #tpu.memory_space<vmem>>) target(%dma_start3A_250 : memref<10112x128xf32, #tpu.memory_space<vmem_shared>>) offsets(%dma_start3A_247 : memref<128xi32, #tpu.memory_space<vmem>>) semaphore(%run_scoped3A_240 : memref<!tpu.dma_semaphore, #tpu.memory_space<semaphore_mem>>) {add = true}
        %dma_wait3A_251 = arith.constant 0 : i32
        %dma_wait3A_252 = arith.constant 0 : i32
        %dma_wait3A_253 = tpu.memref_slice %arg10[%run_scoped3A_217, %dma_wait3A_251, %dma_wait3A_252] : memref<2x128x128xf32, #tpu.memory_space<vmem>> -> memref<1x128x128xf32, #tpu.memory_space<vmem>>
        %dma_wait3A_254 = tpu.memref_squeeze %dma_wait3A_253 : memref<1x128x128xf32, #tpu.memory_space<vmem>> -> memref<128x128xf32, #tpu.memory_space<vmem>>
        %dma_wait3A_255 = arith.constant 0 : i32
        %dma_wait3A_256 = tpu.memref_slice %arg9[%rem3A_30, %run_scoped3A_218, %dma_wait3A_255] : memref<2x8x128xi32, #tpu.memory_space<vmem>> -> memref<1x1x128xi32, #tpu.memory_space<vmem>>
        %dma_wait3A_257 = tpu.memref_squeeze %dma_wait3A_256 : memref<1x1x128xi32, #tpu.memory_space<vmem>> -> memref<128xi32, #tpu.memory_space<vmem>>
        %dma_wait3A_258 = arith.constant 0 : i32
        %dma_wait3A_259 = arith.constant 0 : i32
        %dma_wait3A_260 = tpu.memref_slice %arg7[%dma_wait3A_258, %dma_wait3A_259] : memref<10112x128xf32, #tpu.memory_space<vmem_shared>> -> memref<10112x128xf32, #tpu.memory_space<vmem_shared>>
        tpu.wait_indirect_dma semaphore(%run_scoped3A_240 : memref<!tpu.dma_semaphore, #tpu.memory_space<semaphore_mem>>) src(%dma_wait3A_254 : memref<128x128xf32, #tpu.memory_space<vmem>>) dst(%dma_wait3A_260 : memref<10112x128xf32, #tpu.memory_space<vmem_shared>>)
        tpu.yield
      }) : () -> ()
      %add3A_219 = arith.constant 1 : i32
      %add3A_220 = arith.addi %scan3A_29, %add3A_219 : i32
      %lt3A_221 = arith.constant 10 : i32
      %lt3A_222 = arith.cmpi slt, %add3A_220, %lt3A_221 : i32
      %convert_element_type3A_223 = arith.extui %lt3A_222 : i1 to i32
      %cond3A_224 = arith.constant 0 : i32
      %cond3A_225 = arith.cmpi ne, %convert_element_type3A_223, %cond3A_224 : i32
      scf.if %cond3A_225 {
        %add3A_240 = arith.constant 1 : i32
        %add3A_241 = arith.addi %scan3A_29, %add3A_240 : i32
        %mul3A_242 = arith.constant 8 : i32
        %mul3A_243 = arith.muli %add3A_241, %mul3A_242 : i32
        %multiple_of3A_244 = tpu.assume_multiple %mul3A_243, 8 : i32
        %dma_wait3A_245 = arith.constant 0 : i32
        %dma_wait3A_246 = arith.constant 0 : i32
        %dma_wait3A_247 = tpu.memref_slice %arg8[%rem3A_33, %dma_wait3A_245, %dma_wait3A_246] : memref<2x8x128xi32, #tpu.memory_space<vmem>> -> memref<1x8x128xi32, #tpu.memory_space<vmem>>
        %dma_wait3A_248 = tpu.memref_squeeze %dma_wait3A_247 : memref<1x8x128xi32, #tpu.memory_space<vmem>> -> memref<8x128xi32, #tpu.memory_space<vmem>>
        %dma_wait3A_249 = arith.constant 0 : i32
        %dma_wait3A_250 = tpu.memref_slice %arg3[%arg0, %arg1, %multiple_of3A_244, %dma_wait3A_249] : memref<2x16x80x128xi32, #tpu.memory_space<hbm>> -> memref<1x1x8x128xi32, #tpu.memory_space<hbm>>
        %dma_wait3A_251 = tpu.memref_squeeze %dma_wait3A_250 : memref<1x1x8x128xi32, #tpu.memory_space<hbm>> -> memref<8x128xi32, #tpu.memory_space<hbm>>
        %dma_wait3A_252 = arith.constant 0 : i32
        %dma_wait3A_253 = arith.constant 0 : i32
        %dma_wait3A_254 = tpu.memref_slice %arg8[%rem3A_33, %dma_wait3A_252, %dma_wait3A_253] : memref<2x8x128xi32, #tpu.memory_space<vmem>> -> memref<1x8x128xi32, #tpu.memory_space<vmem>>
        %dma_wait3A_255 = tpu.memref_squeeze %dma_wait3A_254 : memref<1x8x128xi32, #tpu.memory_space<vmem>> -> memref<8x128xi32, #tpu.memory_space<vmem>>
        %dma_wait3A_256 = arith.constant 0 : i32
        %dma_wait3A_257 = tpu.memref_slice %arg3[%arg0, %arg1, %multiple_of3A_244, %dma_wait3A_256] : memref<2x16x80x128xi32, #tpu.memory_space<hbm>> -> memref<1x1x8x128xi32, #tpu.memory_space<hbm>>
        %dma_wait3A_258 = tpu.memref_squeeze %dma_wait3A_257 : memref<1x1x8x128xi32, #tpu.memory_space<hbm>> -> memref<8x128xi32, #tpu.memory_space<hbm>>
        tpu.wait_dma2 semaphore(%arg12 : memref<!tpu.dma_semaphore, #tpu.memory_space<semaphore_mem>>) src(%dma_wait3A_258 : memref<8x128xi32, #tpu.memory_space<hbm>>) dst(%dma_wait3A_255 : memref<8x128xi32, #tpu.memory_space<vmem>>)
        %add3A_259 = arith.constant 1 : i32
        %add3A_260 = arith.addi %scan3A_29, %add3A_259 : i32
        %mul3A_261 = arith.constant 8 : i32
        %mul3A_262 = arith.muli %add3A_260, %mul3A_261 : i32
        %multiple_of3A_263 = tpu.assume_multiple %mul3A_262, 8 : i32
        %dma_wait3A_264 = arith.constant 0 : i32
        %dma_wait3A_265 = arith.constant 0 : i32
        %dma_wait3A_266 = tpu.memref_slice %arg9[%rem3A_33, %dma_wait3A_264, %dma_wait3A_265] : memref<2x8x128xi32, #tpu.memory_space<vmem>> -> memref<1x8x128xi32, #tpu.memory_space<vmem>>
        %dma_wait3A_267 = tpu.memref_squeeze %dma_wait3A_266 : memref<1x8x128xi32, #tpu.memory_space<vmem>> -> memref<8x128xi32, #tpu.memory_space<vmem>>
        %dma_wait3A_268 = arith.constant 0 : i32
        %dma_wait3A_269 = tpu.memref_slice %arg4[%arg1, %multiple_of3A_263, %dma_wait3A_268] : memref<16x80x128xi32, #tpu.memory_space<hbm>> -> memref<1x8x128xi32, #tpu.memory_space<hbm>>
        %dma_wait3A_270 = tpu.memref_squeeze %dma_wait3A_269 : memref<1x8x128xi32, #tpu.memory_space<hbm>> -> memref<8x128xi32, #tpu.memory_space<hbm>>
        %dma_wait3A_271 = arith.constant 0 : i32
        %dma_wait3A_272 = arith.constant 0 : i32
        %dma_wait3A_273 = tpu.memref_slice %arg9[%rem3A_33, %dma_wait3A_271, %dma_wait3A_272] : memref<2x8x128xi32, #tpu.memory_space<vmem>> -> memref<1x8x128xi32, #tpu.memory_space<vmem>>
        %dma_wait3A_274 = tpu.memref_squeeze %dma_wait3A_273 : memref<1x8x128xi32, #tpu.memory_space<vmem>> -> memref<8x128xi32, #tpu.memory_space<vmem>>
        %dma_wait3A_275 = arith.constant 0 : i32
        %dma_wait3A_276 = tpu.memref_slice %arg4[%arg1, %multiple_of3A_263, %dma_wait3A_275] : memref<16x80x128xi32, #tpu.memory_space<hbm>> -> memref<1x8x128xi32, #tpu.memory_space<hbm>>
        %dma_wait3A_277 = tpu.memref_squeeze %dma_wait3A_276 : memref<1x8x128xi32, #tpu.memory_space<hbm>> -> memref<8x128xi32, #tpu.memory_space<hbm>>
        tpu.wait_dma2 semaphore(%arg12 : memref<!tpu.dma_semaphore, #tpu.memory_space<semaphore_mem>>) src(%dma_wait3A_277 : memref<8x128xi32, #tpu.memory_space<hbm>>) dst(%dma_wait3A_274 : memref<8x128xi32, #tpu.memory_space<vmem>>)
        %dma_start3A_278 = arith.constant 0 : i32
        %dma_start3A_279 = arith.constant 0 : i32
        %dma_start3A_280 = arith.constant 0 : i32
        %dma_start3A_281 = arith.constant 0 : i32
        %dma_start3A_282 = tpu.memref_slice %arg10[%dma_start3A_279, %dma_start3A_280, %dma_start3A_281] : memref<2x128x128xf32, #tpu.memory_space<vmem>> -> memref<1x128x128xf32, #tpu.memory_space<vmem>>
        %dma_start3A_283 = tpu.memref_squeeze %dma_start3A_282 : memref<1x128x128xf32, #tpu.memory_space<vmem>> -> memref<128x128xf32, #tpu.memory_space<vmem>>
        %dma_start3A_284 = arith.constant 0 : i32
        %dma_start3A_285 = tpu.memref_slice %arg8[%rem3A_33, %dma_start3A_278, %dma_start3A_284] : memref<2x8x128xi32, #tpu.memory_space<vmem>> -> memref<1x1x128xi32, #tpu.memory_space<vmem>>
        %dma_start3A_286 = tpu.memref_squeeze %dma_start3A_285 : memref<1x1x128xi32, #tpu.memory_space<vmem>> -> memref<128xi32, #tpu.memory_space<vmem>>
        %dma_start3A_287 = arith.constant 0 : i32
        %dma_start3A_288 = arith.constant 0 : i32
        %dma_start3A_289 = tpu.memref_slice %arg2[%dma_start3A_287, %dma_start3A_288] : memref<20000x128xf32, #tpu.memory_space<hbm>> -> memref<20000x128xf32, #tpu.memory_space<hbm>>
        tpu.enqueue_indirect_dma source(%dma_start3A_289 : memref<20000x128xf32, #tpu.memory_space<hbm>>) target(%dma_start3A_283 : memref<128x128xf32, #tpu.memory_space<vmem>>) offsets(%dma_start3A_286 : memref<128xi32, #tpu.memory_space<vmem>>) semaphore(%arg11 : memref<!tpu.dma_semaphore, #tpu.memory_space<semaphore_mem>>)
      } else {
      }
      %dma_wait3A_226 = arith.constant 7 : i32
      %dma_wait3A_227 = arith.constant 1 : i32
      %dma_wait3A_228 = arith.constant 0 : i32
      %dma_wait3A_229 = arith.constant 0 : i32
      %dma_wait3A_230 = tpu.memref_slice %arg10[%dma_wait3A_227, %dma_wait3A_228, %dma_wait3A_229] : memref<2x128x128xf32, #tpu.memory_space<vmem>> -> memref<1x128x128xf32, #tpu.memory_space<vmem>>
      %dma_wait3A_231 = tpu.memref_squeeze %dma_wait3A_230 : memref<1x128x128xf32, #tpu.memory_space<vmem>> -> memref<128x128xf32, #tpu.memory_space<vmem>>
      %dma_wait3A_232 = arith.constant 0 : i32
      %dma_wait3A_233 = tpu.memref_slice %arg8[%rem3A_30, %dma_wait3A_226, %dma_wait3A_232] : memref<2x8x128xi32, #tpu.memory_space<vmem>> -> memref<1x1x128xi32, #tpu.memory_space<vmem>>
      %dma_wait3A_234 = tpu.memref_squeeze %dma_wait3A_233 : memref<1x1x128xi32, #tpu.memory_space<vmem>> -> memref<128xi32, #tpu.memory_space<vmem>>
      %dma_wait3A_235 = arith.constant 0 : i32
      %dma_wait3A_236 = arith.constant 0 : i32
      %dma_wait3A_237 = tpu.memref_slice %arg2[%dma_wait3A_235, %dma_wait3A_236] : memref<20000x128xf32, #tpu.memory_space<hbm>> -> memref<20000x128xf32, #tpu.memory_space<hbm>>
      tpu.wait_indirect_dma semaphore(%arg11 : memref<!tpu.dma_semaphore, #tpu.memory_space<semaphore_mem>>) src(%dma_wait3A_237 : memref<20000x128xf32, #tpu.memory_space<hbm>>) dst(%dma_wait3A_231 : memref<128x128xf32, #tpu.memory_space<vmem>>)
      %run_scoped3A_238 = arith.constant 1 : i32
      %run_scoped3A_239 = arith.constant 7 : i32
      "tpu.region"() ({
        %run_scoped3A_240 = tpu.sem_alloc : memref<!tpu.dma_semaphore, #tpu.memory_space<semaphore_mem>>
        %dma_start3A_241 = arith.constant 0 : i32
        %dma_start3A_242 = arith.constant 0 : i32
        %dma_start3A_243 = tpu.memref_slice %arg10[%run_scoped3A_238, %dma_start3A_241, %dma_start3A_242] : memref<2x128x128xf32, #tpu.memory_space<vmem>> -> memref<1x128x128xf32, #tpu.memory_space<vmem>>
        %dma_start3A_244 = tpu.memref_squeeze %dma_start3A_243 : memref<1x128x128xf32, #tpu.memory_space<vmem>> -> memref<128x128xf32, #tpu.memory_space<vmem>>
        %dma_start3A_245 = arith.constant 0 : i32
        %dma_start3A_246 = tpu.memref_slice %arg9[%rem3A_30, %run_scoped3A_239, %dma_start3A_245] : memref<2x8x128xi32, #tpu.memory_space<vmem>> -> memref<1x1x128xi32, #tpu.memory_space<vmem>>
        %dma_start3A_247 = tpu.memref_squeeze %dma_start3A_246 : memref<1x1x128xi32, #tpu.memory_space<vmem>> -> memref<128xi32, #tpu.memory_space<vmem>>
        %dma_start3A_248 = arith.constant 0 : i32
        %dma_start3A_249 = arith.constant 0 : i32
        %dma_start3A_250 = tpu.memref_slice %arg7[%dma_start3A_248, %dma_start3A_249] : memref<10112x128xf32, #tpu.memory_space<vmem_shared>> -> memref<10112x128xf32, #tpu.memory_space<vmem_shared>>
        tpu.enqueue_indirect_dma source(%dma_start3A_244 : memref<128x128xf32, #tpu.memory_space<vmem>>) target(%dma_start3A_250 : memref<10112x128xf32, #tpu.memory_space<vmem_shared>>) offsets(%dma_start3A_247 : memref<128xi32, #tpu.memory_space<vmem>>) semaphore(%run_scoped3A_240 : memref<!tpu.dma_semaphore, #tpu.memory_space<semaphore_mem>>) {add = true}
        %dma_wait3A_251 = arith.constant 0 : i32
        %dma_wait3A_252 = arith.constant 0 : i32
        %dma_wait3A_253 = tpu.memref_slice %arg10[%run_scoped3A_238, %dma_wait3A_251, %dma_wait3A_252] : memref<2x128x128xf32, #tpu.memory_space<vmem>> -> memref<1x128x128xf32, #tpu.memory_space<vmem>>
        %dma_wait3A_254 = tpu.memref_squeeze %dma_wait3A_253 : memref<1x128x128xf32, #tpu.memory_space<vmem>> -> memref<128x128xf32, #tpu.memory_space<vmem>>
        %dma_wait3A_255 = arith.constant 0 : i32
        %dma_wait3A_256 = tpu.memref_slice %arg9[%rem3A_30, %run_scoped3A_239, %dma_wait3A_255] : memref<2x8x128xi32, #tpu.memory_space<vmem>> -> memref<1x1x128xi32, #tpu.memory_space<vmem>>
        %dma_wait3A_257 = tpu.memref_squeeze %dma_wait3A_256 : memref<1x1x128xi32, #tpu.memory_space<vmem>> -> memref<128xi32, #tpu.memory_space<vmem>>
        %dma_wait3A_258 = arith.constant 0 : i32
        %dma_wait3A_259 = arith.constant 0 : i32
        %dma_wait3A_260 = tpu.memref_slice %arg7[%dma_wait3A_258, %dma_wait3A_259] : memref<10112x128xf32, #tpu.memory_space<vmem_shared>> -> memref<10112x128xf32, #tpu.memory_space<vmem_shared>>
        tpu.wait_indirect_dma semaphore(%run_scoped3A_240 : memref<!tpu.dma_semaphore, #tpu.memory_space<semaphore_mem>>) src(%dma_wait3A_254 : memref<128x128xf32, #tpu.memory_space<vmem>>) dst(%dma_wait3A_260 : memref<10112x128xf32, #tpu.memory_space<vmem_shared>>)
        tpu.yield
      }) : () -> ()
    }
    %scan3A_23 = arith.constant 10 : i32
    %barrier3A_24 = arith.constant 0 : index
    tpu.barrier barrier_id(%barrier3A_24)
    %mul3A_25 = arith.constant 632 : i32
    %mul3A_26 = arith.muli %arg1, %mul3A_25 : i32
    %mul3A_27 = arith.constant 632 : i32
    %mul3A_28 = arith.muli %arg1, %mul3A_27 : i32
    "tpu.region"() ({
      %run_scoped3A_29 = tpu.sem_alloc : memref<!tpu.dma_semaphore, #tpu.memory_space<semaphore_mem>>
      %dma_start3A_30 = arith.constant 0 : i32
      %dma_start3A_31 = tpu.memref_slice %arg6[%arg0, %mul3A_28, %dma_start3A_30] : memref<2x10112x128xf32, #tpu.memory_space<hbm>> -> memref<1x632x128xf32, #tpu.memory_space<hbm>>
      %dma_start3A_32 = tpu.memref_squeeze %dma_start3A_31 : memref<1x632x128xf32, #tpu.memory_space<hbm>> -> memref<632x128xf32, #tpu.memory_space<hbm>>
      %dma_start3A_33 = arith.constant 0 : i32
      %dma_start3A_34 = tpu.memref_slice %arg7[%mul3A_26, %dma_start3A_33] : memref<10112x128xf32, #tpu.memory_space<vmem_shared>> -> memref<632x128xf32, #tpu.memory_space<vmem_shared>>
      tpu.enqueue_dma source(%dma_start3A_34 : memref<632x128xf32, #tpu.memory_space<vmem_shared>>) target(%dma_start3A_32 : memref<632x128xf32, #tpu.memory_space<hbm>>) target_semaphore(%run_scoped3A_29 : memref<!tpu.dma_semaphore, #tpu.memory_space<semaphore_mem>>)
      %dma_wait3A = arith.constant 0 : i32
      %dma_wait3A_35 = tpu.memref_slice %arg6[%arg0, %mul3A_28, %dma_wait3A] : memref<2x10112x128xf32, #tpu.memory_space<hbm>> -> memref<1x632x128xf32, #tpu.memory_space<hbm>>
      %dma_wait3A_36 = tpu.memref_squeeze %dma_wait3A_35 : memref<1x632x128xf32, #tpu.memory_space<hbm>> -> memref<632x128xf32, #tpu.memory_space<hbm>>
      %dma_wait3A_37 = arith.constant 0 : i32
      %dma_wait3A_38 = tpu.memref_slice %arg7[%mul3A_26, %dma_wait3A_37] : memref<10112x128xf32, #tpu.memory_space<vmem_shared>> -> memref<632x128xf32, #tpu.memory_space<vmem_shared>>
      tpu.wait_dma2 semaphore(%run_scoped3A_29 : memref<!tpu.dma_semaphore, #tpu.memory_space<semaphore_mem>>) src(%dma_wait3A_38 : memref<632x128xf32, #tpu.memory_space<vmem_shared>>) dst(%dma_wait3A_36 : memref<632x128xf32, #tpu.memory_space<hbm>>)
      tpu.yield
    }) : () -> ()
    return
  }
}

module attributes {stable_mosaic.version = 14 : i64} {
  func.func @_layer0_body(%arg0: i32, %arg1: i32, %arg2: memref<400x256xf32, #tpu.memory_space<vmem>>, %arg3: memref<256x128xf32, #tpu.memory_space<vmem>>, %arg4: memref<2x400x128xf32, #tpu.memory_space<vmem>>, %arg5: memref<1x400x128xf32, #tpu.memory_space<vmem>>, %arg6: memref<400x1xf32, #tpu.memory_space<vmem>>) attributes {dimension_semantics = [#tpu.dimension_semantics<arbitrary>, #tpu.dimension_semantics<arbitrary>], iteration_bounds = array<i64: 25, 2>, scalar_prefetch = 0 : i64, scratch_operands = 0 : i64, tpu.core_type = #tpu.core_type<tc>, window_params = [{transform_indices = @transform_0, window_bounds = array<i64: 400, 256>}, {transform_indices = @transform_1, window_bounds = array<i64: 256, 128>}, {transform_indices = @transform_2, window_bounds = array<i64: 2, 400, 128>}, {transform_indices = @transform_3, window_bounds = array<i64: 1, 400, 128>}, {transform_indices = @transform_4, window_bounds = array<i64: 400, 1>}]} {
    %get3A = arith.constant 0 : index
    %get3A_0 = arith.constant 0 : index
    %get3A_1 = arith.constant 0 : index
    %get3A_2 = vector.load %arg4[%get3A, %get3A_0, %get3A_1] : memref<2x400x128xf32, #tpu.memory_space<vmem>>, vector<1x400x1xf32>
    %get3A_3 = vector.shape_cast %get3A_2 : vector<1x400x1xf32> to vector<400xf32>
    %add3A = arith.constant 1.000000e+00 : f32
    %add3A_4 = vector.broadcast %add3A : f32 to vector<400xf32>
    %add3A_5 = arith.addf %add3A_4, %get3A_3 : vector<400xf32>
    %get3A_6 = arith.constant 1 : index
    %get3A_7 = arith.constant 0 : index
    %get3A_8 = arith.constant 0 : index
    %get3A_9 = vector.load %arg4[%get3A_6, %get3A_7, %get3A_8] : memref<2x400x128xf32, #tpu.memory_space<vmem>>, vector<1x400x1xf32>
    %get3A_10 = vector.shape_cast %get3A_9 : vector<1x400x1xf32> to vector<400xf32>
    %add3A_11 = arith.addf %add3A_5, %get3A_10 : vector<400xf32>
    %rsqrt3A = math.rsqrt %add3A_11 : vector<400xf32>
    %broadcast_in_dim3A = vector.shape_cast %rsqrt3A : vector<400xf32> to vector<400x1xf32>
    %swap3A = arith.constant 0 : index
    %swap3A_12 = arith.constant 0 : index
    %swap3A_13 = vector.load %arg6[%swap3A, %swap3A_12] : memref<400x1xf32, #tpu.memory_space<vmem>>, vector<400x1xf32>
    tpu.vector_store %arg6[%swap3A, %swap3A_12], %broadcast_in_dim3A {strides = array<i32>} : memref<400x1xf32, #tpu.memory_space<vmem>>, vector<400x1xf32>,
    %get3A_14 = arith.constant 0 : index
    %get3A_15 = arith.constant 0 : index
    %get3A_16 = vector.load %arg2[%get3A_14, %get3A_15] : memref<400x256xf32, #tpu.memory_space<vmem>>, vector<400x256xf32>
    %get3A_17 = arith.constant 0 : index
    %get3A_18 = arith.constant 0 : index
    %get3A_19 = vector.load %arg3[%get3A_17, %get3A_18] : memref<256x128xf32, #tpu.memory_space<vmem>>, vector<256x128xf32>
    %dot_general3A = arith.constant dense<0.000000e+00> : vector<400x128xf32>
    %dot_general3A_20 = tpu.matmul %get3A_16, %get3A_19, %dot_general3A {dimension_numbers = #tpu.dot_dimension_numbers<[1], [0], [0], [1], [0, 0, 1, 1], [], []>, transpose_lhs_hint = false} : vector<400x256xf32>, vector<256x128xf32>, vector<400x128xf32> -> vector<400x128xf32>
    %mul3A = vector.broadcast %broadcast_in_dim3A : vector<400x1xf32> to vector<400x128xf32>
    %mul3A_21 = arith.mulf %dot_general3A_20, %mul3A : vector<400x128xf32>
    %swap3A_22 = arith.constant 0 : index
    %swap3A_23 = arith.constant 0 : index
    %swap3A_24 = arith.constant 0 : index
    %swap3A_25 = vector.load %arg5[%swap3A_22, %swap3A_23, %swap3A_24] : memref<1x400x128xf32, #tpu.memory_space<vmem>>, vector<1x400x128xf32>
    %swap3A_26 = vector.shape_cast %swap3A_25 : vector<1x400x128xf32> to vector<400x128xf32>
    %swap3A_27 = vector.shape_cast %mul3A_21 : vector<400x128xf32> to vector<1x400x128xf32>
    tpu.vector_store %arg5[%swap3A_22, %swap3A_23, %swap3A_24], %swap3A_27 {strides = array<i32>} : memref<1x400x128xf32, #tpu.memory_space<vmem>>, vector<1x400x128xf32>,
    return
  }
  func.func @transform_0(%arg0: i32, %arg1: i32) -> (i32, i32) {
    %c0_i32 = arith.constant 0 : i32
    %c0_i32_0 = arith.constant 0 : i32
    return %arg0, %c0_i32 : i32, i32
  }
  func.func @transform_1(%arg0: i32, %arg1: i32) -> (i32, i32) {
    %c0_i32 = arith.constant 0 : i32
    %c0_i32_0 = arith.constant 0 : i32
    return %c0_i32, %arg1 : i32, i32
  }
  func.func @transform_2(%arg0: i32, %arg1: i32) -> (i32, i32, i32) {
    %c0_i32 = arith.constant 0 : i32
    %c0_i32_0 = arith.constant 0 : i32
    %c0_i32_1 = arith.constant 0 : i32
    return %c0_i32, %arg0, %c0_i32_0 : i32, i32, i32
  }
  func.func @transform_3(%arg0: i32, %arg1: i32) -> (i32, i32, i32) {
    %c0_i32 = arith.constant 0 : i32
    %c0_i32_0 = arith.constant 0 : i32
    return %arg1, %arg0, %c0_i32 : i32, i32, i32
  }
  func.func @transform_4(%arg0: i32, %arg1: i32) -> (i32, i32) {
    %c0_i32 = arith.constant 0 : i32
    %c0_i32_0 = arith.constant 0 : i32
    return %arg0, %c0_i32 : i32, i32
  }
}

module attributes {stable_mosaic.version = 14 : i64} {
  func.func @_layer_body_smu(%arg0: i32, %arg1: i32, %arg2: memref<2x400x128xf32, #tpu.memory_space<vmem>>, %arg3: memref<2x400x128xf32, #tpu.memory_space<vmem>>, %arg4: memref<400x1xf32, #tpu.memory_space<vmem>>, %arg5: memref<1x256xf32, #tpu.memory_space<vmem>>, %arg6: memref<256x128xf32, #tpu.memory_space<vmem>>, %arg7: memref<1x400x128xf32, #tpu.memory_space<vmem>>, %arg8: memref<400x256xf32, #tpu.memory_space<vmem>>) attributes {dimension_semantics = [#tpu.dimension_semantics<arbitrary>, #tpu.dimension_semantics<arbitrary>], iteration_bounds = array<i64: 25, 2>, scalar_prefetch = 0 : i64, scratch_operands = 0 : i64, tpu.core_type = #tpu.core_type<tc>, window_params = [{transform_indices = @transform_0, window_bounds = array<i64: 2, 400, 128>}, {transform_indices = @transform_1, window_bounds = array<i64: 2, 400, 128>}, {transform_indices = @transform_2, window_bounds = array<i64: 400, 1>}, {pipeline_mode = #tpu.pipeline_mode<synchronous>, transform_indices = @transform_3, window_bounds = array<i64: 1, 256>}, {transform_indices = @transform_4, window_bounds = array<i64: 256, 128>}, {transform_indices = @transform_5, window_bounds = array<i64: 1, 400, 128>}, {transform_indices = @transform_6, window_bounds = array<i64: 400, 256>}]} {
    %get3A = arith.constant 0 : index
    %get3A_0 = arith.constant 0 : index
    %get3A_1 = arith.constant 0 : index
    %get3A_2 = vector.load %arg2[%get3A, %get3A_0, %get3A_1] : memref<2x400x128xf32, #tpu.memory_space<vmem>>, vector<1x400x128xf32>
    %get3A_3 = vector.shape_cast %get3A_2 : vector<1x400x128xf32> to vector<400x128xf32>
    %get3A_4 = arith.constant 0 : index
    %get3A_5 = arith.constant 0 : index
    %get3A_6 = arith.constant 0 : index
    %get3A_7 = vector.load %arg3[%get3A_4, %get3A_5, %get3A_6] : memref<2x400x128xf32, #tpu.memory_space<vmem>>, vector<1x400x128xf32>
    %get3A_8 = vector.shape_cast %get3A_7 : vector<1x400x128xf32> to vector<400x128xf32>
    %add3A = arith.addf %get3A_3, %get3A_8 : vector<400x128xf32>
    %get3A_9 = arith.constant 1 : index
    %get3A_10 = arith.constant 0 : index
    %get3A_11 = arith.constant 0 : index
    %get3A_12 = vector.load %arg2[%get3A_9, %get3A_10, %get3A_11] : memref<2x400x128xf32, #tpu.memory_space<vmem>>, vector<1x400x128xf32>
    %get3A_13 = vector.shape_cast %get3A_12 : vector<1x400x128xf32> to vector<400x128xf32>
    %get3A_14 = arith.constant 1 : index
    %get3A_15 = arith.constant 0 : index
    %get3A_16 = arith.constant 0 : index
    %get3A_17 = vector.load %arg3[%get3A_14, %get3A_15, %get3A_16] : memref<2x400x128xf32, #tpu.memory_space<vmem>>, vector<1x400x128xf32>
    %get3A_18 = vector.shape_cast %get3A_17 : vector<1x400x128xf32> to vector<400x128xf32>
    %add3A_19 = arith.addf %get3A_13, %get3A_18 : vector<400x128xf32>
    %concatenate3A = tpu.concatenate %add3A, %add3A_19 in 1 : vector<400x128xf32>, vector<400x128xf32> -> vector<400x256xf32>
    %get3A_20 = arith.constant 0 : index
    %get3A_21 = arith.constant 0 : index
    %get3A_22 = vector.load %arg4[%get3A_20, %get3A_21] : memref<400x1xf32, #tpu.memory_space<vmem>>, vector<400x1xf32>
    %mul3A = vector.broadcast %get3A_22 : vector<400x1xf32> to vector<400x256xf32>
    %mul3A_23 = arith.mulf %mul3A, %concatenate3A : vector<400x256xf32>
    %get3A_24 = arith.constant 0 : index
    %get3A_25 = arith.constant 0 : index
    %get3A_26 = vector.load %arg5[%get3A_24, %get3A_25] : memref<1x256xf32, #tpu.memory_space<vmem>>, vector<1x256xf32>
    %add3A_27 = vector.broadcast %get3A_26 : vector<1x256xf32> to vector<400x256xf32>
    %add3A_28 = arith.addf %mul3A_23, %add3A_27 : vector<400x256xf32>
    %max3A = arith.constant 0.000000e+00 : f32
    %max3A_29 = vector.broadcast %max3A : f32 to vector<400x256xf32>
    %max3A_30 = arith.maximumf %add3A_28, %max3A_29 : vector<400x256xf32>
    %swap3A = arith.constant 0 : index
    %swap3A_31 = arith.constant 0 : index
    %swap3A_32 = vector.load %arg8[%swap3A, %swap3A_31] : memref<400x256xf32, #tpu.memory_space<vmem>>, vector<400x256xf32>
    tpu.vector_store %arg8[%swap3A, %swap3A_31], %max3A_30 {strides = array<i32>} : memref<400x256xf32, #tpu.memory_space<vmem>>, vector<400x256xf32>,
    %get3A_33 = arith.constant 0 : index
    %get3A_34 = arith.constant 0 : index
    %get3A_35 = vector.load %arg6[%get3A_33, %get3A_34] : memref<256x128xf32, #tpu.memory_space<vmem>>, vector<256x128xf32>
    %dot_general3A = arith.constant dense<0.000000e+00> : vector<400x128xf32>
    %dot_general3A_36 = tpu.matmul %max3A_30, %get3A_35, %dot_general3A {dimension_numbers = #tpu.dot_dimension_numbers<[1], [0], [0], [1], [0, 0, 1, 1], [], []>, transpose_lhs_hint = false} : vector<400x256xf32>, vector<256x128xf32>, vector<400x128xf32> -> vector<400x128xf32>
    %get3A_37 = arith.constant 0 : index
    %get3A_38 = arith.constant 0 : index
    %get3A_39 = vector.load %arg4[%get3A_37, %get3A_38] : memref<400x1xf32, #tpu.memory_space<vmem>>, vector<400x1xf32>
    %mul3A_40 = vector.broadcast %get3A_39 : vector<400x1xf32> to vector<400x128xf32>
    %mul3A_41 = arith.mulf %dot_general3A_36, %mul3A_40 : vector<400x128xf32>
    %swap3A_42 = arith.constant 0 : index
    %swap3A_43 = arith.constant 0 : index
    %swap3A_44 = arith.constant 0 : index
    %swap3A_45 = vector.load %arg7[%swap3A_42, %swap3A_43, %swap3A_44] : memref<1x400x128xf32, #tpu.memory_space<vmem>>, vector<1x400x128xf32>
    %swap3A_46 = vector.shape_cast %swap3A_45 : vector<1x400x128xf32> to vector<400x128xf32>
    %swap3A_47 = vector.shape_cast %mul3A_41 : vector<400x128xf32> to vector<1x400x128xf32>
    tpu.vector_store %arg7[%swap3A_42, %swap3A_43, %swap3A_44], %swap3A_47 {strides = array<i32>} : memref<1x400x128xf32, #tpu.memory_space<vmem>>, vector<1x400x128xf32>,
    return
  }
  func.func @transform_0(%arg0: i32, %arg1: i32) -> (i32, i32, i32) {
    %c0_i32 = arith.constant 0 : i32
    %c0_i32_0 = arith.constant 0 : i32
    %c0_i32_1 = arith.constant 0 : i32
    return %c0_i32, %arg0, %c0_i32_0 : i32, i32, i32
  }
  func.func @transform_1(%arg0: i32, %arg1: i32) -> (i32, i32, i32) {
    %c0_i32 = arith.constant 0 : i32
    %c0_i32_0 = arith.constant 0 : i32
    %c0_i32_1 = arith.constant 0 : i32
    return %c0_i32, %arg0, %c0_i32_0 : i32, i32, i32
  }
  func.func @transform_2(%arg0: i32, %arg1: i32) -> (i32, i32) {
    %c0_i32 = arith.constant 0 : i32
    %c0_i32_0 = arith.constant 0 : i32
    return %arg0, %c0_i32 : i32, i32
  }
  func.func @transform_3(%arg0: i32, %arg1: i32) -> (i32, i32) {
    %c0_i32 = arith.constant 0 : i32
    %c0_i32_0 = arith.constant 0 : i32
    %c0_i32_1 = arith.constant 0 : i32
    return %c0_i32, %c0_i32_0 : i32, i32
  }
  func.func @transform_4(%arg0: i32, %arg1: i32) -> (i32, i32) {
    %c0_i32 = arith.constant 0 : i32
    %c0_i32_0 = arith.constant 0 : i32
    return %c0_i32, %arg1 : i32, i32
  }
  func.func @transform_5(%arg0: i32, %arg1: i32) -> (i32, i32, i32) {
    %c0_i32 = arith.constant 0 : i32
    %c0_i32_0 = arith.constant 0 : i32
    return %arg1, %arg0, %c0_i32 : i32, i32, i32
  }
  func.func @transform_6(%arg0: i32, %arg1: i32) -> (i32, i32) {
    %c0_i32 = arith.constant 0 : i32
    %c0_i32_0 = arith.constant 0 : i32
    return %arg0, %c0_i32 : i32, i32
  }
}

module attributes {stable_mosaic.version = 14 : i64} {
  func.func @_layer_body(%arg0: i32, %arg1: i32, %arg2: memref<2x400x128xf32, #tpu.memory_space<vmem>>, %arg3: memref<2x400x128xf32, #tpu.memory_space<vmem>>, %arg4: memref<400x1xf32, #tpu.memory_space<vmem>>, %arg5: memref<1x256xf32, #tpu.memory_space<vmem>>, %arg6: memref<256x128xf32, #tpu.memory_space<vmem>>, %arg7: memref<1x400x128xf32, #tpu.memory_space<vmem>>) attributes {dimension_semantics = [#tpu.dimension_semantics<arbitrary>, #tpu.dimension_semantics<arbitrary>], iteration_bounds = array<i64: 25, 2>, scalar_prefetch = 0 : i64, scratch_operands = 0 : i64, tpu.core_type = #tpu.core_type<tc>, window_params = [{transform_indices = @transform_0, window_bounds = array<i64: 2, 400, 128>}, {transform_indices = @transform_1, window_bounds = array<i64: 2, 400, 128>}, {transform_indices = @transform_2, window_bounds = array<i64: 400, 1>}, {pipeline_mode = #tpu.pipeline_mode<synchronous>, transform_indices = @transform_3, window_bounds = array<i64: 1, 256>}, {transform_indices = @transform_4, window_bounds = array<i64: 256, 128>}, {transform_indices = @transform_5, window_bounds = array<i64: 1, 400, 128>}]} {
    %get3A = arith.constant 0 : index
    %get3A_0 = arith.constant 0 : index
    %get3A_1 = arith.constant 0 : index
    %get3A_2 = vector.load %arg2[%get3A, %get3A_0, %get3A_1] : memref<2x400x128xf32, #tpu.memory_space<vmem>>, vector<1x400x128xf32>
    %get3A_3 = vector.shape_cast %get3A_2 : vector<1x400x128xf32> to vector<400x128xf32>
    %get3A_4 = arith.constant 0 : index
    %get3A_5 = arith.constant 0 : index
    %get3A_6 = arith.constant 0 : index
    %get3A_7 = vector.load %arg3[%get3A_4, %get3A_5, %get3A_6] : memref<2x400x128xf32, #tpu.memory_space<vmem>>, vector<1x400x128xf32>
    %get3A_8 = vector.shape_cast %get3A_7 : vector<1x400x128xf32> to vector<400x128xf32>
    %add3A = arith.addf %get3A_3, %get3A_8 : vector<400x128xf32>
    %get3A_9 = arith.constant 1 : index
    %get3A_10 = arith.constant 0 : index
    %get3A_11 = arith.constant 0 : index
    %get3A_12 = vector.load %arg2[%get3A_9, %get3A_10, %get3A_11] : memref<2x400x128xf32, #tpu.memory_space<vmem>>, vector<1x400x128xf32>
    %get3A_13 = vector.shape_cast %get3A_12 : vector<1x400x128xf32> to vector<400x128xf32>
    %get3A_14 = arith.constant 1 : index
    %get3A_15 = arith.constant 0 : index
    %get3A_16 = arith.constant 0 : index
    %get3A_17 = vector.load %arg3[%get3A_14, %get3A_15, %get3A_16] : memref<2x400x128xf32, #tpu.memory_space<vmem>>, vector<1x400x128xf32>
    %get3A_18 = vector.shape_cast %get3A_17 : vector<1x400x128xf32> to vector<400x128xf32>
    %add3A_19 = arith.addf %get3A_13, %get3A_18 : vector<400x128xf32>
    %concatenate3A = tpu.concatenate %add3A, %add3A_19 in 1 : vector<400x128xf32>, vector<400x128xf32> -> vector<400x256xf32>
    %get3A_20 = arith.constant 0 : index
    %get3A_21 = arith.constant 0 : index
    %get3A_22 = vector.load %arg4[%get3A_20, %get3A_21] : memref<400x1xf32, #tpu.memory_space<vmem>>, vector<400x1xf32>
    %mul3A = vector.broadcast %get3A_22 : vector<400x1xf32> to vector<400x256xf32>
    %mul3A_23 = arith.mulf %mul3A, %concatenate3A : vector<400x256xf32>
    %get3A_24 = arith.constant 0 : index
    %get3A_25 = arith.constant 0 : index
    %get3A_26 = vector.load %arg5[%get3A_24, %get3A_25] : memref<1x256xf32, #tpu.memory_space<vmem>>, vector<1x256xf32>
    %add3A_27 = vector.broadcast %get3A_26 : vector<1x256xf32> to vector<400x256xf32>
    %add3A_28 = arith.addf %mul3A_23, %add3A_27 : vector<400x256xf32>
    %max3A = arith.constant 0.000000e+00 : f32
    %max3A_29 = vector.broadcast %max3A : f32 to vector<400x256xf32>
    %max3A_30 = arith.maximumf %add3A_28, %max3A_29 : vector<400x256xf32>
    %get3A_31 = arith.constant 0 : index
    %get3A_32 = arith.constant 0 : index
    %get3A_33 = vector.load %arg6[%get3A_31, %get3A_32] : memref<256x128xf32, #tpu.memory_space<vmem>>, vector<256x128xf32>
    %dot_general3A = arith.constant dense<0.000000e+00> : vector<400x128xf32>
    %dot_general3A_34 = tpu.matmul %max3A_30, %get3A_33, %dot_general3A {dimension_numbers = #tpu.dot_dimension_numbers<[1], [0], [0], [1], [0, 0, 1, 1], [], []>, transpose_lhs_hint = false} : vector<400x256xf32>, vector<256x128xf32>, vector<400x128xf32> -> vector<400x128xf32>
    %get3A_35 = arith.constant 0 : index
    %get3A_36 = arith.constant 0 : index
    %get3A_37 = vector.load %arg4[%get3A_35, %get3A_36] : memref<400x1xf32, #tpu.memory_space<vmem>>, vector<400x1xf32>
    %mul3A_38 = vector.broadcast %get3A_37 : vector<400x1xf32> to vector<400x128xf32>
    %mul3A_39 = arith.mulf %dot_general3A_34, %mul3A_38 : vector<400x128xf32>
    %swap3A = arith.constant 0 : index
    %swap3A_40 = arith.constant 0 : index
    %swap3A_41 = arith.constant 0 : index
    %swap3A_42 = vector.load %arg7[%swap3A, %swap3A_40, %swap3A_41] : memref<1x400x128xf32, #tpu.memory_space<vmem>>, vector<1x400x128xf32>
    %swap3A_43 = vector.shape_cast %swap3A_42 : vector<1x400x128xf32> to vector<400x128xf32>
    %swap3A_44 = vector.shape_cast %mul3A_39 : vector<400x128xf32> to vector<1x400x128xf32>
    tpu.vector_store %arg7[%swap3A, %swap3A_40, %swap3A_41], %swap3A_44 {strides = array<i32>} : memref<1x400x128xf32, #tpu.memory_space<vmem>>, vector<1x400x128xf32>,
    return
  }
  func.func @transform_0(%arg0: i32, %arg1: i32) -> (i32, i32, i32) {
    %c0_i32 = arith.constant 0 : i32
    %c0_i32_0 = arith.constant 0 : i32
    %c0_i32_1 = arith.constant 0 : i32
    return %c0_i32, %arg0, %c0_i32_0 : i32, i32, i32
  }
  func.func @transform_1(%arg0: i32, %arg1: i32) -> (i32, i32, i32) {
    %c0_i32 = arith.constant 0 : i32
    %c0_i32_0 = arith.constant 0 : i32
    %c0_i32_1 = arith.constant 0 : i32
    return %c0_i32, %arg0, %c0_i32_0 : i32, i32, i32
  }
  func.func @transform_2(%arg0: i32, %arg1: i32) -> (i32, i32) {
    %c0_i32 = arith.constant 0 : i32
    %c0_i32_0 = arith.constant 0 : i32
    return %arg0, %c0_i32 : i32, i32
  }
  func.func @transform_3(%arg0: i32, %arg1: i32) -> (i32, i32) {
    %c0_i32 = arith.constant 0 : i32
    %c0_i32_0 = arith.constant 0 : i32
    %c0_i32_1 = arith.constant 0 : i32
    return %c0_i32, %c0_i32_0 : i32, i32
  }
  func.func @transform_4(%arg0: i32, %arg1: i32) -> (i32, i32) {
    %c0_i32 = arith.constant 0 : i32
    %c0_i32_0 = arith.constant 0 : i32
    return %c0_i32, %arg1 : i32, i32
  }
  func.func @transform_5(%arg0: i32, %arg1: i32) -> (i32, i32, i32) {
    %c0_i32 = arith.constant 0 : i32
    %c0_i32_0 = arith.constant 0 : i32
    return %arg1, %arg0, %c0_i32 : i32, i32, i32
  }
}

module attributes {stable_mosaic.version = 14 : i64} {
  func.func @_final_body(%arg0: i32, %arg1: memref<400x256xf32, #tpu.memory_space<vmem>>, %arg2: memref<2x400x128xf32, #tpu.memory_space<vmem>>, %arg3: memref<2x400x128xf32, #tpu.memory_space<vmem>>, %arg4: memref<400x1xf32, #tpu.memory_space<vmem>>, %arg5: memref<1x256xf32, #tpu.memory_space<vmem>>, %arg6: memref<1x256xf32, #tpu.memory_space<vmem>>, %arg7: memref<1x256xf32, #tpu.memory_space<vmem>>, %arg8: memref<2x400x256xf32, #tpu.memory_space<vmem>>) attributes {dimension_semantics = [#tpu.dimension_semantics<arbitrary>], iteration_bounds = array<i64: 25>, scalar_prefetch = 0 : i64, scratch_operands = 0 : i64, tpu.core_type = #tpu.core_type<tc>, window_params = [{transform_indices = @transform_0, window_bounds = array<i64: 400, 256>}, {transform_indices = @transform_1, window_bounds = array<i64: 2, 400, 128>}, {transform_indices = @transform_2, window_bounds = array<i64: 2, 400, 128>}, {transform_indices = @transform_3, window_bounds = array<i64: 400, 1>}, {pipeline_mode = #tpu.pipeline_mode<synchronous>, transform_indices = @transform_4, window_bounds = array<i64: 1, 256>}, {pipeline_mode = #tpu.pipeline_mode<synchronous>, transform_indices = @transform_5, window_bounds = array<i64: 1, 256>}, {pipeline_mode = #tpu.pipeline_mode<synchronous>, transform_indices = @transform_6, window_bounds = array<i64: 1, 256>}, {transform_indices = @transform_7, window_bounds = array<i64: 2, 400, 256>}]} {
    %get3A = arith.constant 0 : index
    %get3A_0 = arith.constant 0 : index
    %get3A_1 = arith.constant 0 : index
    %get3A_2 = vector.load %arg2[%get3A, %get3A_0, %get3A_1] : memref<2x400x128xf32, #tpu.memory_space<vmem>>, vector<1x400x128xf32>
    %get3A_3 = vector.shape_cast %get3A_2 : vector<1x400x128xf32> to vector<400x128xf32>
    %get3A_4 = arith.constant 0 : index
    %get3A_5 = arith.constant 0 : index
    %get3A_6 = arith.constant 0 : index
    %get3A_7 = vector.load %arg3[%get3A_4, %get3A_5, %get3A_6] : memref<2x400x128xf32, #tpu.memory_space<vmem>>, vector<1x400x128xf32>
    %get3A_8 = vector.shape_cast %get3A_7 : vector<1x400x128xf32> to vector<400x128xf32>
    %add3A = arith.addf %get3A_3, %get3A_8 : vector<400x128xf32>
    %get3A_9 = arith.constant 1 : index
    %get3A_10 = arith.constant 0 : index
    %get3A_11 = arith.constant 0 : index
    %get3A_12 = vector.load %arg2[%get3A_9, %get3A_10, %get3A_11] : memref<2x400x128xf32, #tpu.memory_space<vmem>>, vector<1x400x128xf32>
    %get3A_13 = vector.shape_cast %get3A_12 : vector<1x400x128xf32> to vector<400x128xf32>
    %get3A_14 = arith.constant 1 : index
    %get3A_15 = arith.constant 0 : index
    %get3A_16 = arith.constant 0 : index
    %get3A_17 = vector.load %arg3[%get3A_14, %get3A_15, %get3A_16] : memref<2x400x128xf32, #tpu.memory_space<vmem>>, vector<1x400x128xf32>
    %get3A_18 = vector.shape_cast %get3A_17 : vector<1x400x128xf32> to vector<400x128xf32>
    %add3A_19 = arith.addf %get3A_13, %get3A_18 : vector<400x128xf32>
    %concatenate3A = tpu.concatenate %add3A, %add3A_19 in 1 : vector<400x128xf32>, vector<400x128xf32> -> vector<400x256xf32>
    %get3A_20 = arith.constant 0 : index
    %get3A_21 = arith.constant 0 : index
    %get3A_22 = vector.load %arg4[%get3A_20, %get3A_21] : memref<400x1xf32, #tpu.memory_space<vmem>>, vector<400x1xf32>
    %mul3A = vector.broadcast %get3A_22 : vector<400x1xf32> to vector<400x256xf32>
    %mul3A_23 = arith.mulf %mul3A, %concatenate3A : vector<400x256xf32>
    %get3A_24 = arith.constant 0 : index
    %get3A_25 = arith.constant 0 : index
    %get3A_26 = vector.load %arg5[%get3A_24, %get3A_25] : memref<1x256xf32, #tpu.memory_space<vmem>>, vector<1x256xf32>
    %add3A_27 = vector.broadcast %get3A_26 : vector<1x256xf32> to vector<400x256xf32>
    %add3A_28 = arith.addf %mul3A_23, %add3A_27 : vector<400x256xf32>
    %max3A = arith.constant 0.000000e+00 : f32
    %max3A_29 = vector.broadcast %max3A : f32 to vector<400x256xf32>
    %max3A_30 = arith.maximumf %add3A_28, %max3A_29 : vector<400x256xf32>
    %get3A_31 = arith.constant 0 : index
    %get3A_32 = arith.constant 0 : index
    %get3A_33 = vector.load %arg6[%get3A_31, %get3A_32] : memref<1x256xf32, #tpu.memory_space<vmem>>, vector<1x256xf32>
    %get3A_34 = arith.constant 0 : index
    %get3A_35 = arith.constant 0 : index
    %get3A_36 = vector.load %arg7[%get3A_34, %get3A_35] : memref<1x256xf32, #tpu.memory_space<vmem>>, vector<1x256xf32>
    %get3A_37 = arith.constant 0 : index
    %get3A_38 = arith.constant 0 : index
    %get3A_39 = vector.load %arg1[%get3A_37, %get3A_38] : memref<400x256xf32, #tpu.memory_space<vmem>>, vector<400x256xf32>
    %reduce_sum3A = arith.constant dense<0.000000e+00> : vector<400xf32>
    %reduce_sum3A_40 = vector.multi_reduction <add>, %get3A_39, %reduce_sum3A [1] : vector<400x256xf32> to vector<400xf32>
    %broadcast_in_dim3A = vector.shape_cast %reduce_sum3A_40 : vector<400xf32> to vector<400x1xf32>
    %div3A = arith.constant 2.560000e+02 : f32
    %div3A_41 = vector.broadcast %div3A : f32 to vector<400x1xf32>
    %div3A_42 = arith.divf %broadcast_in_dim3A, %div3A_41 : vector<400x1xf32>
    %sub3A = vector.broadcast %div3A_42 : vector<400x1xf32> to vector<400x256xf32>
    %sub3A_43 = arith.subf %get3A_39, %sub3A : vector<400x256xf32>
    %integer_pow3A = arith.mulf %sub3A_43, %sub3A_43 : vector<400x256xf32>
    %reduce_sum3A_44 = arith.constant dense<0.000000e+00> : vector<400xf32>
    %reduce_sum3A_45 = vector.multi_reduction <add>, %integer_pow3A, %reduce_sum3A_44 [1] : vector<400x256xf32> to vector<400xf32>
    %broadcast_in_dim3A_46 = vector.shape_cast %reduce_sum3A_45 : vector<400xf32> to vector<400x1xf32>
    %div3A_47 = arith.constant 2.560000e+02 : f32
    %div3A_48 = vector.broadcast %div3A_47 : f32 to vector<400x1xf32>
    %div3A_49 = arith.divf %broadcast_in_dim3A_46, %div3A_48 : vector<400x1xf32>
    %sub3A_50 = vector.broadcast %div3A_42 : vector<400x1xf32> to vector<400x256xf32>
    %sub3A_51 = arith.subf %get3A_39, %sub3A_50 : vector<400x256xf32>
    %add3A_52 = arith.constant 9.99999997E-7 : f32
    %add3A_53 = vector.broadcast %add3A_52 : f32 to vector<400x1xf32>
    %add3A_54 = arith.addf %div3A_49, %add3A_53 : vector<400x1xf32>
    %sqrt3A = math.sqrt %add3A_54 : vector<400x1xf32>
    %div3A_55 = vector.broadcast %sqrt3A : vector<400x1xf32> to vector<400x256xf32>
    %div3A_56 = arith.divf %sub3A_51, %div3A_55 : vector<400x256xf32>
    %mul3A_57 = vector.broadcast %get3A_33 : vector<1x256xf32> to vector<400x256xf32>
    %mul3A_58 = arith.mulf %div3A_56, %mul3A_57 : vector<400x256xf32>
    %add3A_59 = vector.broadcast %get3A_36 : vector<1x256xf32> to vector<400x256xf32>
    %add3A_60 = arith.addf %mul3A_58, %add3A_59 : vector<400x256xf32>
    %swap3A = arith.constant 0 : index
    %swap3A_61 = arith.constant 0 : index
    %swap3A_62 = arith.constant 0 : index
    %swap3A_63 = vector.load %arg8[%swap3A, %swap3A_61, %swap3A_62] : memref<2x400x256xf32, #tpu.memory_space<vmem>>, vector<1x400x256xf32>
    %swap3A_64 = vector.shape_cast %swap3A_63 : vector<1x400x256xf32> to vector<400x256xf32>
    %swap3A_65 = vector.shape_cast %add3A_60 : vector<400x256xf32> to vector<1x400x256xf32>
    tpu.vector_store %arg8[%swap3A, %swap3A_61, %swap3A_62], %swap3A_65 {strides = array<i32>} : memref<2x400x256xf32, #tpu.memory_space<vmem>>, vector<1x400x256xf32>,
    %reduce_sum3A_66 = arith.constant dense<0.000000e+00> : vector<400xf32>
    %reduce_sum3A_67 = vector.multi_reduction <add>, %max3A_30, %reduce_sum3A_66 [1] : vector<400x256xf32> to vector<400xf32>
    %broadcast_in_dim3A_68 = vector.shape_cast %reduce_sum3A_67 : vector<400xf32> to vector<400x1xf32>
    %div3A_69 = arith.constant 2.560000e+02 : f32
    %div3A_70 = vector.broadcast %div3A_69 : f32 to vector<400x1xf32>
    %div3A_71 = arith.divf %broadcast_in_dim3A_68, %div3A_70 : vector<400x1xf32>
    %sub3A_72 = vector.broadcast %div3A_71 : vector<400x1xf32> to vector<400x256xf32>
    %sub3A_73 = arith.subf %max3A_30, %sub3A_72 : vector<400x256xf32>
    %integer_pow3A_74 = arith.mulf %sub3A_73, %sub3A_73 : vector<400x256xf32>
    %reduce_sum3A_75 = arith.constant dense<0.000000e+00> : vector<400xf32>
    %reduce_sum3A_76 = vector.multi_reduction <add>, %integer_pow3A_74, %reduce_sum3A_75 [1] : vector<400x256xf32> to vector<400xf32>
    %broadcast_in_dim3A_77 = vector.shape_cast %reduce_sum3A_76 : vector<400xf32> to vector<400x1xf32>
    %div3A_78 = arith.constant 2.560000e+02 : f32
    %div3A_79 = vector.broadcast %div3A_78 : f32 to vector<400x1xf32>
    %div3A_80 = arith.divf %broadcast_in_dim3A_77, %div3A_79 : vector<400x1xf32>
    %sub3A_81 = vector.broadcast %div3A_71 : vector<400x1xf32> to vector<400x256xf32>
    %sub3A_82 = arith.subf %max3A_30, %sub3A_81 : vector<400x256xf32>
    %add3A_83 = arith.constant 9.99999997E-7 : f32
    %add3A_84 = vector.broadcast %add3A_83 : f32 to vector<400x1xf32>
    %add3A_85 = arith.addf %div3A_80, %add3A_84 : vector<400x1xf32>
    %sqrt3A_86 = math.sqrt %add3A_85 : vector<400x1xf32>
    %div3A_87 = vector.broadcast %sqrt3A_86 : vector<400x1xf32> to vector<400x256xf32>
    %div3A_88 = arith.divf %sub3A_82, %div3A_87 : vector<400x256xf32>
    %mul3A_89 = vector.broadcast %get3A_33 : vector<1x256xf32> to vector<400x256xf32>
    %mul3A_90 = arith.mulf %div3A_88, %mul3A_89 : vector<400x256xf32>
    %add3A_91 = vector.broadcast %get3A_36 : vector<1x256xf32> to vector<400x256xf32>
    %add3A_92 = arith.addf %mul3A_90, %add3A_91 : vector<400x256xf32>
    %swap3A_93 = arith.constant 1 : index
    %swap3A_94 = arith.constant 0 : index
    %swap3A_95 = arith.constant 0 : index
    %swap3A_96 = vector.load %arg8[%swap3A_93, %swap3A_94, %swap3A_95] : memref<2x400x256xf32, #tpu.memory_space<vmem>>, vector<1x400x256xf32>
    %swap3A_97 = vector.shape_cast %swap3A_96 : vector<1x400x256xf32> to vector<400x256xf32>
    %swap3A_98 = vector.shape_cast %add3A_92 : vector<400x256xf32> to vector<1x400x256xf32>
    tpu.vector_store %arg8[%swap3A_93, %swap3A_94, %swap3A_95], %swap3A_98 {strides = array<i32>} : memref<2x400x256xf32, #tpu.memory_space<vmem>>, vector<1x400x256xf32>,
    return
  }
  func.func @transform_0(%arg0: i32) -> (i32, i32) {
    %c0_i32 = arith.constant 0 : i32
    %c0_i32_0 = arith.constant 0 : i32
    return %arg0, %c0_i32 : i32, i32
  }
  func.func @transform_1(%arg0: i32) -> (i32, i32, i32) {
    %c0_i32 = arith.constant 0 : i32
    %c0_i32_0 = arith.constant 0 : i32
    %c0_i32_1 = arith.constant 0 : i32
    return %c0_i32, %arg0, %c0_i32_0 : i32, i32, i32
  }
  func.func @transform_2(%arg0: i32) -> (i32, i32, i32) {
    %c0_i32 = arith.constant 0 : i32
    %c0_i32_0 = arith.constant 0 : i32
    %c0_i32_1 = arith.constant 0 : i32
    return %c0_i32, %arg0, %c0_i32_0 : i32, i32, i32
  }
  func.func @transform_3(%arg0: i32) -> (i32, i32) {
    %c0_i32 = arith.constant 0 : i32
    %c0_i32_0 = arith.constant 0 : i32
    return %arg0, %c0_i32 : i32, i32
  }
  func.func @transform_4(%arg0: i32) -> (i32, i32) {
    %c0_i32 = arith.constant 0 : i32
    %c0_i32_0 = arith.constant 0 : i32
    %c0_i32_1 = arith.constant 0 : i32
    return %c0_i32, %c0_i32_0 : i32, i32
  }
  func.func @transform_5(%arg0: i32) -> (i32, i32) {
    %c0_i32 = arith.constant 0 : i32
    %c0_i32_0 = arith.constant 0 : i32
    %c0_i32_1 = arith.constant 0 : i32
    return %c0_i32, %c0_i32_0 : i32, i32
  }
  func.func @transform_6(%arg0: i32) -> (i32, i32) {
    %c0_i32 = arith.constant 0 : i32
    %c0_i32_0 = arith.constant 0 : i32
    %c0_i32_1 = arith.constant 0 : i32
    return %c0_i32, %c0_i32_0 : i32, i32
  }
  func.func @transform_7(%arg0: i32) -> (i32, i32, i32) {
    %c0_i32 = arith.constant 0 : i32
    %c0_i32_0 = arith.constant 0 : i32
    %c0_i32_1 = arith.constant 0 : i32
    return %c0_i32, %arg0, %c0_i32_0 : i32, i32, i32
  }
}

</mosaic_0001>

<sc_bundles>
// kernel: kernel.12.cloned.1.call-start
scs
__scs_entry_jumppad:
0x0: {  	(pc) =	sbr.rel $0x88, $3  }
0x1: {  	(tag) =	ssettag $0x0;
	lr =	simm.s32 $0x1  }
0x2: {  	[smem:$0x3F94] =	sst lr;
	_ =	strace $0xD0000000  }
0x3: {  	_ = 	snop  }
0x4: {  	_ = 	snop  }
0x5: {  	_ = 	snop  }
0x6: {  	_ = 	snop  }
0x7: {  	_ = 	snop  }
__scs_overlays_trampoline_lowered:
0x8: {  	[smem:$0x3FA3] =	sst s0  }
0x9: {  	[smem:$0x3FA4] =	sst s1  }
0xa: {  	[smem:$0x3FA5] =	sst s2  }
0xb: {  	[smem:$0x3FA6] =	sst s3  }
0xc: {  	[smem:$0x3FA7] =	sst s4  }
0xd: {  	[smem:$0x3FA8] =	sst s5  }
0xe: {  	[smem:$0x3FA9] =	sst s6  }
0xf: {  	[smem:$0x3FAA] =	sst s7  }
0x10: {  	[smem:$0x3FAB] =	sst s8  }
0x11: {  	[smem:$0x3FAC] =	sst s9;
	s0 =	simm.s32 @!p0 $0x0  }
0x12: {  	s1 =	sld [smem:$0x3F92];
	s0 =	simm.s32 @p0 $0x1  }
0x13: {  	[smem:$0x3FAD] =	sst s0;
	s0 =	simm.s32 @!p1 $0x0  }
0x14: {  	s2 =	sld [smem:$0x3F91];
	s0 =	simm.s32 @p1 $0x1  }
0x15: {  	[smem:$0x3FAE] =	sst s0;
	s0 =	simm.s32 @!p2 $0x0  }
0x16: {  	s3 =	sld [smem:$0x3FDB];
	s0 =	simm.s32 @p2 $0x1  }
0x17: {  	s4 =	simm.s32 $0x1BF5;
	[smem:$0x3FB0] =	sst s0  }
0x18: {  	s0 =	sld [smem:$0x3F93];
	_ =	swait.ge [sflag:s4], $0x0  }
0x19: {  	s7 =	sld [smem:$0x3F94]  }
0x1a: {  	s8 =	sadd.s32 $0xFFFFE003, lr  }
0x1b: {  	s9 =	sadd.s32 $0xFFFFFEF7, lr;
	s5 =	simm.s32 $0xFFFFFFFF;
	p2 =	slt.u32 s8, $0xFFFFF086  }
0x1c: {  	p1 =	slt.u32 s9, $0xF7A;
	s5 =	simm.s32 @!p2 $0x0  }
0x1d: {  	s5 =	simm.s32 @p1 $0x1;
	p0 =	seq.s32 s7, s2  }
0x1e: {  	s7 =	smul.u32 @!p0 $0xF7A, s2;
	p2 =	seq.s32 @!p0 s5, $0x0  }
0x1f: {  	s9 =	smul.u32 $0xF7A, s1;
	s8 =	simm.s32 @!p0 $0x1BF5;
	p2 =	por !p2, p0  }
0x20: {  	[sflag:s8] =	ssyncset.s32 @!p0 $0xFFFFF086;
	s6 =	sadd.s32 @!p0 s3, s7;
	s7 =	simm.s32 @!p0 $0x108  }
0x21: {  	s3 =	sadd.s32 s3, s9;
	s6 =	sadd.s32 @!p0 $0x88, s6;
	s7 =	simm.s32 @p2 $0x1082  }
0x22: {  	[simem:s7], [sflag:s8] =	dma.local @!p0 [hbm:s6], $0xF7A  }
0x23: {  	s9 =	sor.u32 $0xD0000000, s2;
	s6 =	simm.s32 $0x108;
	_ =	swait.ge @!p0 [sflag:s8], $0x0  }
0x24: {  	s3 =	sadd.s32 $0x88, s3;
	s6 =	simm.s32 @!p1 $0x1082;
	[sflag:s4] =	ssyncset.s32 $0xFFFFF086  }
0x25: {  	[simem:s6], [sflag:s4] =	dma.local [hbm:s3], $0xF7A  }
0x26: {  	[smem:$0x3F94] =	sst s1;
	(tag) =	ssettag s2;
	_ =	strace s9  }
0x27: {  	s1 =	sld [smem:$0x3FA4]  }
0x28: {  	s2 =	sld [smem:$0x3FA5]  }
0x29: {  	s4 =	sld [smem:$0x3FA7]  }
0x2a: {  	p0 =	seq.s32 s5, $0x0;
	s5 =	sld [smem:$0x3FA8]  }
0x2b: {  	s6 =	sld [smem:$0x3FA9]  }
0x2c: {  	s7 =	sld [smem:$0x3FAA]  }
0x2d: {  	s3 =	simm.s32 $0x108;
	s8 =	sld [smem:$0x3FAB]  }
0x2e: {  	s3 =	simm.s32 @!p0 $0x1082;
	s9 =	sld [smem:$0x3FAC]  }
0x2f: {  	lr =	sadd.s32 s0, s3;
	s0 =	sld [smem:$0x3FA3]  }
0x30: {  	s3 =	sld [smem:$0x3FA6]  }
0x31: {  	[smem:$0x3FAF] =	sst s10  }
0x32: {  	s10 =	sld [smem:$0x3FAD];
	_ =	sdelay $0x3  }
0x33: {  	p0 =	seq.s32 s10, $0x1;
	s10 =	sld [smem:$0x3FAF];
	_ =	sdelay $0x3  }
0x34: {  	[smem:$0x3FAF] =	sst s10  }
0x35: {  	s10 =	sld [smem:$0x3FAE];
	_ =	sdelay $0x3  }
0x36: {  	p1 =	seq.s32 s10, $0x1;
	s10 =	sld [smem:$0x3FAF];
	_ =	sdelay $0x3  }
0x37: {  	[smem:$0x3FAF] =	sst s10  }
0x38: {  	s10 =	sld [smem:$0x3FB0]  }
0x39: {  	_ = 	snop;
	(pc) =	sbr.ind lr, $3  }
0x3a: {  	_ = 	snop  }
0x3b: {  	_ = 	snop  }
0x3c: {  	p2 =	seq.s32 s10, $0x1;
	s10 =	sld [smem:$0x3FAF]  }
0x3d: {  	_ =	shalt  }
0x3e: {  	_ =	shalt  }
0x3f: {  	_ =	shalt  }
0x40: {  	_ =	shalt  }
0x41: {  	_ =	shalt  }
0x42: {  	_ =	shalt  }
0x43: {  	_ =	shalt  }
0x44: {  	_ =	shalt  }
0x45: {  	_ =	shalt  }
0x46: {  	_ =	shalt  }
0x47: {  	_ =	shalt  }
0x48: {  	_ =	shalt  }
0x49: {  	_ =	shalt  }
0x4a: {  	_ =	shalt  }
0x4b: {  	_ =	shalt  }
0x4c: {  	_ =	shalt  }
0x4d: {  	_ =	shalt  }
0x4e: {  	_ =	shalt  }
0x4f: {  	_ =	shalt  }
0x50: {  	_ =	shalt  }
0x51: {  	_ =	shalt  }
0x52: {  	_ =	shalt  }
0x53: {  	_ =	shalt  }
0x54: {  	_ =	shalt  }
0x55: {  	_ =	shalt  }
0x56: {  	_ =	shalt  }
0x57: {  	_ =	shalt  }
0x58: {  	_ =	shalt  }
0x59: {  	_ =	shalt  }
0x5a: {  	_ =	shalt  }
0x5b: {  	_ =	shalt  }
0x5c: {  	_ =	shalt  }
0x5d: {  	_ =	shalt  }
0x5e: {  	_ =	shalt  }
0x5f: {  	_ =	shalt  }
0x60: {  	_ =	shalt  }
0x61: {  	_ =	shalt  }
0x62: {  	_ =	shalt  }
0x63: {  	_ =	shalt  }
0x64: {  	_ =	shalt  }
0x65: {  	_ =	shalt  }
0x66: {  	_ =	shalt  }
0x67: {  	_ =	shalt  }
0x68: {  	_ =	shalt  }
0x69: {  	_ =	shalt  }
0x6a: {  	_ =	shalt  }
0x6b: {  	_ =	shalt  }
0x6c: {  	_ =	shalt  }
0x6d: {  	_ =	shalt  }
0x6e: {  	_ =	shalt  }
0x6f: {  	_ =	shalt  }
0x70: {  	_ =	shalt  }
0x71: {  	_ =	shalt  }
0x72: {  	_ =	shalt  }
0x73: {  	_ =	shalt  }
0x74: {  	_ =	shalt  }
0x75: {  	_ =	shalt  }
0x76: {  	_ =	shalt  }
0x77: {  	_ =	shalt  }
0x78: {  	_ =	shalt  }
0x79: {  	_ =	shalt  }
0x7a: {  	_ =	shalt  }
0x7b: {  	_ =	shalt  }
0x7c: {  	_ =	shalt  }
0x7d: {  	_ =	shalt  }
0x7e: {  	_ =	shalt  }
0x7f: {  	_ =	shalt  }
0x80: {  	_ =	shalt  }
0x81: {  	_ =	shalt  }
0x82: {  	_ =	shalt  }
0x83: {  	_ =	shalt  }
0x84: {  	_ =	shalt  }
0x85: {  	_ =	shalt  }
0x86: {  	_ =	shalt  }
0x87: {  	_ =	shalt  }
.Lfunc_end0:
.L_simem_size_0:
called_computation_lowered:
.L_overlay_start_0:
0x88: {  	s2 =	sld [smem:$0x3FD9]  }
0x89: {  	s3 =	sld [smem:$0x3FFE];
	_ =	sdelay $0x1  }
0x8a: {  	s1 =	srdreg.scid  }
0x8b: {  	s0 =	sand.u32 $0x1, s1  }
0x8c: {  	s14 =	sshll.u32 s0, $0xA;
	s2 =	sadd.s32 s3, s2  }
0x8d: {  	s2 =	sadd.s32 s2, s14  }
0x8e: {  	[smem:$0x3FBB] =	sst s2  }
0x8f: {  	_ = 	snop  }
0x90: {  	s2 =	sld [smem:$0x3FD0];
	_ =	sdelay $0x2  }
0x91: {  	s15 =	simm.s32 $0xA;
	s4 =	simm.s32 $0x10  }
0x92: {  	[smem:s4], [sflag:s15] =	dma.local [hbm:s2], $0x1  }
0x93: {  	_ =	swait.eq [sflag:s15], $0x1  }
0x94: {  	[sflag:s15] =	ssyncset.done $0x0  }
0x95: {  	s16 =	sld [smem:$0x10];
	[sflag:s15] =	ssyncadd.s32 $0xFFFFFFFF  }
0x96: {  	s17 =	sld [smem:$0x11];
	(tm) =	ssettm $0x1  }
0x97: {  	s18 =	sld [smem:$0x3FFB];
	_ =	sdelay $0x3  }
0x98: {  	_ =	strace s18  }
0x99: {  	s4 =	sld [smem:$0x3FFC];
	_ =	sdelay $0x3  }
0x9a: {  	_ =	strace s4  }
0x9b: {  	s4 =	sld [smem:$0x3FFD];
	_ =	sdelay $0x3  }
0x9c: {  	_ =	strace s4  }
0x9d: {  	_ =	strace $0x8FFFFFFF  }
0x9e: {  	s19 =	sld [smem:$0x3FDB];
	_ =	sdelay $0x1  }
0x9f: {  	s5 =	simm.s32 $_scs_section_size  }
0xa0: {  	s6 =	simm.s32 $_size__tile_overlayer_lowered;
	s7 =	simm.s32 $_tile_overlayer_lowered  }
0xa1: {  	s22 =	simm.s32 $0x1BFF;
	s21 =	sshll.u32 s7, $0x1;
	s4 =	sadd.s32 s5, s19  }
0xa2: {  	s8 =	simm.s32 $0x0;
	s20 =	sshll.u32 s6, $0x1;
	s6 =	sadd.s32 s21, s4  }
0xa3: {  	[timem:s8], [sflag:s22] =	dma.local [hbm:s6], s20  }
0xa4: {  	_ =	swait.ge [sflag:s22], s20  }
0xa5: {  	s5 =	ssub.s32 $0x0, s20;
	[sflag:s22] =	ssyncset.done $0x0  }
0xa6: {  	[sflag:s22] =	ssyncadd.s32 s5;
	_ =	sdelay $0x1  }
0xa7: {  	s23 =	simm.s32 $0x1B8B  }
0xa8: {  	_ =	swait.ge [sflag:s23], $0x1  }
0xa9: {  	[sflag:s23] =	ssyncset.done $0x0  }
0xaa: {  	s25 =	simm.s32 $0x1B8E;
	s24 =	sld [smem:$0x3FFE];
	[sflag:s23] =	ssyncadd.s32 $0xFFFFFFFF  }
0xab: {  	s26 =	simm.s32 $execute0_lowered;
	[smem:$0x3FD2] =	sst s25  }
0xac: {  	s6 =	sshll.u32 s26, $0x1;
	_ =	strace $0x80000046;
	[dreg:$0x1] =	wrdreg $0xFFFFFFFF  }
0xad: {  	s28 =	simm.s32 $_size_execute0_lowered;
	s4 =	sadd.s32 s4, s6;
	[dreg:$0x0] =	wrdreg $0x0  }
0xae: {  	s6 =	sshll.u32 s28, $0x1;
	[dreg:$0x2] =	wrdreg s4  }
0xaf: {  	[dreg:$0x3] =	wrdreg s6  }
0xb0: {  	[dreg:$0x4] =	wrdreg $0xC0  }
0xb1: {  	_ =	task [dreg:s8], $0x5FFFF  }
0xb2: {  	[dreg:$0x1] =	wrdreg $0xFFFFFFFF  }
0xb3: {  	[dreg:$0x0] =	wrdreg $0x60  }
0xb4: {  	[dreg:$0x2] =	wrdreg s24  }
0xb5: {  	[dreg:$0x3] =	wrdreg s17  }
0xb6: {  	[dreg:$0x4] =	wrdreg s16  }
0xb7: {  	[dreg:$0x5] =	wrdreg $0x0  }
0xb8: {  	[dreg:$0x6] =	wrdreg $0x9  }
0xb9: {  	_ =	task.clear_ibuf [dreg:s8], $0x7FFFF;
	_ =	strace $0x90000046  }
0xba: {  	s29 =	simm.s32 $0x9;
	_ =	strace $0x80000048  }
0xbb: {  	_ =	swait.ge [sflag:s29], $0x1  }
0xbc: {  	[sflag:s29] =	ssyncadd.s32 $0xFFFFFFFF  }
0xbd: {  	_ =	strace $0x90000048  }
0xbe: {  	_ =	sfence  }
0xbf: {  	s30 =	sld [smem:$0x0];
	_ =	sdelay $0x2  }
0xc0: {  	s31 =	sshll.u32 s1, $0xD;
	s1 =	sshrl.u32 s1, $0x2  }
0xc1: {  	s3 =	sand.u32 $0x4000, s31;
	s1 =	sadd.s32 s1, s30  }
0xc2: {  	s0 =	sor.u32 s3, s0;
	s1 =	sshll.u32 s1, $0x11  }
0xc3: {  	s0 =	sor.u32 s1, s0  }
0xc4: {  	s0 =	sadd.s32 $0x8F2B, s0  }
0xc5: {  	[sflag:s0] =	ssyncadd.remote.s32 $0x1  }
0xc6: {  	_ =	sfence.sel $0xFFFF  }
0xc7: {  	[dreg:$0x0] =	wrdreg $0xFFFFFFFF;
	(pc) =	sbr.abs _section_cstart, $3  }
0xc8: {  	[dreg:$0x1] =	wrdreg $0xFFFFFFFF  }
0xc9: {  	_ =	task.clear_ibuf [dreg:s8], $0x2FFFF;
	_ =	strace $0x9FFFFFFF  }
0xca: {  	(tm) =	ssettm $0x7FFFFFFF  }
0xcb: {  	_ =	shalt  }
tec
execute0_lowered:
.L_overlay_start_1:
0x0: {  	(tag) =	ssettag $0x1  }
0x1: {  	s5 =	rddreg [dreg:$0x0]  }
0x2: {  	s1 =	rddreg [dreg:$0x1]  }
0x3: {  	s8 =	rddreg [dreg:$0x2]  }
0x4: {  	s3 =	rddreg [dreg:$0x3]  }
0x5: {  	s0 =	rddreg [dreg:$0x4];
	s4 =	simm.s32 $0x0;
	s2 =	stileid.u32  }
0x6: {  	s6 =	srdreg.scid;
	s15 =	simm.s32 $0x80;
	s7 =	smul.u32 $0x13C00, s2  }
0x7: {  	s16 =	simm.s32 $0x0;
	[smem:$0x7FF] =	sst s4;
	s9 =	smul.u32 $0x500, s2  }
0x8: {  	s6 =	sand.u32 $0x1, s6;
	s12 =	smul.u32 $0x4F000, s2;
	s13 =	sshll.u32 s2, $0x6  }
0x9: {  	_ =	strace $0x80000047;
	s11 =	ssub.s32 $0x2, s6;
	s29 =	smul.u32 $0x13C000, s6  }
0xa: {  	s14 =	smul.u32 $0x5000, s6;
	s6 =	sor.u32 $0x1C01, s13;
	s13 =	simm.s32 $0x13C00  }
0xb: {  	s10 =	sshrl.u32 s7, $0x3;
	s9 =	sadd.s32 s9, s5;
	s26 =	sshrl.u32 s11, $0x1  }
0xc: {  	s28 =	sshrl.u32 s12, $0x2;
	s5 =	sadd.s32 s10, s5;
	s10 =	ssub.s32 s11, s26  }
0xd: {  	s11 =	sadd.s32 s28, s3;
	s12 =	sadd.s32 s7, s29;
	s7 =	sadd.s32 $0x3A00, s9  }
0xe: {  	s31 =	sshrl.u32 s14, $0x2;
	s14 =	simm.s32 $0x16400;
	s5 =	sadd.s32 $0x8A00, s5  }
0xf: {  	s30 =	sshrl.u32 s12, $0x3;
	s9 =	smax.u32 s10, $0x1;
	s10 =	sadd.s32 $0x13C00, s31  }
0x10: {  	s11 =	sshrl.u32 s11, $0x3;
	s12 =	simm.s32 $0x1;
	s8 =	sadd.s32 s8, s30  }
.LBB2_1:
0x11: {  	[spmem:s11], [sflag:s6] =	dma.local [hbm:s5], $0x2780  }
0x12: {  	_ =	swait.ge [sflag:s12], $0x2780  }
0x13: {  	[sflag:s12] =	ssyncset.done $0x0  }
0x14: {  	[sflag:s12] =	ssyncadd.s32 $0xFFFFD880  }
0x15: {  	[tilespmem:s13], [sflag:$0x1] =	stream.linear.gather [hbm4b:s7+s4], $0x2800, $0x38;
	[tilespmem:$0x1A400] =	vst v63  }
0x16: {  	_ =	swait.ge [sflag:s12], $0x2800  }
0x17: {  	[sflag:s12] =	ssyncset.done $0x0  }
0x18: {  	[sflag:s12] =	ssyncadd.s32 $0xFFFFD800  }
0x19: {  	[tilespmem:s14], [sflag:$0x1] =	stream.linear.gather [hbm4b:s1+s4], $0x4000, $0x38;
	[tilespmem:$0x1A400] =	vst v63  }
0x1a: {  	_ =	swait.ge [sflag:s12], $0x4000  }
0x1b: {  	[sflag:s12] =	ssyncset.done $0x0  }
0x1c: {  	[sflag:s12] =	ssyncadd.s32 $0xFFFFC000  }
0x1d: {  	s17 =	sadd.s32 $0x0, s10;
	[bflag:$0x0] =	sbarrier.arrive $0xFFFF  }
0x1e: {  	[spmem:s3] =	stream.indirect.scatter.add.f32 [tilespmem:s14], [sflag:$0x1], $0x80, s17, s15, $0xb8;
	[tilespmem:$0x1A400] =	vst v63  }
0x1f: {  	s17 =	simm.s32 $0x200;
	_ =	swait.ge [sflag:s12], $0x4000  }
.LBB2_2:
0x20: {  	s18 =	sshra.s32 s17, $0x2;
	[sflag:s12] =	ssyncset.done $0x0;
	p0 =	sne.s32 s17, $0x4E00  }
.Ltmp0:
0x21: {  	s18 =	sadd.s32 s18, s10;
	[sflag:s12] =	ssyncadd.s32 $0xFFFFC000;
	(pc) =	sbr.rel @p0 .LBB2_2-.Ltmp0, $3  }
0x22: {  	[spmem:s3] =	stream.indirect.scatter.add.f32 [tilespmem:s14], [sflag:$0x1], $0x80, s18, s15, $0xb8;
	[tilespmem:$0x1A400] =	vst v63  }
0x23: {  	s17 =	sadd.s32 $0x200, s17;
	_ =	sdelay $0x1  }
0x24: {  	_ =	swait.ge [sflag:s12], $0x4000  }
0x25: {  	[sflag:s12] =	ssyncset.done $0x0;
	s16 =	sadd.s32 $0x1, s16  }
0x26: {  	[sflag:s12] =	ssyncadd.s32 $0xFFFFC000;
	p0 =	sne.s32 s16, s9  }
.Ltmp1:
0x27: {  	[bflag:$0x0] =	sbarrier.arrive $0xFFFF;
	(pc) =	sbr.rel @p0 .LBB2_1-.Ltmp1, $4  }
0x28: {  	[hbm:s8], [sflag:s6] =	dma.local [spmem:s11], $0x2780  }
0x29: {  	_ =	swait.ge [sflag:s12], $0x2780  }
0x2a: {  	[sflag:s12] =	ssyncset.done $0x0  }
0x2b: {  	[sflag:s12] =	ssyncadd.s32 $0xFFFFD880  }
0x2c: {  	_ =	sfence.sel $0x180000  }
0x2d: {  	[bflag:$0x0] =	sbarrier.arrive $0xFFFF  }
0x2e: {  	p0 =	sne.s32 s2, $0x0;
	_ =	strace $0x90000047  }
0x2f: {  	s0 =	sadd.s32 @!p0 $0x100000, s0;
	[bflag:$0x2] =	sbarrier.arrive $0xFFFF  }
0x30: {  	[sflag:s0] =	ssyncadd.tile.s32 @!p0 $0x1;
	_ =	shalt  }
.Lfunc_end2:
_tile_overlayer_lowered:
.L_overlay_start_2:
0x31: {  	(tag) =	ssettag $0x2  }
0x32: {  	s0 =	rddreg [dreg:$0x0];
	s2 =	stileid.u32  }
0x33: {  	s1 =	rddreg [dreg:$0x1];
	p0 =	sne.s32 s2, $0x0  }
0x34: {  	s3 =	rddreg [dreg:$0x2];
	[bflag:$0x3] =	sbarrier.arrive $0xFFFF;
	s2 =	simm.s32 @!p0 $0x1C01  }
0x35: {  	[timem:s3], [sflag:s2] =	dma.local @!p0 [hbm:s0], s1  }
0x36: {  	s0 =	simm.s32 @!p0 $0x1  }
0x37: {  	_ =	swait.ge @!p0 [sflag:s0], s1  }
0x38: {  	s1 =	ssub.s32 @!p0 $0x0, s1;
	[sflag:s0] =	ssyncset.done @!p0 $0x0  }
0x39: {  	[sflag:s0] =	ssyncadd.s32 @!p0 s1  }
0x3a: {  	[bflag:$0x3] =	sbarrier.arrive $0xFFFF  }
0x3b: {  	_ =	shalt  }

// kernel: kernel.15.cloned.1.call-start
scs
__scs_entry_jumppad:
0x0: {  	(pc) =	sbr.rel $0x88, $3  }
0x1: {  	(tag) =	ssettag $0x0;
	lr =	simm.s32 $0x1  }
0x2: {  	[smem:$0x3F94] =	sst lr;
	_ =	strace $0xD0000000  }
0x3: {  	_ = 	snop  }
0x4: {  	_ = 	snop  }
0x5: {  	_ = 	snop  }
0x6: {  	_ = 	snop  }
0x7: {  	_ = 	snop  }
__scs_overlays_trampoline_lowered:
0x8: {  	[smem:$0x3FA3] =	sst s0  }
0x9: {  	[smem:$0x3FA4] =	sst s1  }
0xa: {  	[smem:$0x3FA5] =	sst s2  }
0xb: {  	[smem:$0x3FA6] =	sst s3  }
0xc: {  	[smem:$0x3FA7] =	sst s4  }
0xd: {  	[smem:$0x3FA8] =	sst s5  }
0xe: {  	[smem:$0x3FA9] =	sst s6  }
0xf: {  	[smem:$0x3FAA] =	sst s7  }
0x10: {  	[smem:$0x3FAB] =	sst s8  }
0x11: {  	[smem:$0x3FAC] =	sst s9;
	s0 =	simm.s32 @!p0 $0x0  }
0x12: {  	s1 =	sld [smem:$0x3F92];
	s0 =	simm.s32 @p0 $0x1  }
0x13: {  	[smem:$0x3FAD] =	sst s0;
	s0 =	simm.s32 @!p1 $0x0  }
0x14: {  	s2 =	sld [smem:$0x3F91];
	s0 =	simm.s32 @p1 $0x1  }
0x15: {  	[smem:$0x3FAE] =	sst s0;
	s0 =	simm.s32 @!p2 $0x0  }
0x16: {  	s3 =	sld [smem:$0x3FDB];
	s0 =	simm.s32 @p2 $0x1  }
0x17: {  	s4 =	simm.s32 $0x1BF5;
	[smem:$0x3FB0] =	sst s0  }
0x18: {  	s0 =	sld [smem:$0x3F93];
	_ =	swait.ge [sflag:s4], $0x0  }
0x19: {  	s7 =	sld [smem:$0x3F94]  }
0x1a: {  	s8 =	sadd.s32 $0xFFFFE003, lr  }
0x1b: {  	s9 =	sadd.s32 $0xFFFFFEF7, lr;
	s5 =	simm.s32 $0xFFFFFFFF;
	p2 =	slt.u32 s8, $0xFFFFF086  }
0x1c: {  	p1 =	slt.u32 s9, $0xF7A;
	s5 =	simm.s32 @!p2 $0x0  }
0x1d: {  	s5 =	simm.s32 @p1 $0x1;
	p0 =	seq.s32 s7, s2  }
0x1e: {  	s7 =	smul.u32 @!p0 $0xF7A, s2;
	p2 =	seq.s32 @!p0 s5, $0x0  }
0x1f: {  	s9 =	smul.u32 $0xF7A, s1;
	s8 =	simm.s32 @!p0 $0x1BF5;
	p2 =	por !p2, p0  }
0x20: {  	[sflag:s8] =	ssyncset.s32 @!p0 $0xFFFFF086;
	s6 =	sadd.s32 @!p0 s3, s7;
	s7 =	simm.s32 @!p0 $0x108  }
0x21: {  	s3 =	sadd.s32 s3, s9;
	s6 =	sadd.s32 @!p0 $0x88, s6;
	s7 =	simm.s32 @p2 $0x1082  }
0x22: {  	[simem:s7], [sflag:s8] =	dma.local @!p0 [hbm:s6], $0xF7A  }
0x23: {  	s9 =	sor.u32 $0xD0000000, s2;
	s6 =	simm.s32 $0x108;
	_ =	swait.ge @!p0 [sflag:s8], $0x0  }
0x24: {  	s3 =	sadd.s32 $0x88, s3;
	s6 =	simm.s32 @!p1 $0x1082;
	[sflag:s4] =	ssyncset.s32 $0xFFFFF086  }
0x25: {  	[simem:s6], [sflag:s4] =	dma.local [hbm:s3], $0xF7A  }
0x26: {  	[smem:$0x3F94] =	sst s1;
	(tag) =	ssettag s2;
	_ =	strace s9  }
0x27: {  	s1 =	sld [smem:$0x3FA4]  }
0x28: {  	s2 =	sld [smem:$0x3FA5]  }
0x29: {  	s4 =	sld [smem:$0x3FA7]  }
0x2a: {  	p0 =	seq.s32 s5, $0x0;
	s5 =	sld [smem:$0x3FA8]  }
0x2b: {  	s6 =	sld [smem:$0x3FA9]  }
0x2c: {  	s7 =	sld [smem:$0x3FAA]  }
0x2d: {  	s3 =	simm.s32 $0x108;
	s8 =	sld [smem:$0x3FAB]  }
0x2e: {  	s3 =	simm.s32 @!p0 $0x1082;
	s9 =	sld [smem:$0x3FAC]  }
0x2f: {  	lr =	sadd.s32 s0, s3;
	s0 =	sld [smem:$0x3FA3]  }
0x30: {  	s3 =	sld [smem:$0x3FA6]  }
0x31: {  	[smem:$0x3FAF] =	sst s10  }
0x32: {  	s10 =	sld [smem:$0x3FAD];
	_ =	sdelay $0x3  }
0x33: {  	p0 =	seq.s32 s10, $0x1;
	s10 =	sld [smem:$0x3FAF];
	_ =	sdelay $0x3  }
0x34: {  	[smem:$0x3FAF] =	sst s10  }
0x35: {  	s10 =	sld [smem:$0x3FAE];
	_ =	sdelay $0x3  }
0x36: {  	p1 =	seq.s32 s10, $0x1;
	s10 =	sld [smem:$0x3FAF];
	_ =	sdelay $0x3  }
0x37: {  	[smem:$0x3FAF] =	sst s10  }
0x38: {  	s10 =	sld [smem:$0x3FB0]  }
0x39: {  	_ = 	snop;
	(pc) =	sbr.ind lr, $3  }
0x3a: {  	_ = 	snop  }
0x3b: {  	_ = 	snop  }
0x3c: {  	p2 =	seq.s32 s10, $0x1;
	s10 =	sld [smem:$0x3FAF]  }
0x3d: {  	_ =	shalt  }
0x3e: {  	_ =	shalt  }
0x3f: {  	_ =	shalt  }
0x40: {  	_ =	shalt  }
0x41: {  	_ =	shalt  }
0x42: {  	_ =	shalt  }
0x43: {  	_ =	shalt  }
0x44: {  	_ =	shalt  }
0x45: {  	_ =	shalt  }
0x46: {  	_ =	shalt  }
0x47: {  	_ =	shalt  }
0x48: {  	_ =	shalt  }
0x49: {  	_ =	shalt  }
0x4a: {  	_ =	shalt  }
0x4b: {  	_ =	shalt  }
0x4c: {  	_ =	shalt  }
0x4d: {  	_ =	shalt  }
0x4e: {  	_ =	shalt  }
0x4f: {  	_ =	shalt  }
0x50: {  	_ =	shalt  }
0x51: {  	_ =	shalt  }
0x52: {  	_ =	shalt  }
0x53: {  	_ =	shalt  }
0x54: {  	_ =	shalt  }
0x55: {  	_ =	shalt  }
0x56: {  	_ =	shalt  }
0x57: {  	_ =	shalt  }
0x58: {  	_ =	shalt  }
0x59: {  	_ =	shalt  }
0x5a: {  	_ =	shalt  }
0x5b: {  	_ =	shalt  }
0x5c: {  	_ =	shalt  }
0x5d: {  	_ =	shalt  }
0x5e: {  	_ =	shalt  }
0x5f: {  	_ =	shalt  }
0x60: {  	_ =	shalt  }
0x61: {  	_ =	shalt  }
0x62: {  	_ =	shalt  }
0x63: {  	_ =	shalt  }
0x64: {  	_ =	shalt  }
0x65: {  	_ =	shalt  }
0x66: {  	_ =	shalt  }
0x67: {  	_ =	shalt  }
0x68: {  	_ =	shalt  }
0x69: {  	_ =	shalt  }
0x6a: {  	_ =	shalt  }
0x6b: {  	_ =	shalt  }
0x6c: {  	_ =	shalt  }
0x6d: {  	_ =	shalt  }
0x6e: {  	_ =	shalt  }
0x6f: {  	_ =	shalt  }
0x70: {  	_ =	shalt  }
0x71: {  	_ =	shalt  }
0x72: {  	_ =	shalt  }
0x73: {  	_ =	shalt  }
0x74: {  	_ =	shalt  }
0x75: {  	_ =	shalt  }
0x76: {  	_ =	shalt  }
0x77: {  	_ =	shalt  }
0x78: {  	_ =	shalt  }
0x79: {  	_ =	shalt  }
0x7a: {  	_ =	shalt  }
0x7b: {  	_ =	shalt  }
0x7c: {  	_ =	shalt  }
0x7d: {  	_ =	shalt  }
0x7e: {  	_ =	shalt  }
0x7f: {  	_ =	shalt  }
0x80: {  	_ =	shalt  }
0x81: {  	_ =	shalt  }
0x82: {  	_ =	shalt  }
0x83: {  	_ =	shalt  }
0x84: {  	_ =	shalt  }
0x85: {  	_ =	shalt  }
0x86: {  	_ =	shalt  }
0x87: {  	_ =	shalt  }
.Lfunc_end0:
.L_simem_size_0:
called_computation.1_lowered:
.L_overlay_start_0:
0x88: {  	s2 =	sld [smem:$0x3FD9]  }
0x89: {  	s3 =	sld [smem:$0x3FFE];
	_ =	sdelay $0x1  }
0x8a: {  	s1 =	srdreg.scid  }
0x8b: {  	s0 =	sand.u32 $0x1, s1  }
0x8c: {  	s14 =	sshll.u32 s0, $0xA;
	s2 =	sadd.s32 s3, s2  }
0x8d: {  	s2 =	sadd.s32 s2, s14  }
0x8e: {  	[smem:$0x3FBB] =	sst s2  }
0x8f: {  	_ = 	snop  }
0x90: {  	s2 =	sld [smem:$0x3FD0];
	_ =	sdelay $0x2  }
0x91: {  	s15 =	simm.s32 $0xA;
	s4 =	simm.s32 $0x10  }
0x92: {  	[smem:s4], [sflag:s15] =	dma.local [hbm:s2], $0x1  }
0x93: {  	_ =	swait.eq [sflag:s15], $0x1  }
0x94: {  	[sflag:s15] =	ssyncset.done $0x0  }
0x95: {  	[sflag:s15] =	ssyncadd.s32 $0xFFFFFFFF  }
0x96: {  	s16 =	sld [smem:$0x10];
	(tm) =	ssettm $0x1  }
0x97: {  	s17 =	sld [smem:$0x3FFB];
	_ =	sdelay $0x3  }
0x98: {  	_ =	strace s17  }
0x99: {  	s3 =	sld [smem:$0x3FFC];
	_ =	sdelay $0x3  }
0x9a: {  	_ =	strace s3  }
0x9b: {  	s3 =	sld [smem:$0x3FFD];
	_ =	sdelay $0x3  }
0x9c: {  	_ =	strace s3  }
0x9d: {  	_ =	strace $0x8FFFFFFF  }
0x9e: {  	s18 =	sld [smem:$0x3FDB];
	_ =	sdelay $0x1  }
0x9f: {  	s19 =	simm.s32 $_scs_section_size  }
0xa0: {  	s5 =	simm.s32 $_size__tile_overlayer_lowered;
	s6 =	simm.s32 $_tile_overlayer_lowered  }
0xa1: {  	s22 =	simm.s32 $0x1BFF;
	s21 =	sshll.u32 s6, $0x1;
	s3 =	sadd.s32 s19, s18  }
0xa2: {  	s7 =	simm.s32 $0x0;
	s20 =	sshll.u32 s5, $0x1;
	s5 =	sadd.s32 s21, s3  }
0xa3: {  	[timem:s7], [sflag:s22] =	dma.local [hbm:s5], s20  }
0xa4: {  	_ =	swait.ge [sflag:s22], s20  }
0xa5: {  	s4 =	ssub.s32 $0x0, s20;
	[sflag:s22] =	ssyncset.done $0x0  }
0xa6: {  	[sflag:s22] =	ssyncadd.s32 s4;
	_ =	sdelay $0x1  }
0xa7: {  	s23 =	simm.s32 $0x1B8B  }
0xa8: {  	_ =	swait.ge [sflag:s23], $0x1  }
0xa9: {  	[sflag:s23] =	ssyncset.done $0x0  }
0xaa: {  	s25 =	simm.s32 $0x1B8E;
	s24 =	sld [smem:$0x3FFE];
	[sflag:s23] =	ssyncadd.s32 $0xFFFFFFFF  }
0xab: {  	s26 =	simm.s32 $execute0_lowered;
	[smem:$0x3FD2] =	sst s25  }
0xac: {  	s5 =	sshll.u32 s26, $0x1;
	_ =	strace $0x80000049;
	[dreg:$0x1] =	wrdreg $0xFFFFFFFF  }
0xad: {  	s28 =	simm.s32 $_size_execute0_lowered;
	s3 =	sadd.s32 s3, s5;
	[dreg:$0x0] =	wrdreg $0x0  }
0xae: {  	s5 =	sshll.u32 s28, $0x1;
	[dreg:$0x2] =	wrdreg s3  }
0xaf: {  	[dreg:$0x3] =	wrdreg s5  }
0xb0: {  	[dreg:$0x4] =	wrdreg $0xC0  }
0xb1: {  	_ =	task [dreg:s7], $0x5FFFF  }
0xb2: {  	[dreg:$0x1] =	wrdreg $0xFFFFFFFF  }
0xb3: {  	[dreg:$0x0] =	wrdreg $0x60  }
0xb4: {  	[dreg:$0x2] =	wrdreg s24  }
0xb5: {  	[dreg:$0x3] =	wrdreg s16  }
0xb6: {  	[dreg:$0x4] =	wrdreg $0x0  }
0xb7: {  	[dreg:$0x5] =	wrdreg $0x9  }
0xb8: {  	_ =	task.clear_ibuf [dreg:s7], $0x6FFFF;
	_ =	strace $0x90000049  }
0xb9: {  	s29 =	simm.s32 $0x9;
	_ =	strace $0x8000004B  }
0xba: {  	_ =	swait.ge [sflag:s29], $0x1  }
0xbb: {  	[sflag:s29] =	ssyncadd.s32 $0xFFFFFFFF  }
0xbc: {  	_ =	strace $0x9000004B  }
0xbd: {  	_ =	sfence  }
0xbe: {  	s30 =	sld [smem:$0x0];
	_ =	sdelay $0x2  }
0xbf: {  	s31 =	sshll.u32 s1, $0xD;
	s1 =	sshrl.u32 s1, $0x2  }
0xc0: {  	s3 =	sand.u32 $0x4000, s31;
	s1 =	sadd.s32 s1, s30  }
0xc1: {  	s0 =	sor.u32 s3, s0;
	s1 =	sshll.u32 s1, $0x11  }
0xc2: {  	s0 =	sor.u32 s1, s0  }
0xc3: {  	s0 =	sadd.s32 $0x8F2B, s0  }
0xc4: {  	[sflag:s0] =	ssyncadd.remote.s32 $0x1  }
0xc5: {  	_ =	sfence.sel $0xFFFF  }
0xc6: {  	[dreg:$0x0] =	wrdreg $0xFFFFFFFF;
	(pc) =	sbr.abs _section_cstart, $3  }
0xc7: {  	[dreg:$0x1] =	wrdreg $0xFFFFFFFF  }
0xc8: {  	_ =	task.clear_ibuf [dreg:s7], $0x2FFFF;
	_ =	strace $0x9FFFFFFF  }
0xc9: {  	(tm) =	ssettm $0x7FFFFFFF  }
tec
execute0_lowered:
.L_overlay_start_1:
0x0: {  	(tag) =	ssettag $0x1  }
0x1: {  	s0 =	rddreg [dreg:$0x0]  }
0x2: {  	s8 =	rddreg [dreg:$0x1]  }
0x3: {  	s2 =	rddreg [dreg:$0x2];
	s3 =	simm.s32 $0x0;
	s1 =	stileid.u32  }
0x4: {  	s4 =	srdreg.scid;
	s16 =	simm.s32 $0x14C00;
	s7 =	smul.u32 $0x13C00, s1  }
0x5: {  	s19 =	simm.s32 $0x18C00;
	s20 =	simm.s32 $0x1;
	s11 =	smul.u32 $0x2800, s1  }
0x6: {  	[smem:$0x7FF] =	sst s3;
	s5 =	sand.u32 $0x1, s4;
	s22 =	smul.u32 $0x4F000, s1  }
0x7: {  	s4 =	sadd.s32 $0x3A200, s0;
	s10 =	sadd.s32 $0x30200, s0;
	s28 =	smul.u32 $0x500, s1  }
0x8: {  	s12 =	sadd.s32 $0x3A00, s0;
	s31 =	sshll.u32 s1, $0x6;
	s6 =	smul.u32 $0x28000, s5  }
0x9: {  	_ =	strace $0x8000004A;
	s21 =	ssub.s32 $0x2, s5;
	s15 =	smul.u32 $0x13C000, s5  }
0xa: {  	s17 =	sor.u32 $0x1C03, s31;
	s9 =	sshrl.u32 s7, $0x3;
	s13 =	sshrl.u32 s21, $0x1  }
0xb: {  	s24 =	sshrl.u32 s22, $0x2;
	s30 =	sadd.s32 s28, s12;
	s0 =	sadd.s32 s9, s0  }
0xc: {  	s14 =	sadd.s32 s11, s6;
	s9 =	ssub.s32 s21, s13;
	s11 =	sshrl.u32 s11, $0x3  }
0xd: {  	s18 =	sadd.s32 s24, s2;
	s7 =	sadd.s32 s7, s15;
	s13 =	simm.s32 $0x3  }
0xe: {  	s15 =	simm.s32 $0x80;
	s21 =	simm.s32 $0x0;
	s23 =	sshrl.u32 s14, $0x3  }
0xf: {  	s6 =	sadd.s32 s12, s11;
	s25 =	sshrl.u32 s7, $0x3;
	s26 =	sor.u32 $0x400, s14  }
0x10: {  	s7 =	sadd.s32 $0x8A00, s0;
	s9 =	smax.u32 s9, $0x1;
	s11 =	sadd.s32 $0x80, s30  }
0x11: {  	s12 =	simm.s32 $0x13C00;
	s18 =	sshrl.u32 s18, $0x3;
	s29 =	sshrl.u32 s26, $0x3  }
0x12: {  	s5 =	sadd.s32 s10, s23;
	s8 =	sadd.s32 s8, s25;
	s10 =	sadd.s32 s29, s10  }
.LBB2_1:
0x13: {  	[tilespmem:s12], [sflag:$0x3] =	stream.linear.gather [hbm4b:s5+s3], $0x400, $0x38;
	[tilespmem:$0x1CC00] =	vst v63  }
0x14: {  	_ =	swait.ge [sflag:s13], $0x400  }
0x15: {  	[sflag:s13] =	ssyncset.done $0x0  }
0x16: {  	s0 =	simm.s32 $0x14400;
	[sflag:s13] =	ssyncadd.s32 $0xFFFFFC00  }
0x17: {  	[tilespmem:s0], [sflag:$0x3] =	stream.linear.gather [hbm4b:s6+s3], $0x400, $0x38;
	[tilespmem:$0x1CC00] =	vst v63  }
0x18: {  	_ =	swait.ge [sflag:s13], $0x400  }
0x19: {  	[sflag:s13] =	ssyncset.done $0x0  }
0x1a: {  	[sflag:s13] =	ssyncadd.s32 $0xFFFFFC00  }
0x1b: {  	[tilespmem:s16], [sflag:$0x1] =	stream.indirect.gather [hbm4b:s4+s15], $0x80, s12, s15, $0xb8;
	[tilespmem:$0x1CC00] =	vst v63  }
0x1c: {  	[spmem:s18], [sflag:s17] =	dma.local [hbm:s7], $0x2780  }
0x1d: {  	_ =	swait.ge [sflag:s13], $0x2780  }
0x1e: {  	p0 =	por $0x0, $0x0;
	s0 =	sand.u32 $0x1, s20;
	[sflag:s13] =	ssyncset.done $0x0  }
0x1f: {  	s22 =	sshll.u32 @!p0 s0, $0xA;
	[sflag:s13] =	ssyncadd.s32 $0xFFFFD880  }
0x20: {  	s23 =	simm.s32 @!p0 $0x0;
	s0 =	sadd.s32 @!p0 $0x13C00, s22;
	[bflag:$0x0] =	sbarrier.arrive $0xFFFF  }
0x21: {  	[tilespmem:s0], [sflag:$0x2] =	stream.linear.gather @!p0 [hbm4b:s10+s23], $0x400, $0x38;
	[tilespmem:$0x1CC00] =	vst v63  }
0x22: {  	s24 =	sadd.s32 @!p0 $0x14400, s22;
	s22 =	sand.u32 $0x400, s3  }
0x23: {  	[tilespmem:s24], [sflag:$0x2] =	stream.linear.gather @!p0 [hbm4b:s11+s23], $0x400, $0x38;
	[tilespmem:$0x1CC00] =	vst v63  }
0x24: {  	s30 =	sadd.s32 $0x13C80, s22  }
0x25: {  	[tilespmem:s19], [sflag:$0x1] =	stream.indirect.gather [hbm4b:s4+s15], $0x80, s30, s15, $0xb8;
	[tilespmem:$0x1CC00] =	vst v63  }
0x26: {  	_ =	swait.ge [sflag:s20], $0x4000  }
0x27: {  	[sflag:s20] =	ssyncset.done $0x0  }
0x28: {  	s1 =	sadd.s32 $0x14400, s22;
	[sflag:s20] =	ssyncadd.s32 $0xFFFFC000  }
0x29: {  	[spmem:s2] =	stream.indirect.scatter.add.f32 [tilespmem:s16], [sflag:$0x3], $0x80, s1, s15, $0xb8;
	[tilespmem:$0x1CC00] =	vst v63  }
0x2a: {  	_ =	swait.ge [sflag:s13], $0x4000  }
0x2b: {  	[sflag:s13] =	ssyncset.done $0x0  }
0x2c: {  	s14 =	sadd.s32 $0x13D00, s22;
	[sflag:s13] =	ssyncadd.s32 $0xFFFFC000  }
0x2d: {  	[tilespmem:s16], [sflag:$0x1] =	stream.indirect.gather [hbm4b:s4+s15], $0x80, s14, s15, $0xb8;
	[tilespmem:$0x1CC00] =	vst v63  }
0x2e: {  	_ =	swait.ge [sflag:s20], $0x4000  }
0x2f: {  	[sflag:s20] =	ssyncset.done $0x0  }
0x30: {  	s24 =	sadd.s32 $0x14480, s22;
	[sflag:s20] =	ssyncadd.s32 $0xFFFFC000  }
0x31: {  	[spmem:s2] =	stream.indirect.scatter.add.f32 [tilespmem:s19], [sflag:$0x3], $0x80, s24, s15, $0xb8;
	[tilespmem:$0x1CC00] =	vst v63  }
0x32: {  	_ =	swait.ge [sflag:s13], $0x4000  }
0x33: {  	[sflag:s13] =	ssyncset.done $0x0  }
0x34: {  	s25 =	sadd.s32 $0x13D80, s22;
	[sflag:s13] =	ssyncadd.s32 $0xFFFFC000  }
0x35: {  	[tilespmem:s19], [sflag:$0x1] =	stream.indirect.gather [hbm4b:s4+s15], $0x80, s25, s15, $0xb8;
	[tilespmem:$0x1CC00] =	vst v63  }
0x36: {  	_ =	swait.ge [sflag:s20], $0x4000  }
0x37: {  	[sflag:s20] =	ssyncset.done $0x0  }
0x38: {  	s26 =	sadd.s32 $0x14500, s22;
	[sflag:s20] =	ssyncadd.s32 $0xFFFFC000  }
0x39: {  	[spmem:s2] =	stream.indirect.scatter.add.f32 [tilespmem:s16], [sflag:$0x3], $0x80, s26, s15, $0xb8;
	[tilespmem:$0x1CC00] =	vst v63  }
0x3a: {  	_ =	swait.ge [sflag:s13], $0x4000  }
0x3b: {  	[sflag:s13] =	ssyncset.done $0x0  }
0x3c: {  	s29 =	sadd.s32 $0x13E00, s22;
	[sflag:s13] =	ssyncadd.s32 $0xFFFFC000  }
0x3d: {  	[tilespmem:s16], [sflag:$0x1] =	stream.indirect.gather [hbm4b:s4+s15], $0x80, s29, s15, $0xb8;
	[tilespmem:$0x1CC00] =	vst v63  }
0x3e: {  	_ =	swait.ge [sflag:s20], $0x4000  }
0x3f: {  	[sflag:s20] =	ssyncset.done $0x0  }
0x40: {  	s30 =	sadd.s32 $0x14580, s22;
	[sflag:s20] =	ssyncadd.s32 $0xFFFFC000  }
0x41: {  	[spmem:s2] =	stream.indirect.scatter.add.f32 [tilespmem:s19], [sflag:$0x3], $0x80, s30, s15, $0xb8;
	[tilespmem:$0x1CC00] =	vst v63  }
0x42: {  	_ =	swait.ge [sflag:s13], $0x4000  }
0x43: {  	[sflag:s13] =	ssyncset.done $0x0  }
0x44: {  	s1 =	sadd.s32 $0x13E80, s22;
	[sflag:s13] =	ssyncadd.s32 $0xFFFFC000  }
0x45: {  	[tilespmem:s19], [sflag:$0x1] =	stream.indirect.gather [hbm4b:s4+s15], $0x80, s1, s15, $0xb8;
	[tilespmem:$0x1CC00] =	vst v63  }
0x46: {  	_ =	swait.ge [sflag:s20], $0x4000  }
0x47: {  	[sflag:s20] =	ssyncset.done $0x0  }
0x48: {  	s14 =	sadd.s32 $0x14600, s22;
	[sflag:s20] =	ssyncadd.s32 $0xFFFFC000  }
0x49: {  	[spmem:s2] =	stream.indirect.scatter.add.f32 [tilespmem:s16], [sflag:$0x3], $0x80, s14, s15, $0xb8;
	[tilespmem:$0x1CC00] =	vst v63  }
0x4a: {  	_ =	swait.ge [sflag:s13], $0x4000  }
0x4b: {  	[sflag:s13] =	ssyncset.done $0x0  }
0x4c: {  	s24 =	sadd.s32 $0x13F00, s22;
	[sflag:s13] =	ssyncadd.s32 $0xFFFFC000  }
0x4d: {  	[tilespmem:s16], [sflag:$0x1] =	stream.indirect.gather [hbm4b:s4+s15], $0x80, s24, s15, $0xb8;
	[tilespmem:$0x1CC00] =	vst v63  }
0x4e: {  	_ =	swait.ge [sflag:s20], $0x4000  }
0x4f: {  	[sflag:s20] =	ssyncset.done $0x0  }
0x50: {  	s25 =	sadd.s32 $0x14680, s22;
	[sflag:s20] =	ssyncadd.s32 $0xFFFFC000  }
0x51: {  	[spmem:s2] =	stream.indirect.scatter.add.f32 [tilespmem:s19], [sflag:$0x3], $0x80, s25, s15, $0xb8;
	[tilespmem:$0x1CC00] =	vst v63  }
0x52: {  	_ =	swait.ge [sflag:s13], $0x4000  }
0x53: {  	[sflag:s13] =	ssyncset.done $0x0  }
0x54: {  	s26 =	sadd.s32 $0x13F80, s22;
	[sflag:s13] =	ssyncadd.s32 $0xFFFFC000  }
0x55: {  	[tilespmem:s19], [sflag:$0x1] =	stream.indirect.gather [hbm4b:s4+s15], $0x80, s26, s15, $0xb8;
	[tilespmem:$0x1CC00] =	vst v63  }
0x56: {  	_ =	swait.ge [sflag:s20], $0x4000  }
0x57: {  	[sflag:s20] =	ssyncset.done $0x0  }
0x58: {  	s29 =	sadd.s32 $0x14700, s22;
	[sflag:s20] =	ssyncadd.s32 $0xFFFFC000  }
0x59: {  	[spmem:s2] =	stream.indirect.scatter.add.f32 [tilespmem:s16], [sflag:$0x3], $0x80, s29, s15, $0xb8;
	[tilespmem:$0x1CC00] =	vst v63  }
0x5a: {  	_ =	swait.ge [sflag:s13], $0x4000  }
0x5b: {  	[sflag:s13] =	ssyncset.done $0x0  }
0x5c: {  	s23 =	simm.s32 @!p0 $0x2;
	[sflag:s13] =	ssyncadd.s32 $0xFFFFC000  }
0x5d: {  	_ =	swait.ge @!p0 [sflag:s23], $0x400  }
0x5e: {  	[sflag:s23] =	ssyncset.done @!p0 $0x0  }
0x5f: {  	[sflag:s23] =	ssyncadd.s32 @!p0 $0xFFFFFC00  }
0x60: {  	_ =	swait.ge @!p0 [sflag:s23], $0x400  }
0x61: {  	[sflag:s23] =	ssyncset.done @!p0 $0x0  }
0x62: {  	s24 =	simm.s32 @!p0 $0x80;
	s25 =	simm.s32 @!p0 $0x14C00;
	[sflag:s23] =	ssyncadd.s32 @!p0 $0xFFFFFC00  }
0x63: {  	[tilespmem:s25], [sflag:$0x1] =	stream.indirect.gather @!p0 [hbm4b:s4+s24], $0x80, s0, s24, $0xb8;
	[tilespmem:$0x1CC00] =	vst v63  }
0x64: {  	s28 =	simm.s32 $0x2;
	s30 =	sor.u32 $0x380, s22;
	_ =	swait.ge [sflag:s20], $0x4000  }
0x65: {  	s26 =	sadd.s32 $0x80, s10;
	s23 =	sadd.s32 $0x80, s11;
	[sflag:s20] =	ssyncset.done $0x0  }
0x66: {  	s24 =	simm.s32 $0x400;
	s0 =	sadd.s32 $0x14400, s30;
	[sflag:s20] =	ssyncadd.s32 $0xFFFFC000  }
0x67: {  	[spmem:s2] =	stream.indirect.scatter.add.f32 [tilespmem:s19], [sflag:$0x3], $0x80, s0, s15, $0xb8;
	[tilespmem:$0x1CC00] =	vst v63  }
0x68: {  	s25 =	simm.s32 $0x800;
	p0 =	por $0x0, $0x0;
	s0 =	sand.u32 $0x1, s28  }
0x69: {  	s22 =	simm.s32 @!p0 $0x80;
	s31 =	sshll.u32 @!p0 s0, $0xA;
	_ =	swait.ge [sflag:s13], $0x4000  }
.LBB2_2:
0x6a: {  	s29 =	sadd.s32 @!p0 $0x13C00, s31  }
0x6b: {  	s30 =	simm.s32 @!p0 $0x14C00;
	[sflag:s13] =	ssyncset.done $0x0;
	s1 =	smov.u32 s25  }
0x6c: {  	s25 =	sadd.s32 $0x400, s25;
	s14 =	simm.s32 @!p0 $0x0;
	[sflag:s13] =	ssyncadd.s32 $0xFFFFC000  }
0x6d: {  	[tilespmem:s29], [sflag:$0x2] =	stream.linear.gather @!p0 [hbm4b:s26+s14], $0x400, $0x38;
	[tilespmem:$0x1CC00] =	vst v63  }
0x6e: {  	s31 =	sadd.s32 @!p0 $0x14400, s31;
	s0 =	sand.u32 $0x400, s24;
	p1 =	sne.s32 s25, $0x2800  }
0x6f: {  	[tilespmem:s31], [sflag:$0x2] =	stream.linear.gather @!p0 [hbm4b:s23+s14], $0x400, $0x38;
	[tilespmem:$0x1CC00] =	vst v63  }
0x70: {  	s24 =	smov.u32 s1;
	s14 =	sadd.s32 $0x13C80, s0;
	s31 =	sor.u32 $0x380, s0  }
0x71: {  	[tilespmem:s19], [sflag:$0x1] =	stream.indirect.gather [hbm4b:s4+s15], $0x80, s14, s15, $0xb8;
	[tilespmem:$0x1CC00] =	vst v63  }
0x72: {  	_ =	swait.ge [sflag:s20], $0x4000  }
0x73: {  	s1 =	sadd.s32 $0x14400, s0;
	[sflag:s20] =	ssyncset.done $0x0  }
0x74: {  	[sflag:s20] =	ssyncadd.s32 $0xFFFFC000  }
0x75: {  	[spmem:s2] =	stream.indirect.scatter.add.f32 [tilespmem:s16], [sflag:$0x3], $0x80, s1, s15, $0xb8;
	[tilespmem:$0x1CC00] =	vst v63  }
0x76: {  	_ =	swait.ge [sflag:s13], $0x4000  }
0x77: {  	s1 =	sadd.s32 $0x13D00, s0;
	[sflag:s13] =	ssyncset.done $0x0  }
0x78: {  	[sflag:s13] =	ssyncadd.s32 $0xFFFFC000  }
0x79: {  	[tilespmem:s16], [sflag:$0x1] =	stream.indirect.gather [hbm4b:s4+s15], $0x80, s1, s15, $0xb8;
	[tilespmem:$0x1CC00] =	vst v63  }
0x7a: {  	_ =	swait.ge [sflag:s20], $0x4000  }
0x7b: {  	s1 =	sadd.s32 $0x14480, s0;
	[sflag:s20] =	ssyncset.done $0x0  }
0x7c: {  	[sflag:s20] =	ssyncadd.s32 $0xFFFFC000  }
0x7d: {  	[spmem:s2] =	stream.indirect.scatter.add.f32 [tilespmem:s19], [sflag:$0x3], $0x80, s1, s15, $0xb8;
	[tilespmem:$0x1CC00] =	vst v63  }
0x7e: {  	_ =	swait.ge [sflag:s13], $0x4000  }
0x7f: {  	s1 =	sadd.s32 $0x13D80, s0;
	[sflag:s13] =	ssyncset.done $0x0  }
0x80: {  	[sflag:s13] =	ssyncadd.s32 $0xFFFFC000  }
0x81: {  	[tilespmem:s19], [sflag:$0x1] =	stream.indirect.gather [hbm4b:s4+s15], $0x80, s1, s15, $0xb8;
	[tilespmem:$0x1CC00] =	vst v63  }
0x82: {  	_ =	swait.ge [sflag:s20], $0x4000  }
0x83: {  	s1 =	sadd.s32 $0x14500, s0;
	[sflag:s20] =	ssyncset.done $0x0  }
0x84: {  	[sflag:s20] =	ssyncadd.s32 $0xFFFFC000  }
0x85: {  	[spmem:s2] =	stream.indirect.scatter.add.f32 [tilespmem:s16], [sflag:$0x3], $0x80, s1, s15, $0xb8;
	[tilespmem:$0x1CC00] =	vst v63  }
0x86: {  	_ =	swait.ge [sflag:s13], $0x4000  }
0x87: {  	s1 =	sadd.s32 $0x13E00, s0;
	[sflag:s13] =	ssyncset.done $0x0  }
0x88: {  	[sflag:s13] =	ssyncadd.s32 $0xFFFFC000  }
0x89: {  	[tilespmem:s16], [sflag:$0x1] =	stream.indirect.gather [hbm4b:s4+s15], $0x80, s1, s15, $0xb8;
	[tilespmem:$0x1CC00] =	vst v63  }
0x8a: {  	_ =	swait.ge [sflag:s20], $0x4000  }
0x8b: {  	s1 =	sadd.s32 $0x14580, s0;
	[sflag:s20] =	ssyncset.done $0x0  }
0x8c: {  	[sflag:s20] =	ssyncadd.s32 $0xFFFFC000  }
0x8d: {  	[spmem:s2] =	stream.indirect.scatter.add.f32 [tilespmem:s19], [sflag:$0x3], $0x80, s1, s15, $0xb8;
	[tilespmem:$0x1CC00] =	vst v63  }
0x8e: {  	_ =	swait.ge [sflag:s13], $0x4000  }
0x8f: {  	s1 =	sadd.s32 $0x13E80, s0;
	[sflag:s13] =	ssyncset.done $0x0  }
0x90: {  	[sflag:s13] =	ssyncadd.s32 $0xFFFFC000  }
0x91: {  	[tilespmem:s19], [sflag:$0x1] =	stream.indirect.gather [hbm4b:s4+s15], $0x80, s1, s15, $0xb8;
	[tilespmem:$0x1CC00] =	vst v63  }
0x92: {  	_ =	swait.ge [sflag:s20], $0x4000  }
0x93: {  	s1 =	sadd.s32 $0x14600, s0;
	[sflag:s20] =	ssyncset.done $0x0  }
0x94: {  	[sflag:s20] =	ssyncadd.s32 $0xFFFFC000  }
0x95: {  	[spmem:s2] =	stream.indirect.scatter.add.f32 [tilespmem:s16], [sflag:$0x3], $0x80, s1, s15, $0xb8;
	[tilespmem:$0x1CC00] =	vst v63  }
0x96: {  	_ =	swait.ge [sflag:s13], $0x4000  }
0x97: {  	s1 =	sadd.s32 $0x13F00, s0;
	[sflag:s13] =	ssyncset.done $0x0  }
0x98: {  	[sflag:s13] =	ssyncadd.s32 $0xFFFFC000  }
0x99: {  	[tilespmem:s16], [sflag:$0x1] =	stream.indirect.gather [hbm4b:s4+s15], $0x80, s1, s15, $0xb8;
	[tilespmem:$0x1CC00] =	vst v63  }
0x9a: {  	_ =	swait.ge [sflag:s20], $0x4000  }
0x9b: {  	s1 =	sadd.s32 $0x14680, s0;
	[sflag:s20] =	ssyncset.done $0x0  }
0x9c: {  	[sflag:s20] =	ssyncadd.s32 $0xFFFFC000  }
0x9d: {  	[spmem:s2] =	stream.indirect.scatter.add.f32 [tilespmem:s19], [sflag:$0x3], $0x80, s1, s15, $0xb8;
	[tilespmem:$0x1CC00] =	vst v63  }
0x9e: {  	_ =	swait.ge [sflag:s13], $0x4000  }
0x9f: {  	s1 =	sadd.s32 $0x13F80, s0;
	[sflag:s13] =	ssyncset.done $0x0  }
0xa0: {  	[sflag:s13] =	ssyncadd.s32 $0xFFFFC000  }
0xa1: {  	[tilespmem:s19], [sflag:$0x1] =	stream.indirect.gather [hbm4b:s4+s15], $0x80, s1, s15, $0xb8;
	[tilespmem:$0x1CC00] =	vst v63  }
0xa2: {  	_ =	swait.ge [sflag:s20], $0x4000  }
0xa3: {  	s0 =	sadd.s32 $0x14700, s0;
	[sflag:s20] =	ssyncset.done $0x0  }
0xa4: {  	[sflag:s20] =	ssyncadd.s32 $0xFFFFC000  }
0xa5: {  	[spmem:s2] =	stream.indirect.scatter.add.f32 [tilespmem:s16], [sflag:$0x3], $0x80, s0, s15, $0xb8;
	[tilespmem:$0x1CC00] =	vst v63  }
0xa6: {  	_ =	swait.ge [sflag:s13], $0x4000  }
0xa7: {  	s0 =	simm.s32 @!p0 $0x2;
	[sflag:s13] =	ssyncset.done $0x0  }
0xa8: {  	[sflag:s13] =	ssyncadd.s32 $0xFFFFC000  }
0xa9: {  	_ =	swait.ge @!p0 [sflag:s0], $0x400  }
0xaa: {  	[sflag:s0] =	ssyncset.done @!p0 $0x0  }
0xab: {  	[sflag:s0] =	ssyncadd.s32 @!p0 $0xFFFFFC00  }
0xac: {  	_ =	swait.ge @!p0 [sflag:s0], $0x400  }
0xad: {  	[sflag:s0] =	ssyncset.done @!p0 $0x0  }
0xae: {  	s23 =	sadd.s32 $0x80, s23;
	[sflag:s0] =	ssyncadd.s32 @!p0 $0xFFFFFC00  }
0xaf: {  	[tilespmem:s30], [sflag:$0x1] =	stream.indirect.gather @!p0 [hbm4b:s4+s22], $0x80, s29, s22, $0xb8;
	[tilespmem:$0x1CC00] =	vst v63  }
.Ltmp0:
0xb0: {  	s26 =	sadd.s32 $0x80, s26;
	_ =	swait.ge [sflag:s20], $0x4000;
	(pc) =	sbr.rel @p1 .LBB2_2-.Ltmp0, $4  }
0xb1: {  	s28 =	sadd.s32 $0x1, s28;
	s0 =	sadd.s32 $0x14400, s31;
	[sflag:s20] =	ssyncset.done $0x0  }
0xb2: {  	s1 =	sand.u32 $0x1, s28;
	p0 =	seq.s32 s24, $0x2400;
	[sflag:s20] =	ssyncadd.s32 $0xFFFFC000  }
0xb3: {  	[spmem:s2] =	stream.indirect.scatter.add.f32 [tilespmem:s19], [sflag:$0x3], $0x80, s0, s15, $0xb8;
	[tilespmem:$0x1CC00] =	vst v63  }
0xb4: {  	s31 =	sshll.u32 @!p0 s1, $0xA;
	s22 =	simm.s32 @!p0 $0x80;
	_ =	swait.ge [sflag:s13], $0x4000  }
0xb5: {  	[sflag:s13] =	ssyncset.done $0x0  }
0xb6: {  	s0 =	sadd.s32 @!p0 $0x13C00, s31;
	s1 =	simm.s32 @!p0 $0x0;
	[sflag:s13] =	ssyncadd.s32 $0xFFFFC000  }
0xb7: {  	[tilespmem:s0], [sflag:$0x2] =	stream.linear.gather @!p0 [hbm4b:s26+s1], $0x400, $0x38;
	[tilespmem:$0x1CC00] =	vst v63  }
0xb8: {  	s14 =	sadd.s32 @!p0 $0x14400, s31;
	s24 =	sand.u32 $0x400, s24  }
0xb9: {  	[tilespmem:s14], [sflag:$0x2] =	stream.linear.gather @!p0 [hbm4b:s23+s1], $0x400, $0x38;
	[tilespmem:$0x1CC00] =	vst v63  }
0xba: {  	s23 =	sadd.s32 $0x13C80, s24  }
0xbb: {  	[tilespmem:s19], [sflag:$0x1] =	stream.indirect.gather [hbm4b:s4+s15], $0x80, s23, s15, $0xb8;
	[tilespmem:$0x1CC00] =	vst v63  }
0xbc: {  	_ =	swait.ge [sflag:s20], $0x4000  }
0xbd: {  	[sflag:s20] =	ssyncset.done $0x0  }
0xbe: {  	s25 =	sadd.s32 $0x14400, s24;
	[sflag:s20] =	ssyncadd.s32 $0xFFFFC000  }
0xbf: {  	[spmem:s2] =	stream.indirect.scatter.add.f32 [tilespmem:s16], [sflag:$0x3], $0x80, s25, s15, $0xb8;
	[tilespmem:$0x1CC00] =	vst v63  }
0xc0: {  	_ =	swait.ge [sflag:s13], $0x4000  }
0xc1: {  	[sflag:s13] =	ssyncset.done $0x0  }
0xc2: {  	s26 =	sadd.s32 $0x13D00, s24;
	[sflag:s13] =	ssyncadd.s32 $0xFFFFC000  }
0xc3: {  	[tilespmem:s16], [sflag:$0x1] =	stream.indirect.gather [hbm4b:s4+s15], $0x80, s26, s15, $0xb8;
	[tilespmem:$0x1CC00] =	vst v63  }
0xc4: {  	_ =	swait.ge [sflag:s20], $0x4000  }
0xc5: {  	[sflag:s20] =	ssyncset.done $0x0  }
0xc6: {  	s28 =	sadd.s32 $0x14480, s24;
	[sflag:s20] =	ssyncadd.s32 $0xFFFFC000  }
0xc7: {  	[spmem:s2] =	stream.indirect.scatter.add.f32 [tilespmem:s19], [sflag:$0x3], $0x80, s28, s15, $0xb8;
	[tilespmem:$0x1CC00] =	vst v63  }
0xc8: {  	_ =	swait.ge [sflag:s13], $0x4000  }
0xc9: {  	[sflag:s13] =	ssyncset.done $0x0  }
0xca: {  	s29 =	sadd.s32 $0x13D80, s24;
	[sflag:s13] =	ssyncadd.s32 $0xFFFFC000  }
0xcb: {  	[tilespmem:s19], [sflag:$0x1] =	stream.indirect.gather [hbm4b:s4+s15], $0x80, s29, s15, $0xb8;
	[tilespmem:$0x1CC00] =	vst v63  }
0xcc: {  	_ =	swait.ge [sflag:s20], $0x4000  }
0xcd: {  	[sflag:s20] =	ssyncset.done $0x0  }
0xce: {  	s30 =	sadd.s32 $0x14500, s24;
	[sflag:s20] =	ssyncadd.s32 $0xFFFFC000  }
0xcf: {  	[spmem:s2] =	stream.indirect.scatter.add.f32 [tilespmem:s16], [sflag:$0x3], $0x80, s30, s15, $0xb8;
	[tilespmem:$0x1CC00] =	vst v63  }
0xd0: {  	_ =	swait.ge [sflag:s13], $0x4000  }
0xd1: {  	[sflag:s13] =	ssyncset.done $0x0  }
0xd2: {  	s31 =	sadd.s32 $0x13E00, s24;
	[sflag:s13] =	ssyncadd.s32 $0xFFFFC000  }
0xd3: {  	[tilespmem:s16], [sflag:$0x1] =	stream.indirect.gather [hbm4b:s4+s15], $0x80, s31, s15, $0xb8;
	[tilespmem:$0x1CC00] =	vst v63  }
0xd4: {  	_ =	swait.ge [sflag:s20], $0x4000  }
0xd5: {  	[sflag:s20] =	ssyncset.done $0x0  }
0xd6: {  	s14 =	sadd.s32 $0x14580, s24;
	[sflag:s20] =	ssyncadd.s32 $0xFFFFC000  }
0xd7: {  	[spmem:s2] =	stream.indirect.scatter.add.f32 [tilespmem:s19], [sflag:$0x3], $0x80, s14, s15, $0xb8;
	[tilespmem:$0x1CC00] =	vst v63  }
0xd8: {  	_ =	swait.ge [sflag:s13], $0x4000  }
0xd9: {  	[sflag:s13] =	ssyncset.done $0x0  }
0xda: {  	s23 =	sadd.s32 $0x13E80, s24;
	[sflag:s13] =	ssyncadd.s32 $0xFFFFC000  }
0xdb: {  	[tilespmem:s19], [sflag:$0x1] =	stream.indirect.gather [hbm4b:s4+s15], $0x80, s23, s15, $0xb8;
	[tilespmem:$0x1CC00] =	vst v63  }
0xdc: {  	_ =	swait.ge [sflag:s20], $0x4000  }
0xdd: {  	[sflag:s20] =	ssyncset.done $0x0  }
0xde: {  	s25 =	sadd.s32 $0x14600, s24;
	[sflag:s20] =	ssyncadd.s32 $0xFFFFC000  }
0xdf: {  	[spmem:s2] =	stream.indirect.scatter.add.f32 [tilespmem:s16], [sflag:$0x3], $0x80, s25, s15, $0xb8;
	[tilespmem:$0x1CC00] =	vst v63  }
0xe0: {  	_ =	swait.ge [sflag:s13], $0x4000  }
0xe1: {  	[sflag:s13] =	ssyncset.done $0x0  }
0xe2: {  	s26 =	sadd.s32 $0x13F00, s24;
	[sflag:s13] =	ssyncadd.s32 $0xFFFFC000  }
0xe3: {  	[tilespmem:s16], [sflag:$0x1] =	stream.indirect.gather [hbm4b:s4+s15], $0x80, s26, s15, $0xb8;
	[tilespmem:$0x1CC00] =	vst v63  }
0xe4: {  	_ =	swait.ge [sflag:s20], $0x4000  }
0xe5: {  	[sflag:s20] =	ssyncset.done $0x0  }
0xe6: {  	s28 =	sadd.s32 $0x14680, s24;
	[sflag:s20] =	ssyncadd.s32 $0xFFFFC000  }
0xe7: {  	[spmem:s2] =	stream.indirect.scatter.add.f32 [tilespmem:s19], [sflag:$0x3], $0x80, s28, s15, $0xb8;
	[tilespmem:$0x1CC00] =	vst v63  }
0xe8: {  	_ =	swait.ge [sflag:s13], $0x4000  }
0xe9: {  	[sflag:s13] =	ssyncset.done $0x0  }
0xea: {  	s29 =	sadd.s32 $0x13F80, s24;
	[sflag:s13] =	ssyncadd.s32 $0xFFFFC000  }
0xeb: {  	[tilespmem:s19], [sflag:$0x1] =	stream.indirect.gather [hbm4b:s4+s15], $0x80, s29, s15, $0xb8;
	[tilespmem:$0x1CC00] =	vst v63  }
0xec: {  	_ =	swait.ge [sflag:s20], $0x4000  }
0xed: {  	[sflag:s20] =	ssyncset.done $0x0  }
0xee: {  	s30 =	sadd.s32 $0x14700, s24;
	[sflag:s20] =	ssyncadd.s32 $0xFFFFC000  }
0xef: {  	[spmem:s2] =	stream.indirect.scatter.add.f32 [tilespmem:s16], [sflag:$0x3], $0x80, s30, s15, $0xb8;
	[tilespmem:$0x1CC00] =	vst v63  }
0xf0: {  	_ =	swait.ge [sflag:s13], $0x4000  }
0xf1: {  	[sflag:s13] =	ssyncset.done $0x0  }
0xf2: {  	s1 =	simm.s32 @!p0 $0x2;
	[sflag:s13] =	ssyncadd.s32 $0xFFFFC000  }
0xf3: {  	_ =	swait.ge @!p0 [sflag:s1], $0x400  }
0xf4: {  	[sflag:s1] =	ssyncset.done @!p0 $0x0  }
0xf5: {  	[sflag:s1] =	ssyncadd.s32 @!p0 $0xFFFFFC00  }
0xf6: {  	_ =	swait.ge @!p0 [sflag:s1], $0x400  }
0xf7: {  	[sflag:s1] =	ssyncset.done @!p0 $0x0  }
0xf8: {  	s14 =	simm.s32 @!p0 $0x14C00;
	[sflag:s1] =	ssyncadd.s32 @!p0 $0xFFFFFC00  }
0xf9: {  	[tilespmem:s14], [sflag:$0x1] =	stream.indirect.gather @!p0 [hbm4b:s4+s22], $0x80, s0, s22, $0xb8;
	[tilespmem:$0x1CC00] =	vst v63  }
0xfa: {  	_ =	swait.ge [sflag:s20], $0x4000  }
0xfb: {  	s31 =	sor.u32 $0x380, s24;
	[sflag:s20] =	ssyncset.done $0x0  }
0xfc: {  	s0 =	sadd.s32 $0x14400, s31;
	[sflag:s20] =	ssyncadd.s32 $0xFFFFC000  }
0xfd: {  	[spmem:s2] =	stream.indirect.scatter.add.f32 [tilespmem:s19], [sflag:$0x3], $0x80, s0, s15, $0xb8;
	[tilespmem:$0x1CC00] =	vst v63  }
0xfe: {  	_ =	swait.ge [sflag:s13], $0x4000  }
0xff: {  	s21 =	sadd.s32 $0x1, s21;
	[sflag:s13] =	ssyncset.done $0x0  }
0x100: {  	p0 =	sne.s32 s21, s9;
	[sflag:s13] =	ssyncadd.s32 $0xFFFFC000  }
.Ltmp1:
0x101: {  	[bflag:$0x0] =	sbarrier.arrive $0xFFFF;
	(pc) =	sbr.rel @p0 .LBB2_1-.Ltmp1, $4  }
0x102: {  	[hbm:s8], [sflag:s17] =	dma.local [spmem:s18], $0x2780  }
0x103: {  	_ =	swait.ge [sflag:s13], $0x2780  }
0x104: {  	[sflag:s13] =	ssyncset.done $0x0  }
0x105: {  	[sflag:s13] =	ssyncadd.s32 $0xFFFFD880  }
0x106: {  	_ =	sfence.sel $0x180000  }
0x107: {  	[bflag:$0x0] =	sbarrier.arrive $0xFFFF  }
0x108: {  	_ =	strace $0x9000004A  }
0x109: {  	s0 =	stileid.u32;
	[bflag:$0x2] =	sbarrier.arrive $0xFFFF  }
0x10a: {  	p0 =	sne.s32 s0, $0x0;
	s0 =	rddreg [dreg:$0x3]  }
0x10b: {  	s0 =	sadd.s32 @!p0 $0x100000, s0  }
0x10c: {  	[sflag:s0] =	ssyncadd.tile.s32 @!p0 $0x1;
	_ =	shalt  }
.Lfunc_end2:
_tile_overlayer_lowered:
.L_overlay_start_2:
0x10d: {  	(tag) =	ssettag $0x2  }
0x10e: {  	s0 =	rddreg [dreg:$0x0];
	s2 =	stileid.u32  }
0x10f: {  	s1 =	rddreg [dreg:$0x1];
	p0 =	sne.s32 s2, $0x0  }
0x110: {  	s3 =	rddreg [dreg:$0x2];
	[bflag:$0x3] =	sbarrier.arrive $0xFFFF;
	s2 =	simm.s32 @!p0 $0x1C03  }
0x111: {  	[timem:s3], [sflag:s2] =	dma.local @!p0 [hbm:s0], s1  }
0x112: {  	s0 =	simm.s32 @!p0 $0x3  }
0x113: {  	_ =	swait.ge @!p0 [sflag:s0], s1  }
0x114: {  	s1 =	ssub.s32 @!p0 $0x0, s1;
	[sflag:s0] =	ssyncset.done @!p0 $0x0  }
0x115: {  	[sflag:s0] =	ssyncadd.s32 @!p0 s1  }
0x116: {  	[bflag:$0x3] =	sbarrier.arrive $0xFFFF  }
0x117: {  	_ =	shalt  }

// kernel: kernel.18.cloned.1.call-start
scs
__scs_entry_jumppad:
0x0: {  	(pc) =	sbr.rel $0x88, $3  }
0x1: {  	(tag) =	ssettag $0x0;
	lr =	simm.s32 $0x1  }
0x2: {  	[smem:$0x3F94] =	sst lr;
	_ =	strace $0xD0000000  }
0x3: {  	_ = 	snop  }
0x4: {  	_ = 	snop  }
0x5: {  	_ = 	snop  }
0x6: {  	_ = 	snop  }
0x7: {  	_ = 	snop  }
__scs_overlays_trampoline_lowered:
0x8: {  	[smem:$0x3FA3] =	sst s0  }
0x9: {  	[smem:$0x3FA4] =	sst s1  }
0xa: {  	[smem:$0x3FA5] =	sst s2  }
0xb: {  	[smem:$0x3FA6] =	sst s3  }
0xc: {  	[smem:$0x3FA7] =	sst s4  }
0xd: {  	[smem:$0x3FA8] =	sst s5  }
0xe: {  	[smem:$0x3FA9] =	sst s6  }
0xf: {  	[smem:$0x3FAA] =	sst s7  }
0x10: {  	[smem:$0x3FAB] =	sst s8  }
0x11: {  	[smem:$0x3FAC] =	sst s9;
	s0 =	simm.s32 @!p0 $0x0  }
0x12: {  	s1 =	sld [smem:$0x3F92];
	s0 =	simm.s32 @p0 $0x1  }
0x13: {  	[smem:$0x3FAD] =	sst s0;
	s0 =	simm.s32 @!p1 $0x0  }
0x14: {  	s2 =	sld [smem:$0x3F91];
	s0 =	simm.s32 @p1 $0x1  }
0x15: {  	[smem:$0x3FAE] =	sst s0;
	s0 =	simm.s32 @!p2 $0x0  }
0x16: {  	s3 =	sld [smem:$0x3FDB];
	s0 =	simm.s32 @p2 $0x1  }
0x17: {  	s4 =	simm.s32 $0x1BF5;
	[smem:$0x3FB0] =	sst s0  }
0x18: {  	s0 =	sld [smem:$0x3F93];
	_ =	swait.ge [sflag:s4], $0x0  }
0x19: {  	s7 =	sld [smem:$0x3F94]  }
0x1a: {  	s8 =	sadd.s32 $0xFFFFE003, lr  }
0x1b: {  	s9 =	sadd.s32 $0xFFFFFEF7, lr;
	s5 =	simm.s32 $0xFFFFFFFF;
	p2 =	slt.u32 s8, $0xFFFFF086  }
0x1c: {  	p1 =	slt.u32 s9, $0xF7A;
	s5 =	simm.s32 @!p2 $0x0  }
0x1d: {  	s5 =	simm.s32 @p1 $0x1;
	p0 =	seq.s32 s7, s2  }
0x1e: {  	s7 =	smul.u32 @!p0 $0xF7A, s2;
	p2 =	seq.s32 @!p0 s5, $0x0  }
0x1f: {  	s9 =	smul.u32 $0xF7A, s1;
	s8 =	simm.s32 @!p0 $0x1BF5;
	p2 =	por !p2, p0  }
0x20: {  	[sflag:s8] =	ssyncset.s32 @!p0 $0xFFFFF086;
	s6 =	sadd.s32 @!p0 s3, s7;
	s7 =	simm.s32 @!p0 $0x108  }
0x21: {  	s3 =	sadd.s32 s3, s9;
	s6 =	sadd.s32 @!p0 $0x88, s6;
	s7 =	simm.s32 @p2 $0x1082  }
0x22: {  	[simem:s7], [sflag:s8] =	dma.local @!p0 [hbm:s6], $0xF7A  }
0x23: {  	s9 =	sor.u32 $0xD0000000, s2;
	s6 =	simm.s32 $0x108;
	_ =	swait.ge @!p0 [sflag:s8], $0x0  }
0x24: {  	s3 =	sadd.s32 $0x88, s3;
	s6 =	simm.s32 @!p1 $0x1082;
	[sflag:s4] =	ssyncset.s32 $0xFFFFF086  }
0x25: {  	[simem:s6], [sflag:s4] =	dma.local [hbm:s3], $0xF7A  }
0x26: {  	[smem:$0x3F94] =	sst s1;
	(tag) =	ssettag s2;
	_ =	strace s9  }
0x27: {  	s1 =	sld [smem:$0x3FA4]  }
0x28: {  	s2 =	sld [smem:$0x3FA5]  }
0x29: {  	s4 =	sld [smem:$0x3FA7]  }
0x2a: {  	p0 =	seq.s32 s5, $0x0;
	s5 =	sld [smem:$0x3FA8]  }
0x2b: {  	s6 =	sld [smem:$0x3FA9]  }
0x2c: {  	s7 =	sld [smem:$0x3FAA]  }
0x2d: {  	s3 =	simm.s32 $0x108;
	s8 =	sld [smem:$0x3FAB]  }
0x2e: {  	s3 =	simm.s32 @!p0 $0x1082;
	s9 =	sld [smem:$0x3FAC]  }
0x2f: {  	lr =	sadd.s32 s0, s3;
	s0 =	sld [smem:$0x3FA3]  }
0x30: {  	s3 =	sld [smem:$0x3FA6]  }
0x31: {  	[smem:$0x3FAF] =	sst s10  }
0x32: {  	s10 =	sld [smem:$0x3FAD];
	_ =	sdelay $0x3  }
0x33: {  	p0 =	seq.s32 s10, $0x1;
	s10 =	sld [smem:$0x3FAF];
	_ =	sdelay $0x3  }
0x34: {  	[smem:$0x3FAF] =	sst s10  }
0x35: {  	s10 =	sld [smem:$0x3FAE];
	_ =	sdelay $0x3  }
0x36: {  	p1 =	seq.s32 s10, $0x1;
	s10 =	sld [smem:$0x3FAF];
	_ =	sdelay $0x3  }
0x37: {  	[smem:$0x3FAF] =	sst s10  }
0x38: {  	s10 =	sld [smem:$0x3FB0]  }
0x39: {  	_ = 	snop;
	(pc) =	sbr.ind lr, $3  }
0x3a: {  	_ = 	snop  }
0x3b: {  	_ = 	snop  }
0x3c: {  	p2 =	seq.s32 s10, $0x1;
	s10 =	sld [smem:$0x3FAF]  }
0x3d: {  	_ =	shalt  }
0x3e: {  	_ =	shalt  }
0x3f: {  	_ =	shalt  }
0x40: {  	_ =	shalt  }
0x41: {  	_ =	shalt  }
0x42: {  	_ =	shalt  }
0x43: {  	_ =	shalt  }
0x44: {  	_ =	shalt  }
0x45: {  	_ =	shalt  }
0x46: {  	_ =	shalt  }
0x47: {  	_ =	shalt  }
0x48: {  	_ =	shalt  }
0x49: {  	_ =	shalt  }
0x4a: {  	_ =	shalt  }
0x4b: {  	_ =	shalt  }
0x4c: {  	_ =	shalt  }
0x4d: {  	_ =	shalt  }
0x4e: {  	_ =	shalt  }
0x4f: {  	_ =	shalt  }
0x50: {  	_ =	shalt  }
0x51: {  	_ =	shalt  }
0x52: {  	_ =	shalt  }
0x53: {  	_ =	shalt  }
0x54: {  	_ =	shalt  }
0x55: {  	_ =	shalt  }
0x56: {  	_ =	shalt  }
0x57: {  	_ =	shalt  }
0x58: {  	_ =	shalt  }
0x59: {  	_ =	shalt  }
0x5a: {  	_ =	shalt  }
0x5b: {  	_ =	shalt  }
0x5c: {  	_ =	shalt  }
0x5d: {  	_ =	shalt  }
0x5e: {  	_ =	shalt  }
0x5f: {  	_ =	shalt  }
0x60: {  	_ =	shalt  }
0x61: {  	_ =	shalt  }
0x62: {  	_ =	shalt  }
0x63: {  	_ =	shalt  }
0x64: {  	_ =	shalt  }
0x65: {  	_ =	shalt  }
0x66: {  	_ =	shalt  }
0x67: {  	_ =	shalt  }
0x68: {  	_ =	shalt  }
0x69: {  	_ =	shalt  }
0x6a: {  	_ =	shalt  }
0x6b: {  	_ =	shalt  }
0x6c: {  	_ =	shalt  }
0x6d: {  	_ =	shalt  }
0x6e: {  	_ =	shalt  }
0x6f: {  	_ =	shalt  }
0x70: {  	_ =	shalt  }
0x71: {  	_ =	shalt  }
0x72: {  	_ =	shalt  }
0x73: {  	_ =	shalt  }
0x74: {  	_ =	shalt  }
0x75: {  	_ =	shalt  }
0x76: {  	_ =	shalt  }
0x77: {  	_ =	shalt  }
0x78: {  	_ =	shalt  }
0x79: {  	_ =	shalt  }
0x7a: {  	_ =	shalt  }
0x7b: {  	_ =	shalt  }
0x7c: {  	_ =	shalt  }
0x7d: {  	_ =	shalt  }
0x7e: {  	_ =	shalt  }
0x7f: {  	_ =	shalt  }
0x80: {  	_ =	shalt  }
0x81: {  	_ =	shalt  }
0x82: {  	_ =	shalt  }
0x83: {  	_ =	shalt  }
0x84: {  	_ =	shalt  }
0x85: {  	_ =	shalt  }
0x86: {  	_ =	shalt  }
0x87: {  	_ =	shalt  }
.Lfunc_end0:
.L_simem_size_0:
called_computation.2_lowered:
.L_overlay_start_0:
0x88: {  	s2 =	sld [smem:$0x3FD9]  }
0x89: {  	s3 =	sld [smem:$0x3FFE];
	_ =	sdelay $0x1  }
0x8a: {  	s1 =	srdreg.scid  }
0x8b: {  	s0 =	sand.u32 $0x1, s1  }
0x8c: {  	s14 =	sshll.u32 s0, $0xA;
	s2 =	sadd.s32 s3, s2  }
0x8d: {  	s2 =	sadd.s32 s2, s14  }
0x8e: {  	[smem:$0x3FBB] =	sst s2  }
0x8f: {  	_ = 	snop  }
0x90: {  	s2 =	sld [smem:$0x3FD0];
	_ =	sdelay $0x2  }
0x91: {  	s15 =	simm.s32 $0xA;
	s4 =	simm.s32 $0x10  }
0x92: {  	[smem:s4], [sflag:s15] =	dma.local [hbm:s2], $0x1  }
0x93: {  	_ =	swait.eq [sflag:s15], $0x1  }
0x94: {  	[sflag:s15] =	ssyncset.done $0x0  }
0x95: {  	[sflag:s15] =	ssyncadd.s32 $0xFFFFFFFF  }
0x96: {  	s16 =	sld [smem:$0x10];
	(tm) =	ssettm $0x1  }
0x97: {  	s17 =	sld [smem:$0x3FFB];
	_ =	sdelay $0x3  }
0x98: {  	_ =	strace s17  }
0x99: {  	s3 =	sld [smem:$0x3FFC];
	_ =	sdelay $0x3  }
0x9a: {  	_ =	strace s3  }
0x9b: {  	s3 =	sld [smem:$0x3FFD];
	_ =	sdelay $0x3  }
0x9c: {  	_ =	strace s3  }
0x9d: {  	_ =	strace $0x8FFFFFFF  }
0x9e: {  	s18 =	sld [smem:$0x3FDB];
	_ =	sdelay $0x1  }
0x9f: {  	s19 =	simm.s32 $_scs_section_size  }
0xa0: {  	s5 =	simm.s32 $_size__tile_overlayer_lowered;
	s6 =	simm.s32 $_tile_overlayer_lowered  }
0xa1: {  	s22 =	simm.s32 $0x1BFF;
	s21 =	sshll.u32 s6, $0x1;
	s3 =	sadd.s32 s19, s18  }
0xa2: {  	s7 =	simm.s32 $0x0;
	s20 =	sshll.u32 s5, $0x1;
	s5 =	sadd.s32 s21, s3  }
0xa3: {  	[timem:s7], [sflag:s22] =	dma.local [hbm:s5], s20  }
0xa4: {  	_ =	swait.ge [sflag:s22], s20  }
0xa5: {  	s4 =	ssub.s32 $0x0, s20;
	[sflag:s22] =	ssyncset.done $0x0  }
0xa6: {  	[sflag:s22] =	ssyncadd.s32 s4;
	_ =	sdelay $0x1  }
0xa7: {  	s23 =	simm.s32 $0x1B8B  }
0xa8: {  	_ =	swait.ge [sflag:s23], $0x1  }
0xa9: {  	[sflag:s23] =	ssyncset.done $0x0  }
0xaa: {  	s25 =	simm.s32 $0x1B8E;
	s24 =	sld [smem:$0x3FFE];
	[sflag:s23] =	ssyncadd.s32 $0xFFFFFFFF  }
0xab: {  	s26 =	simm.s32 $execute0_lowered;
	[smem:$0x3FD2] =	sst s25  }
0xac: {  	s5 =	sshll.u32 s26, $0x1;
	_ =	strace $0x8000004C;
	[dreg:$0x1] =	wrdreg $0xFFFFFFFF  }
0xad: {  	s28 =	simm.s32 $_size_execute0_lowered;
	s3 =	sadd.s32 s3, s5;
	[dreg:$0x0] =	wrdreg $0x0  }
0xae: {  	s5 =	sshll.u32 s28, $0x1;
	[dreg:$0x2] =	wrdreg s3  }
0xaf: {  	[dreg:$0x3] =	wrdreg s5  }
0xb0: {  	[dreg:$0x4] =	wrdreg $0xC0  }
0xb1: {  	_ =	task [dreg:s7], $0x5FFFF  }
0xb2: {  	[dreg:$0x1] =	wrdreg $0xFFFFFFFF  }
0xb3: {  	[dreg:$0x0] =	wrdreg $0x60  }
0xb4: {  	[dreg:$0x2] =	wrdreg s24  }
0xb5: {  	[dreg:$0x3] =	wrdreg s16  }
0xb6: {  	[dreg:$0x4] =	wrdreg $0x0  }
0xb7: {  	[dreg:$0x5] =	wrdreg $0x9  }
0xb8: {  	_ =	task.clear_ibuf [dreg:s7], $0x6FFFF;
	_ =	strace $0x9000004C  }
0xb9: {  	s29 =	simm.s32 $0x9;
	_ =	strace $0x8000004E  }
0xba: {  	_ =	swait.ge [sflag:s29], $0x1  }
0xbb: {  	[sflag:s29] =	ssyncadd.s32 $0xFFFFFFFF  }
0xbc: {  	_ =	strace $0x9000004E  }
0xbd: {  	_ =	sfence  }
0xbe: {  	s30 =	sld [smem:$0x0];
	_ =	sdelay $0x2  }
0xbf: {  	s31 =	sshll.u32 s1, $0xD;
	s1 =	sshrl.u32 s1, $0x2  }
0xc0: {  	s3 =	sand.u32 $0x4000, s31;
	s1 =	sadd.s32 s1, s30  }
0xc1: {  	s0 =	sor.u32 s3, s0;
	s1 =	sshll.u32 s1, $0x11  }
0xc2: {  	s0 =	sor.u32 s1, s0  }
0xc3: {  	s0 =	sadd.s32 $0x8F2B, s0  }
0xc4: {  	[sflag:s0] =	ssyncadd.remote.s32 $0x1  }
0xc5: {  	_ =	sfence.sel $0xFFFF  }
0xc6: {  	[dreg:$0x0] =	wrdreg $0xFFFFFFFF;
	(pc) =	sbr.abs _section_cstart, $3  }
0xc7: {  	[dreg:$0x1] =	wrdreg $0xFFFFFFFF  }
0xc8: {  	_ =	task.clear_ibuf [dreg:s7], $0x2FFFF;
	_ =	strace $0x9FFFFFFF  }
0xc9: {  	(tm) =	ssettm $0x7FFFFFFF  }
tec
execute0_lowered:
.L_overlay_start_1:
0x0: {  	(tag) =	ssettag $0x1  }
0x1: {  	s0 =	rddreg [dreg:$0x0]  }
0x2: {  	s8 =	rddreg [dreg:$0x1]  }
0x3: {  	s2 =	rddreg [dreg:$0x2];
	s3 =	simm.s32 $0x0;
	s1 =	stileid.u32  }
0x4: {  	s4 =	srdreg.scid;
	s16 =	simm.s32 $0x14C00;
	s7 =	smul.u32 $0x13C00, s1  }
0x5: {  	s19 =	simm.s32 $0x18C00;
	s20 =	simm.s32 $0x1;
	s11 =	smul.u32 $0x2800, s1  }
0x6: {  	[smem:$0x7FF] =	sst s3;
	s5 =	sand.u32 $0x1, s4;
	s22 =	smul.u32 $0x4F000, s1  }
0x7: {  	s4 =	sadd.s32 $0x3A200, s0;
	s10 =	sadd.s32 $0x30200, s0;
	s28 =	smul.u32 $0x500, s1  }
0x8: {  	s12 =	sadd.s32 $0x3A00, s0;
	s31 =	sshll.u32 s1, $0x6;
	s6 =	smul.u32 $0x28000, s5  }
0x9: {  	_ =	strace $0x8000004D;
	s21 =	ssub.s32 $0x2, s5;
	s15 =	smul.u32 $0x13C000, s5  }
0xa: {  	s17 =	sor.u32 $0x1C03, s31;
	s9 =	sshrl.u32 s7, $0x3;
	s13 =	sshrl.u32 s21, $0x1  }
0xb: {  	s24 =	sshrl.u32 s22, $0x2;
	s30 =	sadd.s32 s28, s12;
	s0 =	sadd.s32 s9, s0  }
0xc: {  	s14 =	sadd.s32 s11, s6;
	s9 =	ssub.s32 s21, s13;
	s11 =	sshrl.u32 s11, $0x3  }
0xd: {  	s18 =	sadd.s32 s24, s2;
	s7 =	sadd.s32 s7, s15;
	s13 =	simm.s32 $0x3  }
0xe: {  	s15 =	simm.s32 $0x80;
	s21 =	simm.s32 $0x0;
	s23 =	sshrl.u32 s14, $0x3  }
0xf: {  	s6 =	sadd.s32 s12, s11;
	s25 =	sshrl.u32 s7, $0x3;
	s26 =	sor.u32 $0x400, s14  }
0x10: {  	s7 =	sadd.s32 $0x8A00, s0;
	s9 =	smax.u32 s9, $0x1;
	s11 =	sadd.s32 $0x80, s30  }
0x11: {  	s12 =	simm.s32 $0x13C00;
	s18 =	sshrl.u32 s18, $0x3;
	s29 =	sshrl.u32 s26, $0x3  }
0x12: {  	s5 =	sadd.s32 s10, s23;
	s8 =	sadd.s32 s8, s25;
	s10 =	sadd.s32 s29, s10  }
.LBB2_1:
0x13: {  	[tilespmem:s12], [sflag:$0x3] =	stream.linear.gather [hbm4b:s5+s3], $0x400, $0x38;
	[tilespmem:$0x1CC00] =	vst v63  }
0x14: {  	_ =	swait.ge [sflag:s13], $0x400  }
0x15: {  	[sflag:s13] =	ssyncset.done $0x0  }
0x16: {  	s0 =	simm.s32 $0x14400;
	[sflag:s13] =	ssyncadd.s32 $0xFFFFFC00  }
0x17: {  	[tilespmem:s0], [sflag:$0x3] =	stream.linear.gather [hbm4b:s6+s3], $0x400, $0x38;
	[tilespmem:$0x1CC00] =	vst v63  }
0x18: {  	_ =	swait.ge [sflag:s13], $0x400  }
0x19: {  	[sflag:s13] =	ssyncset.done $0x0  }
0x1a: {  	[sflag:s13] =	ssyncadd.s32 $0xFFFFFC00  }
0x1b: {  	[tilespmem:s16], [sflag:$0x1] =	stream.indirect.gather [hbm4b:s4+s15], $0x80, s12, s15, $0xb8;
	[tilespmem:$0x1CC00] =	vst v63  }
0x1c: {  	[spmem:s18], [sflag:s17] =	dma.local [hbm:s7], $0x2780  }
0x1d: {  	_ =	swait.ge [sflag:s13], $0x2780  }
0x1e: {  	p0 =	por $0x0, $0x0;
	s0 =	sand.u32 $0x1, s20;
	[sflag:s13] =	ssyncset.done $0x0  }
0x1f: {  	s22 =	sshll.u32 @!p0 s0, $0xA;
	[sflag:s13] =	ssyncadd.s32 $0xFFFFD880  }
0x20: {  	s23 =	simm.s32 @!p0 $0x0;
	s0 =	sadd.s32 @!p0 $0x13C00, s22;
	[bflag:$0x0] =	sbarrier.arrive $0xFFFF  }
0x21: {  	[tilespmem:s0], [sflag:$0x2] =	stream.linear.gather @!p0 [hbm4b:s10+s23], $0x400, $0x38;
	[tilespmem:$0x1CC00] =	vst v63  }
0x22: {  	s24 =	sadd.s32 @!p0 $0x14400, s22;
	s22 =	sand.u32 $0x400, s3  }
0x23: {  	[tilespmem:s24], [sflag:$0x2] =	stream.linear.gather @!p0 [hbm4b:s11+s23], $0x400, $0x38;
	[tilespmem:$0x1CC00] =	vst v63  }
0x24: {  	s30 =	sadd.s32 $0x13C80, s22  }
0x25: {  	[tilespmem:s19], [sflag:$0x1] =	stream.indirect.gather [hbm4b:s4+s15], $0x80, s30, s15, $0xb8;
	[tilespmem:$0x1CC00] =	vst v63  }
0x26: {  	_ =	swait.ge [sflag:s20], $0x4000  }
0x27: {  	[sflag:s20] =	ssyncset.done $0x0  }
0x28: {  	s1 =	sadd.s32 $0x14400, s22;
	[sflag:s20] =	ssyncadd.s32 $0xFFFFC000  }
0x29: {  	[spmem:s2] =	stream.indirect.scatter.add.f32 [tilespmem:s16], [sflag:$0x3], $0x80, s1, s15, $0xb8;
	[tilespmem:$0x1CC00] =	vst v63  }
0x2a: {  	_ =	swait.ge [sflag:s13], $0x4000  }
0x2b: {  	[sflag:s13] =	ssyncset.done $0x0  }
0x2c: {  	s14 =	sadd.s32 $0x13D00, s22;
	[sflag:s13] =	ssyncadd.s32 $0xFFFFC000  }
0x2d: {  	[tilespmem:s16], [sflag:$0x1] =	stream.indirect.gather [hbm4b:s4+s15], $0x80, s14, s15, $0xb8;
	[tilespmem:$0x1CC00] =	vst v63  }
0x2e: {  	_ =	swait.ge [sflag:s20], $0x4000  }
0x2f: {  	[sflag:s20] =	ssyncset.done $0x0  }
0x30: {  	s24 =	sadd.s32 $0x14480, s22;
	[sflag:s20] =	ssyncadd.s32 $0xFFFFC000  }
0x31: {  	[spmem:s2] =	stream.indirect.scatter.add.f32 [tilespmem:s19], [sflag:$0x3], $0x80, s24, s15, $0xb8;
	[tilespmem:$0x1CC00] =	vst v63  }
0x32: {  	_ =	swait.ge [sflag:s13], $0x4000  }
0x33: {  	[sflag:s13] =	ssyncset.done $0x0  }
0x34: {  	s25 =	sadd.s32 $0x13D80, s22;
	[sflag:s13] =	ssyncadd.s32 $0xFFFFC000  }
0x35: {  	[tilespmem:s19], [sflag:$0x1] =	stream.indirect.gather [hbm4b:s4+s15], $0x80, s25, s15, $0xb8;
	[tilespmem:$0x1CC00] =	vst v63  }
0x36: {  	_ =	swait.ge [sflag:s20], $0x4000  }
0x37: {  	[sflag:s20] =	ssyncset.done $0x0  }
0x38: {  	s26 =	sadd.s32 $0x14500, s22;
	[sflag:s20] =	ssyncadd.s32 $0xFFFFC000  }
0x39: {  	[spmem:s2] =	stream.indirect.scatter.add.f32 [tilespmem:s16], [sflag:$0x3], $0x80, s26, s15, $0xb8;
	[tilespmem:$0x1CC00] =	vst v63  }
0x3a: {  	_ =	swait.ge [sflag:s13], $0x4000  }
0x3b: {  	[sflag:s13] =	ssyncset.done $0x0  }
0x3c: {  	s29 =	sadd.s32 $0x13E00, s22;
	[sflag:s13] =	ssyncadd.s32 $0xFFFFC000  }
0x3d: {  	[tilespmem:s16], [sflag:$0x1] =	stream.indirect.gather [hbm4b:s4+s15], $0x80, s29, s15, $0xb8;
	[tilespmem:$0x1CC00] =	vst v63  }
0x3e: {  	_ =	swait.ge [sflag:s20], $0x4000  }
0x3f: {  	[sflag:s20] =	ssyncset.done $0x0  }
0x40: {  	s30 =	sadd.s32 $0x14580, s22;
	[sflag:s20] =	ssyncadd.s32 $0xFFFFC000  }
0x41: {  	[spmem:s2] =	stream.indirect.scatter.add.f32 [tilespmem:s19], [sflag:$0x3], $0x80, s30, s15, $0xb8;
	[tilespmem:$0x1CC00] =	vst v63  }
0x42: {  	_ =	swait.ge [sflag:s13], $0x4000  }
0x43: {  	[sflag:s13] =	ssyncset.done $0x0  }
0x44: {  	s1 =	sadd.s32 $0x13E80, s22;
	[sflag:s13] =	ssyncadd.s32 $0xFFFFC000  }
0x45: {  	[tilespmem:s19], [sflag:$0x1] =	stream.indirect.gather [hbm4b:s4+s15], $0x80, s1, s15, $0xb8;
	[tilespmem:$0x1CC00] =	vst v63  }
0x46: {  	_ =	swait.ge [sflag:s20], $0x4000  }
0x47: {  	[sflag:s20] =	ssyncset.done $0x0  }
0x48: {  	s14 =	sadd.s32 $0x14600, s22;
	[sflag:s20] =	ssyncadd.s32 $0xFFFFC000  }
0x49: {  	[spmem:s2] =	stream.indirect.scatter.add.f32 [tilespmem:s16], [sflag:$0x3], $0x80, s14, s15, $0xb8;
	[tilespmem:$0x1CC00] =	vst v63  }
0x4a: {  	_ =	swait.ge [sflag:s13], $0x4000  }
0x4b: {  	[sflag:s13] =	ssyncset.done $0x0  }
0x4c: {  	s24 =	sadd.s32 $0x13F00, s22;
	[sflag:s13] =	ssyncadd.s32 $0xFFFFC000  }
0x4d: {  	[tilespmem:s16], [sflag:$0x1] =	stream.indirect.gather [hbm4b:s4+s15], $0x80, s24, s15, $0xb8;
	[tilespmem:$0x1CC00] =	vst v63  }
0x4e: {  	_ =	swait.ge [sflag:s20], $0x4000  }
0x4f: {  	[sflag:s20] =	ssyncset.done $0x0  }
0x50: {  	s25 =	sadd.s32 $0x14680, s22;
	[sflag:s20] =	ssyncadd.s32 $0xFFFFC000  }
0x51: {  	[spmem:s2] =	stream.indirect.scatter.add.f32 [tilespmem:s19], [sflag:$0x3], $0x80, s25, s15, $0xb8;
	[tilespmem:$0x1CC00] =	vst v63  }
0x52: {  	_ =	swait.ge [sflag:s13], $0x4000  }
0x53: {  	[sflag:s13] =	ssyncset.done $0x0  }
0x54: {  	s26 =	sadd.s32 $0x13F80, s22;
	[sflag:s13] =	ssyncadd.s32 $0xFFFFC000  }
0x55: {  	[tilespmem:s19], [sflag:$0x1] =	stream.indirect.gather [hbm4b:s4+s15], $0x80, s26, s15, $0xb8;
	[tilespmem:$0x1CC00] =	vst v63  }
0x56: {  	_ =	swait.ge [sflag:s20], $0x4000  }
0x57: {  	[sflag:s20] =	ssyncset.done $0x0  }
0x58: {  	s29 =	sadd.s32 $0x14700, s22;
	[sflag:s20] =	ssyncadd.s32 $0xFFFFC000  }
0x59: {  	[spmem:s2] =	stream.indirect.scatter.add.f32 [tilespmem:s16], [sflag:$0x3], $0x80, s29, s15, $0xb8;
	[tilespmem:$0x1CC00] =	vst v63  }
0x5a: {  	_ =	swait.ge [sflag:s13], $0x4000  }
0x5b: {  	[sflag:s13] =	ssyncset.done $0x0  }
0x5c: {  	s23 =	simm.s32 @!p0 $0x2;
	[sflag:s13] =	ssyncadd.s32 $0xFFFFC000  }
0x5d: {  	_ =	swait.ge @!p0 [sflag:s23], $0x400  }
0x5e: {  	[sflag:s23] =	ssyncset.done @!p0 $0x0  }
0x5f: {  	[sflag:s23] =	ssyncadd.s32 @!p0 $0xFFFFFC00  }
0x60: {  	_ =	swait.ge @!p0 [sflag:s23], $0x400  }
0x61: {  	[sflag:s23] =	ssyncset.done @!p0 $0x0  }
0x62: {  	s24 =	simm.s32 @!p0 $0x80;
	s25 =	simm.s32 @!p0 $0x14C00;
	[sflag:s23] =	ssyncadd.s32 @!p0 $0xFFFFFC00  }
0x63: {  	[tilespmem:s25], [sflag:$0x1] =	stream.indirect.gather @!p0 [hbm4b:s4+s24], $0x80, s0, s24, $0xb8;
	[tilespmem:$0x1CC00] =	vst v63  }
0x64: {  	s28 =	simm.s32 $0x2;
	s30 =	sor.u32 $0x380, s22;
	_ =	swait.ge [sflag:s20], $0x4000  }
0x65: {  	s26 =	sadd.s32 $0x80, s10;
	s23 =	sadd.s32 $0x80, s11;
	[sflag:s20] =	ssyncset.done $0x0  }
0x66: {  	s24 =	simm.s32 $0x400;
	s0 =	sadd.s32 $0x14400, s30;
	[sflag:s20] =	ssyncadd.s32 $0xFFFFC000  }
0x67: {  	[spmem:s2] =	stream.indirect.scatter.add.f32 [tilespmem:s19], [sflag:$0x3], $0x80, s0, s15, $0xb8;
	[tilespmem:$0x1CC00] =	vst v63  }
0x68: {  	s25 =	simm.s32 $0x800;
	p0 =	por $0x0, $0x0;
	s0 =	sand.u32 $0x1, s28  }
0x69: {  	s22 =	simm.s32 @!p0 $0x80;
	s31 =	sshll.u32 @!p0 s0, $0xA;
	_ =	swait.ge [sflag:s13], $0x4000  }
.LBB2_2:
0x6a: {  	s29 =	sadd.s32 @!p0 $0x13C00, s31  }
0x6b: {  	s30 =	simm.s32 @!p0 $0x14C00;
	[sflag:s13] =	ssyncset.done $0x0;
	s1 =	smov.u32 s25  }
0x6c: {  	s25 =	sadd.s32 $0x400, s25;
	s14 =	simm.s32 @!p0 $0x0;
	[sflag:s13] =	ssyncadd.s32 $0xFFFFC000  }
0x6d: {  	[tilespmem:s29], [sflag:$0x2] =	stream.linear.gather @!p0 [hbm4b:s26+s14], $0x400, $0x38;
	[tilespmem:$0x1CC00] =	vst v63  }
0x6e: {  	s31 =	sadd.s32 @!p0 $0x14400, s31;
	s0 =	sand.u32 $0x400, s24;
	p1 =	sne.s32 s25, $0x2800  }
0x6f: {  	[tilespmem:s31], [sflag:$0x2] =	stream.linear.gather @!p0 [hbm4b:s23+s14], $0x400, $0x38;
	[tilespmem:$0x1CC00] =	vst v63  }
0x70: {  	s24 =	smov.u32 s1;
	s14 =	sadd.s32 $0x13C80, s0;
	s31 =	sor.u32 $0x380, s0  }
0x71: {  	[tilespmem:s19], [sflag:$0x1] =	stream.indirect.gather [hbm4b:s4+s15], $0x80, s14, s15, $0xb8;
	[tilespmem:$0x1CC00] =	vst v63  }
0x72: {  	_ =	swait.ge [sflag:s20], $0x4000  }
0x73: {  	s1 =	sadd.s32 $0x14400, s0;
	[sflag:s20] =	ssyncset.done $0x0  }
0x74: {  	[sflag:s20] =	ssyncadd.s32 $0xFFFFC000  }
0x75: {  	[spmem:s2] =	stream.indirect.scatter.add.f32 [tilespmem:s16], [sflag:$0x3], $0x80, s1, s15, $0xb8;
	[tilespmem:$0x1CC00] =	vst v63  }
0x76: {  	_ =	swait.ge [sflag:s13], $0x4000  }
0x77: {  	s1 =	sadd.s32 $0x13D00, s0;
	[sflag:s13] =	ssyncset.done $0x0  }
0x78: {  	[sflag:s13] =	ssyncadd.s32 $0xFFFFC000  }
0x79: {  	[tilespmem:s16], [sflag:$0x1] =	stream.indirect.gather [hbm4b:s4+s15], $0x80, s1, s15, $0xb8;
	[tilespmem:$0x1CC00] =	vst v63  }
0x7a: {  	_ =	swait.ge [sflag:s20], $0x4000  }
0x7b: {  	s1 =	sadd.s32 $0x14480, s0;
	[sflag:s20] =	ssyncset.done $0x0  }
0x7c: {  	[sflag:s20] =	ssyncadd.s32 $0xFFFFC000  }
0x7d: {  	[spmem:s2] =	stream.indirect.scatter.add.f32 [tilespmem:s19], [sflag:$0x3], $0x80, s1, s15, $0xb8;
	[tilespmem:$0x1CC00] =	vst v63  }
0x7e: {  	_ =	swait.ge [sflag:s13], $0x4000  }
0x7f: {  	s1 =	sadd.s32 $0x13D80, s0;
	[sflag:s13] =	ssyncset.done $0x0  }
0x80: {  	[sflag:s13] =	ssyncadd.s32 $0xFFFFC000  }
0x81: {  	[tilespmem:s19], [sflag:$0x1] =	stream.indirect.gather [hbm4b:s4+s15], $0x80, s1, s15, $0xb8;
	[tilespmem:$0x1CC00] =	vst v63  }
0x82: {  	_ =	swait.ge [sflag:s20], $0x4000  }
0x83: {  	s1 =	sadd.s32 $0x14500, s0;
	[sflag:s20] =	ssyncset.done $0x0  }
0x84: {  	[sflag:s20] =	ssyncadd.s32 $0xFFFFC000  }
0x85: {  	[spmem:s2] =	stream.indirect.scatter.add.f32 [tilespmem:s16], [sflag:$0x3], $0x80, s1, s15, $0xb8;
	[tilespmem:$0x1CC00] =	vst v63  }
0x86: {  	_ =	swait.ge [sflag:s13], $0x4000  }
0x87: {  	s1 =	sadd.s32 $0x13E00, s0;
	[sflag:s13] =	ssyncset.done $0x0  }
0x88: {  	[sflag:s13] =	ssyncadd.s32 $0xFFFFC000  }
0x89: {  	[tilespmem:s16], [sflag:$0x1] =	stream.indirect.gather [hbm4b:s4+s15], $0x80, s1, s15, $0xb8;
	[tilespmem:$0x1CC00] =	vst v63  }
0x8a: {  	_ =	swait.ge [sflag:s20], $0x4000  }
0x8b: {  	s1 =	sadd.s32 $0x14580, s0;
	[sflag:s20] =	ssyncset.done $0x0  }
0x8c: {  	[sflag:s20] =	ssyncadd.s32 $0xFFFFC000  }
0x8d: {  	[spmem:s2] =	stream.indirect.scatter.add.f32 [tilespmem:s19], [sflag:$0x3], $0x80, s1, s15, $0xb8;
	[tilespmem:$0x1CC00] =	vst v63  }
0x8e: {  	_ =	swait.ge [sflag:s13], $0x4000  }
0x8f: {  	s1 =	sadd.s32 $0x13E80, s0;
	[sflag:s13] =	ssyncset.done $0x0  }
0x90: {  	[sflag:s13] =	ssyncadd.s32 $0xFFFFC000  }
0x91: {  	[tilespmem:s19], [sflag:$0x1] =	stream.indirect.gather [hbm4b:s4+s15], $0x80, s1, s15, $0xb8;
	[tilespmem:$0x1CC00] =	vst v63  }
0x92: {  	_ =	swait.ge [sflag:s20], $0x4000  }
0x93: {  	s1 =	sadd.s32 $0x14600, s0;
	[sflag:s20] =	ssyncset.done $0x0  }
0x94: {  	[sflag:s20] =	ssyncadd.s32 $0xFFFFC000  }
0x95: {  	[spmem:s2] =	stream.indirect.scatter.add.f32 [tilespmem:s16], [sflag:$0x3], $0x80, s1, s15, $0xb8;
	[tilespmem:$0x1CC00] =	vst v63  }
0x96: {  	_ =	swait.ge [sflag:s13], $0x4000  }
0x97: {  	s1 =	sadd.s32 $0x13F00, s0;
	[sflag:s13] =	ssyncset.done $0x0  }
0x98: {  	[sflag:s13] =	ssyncadd.s32 $0xFFFFC000  }
0x99: {  	[tilespmem:s16], [sflag:$0x1] =	stream.indirect.gather [hbm4b:s4+s15], $0x80, s1, s15, $0xb8;
	[tilespmem:$0x1CC00] =	vst v63  }
0x9a: {  	_ =	swait.ge [sflag:s20], $0x4000  }
0x9b: {  	s1 =	sadd.s32 $0x14680, s0;
	[sflag:s20] =	ssyncset.done $0x0  }
0x9c: {  	[sflag:s20] =	ssyncadd.s32 $0xFFFFC000  }
0x9d: {  	[spmem:s2] =	stream.indirect.scatter.add.f32 [tilespmem:s19], [sflag:$0x3], $0x80, s1, s15, $0xb8;
	[tilespmem:$0x1CC00] =	vst v63  }
0x9e: {  	_ =	swait.ge [sflag:s13], $0x4000  }
0x9f: {  	s1 =	sadd.s32 $0x13F80, s0;
	[sflag:s13] =	ssyncset.done $0x0  }
0xa0: {  	[sflag:s13] =	ssyncadd.s32 $0xFFFFC000  }
0xa1: {  	[tilespmem:s19], [sflag:$0x1] =	stream.indirect.gather [hbm4b:s4+s15], $0x80, s1, s15, $0xb8;
	[tilespmem:$0x1CC00] =	vst v63  }
0xa2: {  	_ =	swait.ge [sflag:s20], $0x4000  }
0xa3: {  	s0 =	sadd.s32 $0x14700, s0;
	[sflag:s20] =	ssyncset.done $0x0  }
0xa4: {  	[sflag:s20] =	ssyncadd.s32 $0xFFFFC000  }
0xa5: {  	[spmem:s2] =	stream.indirect.scatter.add.f32 [tilespmem:s16], [sflag:$0x3], $0x80, s0, s15, $0xb8;
	[tilespmem:$0x1CC00] =	vst v63  }
0xa6: {  	_ =	swait.ge [sflag:s13], $0x4000  }
0xa7: {  	s0 =	simm.s32 @!p0 $0x2;
	[sflag:s13] =	ssyncset.done $0x0  }
0xa8: {  	[sflag:s13] =	ssyncadd.s32 $0xFFFFC000  }
0xa9: {  	_ =	swait.ge @!p0 [sflag:s0], $0x400  }
0xaa: {  	[sflag:s0] =	ssyncset.done @!p0 $0x0  }
0xab: {  	[sflag:s0] =	ssyncadd.s32 @!p0 $0xFFFFFC00  }
0xac: {  	_ =	swait.ge @!p0 [sflag:s0], $0x400  }
0xad: {  	[sflag:s0] =	ssyncset.done @!p0 $0x0  }
0xae: {  	s23 =	sadd.s32 $0x80, s23;
	[sflag:s0] =	ssyncadd.s32 @!p0 $0xFFFFFC00  }
0xaf: {  	[tilespmem:s30], [sflag:$0x1] =	stream.indirect.gather @!p0 [hbm4b:s4+s22], $0x80, s29, s22, $0xb8;
	[tilespmem:$0x1CC00] =	vst v63  }
.Ltmp0:
0xb0: {  	s26 =	sadd.s32 $0x80, s26;
	_ =	swait.ge [sflag:s20], $0x4000;
	(pc) =	sbr.rel @p1 .LBB2_2-.Ltmp0, $4  }
0xb1: {  	s28 =	sadd.s32 $0x1, s28;
	s0 =	sadd.s32 $0x14400, s31;
	[sflag:s20] =	ssyncset.done $0x0  }
0xb2: {  	s1 =	sand.u32 $0x1, s28;
	p0 =	seq.s32 s24, $0x2400;
	[sflag:s20] =	ssyncadd.s32 $0xFFFFC000  }
0xb3: {  	[spmem:s2] =	stream.indirect.scatter.add.f32 [tilespmem:s19], [sflag:$0x3], $0x80, s0, s15, $0xb8;
	[tilespmem:$0x1CC00] =	vst v63  }
0xb4: {  	s31 =	sshll.u32 @!p0 s1, $0xA;
	s22 =	simm.s32 @!p0 $0x80;
	_ =	swait.ge [sflag:s13], $0x4000  }
0xb5: {  	[sflag:s13] =	ssyncset.done $0x0  }
0xb6: {  	s0 =	sadd.s32 @!p0 $0x13C00, s31;
	s1 =	simm.s32 @!p0 $0x0;
	[sflag:s13] =	ssyncadd.s32 $0xFFFFC000  }
0xb7: {  	[tilespmem:s0], [sflag:$0x2] =	stream.linear.gather @!p0 [hbm4b:s26+s1], $0x400, $0x38;
	[tilespmem:$0x1CC00] =	vst v63  }
0xb8: {  	s14 =	sadd.s32 @!p0 $0x14400, s31;
	s24 =	sand.u32 $0x400, s24  }
0xb9: {  	[tilespmem:s14], [sflag:$0x2] =	stream.linear.gather @!p0 [hbm4b:s23+s1], $0x400, $0x38;
	[tilespmem:$0x1CC00] =	vst v63  }
0xba: {  	s23 =	sadd.s32 $0x13C80, s24  }
0xbb: {  	[tilespmem:s19], [sflag:$0x1] =	stream.indirect.gather [hbm4b:s4+s15], $0x80, s23, s15, $0xb8;
	[tilespmem:$0x1CC00] =	vst v63  }
0xbc: {  	_ =	swait.ge [sflag:s20], $0x4000  }
0xbd: {  	[sflag:s20] =	ssyncset.done $0x0  }
0xbe: {  	s25 =	sadd.s32 $0x14400, s24;
	[sflag:s20] =	ssyncadd.s32 $0xFFFFC000  }
0xbf: {  	[spmem:s2] =	stream.indirect.scatter.add.f32 [tilespmem:s16], [sflag:$0x3], $0x80, s25, s15, $0xb8;
	[tilespmem:$0x1CC00] =	vst v63  }
0xc0: {  	_ =	swait.ge [sflag:s13], $0x4000  }
0xc1: {  	[sflag:s13] =	ssyncset.done $0x0  }
0xc2: {  	s26 =	sadd.s32 $0x13D00, s24;
	[sflag:s13] =	ssyncadd.s32 $0xFFFFC000  }
0xc3: {  	[tilespmem:s16], [sflag:$0x1] =	stream.indirect.gather [hbm4b:s4+s15], $0x80, s26, s15, $0xb8;
	[tilespmem:$0x1CC00] =	vst v63  }
0xc4: {  	_ =	swait.ge [sflag:s20], $0x4000  }
0xc5: {  	[sflag:s20] =	ssyncset.done $0x0  }
0xc6: {  	s28 =	sadd.s32 $0x14480, s24;
	[sflag:s20] =	ssyncadd.s32 $0xFFFFC000  }
0xc7: {  	[spmem:s2] =	stream.indirect.scatter.add.f32 [tilespmem:s19], [sflag:$0x3], $0x80, s28, s15, $0xb8;
	[tilespmem:$0x1CC00] =	vst v63  }
0xc8: {  	_ =	swait.ge [sflag:s13], $0x4000  }
0xc9: {  	[sflag:s13] =	ssyncset.done $0x0  }
0xca: {  	s29 =	sadd.s32 $0x13D80, s24;
	[sflag:s13] =	ssyncadd.s32 $0xFFFFC000  }
0xcb: {  	[tilespmem:s19], [sflag:$0x1] =	stream.indirect.gather [hbm4b:s4+s15], $0x80, s29, s15, $0xb8;
	[tilespmem:$0x1CC00] =	vst v63  }
0xcc: {  	_ =	swait.ge [sflag:s20], $0x4000  }
0xcd: {  	[sflag:s20] =	ssyncset.done $0x0  }
0xce: {  	s30 =	sadd.s32 $0x14500, s24;
	[sflag:s20] =	ssyncadd.s32 $0xFFFFC000  }
0xcf: {  	[spmem:s2] =	stream.indirect.scatter.add.f32 [tilespmem:s16], [sflag:$0x3], $0x80, s30, s15, $0xb8;
	[tilespmem:$0x1CC00] =	vst v63  }
0xd0: {  	_ =	swait.ge [sflag:s13], $0x4000  }
0xd1: {  	[sflag:s13] =	ssyncset.done $0x0  }
0xd2: {  	s31 =	sadd.s32 $0x13E00, s24;
	[sflag:s13] =	ssyncadd.s32 $0xFFFFC000  }
0xd3: {  	[tilespmem:s16], [sflag:$0x1] =	stream.indirect.gather [hbm4b:s4+s15], $0x80, s31, s15, $0xb8;
	[tilespmem:$0x1CC00] =	vst v63  }
0xd4: {  	_ =	swait.ge [sflag:s20], $0x4000  }
0xd5: {  	[sflag:s20] =	ssyncset.done $0x0  }
0xd6: {  	s14 =	sadd.s32 $0x14580, s24;
	[sflag:s20] =	ssyncadd.s32 $0xFFFFC000  }
0xd7: {  	[spmem:s2] =	stream.indirect.scatter.add.f32 [tilespmem:s19], [sflag:$0x3], $0x80, s14, s15, $0xb8;
	[tilespmem:$0x1CC00] =	vst v63  }
0xd8: {  	_ =	swait.ge [sflag:s13], $0x4000  }
0xd9: {  	[sflag:s13] =	ssyncset.done $0x0  }
0xda: {  	s23 =	sadd.s32 $0x13E80, s24;
	[sflag:s13] =	ssyncadd.s32 $0xFFFFC000  }
0xdb: {  	[tilespmem:s19], [sflag:$0x1] =	stream.indirect.gather [hbm4b:s4+s15], $0x80, s23, s15, $0xb8;
	[tilespmem:$0x1CC00] =	vst v63  }
0xdc: {  	_ =	swait.ge [sflag:s20], $0x4000  }
0xdd: {  	[sflag:s20] =	ssyncset.done $0x0  }
0xde: {  	s25 =	sadd.s32 $0x14600, s24;
	[sflag:s20] =	ssyncadd.s32 $0xFFFFC000  }
0xdf: {  	[spmem:s2] =	stream.indirect.scatter.add.f32 [tilespmem:s16], [sflag:$0x3], $0x80, s25, s15, $0xb8;
	[tilespmem:$0x1CC00] =	vst v63  }
0xe0: {  	_ =	swait.ge [sflag:s13], $0x4000  }
0xe1: {  	[sflag:s13] =	ssyncset.done $0x0  }
0xe2: {  	s26 =	sadd.s32 $0x13F00, s24;
	[sflag:s13] =	ssyncadd.s32 $0xFFFFC000  }
0xe3: {  	[tilespmem:s16], [sflag:$0x1] =	stream.indirect.gather [hbm4b:s4+s15], $0x80, s26, s15, $0xb8;
	[tilespmem:$0x1CC00] =	vst v63  }
0xe4: {  	_ =	swait.ge [sflag:s20], $0x4000  }
0xe5: {  	[sflag:s20] =	ssyncset.done $0x0  }
0xe6: {  	s28 =	sadd.s32 $0x14680, s24;
	[sflag:s20] =	ssyncadd.s32 $0xFFFFC000  }
0xe7: {  	[spmem:s2] =	stream.indirect.scatter.add.f32 [tilespmem:s19], [sflag:$0x3], $0x80, s28, s15, $0xb8;
	[tilespmem:$0x1CC00] =	vst v63  }
0xe8: {  	_ =	swait.ge [sflag:s13], $0x4000  }
0xe9: {  	[sflag:s13] =	ssyncset.done $0x0  }
0xea: {  	s29 =	sadd.s32 $0x13F80, s24;
	[sflag:s13] =	ssyncadd.s32 $0xFFFFC000  }
0xeb: {  	[tilespmem:s19], [sflag:$0x1] =	stream.indirect.gather [hbm4b:s4+s15], $0x80, s29, s15, $0xb8;
	[tilespmem:$0x1CC00] =	vst v63  }
0xec: {  	_ =	swait.ge [sflag:s20], $0x4000  }
0xed: {  	[sflag:s20] =	ssyncset.done $0x0  }
0xee: {  	s30 =	sadd.s32 $0x14700, s24;
	[sflag:s20] =	ssyncadd.s32 $0xFFFFC000  }
0xef: {  	[spmem:s2] =	stream.indirect.scatter.add.f32 [tilespmem:s16], [sflag:$0x3], $0x80, s30, s15, $0xb8;
	[tilespmem:$0x1CC00] =	vst v63  }
0xf0: {  	_ =	swait.ge [sflag:s13], $0x4000  }
0xf1: {  	[sflag:s13] =	ssyncset.done $0x0  }
0xf2: {  	s1 =	simm.s32 @!p0 $0x2;
	[sflag:s13] =	ssyncadd.s32 $0xFFFFC000  }
0xf3: {  	_ =	swait.ge @!p0 [sflag:s1], $0x400  }
0xf4: {  	[sflag:s1] =	ssyncset.done @!p0 $0x0  }
0xf5: {  	[sflag:s1] =	ssyncadd.s32 @!p0 $0xFFFFFC00  }
0xf6: {  	_ =	swait.ge @!p0 [sflag:s1], $0x400  }
0xf7: {  	[sflag:s1] =	ssyncset.done @!p0 $0x0  }
0xf8: {  	s14 =	simm.s32 @!p0 $0x14C00;
	[sflag:s1] =	ssyncadd.s32 @!p0 $0xFFFFFC00  }
0xf9: {  	[tilespmem:s14], [sflag:$0x1] =	stream.indirect.gather @!p0 [hbm4b:s4+s22], $0x80, s0, s22, $0xb8;
	[tilespmem:$0x1CC00] =	vst v63  }
0xfa: {  	_ =	swait.ge [sflag:s20], $0x4000  }
0xfb: {  	s31 =	sor.u32 $0x380, s24;
	[sflag:s20] =	ssyncset.done $0x0  }
0xfc: {  	s0 =	sadd.s32 $0x14400, s31;
	[sflag:s20] =	ssyncadd.s32 $0xFFFFC000  }
0xfd: {  	[spmem:s2] =	stream.indirect.scatter.add.f32 [tilespmem:s19], [sflag:$0x3], $0x80, s0, s15, $0xb8;
	[tilespmem:$0x1CC00] =	vst v63  }
0xfe: {  	_ =	swait.ge [sflag:s13], $0x4000  }
0xff: {  	s21 =	sadd.s32 $0x1, s21;
	[sflag:s13] =	ssyncset.done $0x0  }
0x100: {  	p0 =	sne.s32 s21, s9;
	[sflag:s13] =	ssyncadd.s32 $0xFFFFC000  }
.Ltmp1:
0x101: {  	[bflag:$0x0] =	sbarrier.arrive $0xFFFF;
	(pc) =	sbr.rel @p0 .LBB2_1-.Ltmp1, $4  }
0x102: {  	[hbm:s8], [sflag:s17] =	dma.local [spmem:s18], $0x2780  }
0x103: {  	_ =	swait.ge [sflag:s13], $0x2780  }
0x104: {  	[sflag:s13] =	ssyncset.done $0x0  }
0x105: {  	[sflag:s13] =	ssyncadd.s32 $0xFFFFD880  }
0x106: {  	_ =	sfence.sel $0x180000  }
0x107: {  	[bflag:$0x0] =	sbarrier.arrive $0xFFFF  }
0x108: {  	_ =	strace $0x9000004D  }
0x109: {  	s0 =	stileid.u32;
	[bflag:$0x2] =	sbarrier.arrive $0xFFFF  }
0x10a: {  	p0 =	sne.s32 s0, $0x0;
	s0 =	rddreg [dreg:$0x3]  }
0x10b: {  	s0 =	sadd.s32 @!p0 $0x100000, s0  }
0x10c: {  	[sflag:s0] =	ssyncadd.tile.s32 @!p0 $0x1;
	_ =	shalt  }
.Lfunc_end2:
_tile_overlayer_lowered:
.L_overlay_start_2:
0x10d: {  	(tag) =	ssettag $0x2  }
0x10e: {  	s0 =	rddreg [dreg:$0x0];
	s2 =	stileid.u32  }
0x10f: {  	s1 =	rddreg [dreg:$0x1];
	p0 =	sne.s32 s2, $0x0  }
0x110: {  	s3 =	rddreg [dreg:$0x2];
	[bflag:$0x3] =	sbarrier.arrive $0xFFFF;
	s2 =	simm.s32 @!p0 $0x1C03  }
0x111: {  	[timem:s3], [sflag:s2] =	dma.local @!p0 [hbm:s0], s1  }
0x112: {  	s0 =	simm.s32 @!p0 $0x3  }
0x113: {  	_ =	swait.ge @!p0 [sflag:s0], s1  }
0x114: {  	s1 =	ssub.s32 @!p0 $0x0, s1;
	[sflag:s0] =	ssyncset.done @!p0 $0x0  }
0x115: {  	[sflag:s0] =	ssyncadd.s32 @!p0 s1  }
0x116: {  	[bflag:$0x3] =	sbarrier.arrive $0xFFFF  }
0x117: {  	_ =	shalt  }

// kernel: kernel.21.cloned.1.call-start
scs
__scs_entry_jumppad:
0x0: {  	(pc) =	sbr.rel $0x88, $3  }
0x1: {  	(tag) =	ssettag $0x0;
	lr =	simm.s32 $0x1  }
0x2: {  	[smem:$0x3F94] =	sst lr;
	_ =	strace $0xD0000000  }
0x3: {  	_ = 	snop  }
0x4: {  	_ = 	snop  }
0x5: {  	_ = 	snop  }
0x6: {  	_ = 	snop  }
0x7: {  	_ = 	snop  }
__scs_overlays_trampoline_lowered:
0x8: {  	[smem:$0x3FA3] =	sst s0  }
0x9: {  	[smem:$0x3FA4] =	sst s1  }
0xa: {  	[smem:$0x3FA5] =	sst s2  }
0xb: {  	[smem:$0x3FA6] =	sst s3  }
0xc: {  	[smem:$0x3FA7] =	sst s4  }
0xd: {  	[smem:$0x3FA8] =	sst s5  }
0xe: {  	[smem:$0x3FA9] =	sst s6  }
0xf: {  	[smem:$0x3FAA] =	sst s7  }
0x10: {  	[smem:$0x3FAB] =	sst s8  }
0x11: {  	[smem:$0x3FAC] =	sst s9;
	s0 =	simm.s32 @!p0 $0x0  }
0x12: {  	s1 =	sld [smem:$0x3F92];
	s0 =	simm.s32 @p0 $0x1  }
0x13: {  	[smem:$0x3FAD] =	sst s0;
	s0 =	simm.s32 @!p1 $0x0  }
0x14: {  	s2 =	sld [smem:$0x3F91];
	s0 =	simm.s32 @p1 $0x1  }
0x15: {  	[smem:$0x3FAE] =	sst s0;
	s0 =	simm.s32 @!p2 $0x0  }
0x16: {  	s3 =	sld [smem:$0x3FDB];
	s0 =	simm.s32 @p2 $0x1  }
0x17: {  	s4 =	simm.s32 $0x1BF5;
	[smem:$0x3FB0] =	sst s0  }
0x18: {  	s0 =	sld [smem:$0x3F93];
	_ =	swait.ge [sflag:s4], $0x0  }
0x19: {  	s7 =	sld [smem:$0x3F94]  }
0x1a: {  	s8 =	sadd.s32 $0xFFFFE003, lr  }
0x1b: {  	s9 =	sadd.s32 $0xFFFFFEF7, lr;
	s5 =	simm.s32 $0xFFFFFFFF;
	p2 =	slt.u32 s8, $0xFFFFF086  }
0x1c: {  	p1 =	slt.u32 s9, $0xF7A;
	s5 =	simm.s32 @!p2 $0x0  }
0x1d: {  	s5 =	simm.s32 @p1 $0x1;
	p0 =	seq.s32 s7, s2  }
0x1e: {  	s7 =	smul.u32 @!p0 $0xF7A, s2;
	p2 =	seq.s32 @!p0 s5, $0x0  }
0x1f: {  	s9 =	smul.u32 $0xF7A, s1;
	s8 =	simm.s32 @!p0 $0x1BF5;
	p2 =	por !p2, p0  }
0x20: {  	[sflag:s8] =	ssyncset.s32 @!p0 $0xFFFFF086;
	s6 =	sadd.s32 @!p0 s3, s7;
	s7 =	simm.s32 @!p0 $0x108  }
0x21: {  	s3 =	sadd.s32 s3, s9;
	s6 =	sadd.s32 @!p0 $0x88, s6;
	s7 =	simm.s32 @p2 $0x1082  }
0x22: {  	[simem:s7], [sflag:s8] =	dma.local @!p0 [hbm:s6], $0xF7A  }
0x23: {  	s9 =	sor.u32 $0xD0000000, s2;
	s6 =	simm.s32 $0x108;
	_ =	swait.ge @!p0 [sflag:s8], $0x0  }
0x24: {  	s3 =	sadd.s32 $0x88, s3;
	s6 =	simm.s32 @!p1 $0x1082;
	[sflag:s4] =	ssyncset.s32 $0xFFFFF086  }
0x25: {  	[simem:s6], [sflag:s4] =	dma.local [hbm:s3], $0xF7A  }
0x26: {  	[smem:$0x3F94] =	sst s1;
	(tag) =	ssettag s2;
	_ =	strace s9  }
0x27: {  	s1 =	sld [smem:$0x3FA4]  }
0x28: {  	s2 =	sld [smem:$0x3FA5]  }
0x29: {  	s4 =	sld [smem:$0x3FA7]  }
0x2a: {  	p0 =	seq.s32 s5, $0x0;
	s5 =	sld [smem:$0x3FA8]  }
0x2b: {  	s6 =	sld [smem:$0x3FA9]  }
0x2c: {  	s7 =	sld [smem:$0x3FAA]  }
0x2d: {  	s3 =	simm.s32 $0x108;
	s8 =	sld [smem:$0x3FAB]  }
0x2e: {  	s3 =	simm.s32 @!p0 $0x1082;
	s9 =	sld [smem:$0x3FAC]  }
0x2f: {  	lr =	sadd.s32 s0, s3;
	s0 =	sld [smem:$0x3FA3]  }
0x30: {  	s3 =	sld [smem:$0x3FA6]  }
0x31: {  	[smem:$0x3FAF] =	sst s10  }
0x32: {  	s10 =	sld [smem:$0x3FAD];
	_ =	sdelay $0x3  }
0x33: {  	p0 =	seq.s32 s10, $0x1;
	s10 =	sld [smem:$0x3FAF];
	_ =	sdelay $0x3  }
0x34: {  	[smem:$0x3FAF] =	sst s10  }
0x35: {  	s10 =	sld [smem:$0x3FAE];
	_ =	sdelay $0x3  }
0x36: {  	p1 =	seq.s32 s10, $0x1;
	s10 =	sld [smem:$0x3FAF];
	_ =	sdelay $0x3  }
0x37: {  	[smem:$0x3FAF] =	sst s10  }
0x38: {  	s10 =	sld [smem:$0x3FB0]  }
0x39: {  	_ = 	snop;
	(pc) =	sbr.ind lr, $3  }
0x3a: {  	_ = 	snop  }
0x3b: {  	_ = 	snop  }
0x3c: {  	p2 =	seq.s32 s10, $0x1;
	s10 =	sld [smem:$0x3FAF]  }
0x3d: {  	_ =	shalt  }
0x3e: {  	_ =	shalt  }
0x3f: {  	_ =	shalt  }
0x40: {  	_ =	shalt  }
0x41: {  	_ =	shalt  }
0x42: {  	_ =	shalt  }
0x43: {  	_ =	shalt  }
0x44: {  	_ =	shalt  }
0x45: {  	_ =	shalt  }
0x46: {  	_ =	shalt  }
0x47: {  	_ =	shalt  }
0x48: {  	_ =	shalt  }
0x49: {  	_ =	shalt  }
0x4a: {  	_ =	shalt  }
0x4b: {  	_ =	shalt  }
0x4c: {  	_ =	shalt  }
0x4d: {  	_ =	shalt  }
0x4e: {  	_ =	shalt  }
0x4f: {  	_ =	shalt  }
0x50: {  	_ =	shalt  }
0x51: {  	_ =	shalt  }
0x52: {  	_ =	shalt  }
0x53: {  	_ =	shalt  }
0x54: {  	_ =	shalt  }
0x55: {  	_ =	shalt  }
0x56: {  	_ =	shalt  }
0x57: {  	_ =	shalt  }
0x58: {  	_ =	shalt  }
0x59: {  	_ =	shalt  }
0x5a: {  	_ =	shalt  }
0x5b: {  	_ =	shalt  }
0x5c: {  	_ =	shalt  }
0x5d: {  	_ =	shalt  }
0x5e: {  	_ =	shalt  }
0x5f: {  	_ =	shalt  }
0x60: {  	_ =	shalt  }
0x61: {  	_ =	shalt  }
0x62: {  	_ =	shalt  }
0x63: {  	_ =	shalt  }
0x64: {  	_ =	shalt  }
0x65: {  	_ =	shalt  }
0x66: {  	_ =	shalt  }
0x67: {  	_ =	shalt  }
0x68: {  	_ =	shalt  }
0x69: {  	_ =	shalt  }
0x6a: {  	_ =	shalt  }
0x6b: {  	_ =	shalt  }
0x6c: {  	_ =	shalt  }
0x6d: {  	_ =	shalt  }
0x6e: {  	_ =	shalt  }
0x6f: {  	_ =	shalt  }
0x70: {  	_ =	shalt  }
0x71: {  	_ =	shalt  }
0x72: {  	_ =	shalt  }
0x73: {  	_ =	shalt  }
0x74: {  	_ =	shalt  }
0x75: {  	_ =	shalt  }
0x76: {  	_ =	shalt  }
0x77: {  	_ =	shalt  }
0x78: {  	_ =	shalt  }
0x79: {  	_ =	shalt  }
0x7a: {  	_ =	shalt  }
0x7b: {  	_ =	shalt  }
0x7c: {  	_ =	shalt  }
0x7d: {  	_ =	shalt  }
0x7e: {  	_ =	shalt  }
0x7f: {  	_ =	shalt  }
0x80: {  	_ =	shalt  }
0x81: {  	_ =	shalt  }
0x82: {  	_ =	shalt  }
0x83: {  	_ =	shalt  }
0x84: {  	_ =	shalt  }
0x85: {  	_ =	shalt  }
0x86: {  	_ =	shalt  }
0x87: {  	_ =	shalt  }
.Lfunc_end0:
.L_simem_size_0:
called_computation.3_lowered:
.L_overlay_start_0:
0x88: {  	s2 =	sld [smem:$0x3FD9]  }
0x89: {  	s3 =	sld [smem:$0x3FFE];
	_ =	sdelay $0x1  }
0x8a: {  	s1 =	srdreg.scid  }
0x8b: {  	s0 =	sand.u32 $0x1, s1  }
0x8c: {  	s14 =	sshll.u32 s0, $0xA;
	s2 =	sadd.s32 s3, s2  }
0x8d: {  	s2 =	sadd.s32 s2, s14  }
0x8e: {  	[smem:$0x3FBB] =	sst s2  }
0x8f: {  	_ = 	snop  }
0x90: {  	s2 =	sld [smem:$0x3FD0];
	_ =	sdelay $0x2  }
0x91: {  	s15 =	simm.s32 $0xA;
	s4 =	simm.s32 $0x10  }
0x92: {  	[smem:s4], [sflag:s15] =	dma.local [hbm:s2], $0x1  }
0x93: {  	_ =	swait.eq [sflag:s15], $0x1  }
0x94: {  	[sflag:s15] =	ssyncset.done $0x0  }
0x95: {  	[sflag:s15] =	ssyncadd.s32 $0xFFFFFFFF  }
0x96: {  	s16 =	sld [smem:$0x10];
	(tm) =	ssettm $0x1  }
0x97: {  	s17 =	sld [smem:$0x3FFB];
	_ =	sdelay $0x3  }
0x98: {  	_ =	strace s17  }
0x99: {  	s3 =	sld [smem:$0x3FFC];
	_ =	sdelay $0x3  }
0x9a: {  	_ =	strace s3  }
0x9b: {  	s3 =	sld [smem:$0x3FFD];
	_ =	sdelay $0x3  }
0x9c: {  	_ =	strace s3  }
0x9d: {  	_ =	strace $0x8FFFFFFF  }
0x9e: {  	s18 =	sld [smem:$0x3FDB];
	_ =	sdelay $0x1  }
0x9f: {  	s19 =	simm.s32 $_scs_section_size  }
0xa0: {  	s5 =	simm.s32 $_size__tile_overlayer_lowered;
	s6 =	simm.s32 $_tile_overlayer_lowered  }
0xa1: {  	s22 =	simm.s32 $0x1BFF;
	s21 =	sshll.u32 s6, $0x1;
	s3 =	sadd.s32 s19, s18  }
0xa2: {  	s7 =	simm.s32 $0x0;
	s20 =	sshll.u32 s5, $0x1;
	s5 =	sadd.s32 s21, s3  }
0xa3: {  	[timem:s7], [sflag:s22] =	dma.local [hbm:s5], s20  }
0xa4: {  	_ =	swait.ge [sflag:s22], s20  }
0xa5: {  	s4 =	ssub.s32 $0x0, s20;
	[sflag:s22] =	ssyncset.done $0x0  }
0xa6: {  	[sflag:s22] =	ssyncadd.s32 s4;
	_ =	sdelay $0x1  }
0xa7: {  	s23 =	simm.s32 $0x1B8B  }
0xa8: {  	_ =	swait.ge [sflag:s23], $0x1  }
0xa9: {  	[sflag:s23] =	ssyncset.done $0x0  }
0xaa: {  	s25 =	simm.s32 $0x1B8E;
	s24 =	sld [smem:$0x3FFE];
	[sflag:s23] =	ssyncadd.s32 $0xFFFFFFFF  }
0xab: {  	s26 =	simm.s32 $execute0_lowered;
	[smem:$0x3FD2] =	sst s25  }
0xac: {  	s5 =	sshll.u32 s26, $0x1;
	_ =	strace $0x8000004F;
	[dreg:$0x1] =	wrdreg $0xFFFFFFFF  }
0xad: {  	s28 =	simm.s32 $_size_execute0_lowered;
	s3 =	sadd.s32 s3, s5;
	[dreg:$0x0] =	wrdreg $0x0  }
0xae: {  	s5 =	sshll.u32 s28, $0x1;
	[dreg:$0x2] =	wrdreg s3  }
0xaf: {  	[dreg:$0x3] =	wrdreg s5  }
0xb0: {  	[dreg:$0x4] =	wrdreg $0xC0  }
0xb1: {  	_ =	task [dreg:s7], $0x5FFFF  }
0xb2: {  	[dreg:$0x1] =	wrdreg $0xFFFFFFFF  }
0xb3: {  	[dreg:$0x0] =	wrdreg $0x60  }
0xb4: {  	[dreg:$0x2] =	wrdreg s24  }
0xb5: {  	[dreg:$0x3] =	wrdreg s16  }
0xb6: {  	[dreg:$0x4] =	wrdreg $0x0  }
0xb7: {  	[dreg:$0x5] =	wrdreg $0x9  }
0xb8: {  	_ =	task.clear_ibuf [dreg:s7], $0x6FFFF;
	_ =	strace $0x9000004F  }
0xb9: {  	s29 =	simm.s32 $0x9;
	_ =	strace $0x80000051  }
0xba: {  	_ =	swait.ge [sflag:s29], $0x1  }
0xbb: {  	[sflag:s29] =	ssyncadd.s32 $0xFFFFFFFF  }
0xbc: {  	_ =	strace $0x90000051  }
0xbd: {  	_ =	sfence  }
0xbe: {  	s30 =	sld [smem:$0x0];
	_ =	sdelay $0x2  }
0xbf: {  	s31 =	sshll.u32 s1, $0xD;
	s1 =	sshrl.u32 s1, $0x2  }
0xc0: {  	s3 =	sand.u32 $0x4000, s31;
	s1 =	sadd.s32 s1, s30  }
0xc1: {  	s0 =	sor.u32 s3, s0;
	s1 =	sshll.u32 s1, $0x11  }
0xc2: {  	s0 =	sor.u32 s1, s0  }
0xc3: {  	s0 =	sadd.s32 $0x8F2B, s0  }
0xc4: {  	[sflag:s0] =	ssyncadd.remote.s32 $0x1  }
0xc5: {  	_ =	sfence.sel $0xFFFF  }
0xc6: {  	[dreg:$0x0] =	wrdreg $0xFFFFFFFF;
	(pc) =	sbr.abs _section_cstart, $3  }
0xc7: {  	[dreg:$0x1] =	wrdreg $0xFFFFFFFF  }
0xc8: {  	_ =	task.clear_ibuf [dreg:s7], $0x2FFFF;
	_ =	strace $0x9FFFFFFF  }
0xc9: {  	(tm) =	ssettm $0x7FFFFFFF  }
tec
execute0_lowered:
.L_overlay_start_1:
0x0: {  	(tag) =	ssettag $0x1  }
0x1: {  	s0 =	rddreg [dreg:$0x0]  }
0x2: {  	s8 =	rddreg [dreg:$0x1]  }
0x3: {  	s2 =	rddreg [dreg:$0x2];
	s3 =	simm.s32 $0x0;
	s1 =	stileid.u32  }
0x4: {  	s4 =	srdreg.scid;
	s16 =	simm.s32 $0x14C00;
	s7 =	smul.u32 $0x13C00, s1  }
0x5: {  	s19 =	simm.s32 $0x18C00;
	s20 =	simm.s32 $0x1;
	s11 =	smul.u32 $0x2800, s1  }
0x6: {  	[smem:$0x7FF] =	sst s3;
	s5 =	sand.u32 $0x1, s4;
	s22 =	smul.u32 $0x4F000, s1  }
0x7: {  	s4 =	sadd.s32 $0x3A200, s0;
	s10 =	sadd.s32 $0x30200, s0;
	s28 =	smul.u32 $0x500, s1  }
0x8: {  	s12 =	sadd.s32 $0x3A00, s0;
	s31 =	sshll.u32 s1, $0x6;
	s6 =	smul.u32 $0x28000, s5  }
0x9: {  	_ =	strace $0x80000050;
	s21 =	ssub.s32 $0x2, s5;
	s15 =	smul.u32 $0x13C000, s5  }
0xa: {  	s17 =	sor.u32 $0x1C03, s31;
	s9 =	sshrl.u32 s7, $0x3;
	s13 =	sshrl.u32 s21, $0x1  }
0xb: {  	s24 =	sshrl.u32 s22, $0x2;
	s30 =	sadd.s32 s28, s12;
	s0 =	sadd.s32 s9, s0  }
0xc: {  	s14 =	sadd.s32 s11, s6;
	s9 =	ssub.s32 s21, s13;
	s11 =	sshrl.u32 s11, $0x3  }
0xd: {  	s18 =	sadd.s32 s24, s2;
	s7 =	sadd.s32 s7, s15;
	s13 =	simm.s32 $0x3  }
0xe: {  	s15 =	simm.s32 $0x80;
	s21 =	simm.s32 $0x0;
	s23 =	sshrl.u32 s14, $0x3  }
0xf: {  	s6 =	sadd.s32 s12, s11;
	s25 =	sshrl.u32 s7, $0x3;
	s26 =	sor.u32 $0x400, s14  }
0x10: {  	s7 =	sadd.s32 $0x8A00, s0;
	s9 =	smax.u32 s9, $0x1;
	s11 =	sadd.s32 $0x80, s30  }
0x11: {  	s12 =	simm.s32 $0x13C00;
	s18 =	sshrl.u32 s18, $0x3;
	s29 =	sshrl.u32 s26, $0x3  }
0x12: {  	s5 =	sadd.s32 s10, s23;
	s8 =	sadd.s32 s8, s25;
	s10 =	sadd.s32 s29, s10  }
.LBB2_1:
0x13: {  	[tilespmem:s12], [sflag:$0x3] =	stream.linear.gather [hbm4b:s5+s3], $0x400, $0x38;
	[tilespmem:$0x1CC00] =	vst v63  }
0x14: {  	_ =	swait.ge [sflag:s13], $0x400  }
0x15: {  	[sflag:s13] =	ssyncset.done $0x0  }
0x16: {  	s0 =	simm.s32 $0x14400;
	[sflag:s13] =	ssyncadd.s32 $0xFFFFFC00  }
0x17: {  	[tilespmem:s0], [sflag:$0x3] =	stream.linear.gather [hbm4b:s6+s3], $0x400, $0x38;
	[tilespmem:$0x1CC00] =	vst v63  }
0x18: {  	_ =	swait.ge [sflag:s13], $0x400  }
0x19: {  	[sflag:s13] =	ssyncset.done $0x0  }
0x1a: {  	[sflag:s13] =	ssyncadd.s32 $0xFFFFFC00  }
0x1b: {  	[tilespmem:s16], [sflag:$0x1] =	stream.indirect.gather [hbm4b:s4+s15], $0x80, s12, s15, $0xb8;
	[tilespmem:$0x1CC00] =	vst v63  }
0x1c: {  	[spmem:s18], [sflag:s17] =	dma.local [hbm:s7], $0x2780  }
0x1d: {  	_ =	swait.ge [sflag:s13], $0x2780  }
0x1e: {  	p0 =	por $0x0, $0x0;
	s0 =	sand.u32 $0x1, s20;
	[sflag:s13] =	ssyncset.done $0x0  }
0x1f: {  	s22 =	sshll.u32 @!p0 s0, $0xA;
	[sflag:s13] =	ssyncadd.s32 $0xFFFFD880  }
0x20: {  	s23 =	simm.s32 @!p0 $0x0;
	s0 =	sadd.s32 @!p0 $0x13C00, s22;
	[bflag:$0x0] =	sbarrier.arrive $0xFFFF  }
0x21: {  	[tilespmem:s0], [sflag:$0x2] =	stream.linear.gather @!p0 [hbm4b:s10+s23], $0x400, $0x38;
	[tilespmem:$0x1CC00] =	vst v63  }
0x22: {  	s24 =	sadd.s32 @!p0 $0x14400, s22;
	s22 =	sand.u32 $0x400, s3  }
0x23: {  	[tilespmem:s24], [sflag:$0x2] =	stream.linear.gather @!p0 [hbm4b:s11+s23], $0x400, $0x38;
	[tilespmem:$0x1CC00] =	vst v63  }
0x24: {  	s30 =	sadd.s32 $0x13C80, s22  }
0x25: {  	[tilespmem:s19], [sflag:$0x1] =	stream.indirect.gather [hbm4b:s4+s15], $0x80, s30, s15, $0xb8;
	[tilespmem:$0x1CC00] =	vst v63  }
0x26: {  	_ =	swait.ge [sflag:s20], $0x4000  }
0x27: {  	[sflag:s20] =	ssyncset.done $0x0  }
0x28: {  	s1 =	sadd.s32 $0x14400, s22;
	[sflag:s20] =	ssyncadd.s32 $0xFFFFC000  }
0x29: {  	[spmem:s2] =	stream.indirect.scatter.add.f32 [tilespmem:s16], [sflag:$0x3], $0x80, s1, s15, $0xb8;
	[tilespmem:$0x1CC00] =	vst v63  }
0x2a: {  	_ =	swait.ge [sflag:s13], $0x4000  }
0x2b: {  	[sflag:s13] =	ssyncset.done $0x0  }
0x2c: {  	s14 =	sadd.s32 $0x13D00, s22;
	[sflag:s13] =	ssyncadd.s32 $0xFFFFC000  }
0x2d: {  	[tilespmem:s16], [sflag:$0x1] =	stream.indirect.gather [hbm4b:s4+s15], $0x80, s14, s15, $0xb8;
	[tilespmem:$0x1CC00] =	vst v63  }
0x2e: {  	_ =	swait.ge [sflag:s20], $0x4000  }
0x2f: {  	[sflag:s20] =	ssyncset.done $0x0  }
0x30: {  	s24 =	sadd.s32 $0x14480, s22;
	[sflag:s20] =	ssyncadd.s32 $0xFFFFC000  }
0x31: {  	[spmem:s2] =	stream.indirect.scatter.add.f32 [tilespmem:s19], [sflag:$0x3], $0x80, s24, s15, $0xb8;
	[tilespmem:$0x1CC00] =	vst v63  }
0x32: {  	_ =	swait.ge [sflag:s13], $0x4000  }
0x33: {  	[sflag:s13] =	ssyncset.done $0x0  }
0x34: {  	s25 =	sadd.s32 $0x13D80, s22;
	[sflag:s13] =	ssyncadd.s32 $0xFFFFC000  }
0x35: {  	[tilespmem:s19], [sflag:$0x1] =	stream.indirect.gather [hbm4b:s4+s15], $0x80, s25, s15, $0xb8;
	[tilespmem:$0x1CC00] =	vst v63  }
0x36: {  	_ =	swait.ge [sflag:s20], $0x4000  }
0x37: {  	[sflag:s20] =	ssyncset.done $0x0  }
0x38: {  	s26 =	sadd.s32 $0x14500, s22;
	[sflag:s20] =	ssyncadd.s32 $0xFFFFC000  }
0x39: {  	[spmem:s2] =	stream.indirect.scatter.add.f32 [tilespmem:s16], [sflag:$0x3], $0x80, s26, s15, $0xb8;
	[tilespmem:$0x1CC00] =	vst v63  }
0x3a: {  	_ =	swait.ge [sflag:s13], $0x4000  }
0x3b: {  	[sflag:s13] =	ssyncset.done $0x0  }
0x3c: {  	s29 =	sadd.s32 $0x13E00, s22;
	[sflag:s13] =	ssyncadd.s32 $0xFFFFC000  }
0x3d: {  	[tilespmem:s16], [sflag:$0x1] =	stream.indirect.gather [hbm4b:s4+s15], $0x80, s29, s15, $0xb8;
	[tilespmem:$0x1CC00] =	vst v63  }
0x3e: {  	_ =	swait.ge [sflag:s20], $0x4000  }
0x3f: {  	[sflag:s20] =	ssyncset.done $0x0  }
0x40: {  	s30 =	sadd.s32 $0x14580, s22;
	[sflag:s20] =	ssyncadd.s32 $0xFFFFC000  }
0x41: {  	[spmem:s2] =	stream.indirect.scatter.add.f32 [tilespmem:s19], [sflag:$0x3], $0x80, s30, s15, $0xb8;
	[tilespmem:$0x1CC00] =	vst v63  }
0x42: {  	_ =	swait.ge [sflag:s13], $0x4000  }
0x43: {  	[sflag:s13] =	ssyncset.done $0x0  }
0x44: {  	s1 =	sadd.s32 $0x13E80, s22;
	[sflag:s13] =	ssyncadd.s32 $0xFFFFC000  }
0x45: {  	[tilespmem:s19], [sflag:$0x1] =	stream.indirect.gather [hbm4b:s4+s15], $0x80, s1, s15, $0xb8;
	[tilespmem:$0x1CC00] =	vst v63  }
0x46: {  	_ =	swait.ge [sflag:s20], $0x4000  }
0x47: {  	[sflag:s20] =	ssyncset.done $0x0  }
0x48: {  	s14 =	sadd.s32 $0x14600, s22;
	[sflag:s20] =	ssyncadd.s32 $0xFFFFC000  }
0x49: {  	[spmem:s2] =	stream.indirect.scatter.add.f32 [tilespmem:s16], [sflag:$0x3], $0x80, s14, s15, $0xb8;
	[tilespmem:$0x1CC00] =	vst v63  }
0x4a: {  	_ =	swait.ge [sflag:s13], $0x4000  }
0x4b: {  	[sflag:s13] =	ssyncset.done $0x0  }
0x4c: {  	s24 =	sadd.s32 $0x13F00, s22;
	[sflag:s13] =	ssyncadd.s32 $0xFFFFC000  }
0x4d: {  	[tilespmem:s16], [sflag:$0x1] =	stream.indirect.gather [hbm4b:s4+s15], $0x80, s24, s15, $0xb8;
	[tilespmem:$0x1CC00] =	vst v63  }
0x4e: {  	_ =	swait.ge [sflag:s20], $0x4000  }
0x4f: {  	[sflag:s20] =	ssyncset.done $0x0  }
0x50: {  	s25 =	sadd.s32 $0x14680, s22;
	[sflag:s20] =	ssyncadd.s32 $0xFFFFC000  }
0x51: {  	[spmem:s2] =	stream.indirect.scatter.add.f32 [tilespmem:s19], [sflag:$0x3], $0x80, s25, s15, $0xb8;
	[tilespmem:$0x1CC00] =	vst v63  }
0x52: {  	_ =	swait.ge [sflag:s13], $0x4000  }
0x53: {  	[sflag:s13] =	ssyncset.done $0x0  }
0x54: {  	s26 =	sadd.s32 $0x13F80, s22;
	[sflag:s13] =	ssyncadd.s32 $0xFFFFC000  }
0x55: {  	[tilespmem:s19], [sflag:$0x1] =	stream.indirect.gather [hbm4b:s4+s15], $0x80, s26, s15, $0xb8;
	[tilespmem:$0x1CC00] =	vst v63  }
0x56: {  	_ =	swait.ge [sflag:s20], $0x4000  }
0x57: {  	[sflag:s20] =	ssyncset.done $0x0  }
0x58: {  	s29 =	sadd.s32 $0x14700, s22;
	[sflag:s20] =	ssyncadd.s32 $0xFFFFC000  }
0x59: {  	[spmem:s2] =	stream.indirect.scatter.add.f32 [tilespmem:s16], [sflag:$0x3], $0x80, s29, s15, $0xb8;
	[tilespmem:$0x1CC00] =	vst v63  }
0x5a: {  	_ =	swait.ge [sflag:s13], $0x4000  }
0x5b: {  	[sflag:s13] =	ssyncset.done $0x0  }
0x5c: {  	s23 =	simm.s32 @!p0 $0x2;
	[sflag:s13] =	ssyncadd.s32 $0xFFFFC000  }
0x5d: {  	_ =	swait.ge @!p0 [sflag:s23], $0x400  }
0x5e: {  	[sflag:s23] =	ssyncset.done @!p0 $0x0  }
0x5f: {  	[sflag:s23] =	ssyncadd.s32 @!p0 $0xFFFFFC00  }
0x60: {  	_ =	swait.ge @!p0 [sflag:s23], $0x400  }
0x61: {  	[sflag:s23] =	ssyncset.done @!p0 $0x0  }
0x62: {  	s24 =	simm.s32 @!p0 $0x80;
	s25 =	simm.s32 @!p0 $0x14C00;
	[sflag:s23] =	ssyncadd.s32 @!p0 $0xFFFFFC00  }
0x63: {  	[tilespmem:s25], [sflag:$0x1] =	stream.indirect.gather @!p0 [hbm4b:s4+s24], $0x80, s0, s24, $0xb8;
	[tilespmem:$0x1CC00] =	vst v63  }
0x64: {  	s28 =	simm.s32 $0x2;
	s30 =	sor.u32 $0x380, s22;
	_ =	swait.ge [sflag:s20], $0x4000  }
0x65: {  	s26 =	sadd.s32 $0x80, s10;
	s23 =	sadd.s32 $0x80, s11;
	[sflag:s20] =	ssyncset.done $0x0  }
0x66: {  	s24 =	simm.s32 $0x400;
	s0 =	sadd.s32 $0x14400, s30;
	[sflag:s20] =	ssyncadd.s32 $0xFFFFC000  }
0x67: {  	[spmem:s2] =	stream.indirect.scatter.add.f32 [tilespmem:s19], [sflag:$0x3], $0x80, s0, s15, $0xb8;
	[tilespmem:$0x1CC00] =	vst v63  }
0x68: {  	s25 =	simm.s32 $0x800;
	p0 =	por $0x0, $0x0;
	s0 =	sand.u32 $0x1, s28  }
0x69: {  	s22 =	simm.s32 @!p0 $0x80;
	s31 =	sshll.u32 @!p0 s0, $0xA;
	_ =	swait.ge [sflag:s13], $0x4000  }
.LBB2_2:
0x6a: {  	s29 =	sadd.s32 @!p0 $0x13C00, s31  }
0x6b: {  	s30 =	simm.s32 @!p0 $0x14C00;
	[sflag:s13] =	ssyncset.done $0x0;
	s1 =	smov.u32 s25  }
0x6c: {  	s25 =	sadd.s32 $0x400, s25;
	s14 =	simm.s32 @!p0 $0x0;
	[sflag:s13] =	ssyncadd.s32 $0xFFFFC000  }
0x6d: {  	[tilespmem:s29], [sflag:$0x2] =	stream.linear.gather @!p0 [hbm4b:s26+s14], $0x400, $0x38;
	[tilespmem:$0x1CC00] =	vst v63  }
0x6e: {  	s31 =	sadd.s32 @!p0 $0x14400, s31;
	s0 =	sand.u32 $0x400, s24;
	p1 =	sne.s32 s25, $0x2800  }
0x6f: {  	[tilespmem:s31], [sflag:$0x2] =	stream.linear.gather @!p0 [hbm4b:s23+s14], $0x400, $0x38;
	[tilespmem:$0x1CC00] =	vst v63  }
0x70: {  	s24 =	smov.u32 s1;
	s14 =	sadd.s32 $0x13C80, s0;
	s31 =	sor.u32 $0x380, s0  }
0x71: {  	[tilespmem:s19], [sflag:$0x1] =	stream.indirect.gather [hbm4b:s4+s15], $0x80, s14, s15, $0xb8;
	[tilespmem:$0x1CC00] =	vst v63  }
0x72: {  	_ =	swait.ge [sflag:s20], $0x4000  }
0x73: {  	s1 =	sadd.s32 $0x14400, s0;
	[sflag:s20] =	ssyncset.done $0x0  }
0x74: {  	[sflag:s20] =	ssyncadd.s32 $0xFFFFC000  }
0x75: {  	[spmem:s2] =	stream.indirect.scatter.add.f32 [tilespmem:s16], [sflag:$0x3], $0x80, s1, s15, $0xb8;
	[tilespmem:$0x1CC00] =	vst v63  }
0x76: {  	_ =	swait.ge [sflag:s13], $0x4000  }
0x77: {  	s1 =	sadd.s32 $0x13D00, s0;
	[sflag:s13] =	ssyncset.done $0x0  }
0x78: {  	[sflag:s13] =	ssyncadd.s32 $0xFFFFC000  }
0x79: {  	[tilespmem:s16], [sflag:$0x1] =	stream.indirect.gather [hbm4b:s4+s15], $0x80, s1, s15, $0xb8;
	[tilespmem:$0x1CC00] =	vst v63  }
0x7a: {  	_ =	swait.ge [sflag:s20], $0x4000  }
0x7b: {  	s1 =	sadd.s32 $0x14480, s0;
	[sflag:s20] =	ssyncset.done $0x0  }
0x7c: {  	[sflag:s20] =	ssyncadd.s32 $0xFFFFC000  }
0x7d: {  	[spmem:s2] =	stream.indirect.scatter.add.f32 [tilespmem:s19], [sflag:$0x3], $0x80, s1, s15, $0xb8;
	[tilespmem:$0x1CC00] =	vst v63  }
0x7e: {  	_ =	swait.ge [sflag:s13], $0x4000  }
0x7f: {  	s1 =	sadd.s32 $0x13D80, s0;
	[sflag:s13] =	ssyncset.done $0x0  }
0x80: {  	[sflag:s13] =	ssyncadd.s32 $0xFFFFC000  }
0x81: {  	[tilespmem:s19], [sflag:$0x1] =	stream.indirect.gather [hbm4b:s4+s15], $0x80, s1, s15, $0xb8;
	[tilespmem:$0x1CC00] =	vst v63  }
0x82: {  	_ =	swait.ge [sflag:s20], $0x4000  }
0x83: {  	s1 =	sadd.s32 $0x14500, s0;
	[sflag:s20] =	ssyncset.done $0x0  }
0x84: {  	[sflag:s20] =	ssyncadd.s32 $0xFFFFC000  }
0x85: {  	[spmem:s2] =	stream.indirect.scatter.add.f32 [tilespmem:s16], [sflag:$0x3], $0x80, s1, s15, $0xb8;
	[tilespmem:$0x1CC00] =	vst v63  }
0x86: {  	_ =	swait.ge [sflag:s13], $0x4000  }
0x87: {  	s1 =	sadd.s32 $0x13E00, s0;
	[sflag:s13] =	ssyncset.done $0x0  }
0x88: {  	[sflag:s13] =	ssyncadd.s32 $0xFFFFC000  }
0x89: {  	[tilespmem:s16], [sflag:$0x1] =	stream.indirect.gather [hbm4b:s4+s15], $0x80, s1, s15, $0xb8;
	[tilespmem:$0x1CC00] =	vst v63  }
0x8a: {  	_ =	swait.ge [sflag:s20], $0x4000  }
0x8b: {  	s1 =	sadd.s32 $0x14580, s0;
	[sflag:s20] =	ssyncset.done $0x0  }
0x8c: {  	[sflag:s20] =	ssyncadd.s32 $0xFFFFC000  }
0x8d: {  	[spmem:s2] =	stream.indirect.scatter.add.f32 [tilespmem:s19], [sflag:$0x3], $0x80, s1, s15, $0xb8;
	[tilespmem:$0x1CC00] =	vst v63  }
0x8e: {  	_ =	swait.ge [sflag:s13], $0x4000  }
0x8f: {  	s1 =	sadd.s32 $0x13E80, s0;
	[sflag:s13] =	ssyncset.done $0x0  }
0x90: {  	[sflag:s13] =	ssyncadd.s32 $0xFFFFC000  }
0x91: {  	[tilespmem:s19], [sflag:$0x1] =	stream.indirect.gather [hbm4b:s4+s15], $0x80, s1, s15, $0xb8;
	[tilespmem:$0x1CC00] =	vst v63  }
0x92: {  	_ =	swait.ge [sflag:s20], $0x4000  }
0x93: {  	s1 =	sadd.s32 $0x14600, s0;
	[sflag:s20] =	ssyncset.done $0x0  }
0x94: {  	[sflag:s20] =	ssyncadd.s32 $0xFFFFC000  }
0x95: {  	[spmem:s2] =	stream.indirect.scatter.add.f32 [tilespmem:s16], [sflag:$0x3], $0x80, s1, s15, $0xb8;
	[tilespmem:$0x1CC00] =	vst v63  }
0x96: {  	_ =	swait.ge [sflag:s13], $0x4000  }
0x97: {  	s1 =	sadd.s32 $0x13F00, s0;
	[sflag:s13] =	ssyncset.done $0x0  }
0x98: {  	[sflag:s13] =	ssyncadd.s32 $0xFFFFC000  }
0x99: {  	[tilespmem:s16], [sflag:$0x1] =	stream.indirect.gather [hbm4b:s4+s15], $0x80, s1, s15, $0xb8;
	[tilespmem:$0x1CC00] =	vst v63  }
0x9a: {  	_ =	swait.ge [sflag:s20], $0x4000  }
0x9b: {  	s1 =	sadd.s32 $0x14680, s0;
	[sflag:s20] =	ssyncset.done $0x0  }
0x9c: {  	[sflag:s20] =	ssyncadd.s32 $0xFFFFC000  }
0x9d: {  	[spmem:s2] =	stream.indirect.scatter.add.f32 [tilespmem:s19], [sflag:$0x3], $0x80, s1, s15, $0xb8;
	[tilespmem:$0x1CC00] =	vst v63  }
0x9e: {  	_ =	swait.ge [sflag:s13], $0x4000  }
0x9f: {  	s1 =	sadd.s32 $0x13F80, s0;
	[sflag:s13] =	ssyncset.done $0x0  }
0xa0: {  	[sflag:s13] =	ssyncadd.s32 $0xFFFFC000  }
0xa1: {  	[tilespmem:s19], [sflag:$0x1] =	stream.indirect.gather [hbm4b:s4+s15], $0x80, s1, s15, $0xb8;
	[tilespmem:$0x1CC00] =	vst v63  }
0xa2: {  	_ =	swait.ge [sflag:s20], $0x4000  }
0xa3: {  	s0 =	sadd.s32 $0x14700, s0;
	[sflag:s20] =	ssyncset.done $0x0  }
0xa4: {  	[sflag:s20] =	ssyncadd.s32 $0xFFFFC000  }
0xa5: {  	[spmem:s2] =	stream.indirect.scatter.add.f32 [tilespmem:s16], [sflag:$0x3], $0x80, s0, s15, $0xb8;
	[tilespmem:$0x1CC00] =	vst v63  }
0xa6: {  	_ =	swait.ge [sflag:s13], $0x4000  }
0xa7: {  	s0 =	simm.s32 @!p0 $0x2;
	[sflag:s13] =	ssyncset.done $0x0  }
0xa8: {  	[sflag:s13] =	ssyncadd.s32 $0xFFFFC000  }
0xa9: {  	_ =	swait.ge @!p0 [sflag:s0], $0x400  }
0xaa: {  	[sflag:s0] =	ssyncset.done @!p0 $0x0  }
0xab: {  	[sflag:s0] =	ssyncadd.s32 @!p0 $0xFFFFFC00  }
0xac: {  	_ =	swait.ge @!p0 [sflag:s0], $0x400  }
0xad: {  	[sflag:s0] =	ssyncset.done @!p0 $0x0  }
0xae: {  	s23 =	sadd.s32 $0x80, s23;
	[sflag:s0] =	ssyncadd.s32 @!p0 $0xFFFFFC00  }
0xaf: {  	[tilespmem:s30], [sflag:$0x1] =	stream.indirect.gather @!p0 [hbm4b:s4+s22], $0x80, s29, s22, $0xb8;
	[tilespmem:$0x1CC00] =	vst v63  }
.Ltmp0:
0xb0: {  	s26 =	sadd.s32 $0x80, s26;
	_ =	swait.ge [sflag:s20], $0x4000;
	(pc) =	sbr.rel @p1 .LBB2_2-.Ltmp0, $4  }
0xb1: {  	s28 =	sadd.s32 $0x1, s28;
	s0 =	sadd.s32 $0x14400, s31;
	[sflag:s20] =	ssyncset.done $0x0  }
0xb2: {  	s1 =	sand.u32 $0x1, s28;
	p0 =	seq.s32 s24, $0x2400;
	[sflag:s20] =	ssyncadd.s32 $0xFFFFC000  }
0xb3: {  	[spmem:s2] =	stream.indirect.scatter.add.f32 [tilespmem:s19], [sflag:$0x3], $0x80, s0, s15, $0xb8;
	[tilespmem:$0x1CC00] =	vst v63  }
0xb4: {  	s31 =	sshll.u32 @!p0 s1, $0xA;
	s22 =	simm.s32 @!p0 $0x80;
	_ =	swait.ge [sflag:s13], $0x4000  }
0xb5: {  	[sflag:s13] =	ssyncset.done $0x0  }
0xb6: {  	s0 =	sadd.s32 @!p0 $0x13C00, s31;
	s1 =	simm.s32 @!p0 $0x0;
	[sflag:s13] =	ssyncadd.s32 $0xFFFFC000  }
0xb7: {  	[tilespmem:s0], [sflag:$0x2] =	stream.linear.gather @!p0 [hbm4b:s26+s1], $0x400, $0x38;
	[tilespmem:$0x1CC00] =	vst v63  }
0xb8: {  	s14 =	sadd.s32 @!p0 $0x14400, s31;
	s24 =	sand.u32 $0x400, s24  }
0xb9: {  	[tilespmem:s14], [sflag:$0x2] =	stream.linear.gather @!p0 [hbm4b:s23+s1], $0x400, $0x38;
	[tilespmem:$0x1CC00] =	vst v63  }
0xba: {  	s23 =	sadd.s32 $0x13C80, s24  }
0xbb: {  	[tilespmem:s19], [sflag:$0x1] =	stream.indirect.gather [hbm4b:s4+s15], $0x80, s23, s15, $0xb8;
	[tilespmem:$0x1CC00] =	vst v63  }
0xbc: {  	_ =	swait.ge [sflag:s20], $0x4000  }
0xbd: {  	[sflag:s20] =	ssyncset.done $0x0  }
0xbe: {  	s25 =	sadd.s32 $0x14400, s24;
	[sflag:s20] =	ssyncadd.s32 $0xFFFFC000  }
0xbf: {  	[spmem:s2] =	stream.indirect.scatter.add.f32 [tilespmem:s16], [sflag:$0x3], $0x80, s25, s15, $0xb8;
	[tilespmem:$0x1CC00] =	vst v63  }
0xc0: {  	_ =	swait.ge [sflag:s13], $0x4000  }
0xc1: {  	[sflag:s13] =	ssyncset.done $0x0  }
0xc2: {  	s26 =	sadd.s32 $0x13D00, s24;
	[sflag:s13] =	ssyncadd.s32 $0xFFFFC000  }
0xc3: {  	[tilespmem:s16], [sflag:$0x1] =	stream.indirect.gather [hbm4b:s4+s15], $0x80, s26, s15, $0xb8;
	[tilespmem:$0x1CC00] =	vst v63  }
0xc4: {  	_ =	swait.ge [sflag:s20], $0x4000  }
0xc5: {  	[sflag:s20] =	ssyncset.done $0x0  }
0xc6: {  	s28 =	sadd.s32 $0x14480, s24;
	[sflag:s20] =	ssyncadd.s32 $0xFFFFC000  }
0xc7: {  	[spmem:s2] =	stream.indirect.scatter.add.f32 [tilespmem:s19], [sflag:$0x3], $0x80, s28, s15, $0xb8;
	[tilespmem:$0x1CC00] =	vst v63  }
0xc8: {  	_ =	swait.ge [sflag:s13], $0x4000  }
0xc9: {  	[sflag:s13] =	ssyncset.done $0x0  }
0xca: {  	s29 =	sadd.s32 $0x13D80, s24;
	[sflag:s13] =	ssyncadd.s32 $0xFFFFC000  }
0xcb: {  	[tilespmem:s19], [sflag:$0x1] =	stream.indirect.gather [hbm4b:s4+s15], $0x80, s29, s15, $0xb8;
	[tilespmem:$0x1CC00] =	vst v63  }
0xcc: {  	_ =	swait.ge [sflag:s20], $0x4000  }
0xcd: {  	[sflag:s20] =	ssyncset.done $0x0  }
0xce: {  	s30 =	sadd.s32 $0x14500, s24;
	[sflag:s20] =	ssyncadd.s32 $0xFFFFC000  }
0xcf: {  	[spmem:s2] =	stream.indirect.scatter.add.f32 [tilespmem:s16], [sflag:$0x3], $0x80, s30, s15, $0xb8;
	[tilespmem:$0x1CC00] =	vst v63  }
0xd0: {  	_ =	swait.ge [sflag:s13], $0x4000  }
0xd1: {  	[sflag:s13] =	ssyncset.done $0x0  }
0xd2: {  	s31 =	sadd.s32 $0x13E00, s24;
	[sflag:s13] =	ssyncadd.s32 $0xFFFFC000  }
0xd3: {  	[tilespmem:s16], [sflag:$0x1] =	stream.indirect.gather [hbm4b:s4+s15], $0x80, s31, s15, $0xb8;
	[tilespmem:$0x1CC00] =	vst v63  }
0xd4: {  	_ =	swait.ge [sflag:s20], $0x4000  }
0xd5: {  	[sflag:s20] =	ssyncset.done $0x0  }
0xd6: {  	s14 =	sadd.s32 $0x14580, s24;
	[sflag:s20] =	ssyncadd.s32 $0xFFFFC000  }
0xd7: {  	[spmem:s2] =	stream.indirect.scatter.add.f32 [tilespmem:s19], [sflag:$0x3], $0x80, s14, s15, $0xb8;
	[tilespmem:$0x1CC00] =	vst v63  }
0xd8: {  	_ =	swait.ge [sflag:s13], $0x4000  }
0xd9: {  	[sflag:s13] =	ssyncset.done $0x0  }
0xda: {  	s23 =	sadd.s32 $0x13E80, s24;
	[sflag:s13] =	ssyncadd.s32 $0xFFFFC000  }
0xdb: {  	[tilespmem:s19], [sflag:$0x1] =	stream.indirect.gather [hbm4b:s4+s15], $0x80, s23, s15, $0xb8;
	[tilespmem:$0x1CC00] =	vst v63  }
0xdc: {  	_ =	swait.ge [sflag:s20], $0x4000  }
0xdd: {  	[sflag:s20] =	ssyncset.done $0x0  }
0xde: {  	s25 =	sadd.s32 $0x14600, s24;
	[sflag:s20] =	ssyncadd.s32 $0xFFFFC000  }
0xdf: {  	[spmem:s2] =	stream.indirect.scatter.add.f32 [tilespmem:s16], [sflag:$0x3], $0x80, s25, s15, $0xb8;
	[tilespmem:$0x1CC00] =	vst v63  }
0xe0: {  	_ =	swait.ge [sflag:s13], $0x4000  }
0xe1: {  	[sflag:s13] =	ssyncset.done $0x0  }
0xe2: {  	s26 =	sadd.s32 $0x13F00, s24;
	[sflag:s13] =	ssyncadd.s32 $0xFFFFC000  }
0xe3: {  	[tilespmem:s16], [sflag:$0x1] =	stream.indirect.gather [hbm4b:s4+s15], $0x80, s26, s15, $0xb8;
	[tilespmem:$0x1CC00] =	vst v63  }
0xe4: {  	_ =	swait.ge [sflag:s20], $0x4000  }
0xe5: {  	[sflag:s20] =	ssyncset.done $0x0  }
0xe6: {  	s28 =	sadd.s32 $0x14680, s24;
	[sflag:s20] =	ssyncadd.s32 $0xFFFFC000  }
0xe7: {  	[spmem:s2] =	stream.indirect.scatter.add.f32 [tilespmem:s19], [sflag:$0x3], $0x80, s28, s15, $0xb8;
	[tilespmem:$0x1CC00] =	vst v63  }
0xe8: {  	_ =	swait.ge [sflag:s13], $0x4000  }
0xe9: {  	[sflag:s13] =	ssyncset.done $0x0  }
0xea: {  	s29 =	sadd.s32 $0x13F80, s24;
	[sflag:s13] =	ssyncadd.s32 $0xFFFFC000  }
0xeb: {  	[tilespmem:s19], [sflag:$0x1] =	stream.indirect.gather [hbm4b:s4+s15], $0x80, s29, s15, $0xb8;
	[tilespmem:$0x1CC00] =	vst v63  }
0xec: {  	_ =	swait.ge [sflag:s20], $0x4000  }
0xed: {  	[sflag:s20] =	ssyncset.done $0x0  }
0xee: {  	s30 =	sadd.s32 $0x14700, s24;
	[sflag:s20] =	ssyncadd.s32 $0xFFFFC000  }
0xef: {  	[spmem:s2] =	stream.indirect.scatter.add.f32 [tilespmem:s16], [sflag:$0x3], $0x80, s30, s15, $0xb8;
	[tilespmem:$0x1CC00] =	vst v63  }
0xf0: {  	_ =	swait.ge [sflag:s13], $0x4000  }
0xf1: {  	[sflag:s13] =	ssyncset.done $0x0  }
0xf2: {  	s1 =	simm.s32 @!p0 $0x2;
	[sflag:s13] =	ssyncadd.s32 $0xFFFFC000  }
0xf3: {  	_ =	swait.ge @!p0 [sflag:s1], $0x400  }
0xf4: {  	[sflag:s1] =	ssyncset.done @!p0 $0x0  }
0xf5: {  	[sflag:s1] =	ssyncadd.s32 @!p0 $0xFFFFFC00  }
0xf6: {  	_ =	swait.ge @!p0 [sflag:s1], $0x400  }
0xf7: {  	[sflag:s1] =	ssyncset.done @!p0 $0x0  }
0xf8: {  	s14 =	simm.s32 @!p0 $0x14C00;
	[sflag:s1] =	ssyncadd.s32 @!p0 $0xFFFFFC00  }
0xf9: {  	[tilespmem:s14], [sflag:$0x1] =	stream.indirect.gather @!p0 [hbm4b:s4+s22], $0x80, s0, s22, $0xb8;
	[tilespmem:$0x1CC00] =	vst v63  }
0xfa: {  	_ =	swait.ge [sflag:s20], $0x4000  }
0xfb: {  	s31 =	sor.u32 $0x380, s24;
	[sflag:s20] =	ssyncset.done $0x0  }
0xfc: {  	s0 =	sadd.s32 $0x14400, s31;
	[sflag:s20] =	ssyncadd.s32 $0xFFFFC000  }
0xfd: {  	[spmem:s2] =	stream.indirect.scatter.add.f32 [tilespmem:s19], [sflag:$0x3], $0x80, s0, s15, $0xb8;
	[tilespmem:$0x1CC00] =	vst v63  }
0xfe: {  	_ =	swait.ge [sflag:s13], $0x4000  }
0xff: {  	s21 =	sadd.s32 $0x1, s21;
	[sflag:s13] =	ssyncset.done $0x0  }
0x100: {  	p0 =	sne.s32 s21, s9;
	[sflag:s13] =	ssyncadd.s32 $0xFFFFC000  }
.Ltmp1:
0x101: {  	[bflag:$0x0] =	sbarrier.arrive $0xFFFF;
	(pc) =	sbr.rel @p0 .LBB2_1-.Ltmp1, $4  }
0x102: {  	[hbm:s8], [sflag:s17] =	dma.local [spmem:s18], $0x2780  }
0x103: {  	_ =	swait.ge [sflag:s13], $0x2780  }
0x104: {  	[sflag:s13] =	ssyncset.done $0x0  }
0x105: {  	[sflag:s13] =	ssyncadd.s32 $0xFFFFD880  }
0x106: {  	_ =	sfence.sel $0x180000  }
0x107: {  	[bflag:$0x0] =	sbarrier.arrive $0xFFFF  }
0x108: {  	_ =	strace $0x90000050  }
0x109: {  	s0 =	stileid.u32;
	[bflag:$0x2] =	sbarrier.arrive $0xFFFF  }
0x10a: {  	p0 =	sne.s32 s0, $0x0;
	s0 =	rddreg [dreg:$0x3]  }
0x10b: {  	s0 =	sadd.s32 @!p0 $0x100000, s0  }
0x10c: {  	[sflag:s0] =	ssyncadd.tile.s32 @!p0 $0x1;
	_ =	shalt  }
.Lfunc_end2:
_tile_overlayer_lowered:
.L_overlay_start_2:
0x10d: {  	(tag) =	ssettag $0x2  }
0x10e: {  	s0 =	rddreg [dreg:$0x0];
	s2 =	stileid.u32  }
0x10f: {  	s1 =	rddreg [dreg:$0x1];
	p0 =	sne.s32 s2, $0x0  }
0x110: {  	s3 =	rddreg [dreg:$0x2];
	[bflag:$0x3] =	sbarrier.arrive $0xFFFF;
	s2 =	simm.s32 @!p0 $0x1C03  }
0x111: {  	[timem:s3], [sflag:s2] =	dma.local @!p0 [hbm:s0], s1  }
0x112: {  	s0 =	simm.s32 @!p0 $0x3  }
0x113: {  	_ =	swait.ge @!p0 [sflag:s0], s1  }
0x114: {  	s1 =	ssub.s32 @!p0 $0x0, s1;
	[sflag:s0] =	ssyncset.done @!p0 $0x0  }
0x115: {  	[sflag:s0] =	ssyncadd.s32 @!p0 s1  }
0x116: {  	[bflag:$0x3] =	sbarrier.arrive $0xFFFF  }
0x117: {  	_ =	shalt  }

// kernel: kernel.24.cloned.1.call-start
scs
__scs_entry_jumppad:
0x0: {  	(pc) =	sbr.rel $0x88, $3  }
0x1: {  	(tag) =	ssettag $0x0;
	lr =	simm.s32 $0x1  }
0x2: {  	[smem:$0x3F94] =	sst lr;
	_ =	strace $0xD0000000  }
0x3: {  	_ = 	snop  }
0x4: {  	_ = 	snop  }
0x5: {  	_ = 	snop  }
0x6: {  	_ = 	snop  }
0x7: {  	_ = 	snop  }
__scs_overlays_trampoline_lowered:
0x8: {  	[smem:$0x3FA3] =	sst s0  }
0x9: {  	[smem:$0x3FA4] =	sst s1  }
0xa: {  	[smem:$0x3FA5] =	sst s2  }
0xb: {  	[smem:$0x3FA6] =	sst s3  }
0xc: {  	[smem:$0x3FA7] =	sst s4  }
0xd: {  	[smem:$0x3FA8] =	sst s5  }
0xe: {  	[smem:$0x3FA9] =	sst s6  }
0xf: {  	[smem:$0x3FAA] =	sst s7  }
0x10: {  	[smem:$0x3FAB] =	sst s8  }
0x11: {  	[smem:$0x3FAC] =	sst s9;
	s0 =	simm.s32 @!p0 $0x0  }
0x12: {  	s1 =	sld [smem:$0x3F92];
	s0 =	simm.s32 @p0 $0x1  }
0x13: {  	[smem:$0x3FAD] =	sst s0;
	s0 =	simm.s32 @!p1 $0x0  }
0x14: {  	s2 =	sld [smem:$0x3F91];
	s0 =	simm.s32 @p1 $0x1  }
0x15: {  	[smem:$0x3FAE] =	sst s0;
	s0 =	simm.s32 @!p2 $0x0  }
0x16: {  	s3 =	sld [smem:$0x3FDB];
	s0 =	simm.s32 @p2 $0x1  }
0x17: {  	s4 =	simm.s32 $0x1BF5;
	[smem:$0x3FB0] =	sst s0  }
0x18: {  	s0 =	sld [smem:$0x3F93];
	_ =	swait.ge [sflag:s4], $0x0  }
0x19: {  	s7 =	sld [smem:$0x3F94]  }
0x1a: {  	s8 =	sadd.s32 $0xFFFFE003, lr  }
0x1b: {  	s9 =	sadd.s32 $0xFFFFFEF7, lr;
	s5 =	simm.s32 $0xFFFFFFFF;
	p2 =	slt.u32 s8, $0xFFFFF086  }
0x1c: {  	p1 =	slt.u32 s9, $0xF7A;
	s5 =	simm.s32 @!p2 $0x0  }
0x1d: {  	s5 =	simm.s32 @p1 $0x1;
	p0 =	seq.s32 s7, s2  }
0x1e: {  	s7 =	smul.u32 @!p0 $0xF7A, s2;
	p2 =	seq.s32 @!p0 s5, $0x0  }
0x1f: {  	s9 =	smul.u32 $0xF7A, s1;
	s8 =	simm.s32 @!p0 $0x1BF5;
	p2 =	por !p2, p0  }
0x20: {  	[sflag:s8] =	ssyncset.s32 @!p0 $0xFFFFF086;
	s6 =	sadd.s32 @!p0 s3, s7;
	s7 =	simm.s32 @!p0 $0x108  }
0x21: {  	s3 =	sadd.s32 s3, s9;
	s6 =	sadd.s32 @!p0 $0x88, s6;
	s7 =	simm.s32 @p2 $0x1082  }
0x22: {  	[simem:s7], [sflag:s8] =	dma.local @!p0 [hbm:s6], $0xF7A  }
0x23: {  	s9 =	sor.u32 $0xD0000000, s2;
	s6 =	simm.s32 $0x108;
	_ =	swait.ge @!p0 [sflag:s8], $0x0  }
0x24: {  	s3 =	sadd.s32 $0x88, s3;
	s6 =	simm.s32 @!p1 $0x1082;
	[sflag:s4] =	ssyncset.s32 $0xFFFFF086  }
0x25: {  	[simem:s6], [sflag:s4] =	dma.local [hbm:s3], $0xF7A  }
0x26: {  	[smem:$0x3F94] =	sst s1;
	(tag) =	ssettag s2;
	_ =	strace s9  }
0x27: {  	s1 =	sld [smem:$0x3FA4]  }
0x28: {  	s2 =	sld [smem:$0x3FA5]  }
0x29: {  	s4 =	sld [smem:$0x3FA7]  }
0x2a: {  	p0 =	seq.s32 s5, $0x0;
	s5 =	sld [smem:$0x3FA8]  }
0x2b: {  	s6 =	sld [smem:$0x3FA9]  }
0x2c: {  	s7 =	sld [smem:$0x3FAA]  }
0x2d: {  	s3 =	simm.s32 $0x108;
	s8 =	sld [smem:$0x3FAB]  }
0x2e: {  	s3 =	simm.s32 @!p0 $0x1082;
	s9 =	sld [smem:$0x3FAC]  }
0x2f: {  	lr =	sadd.s32 s0, s3;
	s0 =	sld [smem:$0x3FA3]  }
0x30: {  	s3 =	sld [smem:$0x3FA6]  }
0x31: {  	[smem:$0x3FAF] =	sst s10  }
0x32: {  	s10 =	sld [smem:$0x3FAD];
	_ =	sdelay $0x3  }
0x33: {  	p0 =	seq.s32 s10, $0x1;
	s10 =	sld [smem:$0x3FAF];
	_ =	sdelay $0x3  }
0x34: {  	[smem:$0x3FAF] =	sst s10  }
0x35: {  	s10 =	sld [smem:$0x3FAE];
	_ =	sdelay $0x3  }
0x36: {  	p1 =	seq.s32 s10, $0x1;
	s10 =	sld [smem:$0x3FAF];
	_ =	sdelay $0x3  }
0x37: {  	[smem:$0x3FAF] =	sst s10  }
0x38: {  	s10 =	sld [smem:$0x3FB0]  }
0x39: {  	_ = 	snop;
	(pc) =	sbr.ind lr, $3  }
0x3a: {  	_ = 	snop  }
0x3b: {  	_ = 	snop  }
0x3c: {  	p2 =	seq.s32 s10, $0x1;
	s10 =	sld [smem:$0x3FAF]  }
0x3d: {  	_ =	shalt  }
0x3e: {  	_ =	shalt  }
0x3f: {  	_ =	shalt  }
0x40: {  	_ =	shalt  }
0x41: {  	_ =	shalt  }
0x42: {  	_ =	shalt  }
0x43: {  	_ =	shalt  }
0x44: {  	_ =	shalt  }
0x45: {  	_ =	shalt  }
0x46: {  	_ =	shalt  }
0x47: {  	_ =	shalt  }
0x48: {  	_ =	shalt  }
0x49: {  	_ =	shalt  }
0x4a: {  	_ =	shalt  }
0x4b: {  	_ =	shalt  }
0x4c: {  	_ =	shalt  }
0x4d: {  	_ =	shalt  }
0x4e: {  	_ =	shalt  }
0x4f: {  	_ =	shalt  }
0x50: {  	_ =	shalt  }
0x51: {  	_ =	shalt  }
0x52: {  	_ =	shalt  }
0x53: {  	_ =	shalt  }
0x54: {  	_ =	shalt  }
0x55: {  	_ =	shalt  }
0x56: {  	_ =	shalt  }
0x57: {  	_ =	shalt  }
0x58: {  	_ =	shalt  }
0x59: {  	_ =	shalt  }
0x5a: {  	_ =	shalt  }
0x5b: {  	_ =	shalt  }
0x5c: {  	_ =	shalt  }
0x5d: {  	_ =	shalt  }
0x5e: {  	_ =	shalt  }
0x5f: {  	_ =	shalt  }
0x60: {  	_ =	shalt  }
0x61: {  	_ =	shalt  }
0x62: {  	_ =	shalt  }
0x63: {  	_ =	shalt  }
0x64: {  	_ =	shalt  }
0x65: {  	_ =	shalt  }
0x66: {  	_ =	shalt  }
0x67: {  	_ =	shalt  }
0x68: {  	_ =	shalt  }
0x69: {  	_ =	shalt  }
0x6a: {  	_ =	shalt  }
0x6b: {  	_ =	shalt  }
0x6c: {  	_ =	shalt  }
0x6d: {  	_ =	shalt  }
0x6e: {  	_ =	shalt  }
0x6f: {  	_ =	shalt  }
0x70: {  	_ =	shalt  }
0x71: {  	_ =	shalt  }
0x72: {  	_ =	shalt  }
0x73: {  	_ =	shalt  }
0x74: {  	_ =	shalt  }
0x75: {  	_ =	shalt  }
0x76: {  	_ =	shalt  }
0x77: {  	_ =	shalt  }
0x78: {  	_ =	shalt  }
0x79: {  	_ =	shalt  }
0x7a: {  	_ =	shalt  }
0x7b: {  	_ =	shalt  }
0x7c: {  	_ =	shalt  }
0x7d: {  	_ =	shalt  }
0x7e: {  	_ =	shalt  }
0x7f: {  	_ =	shalt  }
0x80: {  	_ =	shalt  }
0x81: {  	_ =	shalt  }
0x82: {  	_ =	shalt  }
0x83: {  	_ =	shalt  }
0x84: {  	_ =	shalt  }
0x85: {  	_ =	shalt  }
0x86: {  	_ =	shalt  }
0x87: {  	_ =	shalt  }
.Lfunc_end0:
.L_simem_size_0:
called_computation.4_lowered:
.L_overlay_start_0:
0x88: {  	s2 =	sld [smem:$0x3FD9]  }
0x89: {  	s3 =	sld [smem:$0x3FFE];
	_ =	sdelay $0x1  }
0x8a: {  	s1 =	srdreg.scid  }
0x8b: {  	s0 =	sand.u32 $0x1, s1  }
0x8c: {  	s16 =	sshll.u32 s0, $0xA;
	s2 =	sadd.s32 s3, s2  }
0x8d: {  	s2 =	sadd.s32 s2, s16  }
0x8e: {  	[smem:$0x3FBB] =	sst s2  }
0x8f: {  	_ = 	snop  }
0x90: {  	(tm) =	ssettm $0x1  }
0x91: {  	s17 =	sld [smem:$0x3FFB];
	_ =	sdelay $0x3  }
0x92: {  	_ =	strace s17  }
0x93: {  	s2 =	sld [smem:$0x3FFC];
	_ =	sdelay $0x3  }
0x94: {  	_ =	strace s2  }
0x95: {  	s2 =	sld [smem:$0x3FFD];
	_ =	sdelay $0x3  }
0x96: {  	_ =	strace s2  }
0x97: {  	_ =	strace $0x8FFFFFFF  }
0x98: {  	s18 =	sld [smem:$0x3FDB];
	_ =	sdelay $0x1  }
0x99: {  	s19 =	simm.s32 $_scs_section_size  }
0x9a: {  	s4 =	simm.s32 $_size__tile_overlayer_lowered;
	s5 =	simm.s32 $_tile_overlayer_lowered  }
0x9b: {  	s22 =	simm.s32 $0x1BFF;
	s21 =	sshll.u32 s5, $0x1;
	s2 =	sadd.s32 s19, s18  }
0x9c: {  	s6 =	simm.s32 $0x0;
	s20 =	sshll.u32 s4, $0x1;
	s4 =	sadd.s32 s21, s2  }
0x9d: {  	[timem:s6], [sflag:s22] =	dma.local [hbm:s4], s20  }
0x9e: {  	_ =	swait.ge [sflag:s22], s20  }
0x9f: {  	s3 =	ssub.s32 $0x0, s20;
	[sflag:s22] =	ssyncset.done $0x0  }
0xa0: {  	[sflag:s22] =	ssyncadd.s32 s3;
	_ =	sdelay $0x1  }
0xa1: {  	s23 =	simm.s32 $0x1B8B  }
0xa2: {  	_ =	swait.ge [sflag:s23], $0x1  }
0xa3: {  	[sflag:s23] =	ssyncset.done $0x0  }
0xa4: {  	s25 =	simm.s32 $0x1B8E;
	s24 =	sld [smem:$0x3FFE];
	[sflag:s23] =	ssyncadd.s32 $0xFFFFFFFF  }
0xa5: {  	s26 =	simm.s32 $execute0_lowered;
	[smem:$0x3FD2] =	sst s25  }
0xa6: {  	s4 =	sshll.u32 s26, $0x1;
	_ =	strace $0x80000052;
	[dreg:$0x1] =	wrdreg $0xFFFFFFFF  }
0xa7: {  	s28 =	simm.s32 $_size_execute0_lowered;
	s2 =	sadd.s32 s2, s4;
	[dreg:$0x0] =	wrdreg $0x0  }
0xa8: {  	s4 =	sshll.u32 s28, $0x1;
	[dreg:$0x2] =	wrdreg s2  }
0xa9: {  	[dreg:$0x3] =	wrdreg s4  }
0xaa: {  	[dreg:$0x4] =	wrdreg $0xC0  }
0xab: {  	_ =	task [dreg:s6], $0x5FFFF  }
0xac: {  	[dreg:$0x1] =	wrdreg $0xFFFFFFFF  }
0xad: {  	[dreg:$0x0] =	wrdreg $0x60  }
0xae: {  	[dreg:$0x2] =	wrdreg s24  }
0xaf: {  	[dreg:$0x3] =	wrdreg $0x0  }
0xb0: {  	[dreg:$0x4] =	wrdreg $0x9  }
0xb1: {  	_ =	task.clear_ibuf [dreg:s6], $0x5FFFF;
	_ =	strace $0x90000052  }
0xb2: {  	s29 =	simm.s32 $0x9;
	_ =	strace $0x80000054  }
0xb3: {  	_ =	swait.ge [sflag:s29], $0x1  }
0xb4: {  	[sflag:s29] =	ssyncadd.s32 $0xFFFFFFFF  }
0xb5: {  	_ =	strace $0x90000054  }
0xb6: {  	_ =	sfence  }
0xb7: {  	s30 =	sld [smem:$0x0];
	_ =	sdelay $0x2  }
0xb8: {  	s31 =	sshll.u32 s1, $0xD;
	s1 =	sshrl.u32 s1, $0x2  }
0xb9: {  	s3 =	sand.u32 $0x4000, s31;
	s1 =	sadd.s32 s1, s30  }
0xba: {  	s0 =	sor.u32 s3, s0;
	s1 =	sshll.u32 s1, $0x11  }
0xbb: {  	s0 =	sor.u32 s1, s0  }
0xbc: {  	s0 =	sadd.s32 $0x8F2B, s0  }
0xbd: {  	[sflag:s0] =	ssyncadd.remote.s32 $0x1  }
0xbe: {  	_ =	sfence.sel $0xFFFF  }
0xbf: {  	[dreg:$0x0] =	wrdreg $0xFFFFFFFF;
	(pc) =	sbr.abs _section_cstart, $3  }
0xc0: {  	[dreg:$0x1] =	wrdreg $0xFFFFFFFF  }
0xc1: {  	_ =	task.clear_ibuf [dreg:s6], $0x2FFFF;
	_ =	strace $0x9FFFFFFF  }
0xc2: {  	(tm) =	ssettm $0x7FFFFFFF  }
0xc3: {  	_ =	shalt  }
tec
execute0_lowered:
.L_overlay_start_1:
0x0: {  	(tag) =	ssettag $0x1  }
0x1: {  	s0 =	rddreg [dreg:$0x0]  }
0x2: {  	s2 =	rddreg [dreg:$0x1]  }
0x3: {  	s1 =	stileid.u32;
	s4 =	srdreg.scid;
	s3 =	simm.s32 $0x0  }
0x4: {  	s15 =	simm.s32 $0x80;
	s16 =	simm.s32 $0x14C00;
	s19 =	simm.s32 $0x18C00  }
0x5: {  	s20 =	simm.s32 $0x1;
	s21 =	simm.s32 $0x0;
	s5 =	smul.u32 $0x13C00, s1  }
0x6: {  	s6 =	sand.u32 $0x1, s4;
	[smem:$0x7FF] =	sst s3;
	s9 =	smul.u32 $0x2800, s1  }
0x7: {  	s4 =	sadd.s32 $0x3A200, s0;
	s10 =	sadd.s32 $0x30200, s0;
	s24 =	smul.u32 $0x4F000, s1  }
0x8: {  	s11 =	sadd.s32 $0x3A00, s0;
	s14 =	smul.u32 $0x500, s1;
	s31 =	sshll.u32 s1, $0x6  }
0x9: {  	s7 =	smul.u32 $0x13C000, s6;
	_ =	strace $0x80000053;
	s22 =	ssub.s32 $0x2, s6  }
0xa: {  	s8 =	smul.u32 $0x28000, s6;
	s17 =	sor.u32 $0x1C03, s31;
	s6 =	sshrl.u32 s22, $0x1  }
0xb: {  	s26 =	sshrl.u32 s9, $0x3;
	s30 =	sadd.s32 s14, s11;
	s7 =	sadd.s32 s5, s7  }
0xc: {  	s5 =	sshrl.u32 s5, $0x3;
	s23 =	sadd.s32 s9, s8;
	s13 =	ssub.s32 s22, s6  }
0xd: {  	s6 =	sadd.s32 s11, s26;
	s8 =	sshrl.u32 s24, $0x2;
	s11 =	sadd.s32 $0x80, s30  }
0xe: {  	s7 =	sshrl.u32 s7, $0x3;
	s12 =	sadd.s32 s5, s0;
	s25 =	sshrl.u32 s23, $0x3  }
0xf: {  	s18 =	sadd.s32 s8, s2;
	s28 =	sor.u32 $0x400, s23;
	s9 =	smax.u32 s13, $0x1  }
0x10: {  	s13 =	simm.s32 $0x3;
	s0 =	sadd.s32 s7, s0;
	s5 =	sadd.s32 s10, s25  }
0x11: {  	s7 =	sadd.s32 $0x8A00, s12;
	s29 =	sshrl.u32 s28, $0x3;
	s12 =	simm.s32 $0x13C00  }
0x12: {  	s18 =	sshrl.u32 s18, $0x3;
	s8 =	sadd.s32 $0xD6600, s0;
	s10 =	sadd.s32 s29, s10  }
.LBB2_1:
0x13: {  	[tilespmem:s12], [sflag:$0x3] =	stream.linear.gather [hbm4b:s5+s3], $0x400, $0x38;
	[tilespmem:$0x1CC00] =	vst v63  }
0x14: {  	_ =	swait.ge [sflag:s13], $0x400  }
0x15: {  	[sflag:s13] =	ssyncset.done $0x0  }
0x16: {  	s0 =	simm.s32 $0x14400;
	[sflag:s13] =	ssyncadd.s32 $0xFFFFFC00  }
0x17: {  	[tilespmem:s0], [sflag:$0x3] =	stream.linear.gather [hbm4b:s6+s3], $0x400, $0x38;
	[tilespmem:$0x1CC00] =	vst v63  }
0x18: {  	_ =	swait.ge [sflag:s13], $0x400  }
0x19: {  	[sflag:s13] =	ssyncset.done $0x0  }
0x1a: {  	[sflag:s13] =	ssyncadd.s32 $0xFFFFFC00  }
0x1b: {  	[tilespmem:s16], [sflag:$0x1] =	stream.indirect.gather [hbm4b:s4+s15], $0x80, s12, s15, $0xb8;
	[tilespmem:$0x1CC00] =	vst v63  }
0x1c: {  	[spmem:s18], [sflag:s17] =	dma.local [hbm:s7], $0x2780  }
0x1d: {  	_ =	swait.ge [sflag:s13], $0x2780  }
0x1e: {  	p0 =	por $0x0, $0x0;
	s0 =	sand.u32 $0x1, s20;
	[sflag:s13] =	ssyncset.done $0x0  }
0x1f: {  	s22 =	sshll.u32 @!p0 s0, $0xA;
	[sflag:s13] =	ssyncadd.s32 $0xFFFFD880  }
0x20: {  	s23 =	simm.s32 @!p0 $0x0;
	s0 =	sadd.s32 @!p0 $0x13C00, s22;
	[bflag:$0x0] =	sbarrier.arrive $0xFFFF  }
0x21: {  	[tilespmem:s0], [sflag:$0x2] =	stream.linear.gather @!p0 [hbm4b:s10+s23], $0x400, $0x38;
	[tilespmem:$0x1CC00] =	vst v63  }
0x22: {  	s24 =	sadd.s32 @!p0 $0x14400, s22;
	s22 =	sand.u32 $0x400, s3  }
0x23: {  	[tilespmem:s24], [sflag:$0x2] =	stream.linear.gather @!p0 [hbm4b:s11+s23], $0x400, $0x38;
	[tilespmem:$0x1CC00] =	vst v63  }
0x24: {  	s30 =	sadd.s32 $0x13C80, s22  }
0x25: {  	[tilespmem:s19], [sflag:$0x1] =	stream.indirect.gather [hbm4b:s4+s15], $0x80, s30, s15, $0xb8;
	[tilespmem:$0x1CC00] =	vst v63  }
0x26: {  	_ =	swait.ge [sflag:s20], $0x4000  }
0x27: {  	[sflag:s20] =	ssyncset.done $0x0  }
0x28: {  	s1 =	sadd.s32 $0x14400, s22;
	[sflag:s20] =	ssyncadd.s32 $0xFFFFC000  }
0x29: {  	[spmem:s2] =	stream.indirect.scatter.add.f32 [tilespmem:s16], [sflag:$0x3], $0x80, s1, s15, $0xb8;
	[tilespmem:$0x1CC00] =	vst v63  }
0x2a: {  	_ =	swait.ge [sflag:s13], $0x4000  }
0x2b: {  	[sflag:s13] =	ssyncset.done $0x0  }
0x2c: {  	s14 =	sadd.s32 $0x13D00, s22;
	[sflag:s13] =	ssyncadd.s32 $0xFFFFC000  }
0x2d: {  	[tilespmem:s16], [sflag:$0x1] =	stream.indirect.gather [hbm4b:s4+s15], $0x80, s14, s15, $0xb8;
	[tilespmem:$0x1CC00] =	vst v63  }
0x2e: {  	_ =	swait.ge [sflag:s20], $0x4000  }
0x2f: {  	[sflag:s20] =	ssyncset.done $0x0  }
0x30: {  	s24 =	sadd.s32 $0x14480, s22;
	[sflag:s20] =	ssyncadd.s32 $0xFFFFC000  }
0x31: {  	[spmem:s2] =	stream.indirect.scatter.add.f32 [tilespmem:s19], [sflag:$0x3], $0x80, s24, s15, $0xb8;
	[tilespmem:$0x1CC00] =	vst v63  }
0x32: {  	_ =	swait.ge [sflag:s13], $0x4000  }
0x33: {  	[sflag:s13] =	ssyncset.done $0x0  }
0x34: {  	s25 =	sadd.s32 $0x13D80, s22;
	[sflag:s13] =	ssyncadd.s32 $0xFFFFC000  }
0x35: {  	[tilespmem:s19], [sflag:$0x1] =	stream.indirect.gather [hbm4b:s4+s15], $0x80, s25, s15, $0xb8;
	[tilespmem:$0x1CC00] =	vst v63  }
0x36: {  	_ =	swait.ge [sflag:s20], $0x4000  }
0x37: {  	[sflag:s20] =	ssyncset.done $0x0  }
0x38: {  	s26 =	sadd.s32 $0x14500, s22;
	[sflag:s20] =	ssyncadd.s32 $0xFFFFC000  }
0x39: {  	[spmem:s2] =	stream.indirect.scatter.add.f32 [tilespmem:s16], [sflag:$0x3], $0x80, s26, s15, $0xb8;
	[tilespmem:$0x1CC00] =	vst v63  }
0x3a: {  	_ =	swait.ge [sflag:s13], $0x4000  }
0x3b: {  	[sflag:s13] =	ssyncset.done $0x0  }
0x3c: {  	s29 =	sadd.s32 $0x13E00, s22;
	[sflag:s13] =	ssyncadd.s32 $0xFFFFC000  }
0x3d: {  	[tilespmem:s16], [sflag:$0x1] =	stream.indirect.gather [hbm4b:s4+s15], $0x80, s29, s15, $0xb8;
	[tilespmem:$0x1CC00] =	vst v63  }
0x3e: {  	_ =	swait.ge [sflag:s20], $0x4000  }
0x3f: {  	[sflag:s20] =	ssyncset.done $0x0  }
0x40: {  	s30 =	sadd.s32 $0x14580, s22;
	[sflag:s20] =	ssyncadd.s32 $0xFFFFC000  }
0x41: {  	[spmem:s2] =	stream.indirect.scatter.add.f32 [tilespmem:s19], [sflag:$0x3], $0x80, s30, s15, $0xb8;
	[tilespmem:$0x1CC00] =	vst v63  }
0x42: {  	_ =	swait.ge [sflag:s13], $0x4000  }
0x43: {  	[sflag:s13] =	ssyncset.done $0x0  }
0x44: {  	s1 =	sadd.s32 $0x13E80, s22;
	[sflag:s13] =	ssyncadd.s32 $0xFFFFC000  }
0x45: {  	[tilespmem:s19], [sflag:$0x1] =	stream.indirect.gather [hbm4b:s4+s15], $0x80, s1, s15, $0xb8;
	[tilespmem:$0x1CC00] =	vst v63  }
0x46: {  	_ =	swait.ge [sflag:s20], $0x4000  }
0x47: {  	[sflag:s20] =	ssyncset.done $0x0  }
0x48: {  	s14 =	sadd.s32 $0x14600, s22;
	[sflag:s20] =	ssyncadd.s32 $0xFFFFC000  }
0x49: {  	[spmem:s2] =	stream.indirect.scatter.add.f32 [tilespmem:s16], [sflag:$0x3], $0x80, s14, s15, $0xb8;
	[tilespmem:$0x1CC00] =	vst v63  }
0x4a: {  	_ =	swait.ge [sflag:s13], $0x4000  }
0x4b: {  	[sflag:s13] =	ssyncset.done $0x0  }
0x4c: {  	s24 =	sadd.s32 $0x13F00, s22;
	[sflag:s13] =	ssyncadd.s32 $0xFFFFC000  }
0x4d: {  	[tilespmem:s16], [sflag:$0x1] =	stream.indirect.gather [hbm4b:s4+s15], $0x80, s24, s15, $0xb8;
	[tilespmem:$0x1CC00] =	vst v63  }
0x4e: {  	_ =	swait.ge [sflag:s20], $0x4000  }
0x4f: {  	[sflag:s20] =	ssyncset.done $0x0  }
0x50: {  	s25 =	sadd.s32 $0x14680, s22;
	[sflag:s20] =	ssyncadd.s32 $0xFFFFC000  }
0x51: {  	[spmem:s2] =	stream.indirect.scatter.add.f32 [tilespmem:s19], [sflag:$0x3], $0x80, s25, s15, $0xb8;
	[tilespmem:$0x1CC00] =	vst v63  }
0x52: {  	_ =	swait.ge [sflag:s13], $0x4000  }
0x53: {  	[sflag:s13] =	ssyncset.done $0x0  }
0x54: {  	s26 =	sadd.s32 $0x13F80, s22;
	[sflag:s13] =	ssyncadd.s32 $0xFFFFC000  }
0x55: {  	[tilespmem:s19], [sflag:$0x1] =	stream.indirect.gather [hbm4b:s4+s15], $0x80, s26, s15, $0xb8;
	[tilespmem:$0x1CC00] =	vst v63  }
0x56: {  	_ =	swait.ge [sflag:s20], $0x4000  }
0x57: {  	[sflag:s20] =	ssyncset.done $0x0  }
0x58: {  	s29 =	sadd.s32 $0x14700, s22;
	[sflag:s20] =	ssyncadd.s32 $0xFFFFC000  }
0x59: {  	[spmem:s2] =	stream.indirect.scatter.add.f32 [tilespmem:s16], [sflag:$0x3], $0x80, s29, s15, $0xb8;
	[tilespmem:$0x1CC00] =	vst v63  }
0x5a: {  	_ =	swait.ge [sflag:s13], $0x4000  }
0x5b: {  	[sflag:s13] =	ssyncset.done $0x0  }
0x5c: {  	s23 =	simm.s32 @!p0 $0x2;
	[sflag:s13] =	ssyncadd.s32 $0xFFFFC000  }
0x5d: {  	_ =	swait.ge @!p0 [sflag:s23], $0x400  }
0x5e: {  	[sflag:s23] =	ssyncset.done @!p0 $0x0  }
0x5f: {  	[sflag:s23] =	ssyncadd.s32 @!p0 $0xFFFFFC00  }
0x60: {  	_ =	swait.ge @!p0 [sflag:s23], $0x400  }
0x61: {  	[sflag:s23] =	ssyncset.done @!p0 $0x0  }
0x62: {  	s24 =	simm.s32 @!p0 $0x80;
	s25 =	simm.s32 @!p0 $0x14C00;
	[sflag:s23] =	ssyncadd.s32 @!p0 $0xFFFFFC00  }
0x63: {  	[tilespmem:s25], [sflag:$0x1] =	stream.indirect.gather @!p0 [hbm4b:s4+s24], $0x80, s0, s24, $0xb8;
	[tilespmem:$0x1CC00] =	vst v63  }
0x64: {  	s28 =	simm.s32 $0x2;
	s30 =	sor.u32 $0x380, s22;
	_ =	swait.ge [sflag:s20], $0x4000  }
0x65: {  	s26 =	sadd.s32 $0x80, s10;
	s23 =	sadd.s32 $0x80, s11;
	[sflag:s20] =	ssyncset.done $0x0  }
0x66: {  	s24 =	simm.s32 $0x400;
	s0 =	sadd.s32 $0x14400, s30;
	[sflag:s20] =	ssyncadd.s32 $0xFFFFC000  }
0x67: {  	[spmem:s2] =	stream.indirect.scatter.add.f32 [tilespmem:s19], [sflag:$0x3], $0x80, s0, s15, $0xb8;
	[tilespmem:$0x1CC00] =	vst v63  }
0x68: {  	s25 =	simm.s32 $0x800;
	p0 =	por $0x0, $0x0;
	s0 =	sand.u32 $0x1, s28  }
0x69: {  	s22 =	simm.s32 @!p0 $0x80;
	s31 =	sshll.u32 @!p0 s0, $0xA;
	_ =	swait.ge [sflag:s13], $0x4000  }
.LBB2_2:
0x6a: {  	s29 =	sadd.s32 @!p0 $0x13C00, s31  }
0x6b: {  	s30 =	simm.s32 @!p0 $0x14C00;
	[sflag:s13] =	ssyncset.done $0x0;
	s1 =	smov.u32 s25  }
0x6c: {  	s25 =	sadd.s32 $0x400, s25;
	s14 =	simm.s32 @!p0 $0x0;
	[sflag:s13] =	ssyncadd.s32 $0xFFFFC000  }
0x6d: {  	[tilespmem:s29], [sflag:$0x2] =	stream.linear.gather @!p0 [hbm4b:s26+s14], $0x400, $0x38;
	[tilespmem:$0x1CC00] =	vst v63  }
0x6e: {  	s31 =	sadd.s32 @!p0 $0x14400, s31;
	s0 =	sand.u32 $0x400, s24;
	p1 =	sne.s32 s25, $0x2800  }
0x6f: {  	[tilespmem:s31], [sflag:$0x2] =	stream.linear.gather @!p0 [hbm4b:s23+s14], $0x400, $0x38;
	[tilespmem:$0x1CC00] =	vst v63  }
0x70: {  	s24 =	smov.u32 s1;
	s14 =	sadd.s32 $0x13C80, s0;
	s31 =	sor.u32 $0x380, s0  }
0x71: {  	[tilespmem:s19], [sflag:$0x1] =	stream.indirect.gather [hbm4b:s4+s15], $0x80, s14, s15, $0xb8;
	[tilespmem:$0x1CC00] =	vst v63  }
0x72: {  	_ =	swait.ge [sflag:s20], $0x4000  }
0x73: {  	s1 =	sadd.s32 $0x14400, s0;
	[sflag:s20] =	ssyncset.done $0x0  }
0x74: {  	[sflag:s20] =	ssyncadd.s32 $0xFFFFC000  }
0x75: {  	[spmem:s2] =	stream.indirect.scatter.add.f32 [tilespmem:s16], [sflag:$0x3], $0x80, s1, s15, $0xb8;
	[tilespmem:$0x1CC00] =	vst v63  }
0x76: {  	_ =	swait.ge [sflag:s13], $0x4000  }
0x77: {  	s1 =	sadd.s32 $0x13D00, s0;
	[sflag:s13] =	ssyncset.done $0x0  }
0x78: {  	[sflag:s13] =	ssyncadd.s32 $0xFFFFC000  }
0x79: {  	[tilespmem:s16], [sflag:$0x1] =	stream.indirect.gather [hbm4b:s4+s15], $0x80, s1, s15, $0xb8;
	[tilespmem:$0x1CC00] =	vst v63  }
0x7a: {  	_ =	swait.ge [sflag:s20], $0x4000  }
0x7b: {  	s1 =	sadd.s32 $0x14480, s0;
	[sflag:s20] =	ssyncset.done $0x0  }
0x7c: {  	[sflag:s20] =	ssyncadd.s32 $0xFFFFC000  }
0x7d: {  	[spmem:s2] =	stream.indirect.scatter.add.f32 [tilespmem:s19], [sflag:$0x3], $0x80, s1, s15, $0xb8;
	[tilespmem:$0x1CC00] =	vst v63  }
0x7e: {  	_ =	swait.ge [sflag:s13], $0x4000  }
0x7f: {  	s1 =	sadd.s32 $0x13D80, s0;
	[sflag:s13] =	ssyncset.done $0x0  }
0x80: {  	[sflag:s13] =	ssyncadd.s32 $0xFFFFC000  }
0x81: {  	[tilespmem:s19], [sflag:$0x1] =	stream.indirect.gather [hbm4b:s4+s15], $0x80, s1, s15, $0xb8;
	[tilespmem:$0x1CC00] =	vst v63  }
0x82: {  	_ =	swait.ge [sflag:s20], $0x4000  }
0x83: {  	s1 =	sadd.s32 $0x14500, s0;
	[sflag:s20] =	ssyncset.done $0x0  }
0x84: {  	[sflag:s20] =	ssyncadd.s32 $0xFFFFC000  }
0x85: {  	[spmem:s2] =	stream.indirect.scatter.add.f32 [tilespmem:s16], [sflag:$0x3], $0x80, s1, s15, $0xb8;
	[tilespmem:$0x1CC00] =	vst v63  }
0x86: {  	_ =	swait.ge [sflag:s13], $0x4000  }
0x87: {  	s1 =	sadd.s32 $0x13E00, s0;
	[sflag:s13] =	ssyncset.done $0x0  }
0x88: {  	[sflag:s13] =	ssyncadd.s32 $0xFFFFC000  }
0x89: {  	[tilespmem:s16], [sflag:$0x1] =	stream.indirect.gather [hbm4b:s4+s15], $0x80, s1, s15, $0xb8;
	[tilespmem:$0x1CC00] =	vst v63  }
0x8a: {  	_ =	swait.ge [sflag:s20], $0x4000  }
0x8b: {  	s1 =	sadd.s32 $0x14580, s0;
	[sflag:s20] =	ssyncset.done $0x0  }
0x8c: {  	[sflag:s20] =	ssyncadd.s32 $0xFFFFC000  }
0x8d: {  	[spmem:s2] =	stream.indirect.scatter.add.f32 [tilespmem:s19], [sflag:$0x3], $0x80, s1, s15, $0xb8;
	[tilespmem:$0x1CC00] =	vst v63  }
0x8e: {  	_ =	swait.ge [sflag:s13], $0x4000  }
0x8f: {  	s1 =	sadd.s32 $0x13E80, s0;
	[sflag:s13] =	ssyncset.done $0x0  }
0x90: {  	[sflag:s13] =	ssyncadd.s32 $0xFFFFC000  }
0x91: {  	[tilespmem:s19], [sflag:$0x1] =	stream.indirect.gather [hbm4b:s4+s15], $0x80, s1, s15, $0xb8;
	[tilespmem:$0x1CC00] =	vst v63  }
0x92: {  	_ =	swait.ge [sflag:s20], $0x4000  }
0x93: {  	s1 =	sadd.s32 $0x14600, s0;
	[sflag:s20] =	ssyncset.done $0x0  }
0x94: {  	[sflag:s20] =	ssyncadd.s32 $0xFFFFC000  }
0x95: {  	[spmem:s2] =	stream.indirect.scatter.add.f32 [tilespmem:s16], [sflag:$0x3], $0x80, s1, s15, $0xb8;
	[tilespmem:$0x1CC00] =	vst v63  }
0x96: {  	_ =	swait.ge [sflag:s13], $0x4000  }
0x97: {  	s1 =	sadd.s32 $0x13F00, s0;
	[sflag:s13] =	ssyncset.done $0x0  }
0x98: {  	[sflag:s13] =	ssyncadd.s32 $0xFFFFC000  }
0x99: {  	[tilespmem:s16], [sflag:$0x1] =	stream.indirect.gather [hbm4b:s4+s15], $0x80, s1, s15, $0xb8;
	[tilespmem:$0x1CC00] =	vst v63  }
0x9a: {  	_ =	swait.ge [sflag:s20], $0x4000  }
0x9b: {  	s1 =	sadd.s32 $0x14680, s0;
	[sflag:s20] =	ssyncset.done $0x0  }
0x9c: {  	[sflag:s20] =	ssyncadd.s32 $0xFFFFC000  }
0x9d: {  	[spmem:s2] =	stream.indirect.scatter.add.f32 [tilespmem:s19], [sflag:$0x3], $0x80, s1, s15, $0xb8;
	[tilespmem:$0x1CC00] =	vst v63  }
0x9e: {  	_ =	swait.ge [sflag:s13], $0x4000  }
0x9f: {  	s1 =	sadd.s32 $0x13F80, s0;
	[sflag:s13] =	ssyncset.done $0x0  }
0xa0: {  	[sflag:s13] =	ssyncadd.s32 $0xFFFFC000  }
0xa1: {  	[tilespmem:s19], [sflag:$0x1] =	stream.indirect.gather [hbm4b:s4+s15], $0x80, s1, s15, $0xb8;
	[tilespmem:$0x1CC00] =	vst v63  }
0xa2: {  	_ =	swait.ge [sflag:s20], $0x4000  }
0xa3: {  	s0 =	sadd.s32 $0x14700, s0;
	[sflag:s20] =	ssyncset.done $0x0  }
0xa4: {  	[sflag:s20] =	ssyncadd.s32 $0xFFFFC000  }
0xa5: {  	[spmem:s2] =	stream.indirect.scatter.add.f32 [tilespmem:s16], [sflag:$0x3], $0x80, s0, s15, $0xb8;
	[tilespmem:$0x1CC00] =	vst v63  }
0xa6: {  	_ =	swait.ge [sflag:s13], $0x4000  }
0xa7: {  	s0 =	simm.s32 @!p0 $0x2;
	[sflag:s13] =	ssyncset.done $0x0  }
0xa8: {  	[sflag:s13] =	ssyncadd.s32 $0xFFFFC000  }
0xa9: {  	_ =	swait.ge @!p0 [sflag:s0], $0x400  }
0xaa: {  	[sflag:s0] =	ssyncset.done @!p0 $0x0  }
0xab: {  	[sflag:s0] =	ssyncadd.s32 @!p0 $0xFFFFFC00  }
0xac: {  	_ =	swait.ge @!p0 [sflag:s0], $0x400  }
0xad: {  	[sflag:s0] =	ssyncset.done @!p0 $0x0  }
0xae: {  	s23 =	sadd.s32 $0x80, s23;
	[sflag:s0] =	ssyncadd.s32 @!p0 $0xFFFFFC00  }
0xaf: {  	[tilespmem:s30], [sflag:$0x1] =	stream.indirect.gather @!p0 [hbm4b:s4+s22], $0x80, s29, s22, $0xb8;
	[tilespmem:$0x1CC00] =	vst v63  }
.Ltmp0:
0xb0: {  	s26 =	sadd.s32 $0x80, s26;
	_ =	swait.ge [sflag:s20], $0x4000;
	(pc) =	sbr.rel @p1 .LBB2_2-.Ltmp0, $4  }
0xb1: {  	s28 =	sadd.s32 $0x1, s28;
	s0 =	sadd.s32 $0x14400, s31;
	[sflag:s20] =	ssyncset.done $0x0  }
0xb2: {  	s1 =	sand.u32 $0x1, s28;
	p0 =	seq.s32 s24, $0x2400;
	[sflag:s20] =	ssyncadd.s32 $0xFFFFC000  }
0xb3: {  	[spmem:s2] =	stream.indirect.scatter.add.f32 [tilespmem:s19], [sflag:$0x3], $0x80, s0, s15, $0xb8;
	[tilespmem:$0x1CC00] =	vst v63  }
0xb4: {  	s31 =	sshll.u32 @!p0 s1, $0xA;
	s22 =	simm.s32 @!p0 $0x80;
	_ =	swait.ge [sflag:s13], $0x4000  }
0xb5: {  	[sflag:s13] =	ssyncset.done $0x0  }
0xb6: {  	s0 =	sadd.s32 @!p0 $0x13C00, s31;
	s1 =	simm.s32 @!p0 $0x0;
	[sflag:s13] =	ssyncadd.s32 $0xFFFFC000  }
0xb7: {  	[tilespmem:s0], [sflag:$0x2] =	stream.linear.gather @!p0 [hbm4b:s26+s1], $0x400, $0x38;
	[tilespmem:$0x1CC00] =	vst v63  }
0xb8: {  	s14 =	sadd.s32 @!p0 $0x14400, s31;
	s24 =	sand.u32 $0x400, s24  }
0xb9: {  	[tilespmem:s14], [sflag:$0x2] =	stream.linear.gather @!p0 [hbm4b:s23+s1], $0x400, $0x38;
	[tilespmem:$0x1CC00] =	vst v63  }
0xba: {  	s23 =	sadd.s32 $0x13C80, s24  }
0xbb: {  	[tilespmem:s19], [sflag:$0x1] =	stream.indirect.gather [hbm4b:s4+s15], $0x80, s23, s15, $0xb8;
	[tilespmem:$0x1CC00] =	vst v63  }
0xbc: {  	_ =	swait.ge [sflag:s20], $0x4000  }
0xbd: {  	[sflag:s20] =	ssyncset.done $0x0  }
0xbe: {  	s25 =	sadd.s32 $0x14400, s24;
	[sflag:s20] =	ssyncadd.s32 $0xFFFFC000  }
0xbf: {  	[spmem:s2] =	stream.indirect.scatter.add.f32 [tilespmem:s16], [sflag:$0x3], $0x80, s25, s15, $0xb8;
	[tilespmem:$0x1CC00] =	vst v63  }
0xc0: {  	_ =	swait.ge [sflag:s13], $0x4000  }
0xc1: {  	[sflag:s13] =	ssyncset.done $0x0  }
0xc2: {  	s26 =	sadd.s32 $0x13D00, s24;
	[sflag:s13] =	ssyncadd.s32 $0xFFFFC000  }
0xc3: {  	[tilespmem:s16], [sflag:$0x1] =	stream.indirect.gather [hbm4b:s4+s15], $0x80, s26, s15, $0xb8;
	[tilespmem:$0x1CC00] =	vst v63  }
0xc4: {  	_ =	swait.ge [sflag:s20], $0x4000  }
0xc5: {  	[sflag:s20] =	ssyncset.done $0x0  }
0xc6: {  	s28 =	sadd.s32 $0x14480, s24;
	[sflag:s20] =	ssyncadd.s32 $0xFFFFC000  }
0xc7: {  	[spmem:s2] =	stream.indirect.scatter.add.f32 [tilespmem:s19], [sflag:$0x3], $0x80, s28, s15, $0xb8;
	[tilespmem:$0x1CC00] =	vst v63  }
0xc8: {  	_ =	swait.ge [sflag:s13], $0x4000  }
0xc9: {  	[sflag:s13] =	ssyncset.done $0x0  }
0xca: {  	s29 =	sadd.s32 $0x13D80, s24;
	[sflag:s13] =	ssyncadd.s32 $0xFFFFC000  }
0xcb: {  	[tilespmem:s19], [sflag:$0x1] =	stream.indirect.gather [hbm4b:s4+s15], $0x80, s29, s15, $0xb8;
	[tilespmem:$0x1CC00] =	vst v63  }
0xcc: {  	_ =	swait.ge [sflag:s20], $0x4000  }
0xcd: {  	[sflag:s20] =	ssyncset.done $0x0  }
0xce: {  	s30 =	sadd.s32 $0x14500, s24;
	[sflag:s20] =	ssyncadd.s32 $0xFFFFC000  }
0xcf: {  	[spmem:s2] =	stream.indirect.scatter.add.f32 [tilespmem:s16], [sflag:$0x3], $0x80, s30, s15, $0xb8;
	[tilespmem:$0x1CC00] =	vst v63  }
0xd0: {  	_ =	swait.ge [sflag:s13], $0x4000  }
0xd1: {  	[sflag:s13] =	ssyncset.done $0x0  }
0xd2: {  	s31 =	sadd.s32 $0x13E00, s24;
	[sflag:s13] =	ssyncadd.s32 $0xFFFFC000  }
0xd3: {  	[tilespmem:s16], [sflag:$0x1] =	stream.indirect.gather [hbm4b:s4+s15], $0x80, s31, s15, $0xb8;
	[tilespmem:$0x1CC00] =	vst v63  }
0xd4: {  	_ =	swait.ge [sflag:s20], $0x4000  }
0xd5: {  	[sflag:s20] =	ssyncset.done $0x0  }
0xd6: {  	s14 =	sadd.s32 $0x14580, s24;
	[sflag:s20] =	ssyncadd.s32 $0xFFFFC000  }
0xd7: {  	[spmem:s2] =	stream.indirect.scatter.add.f32 [tilespmem:s19], [sflag:$0x3], $0x80, s14, s15, $0xb8;
	[tilespmem:$0x1CC00] =	vst v63  }
0xd8: {  	_ =	swait.ge [sflag:s13], $0x4000  }
0xd9: {  	[sflag:s13] =	ssyncset.done $0x0  }
0xda: {  	s23 =	sadd.s32 $0x13E80, s24;
	[sflag:s13] =	ssyncadd.s32 $0xFFFFC000  }
0xdb: {  	[tilespmem:s19], [sflag:$0x1] =	stream.indirect.gather [hbm4b:s4+s15], $0x80, s23, s15, $0xb8;
	[tilespmem:$0x1CC00] =	vst v63  }
0xdc: {  	_ =	swait.ge [sflag:s20], $0x4000  }
0xdd: {  	[sflag:s20] =	ssyncset.done $0x0  }
0xde: {  	s25 =	sadd.s32 $0x14600, s24;
	[sflag:s20] =	ssyncadd.s32 $0xFFFFC000  }
0xdf: {  	[spmem:s2] =	stream.indirect.scatter.add.f32 [tilespmem:s16], [sflag:$0x3], $0x80, s25, s15, $0xb8;
	[tilespmem:$0x1CC00] =	vst v63  }
0xe0: {  	_ =	swait.ge [sflag:s13], $0x4000  }
0xe1: {  	[sflag:s13] =	ssyncset.done $0x0  }
0xe2: {  	s26 =	sadd.s32 $0x13F00, s24;
	[sflag:s13] =	ssyncadd.s32 $0xFFFFC000  }
0xe3: {  	[tilespmem:s16], [sflag:$0x1] =	stream.indirect.gather [hbm4b:s4+s15], $0x80, s26, s15, $0xb8;
	[tilespmem:$0x1CC00] =	vst v63  }
0xe4: {  	_ =	swait.ge [sflag:s20], $0x4000  }
0xe5: {  	[sflag:s20] =	ssyncset.done $0x0  }
0xe6: {  	s28 =	sadd.s32 $0x14680, s24;
	[sflag:s20] =	ssyncadd.s32 $0xFFFFC000  }
0xe7: {  	[spmem:s2] =	stream.indirect.scatter.add.f32 [tilespmem:s19], [sflag:$0x3], $0x80, s28, s15, $0xb8;
	[tilespmem:$0x1CC00] =	vst v63  }
0xe8: {  	_ =	swait.ge [sflag:s13], $0x4000  }
0xe9: {  	[sflag:s13] =	ssyncset.done $0x0  }
0xea: {  	s29 =	sadd.s32 $0x13F80, s24;
	[sflag:s13] =	ssyncadd.s32 $0xFFFFC000  }
0xeb: {  	[tilespmem:s19], [sflag:$0x1] =	stream.indirect.gather [hbm4b:s4+s15], $0x80, s29, s15, $0xb8;
	[tilespmem:$0x1CC00] =	vst v63  }
0xec: {  	_ =	swait.ge [sflag:s20], $0x4000  }
0xed: {  	[sflag:s20] =	ssyncset.done $0x0  }
0xee: {  	s30 =	sadd.s32 $0x14700, s24;
	[sflag:s20] =	ssyncadd.s32 $0xFFFFC000  }
0xef: {  	[spmem:s2] =	stream.indirect.scatter.add.f32 [tilespmem:s16], [sflag:$0x3], $0x80, s30, s15, $0xb8;
	[tilespmem:$0x1CC00] =	vst v63  }
0xf0: {  	_ =	swait.ge [sflag:s13], $0x4000  }
0xf1: {  	[sflag:s13] =	ssyncset.done $0x0  }
0xf2: {  	s1 =	simm.s32 @!p0 $0x2;
	[sflag:s13] =	ssyncadd.s32 $0xFFFFC000  }
0xf3: {  	_ =	swait.ge @!p0 [sflag:s1], $0x400  }
0xf4: {  	[sflag:s1] =	ssyncset.done @!p0 $0x0  }
0xf5: {  	[sflag:s1] =	ssyncadd.s32 @!p0 $0xFFFFFC00  }
0xf6: {  	_ =	swait.ge @!p0 [sflag:s1], $0x400  }
0xf7: {  	[sflag:s1] =	ssyncset.done @!p0 $0x0  }
0xf8: {  	s14 =	simm.s32 @!p0 $0x14C00;
	[sflag:s1] =	ssyncadd.s32 @!p0 $0xFFFFFC00  }
0xf9: {  	[tilespmem:s14], [sflag:$0x1] =	stream.indirect.gather @!p0 [hbm4b:s4+s22], $0x80, s0, s22, $0xb8;
	[tilespmem:$0x1CC00] =	vst v63  }
0xfa: {  	_ =	swait.ge [sflag:s20], $0x4000  }
0xfb: {  	s31 =	sor.u32 $0x380, s24;
	[sflag:s20] =	ssyncset.done $0x0  }
0xfc: {  	s0 =	sadd.s32 $0x14400, s31;
	[sflag:s20] =	ssyncadd.s32 $0xFFFFC000  }
0xfd: {  	[spmem:s2] =	stream.indirect.scatter.add.f32 [tilespmem:s19], [sflag:$0x3], $0x80, s0, s15, $0xb8;
	[tilespmem:$0x1CC00] =	vst v63  }
0xfe: {  	_ =	swait.ge [sflag:s13], $0x4000  }
0xff: {  	s21 =	sadd.s32 $0x1, s21;
	[sflag:s13] =	ssyncset.done $0x0  }
0x100: {  	p0 =	sne.s32 s21, s9;
	[sflag:s13] =	ssyncadd.s32 $0xFFFFC000  }
.Ltmp1:
0x101: {  	[bflag:$0x0] =	sbarrier.arrive $0xFFFF;
	(pc) =	sbr.rel @p0 .LBB2_1-.Ltmp1, $4  }
0x102: {  	[hbm:s8], [sflag:s17] =	dma.local [spmem:s18], $0x2780  }
0x103: {  	_ =	swait.ge [sflag:s13], $0x2780  }
0x104: {  	[sflag:s13] =	ssyncset.done $0x0  }
0x105: {  	[sflag:s13] =	ssyncadd.s32 $0xFFFFD880  }
0x106: {  	_ =	sfence.sel $0x180000  }
0x107: {  	[bflag:$0x0] =	sbarrier.arrive $0xFFFF  }
0x108: {  	_ =	strace $0x90000053  }
0x109: {  	s0 =	stileid.u32;
	[bflag:$0x2] =	sbarrier.arrive $0xFFFF  }
0x10a: {  	p0 =	sne.s32 s0, $0x0;
	s0 =	rddreg [dreg:$0x2]  }
0x10b: {  	s0 =	sadd.s32 @!p0 $0x100000, s0  }
0x10c: {  	[sflag:s0] =	ssyncadd.tile.s32 @!p0 $0x1;
	_ =	shalt  }
.Lfunc_end2:
_tile_overlayer_lowered:
.L_overlay_start_2:
0x10d: {  	(tag) =	ssettag $0x2  }
0x10e: {  	s0 =	rddreg [dreg:$0x0];
	s2 =	stileid.u32  }
0x10f: {  	s1 =	rddreg [dreg:$0x1];
	p0 =	sne.s32 s2, $0x0  }
0x110: {  	s3 =	rddreg [dreg:$0x2];
	[bflag:$0x3] =	sbarrier.arrive $0xFFFF;
	s2 =	simm.s32 @!p0 $0x1C03  }
0x111: {  	[timem:s3], [sflag:s2] =	dma.local @!p0 [hbm:s0], s1  }
0x112: {  	s0 =	simm.s32 @!p0 $0x3  }
0x113: {  	_ =	swait.ge @!p0 [sflag:s0], s1  }
0x114: {  	s1 =	ssub.s32 @!p0 $0x0, s1;
	[sflag:s0] =	ssyncset.done @!p0 $0x0  }
0x115: {  	[sflag:s0] =	ssyncadd.s32 @!p0 s1  }
0x116: {  	[bflag:$0x3] =	sbarrier.arrive $0xFFFF  }
0x117: {  	_ =	shalt  }

</sc_bundles>
